<compile_context>
chip_gen: v7x
topology: tpu7x:2x2x1
jax: 0.10.2.dev20260603
libtpu: 0.0.44.dev20260713+nightly
codegen_flags: <defaults>
</compile_context>

<pallas_src>
import functools
import math

import jax
import jax.numpy as jnp
from jax import lax
from jax.experimental import pallas as pl
from jax.experimental.pallas import tpu as pltpu
from jax.experimental.pallas import tpu_sc as plsc


def _make_gather(V, D, S, B, scale):
    N = S * B
    info = plsc.get_sparse_core_info()
    NC, NS, L = info.num_cores, info.num_subcores, info.num_lanes
    NW = NC * NS
    CH = 128
    NBUF = 2
    GROUP = CH * NBUF
    SUB = 8
    DT = D // SUB
    per_w = N // NW
    assert per_w % GROUP == 0 and D % L == 0
    assert B % GROUP == 0
    n_chunks = per_w // CH
    n_groups = per_w // GROUP
    assert (n_groups - 4) % 3 == 0 and n_groups >= 7

    mesh = plsc.VectorSubcoreMesh(core_axis_name="c", subcore_axis_name="s")

    @functools.partial(
        pl.kernel,
        out_type=jax.ShapeDtypeStruct((S, DT, B // CH, SUB, CH), jnp.float32),
        mesh=mesh,
        scratch_types=[
            pltpu.VMEM((n_chunks, CH), jnp.int32),
            pltpu.VMEM((GROUP, D), jnp.float32),
            pltpu.VMEM((GROUP, D), jnp.float32),
            pltpu.VMEM((GROUP, D), jnp.float32),
            pltpu.VMEM((DT, NBUF, SUB, CH + 1), jnp.float32),
            pltpu.VMEM((DT, NBUF, SUB, CH + 1), jnp.float32),
            pltpu.VMEM((DT, NBUF, SUB, CH + 1), jnp.float32),
            pltpu.SemaphoreType.DMA,
            pltpu.SemaphoreType.DMA,
            pltpu.SemaphoreType.DMA,
            pltpu.SemaphoreType.DMA,
            pltpu.SemaphoreType.DMA,
            pltpu.SemaphoreType.DMA,
        ],
        compiler_params=pltpu.CompilerParams(
            use_tc_tiling_on_sc=False, needs_layout_passes=False
        ),
    )
    def gather(table_hbm, idx_hbm, out_hbm, idx_v, buf0, buf1, buf2,
               st0, st1, st2, gs0, gs1, gs2, ws0, ws1, ws2):
        wid = lax.axis_index("s") * NC + lax.axis_index("c")
        base = wid * per_w
        pltpu.sync_copy(idx_hbm.at[wid], idx_v)
        lanes = lax.iota(jnp.int32, L)

        def fire_gathers(g, buf, gsem):
            for b in range(NBUF):
                j = g * NBUF + b
                pltpu.async_copy(
                    table_hbm.at[idx_v.at[j]], buf.at[pl.ds(b * CH, CH)], gsem
                )

        def drain_gathers(buf, gsem):
            for b in range(NBUF):
                pltpu.make_async_copy(
                    table_hbm.at[pl.ds(0, CH)], buf.at[pl.ds(b * CH, CH)], gsem
                ).wait()

        i_dt = [c * (L // SUB) + lanes // SUB for c in range(D // L)]
        i_dl = lanes % SUB

        def transpose_bank(buf, st):
            @plsc.parallel_loop(0, GROUP, 1, unroll=8)
            def tbody(b):
                bt = b // CH
                bl = b % CH
                v_bt = jnp.broadcast_to(bt, (L,))
                v_bl = jnp.broadcast_to(bl, (L,))
                for c in range(D // L):
                    vals = buf[b, pl.ds(c * L, L)] * scale
                    plsc.store_scatter(st, [i_dt[c], v_bt, i_dl, v_bl], vals)

        def fire_write(g, st, wsem):
            flat = base + g * GROUP
            s_idx = lax.div(flat, B)
            bt0 = lax.div(lax.rem(flat, B), CH)
            pltpu.async_copy(
                st.at[:, :, :, pl.ds(0, CH)],
                out_hbm.at[s_idx, :, pl.ds(bt0, NBUF)],
                wsem,
            )

        def drain_write(st, wsem):
            pltpu.make_async_copy(
                st.at[:, :, :, pl.ds(0, CH)],
                out_hbm.at[0, :, pl.ds(0, NBUF)],
                wsem,
            ).wait()

        bufs = (buf0, buf1, buf2)
        sts = (st0, st1, st2)
        gss = (gs0, gs1, gs2)
        wss = (ws0, ws1, ws2)

        def step(g, b, fire_next):
            o = (b + 2) % 3
            if fire_next:
                fire_gathers(g + 2, bufs[o], gss[o])
            drain_gathers(bufs[b], gss[b])
            drain_write(sts[o], wss[o])
            transpose_bank(bufs[b], sts[b])
            fire_write(g, sts[b], wss[b])

        fire_gathers(0, buf0, gs0)
        fire_gathers(1, buf1, gs1)
        fire_gathers(2, buf2, gs2)
        drain_gathers(buf0, gs0)
        transpose_bank(buf0, st0)
        fire_write(0, st0, ws0)

        def body(p, carry):
            g = 1 + 3 * p
            step(g, 1, True)
            step(g + 1, 2, True)
            step(g + 2, 0, True)
            return carry

        lax.fori_loop(0, (n_groups - 4) // 3, body, 0)

        step(n_groups - 3, (n_groups - 3) % 3, True)
        step(n_groups - 2, (n_groups - 2) % 3, False)
        step(n_groups - 1, (n_groups - 1) % 3, False)
        drain_write(sts[(n_groups - 1) % 3], wss[(n_groups - 1) % 3])

    return gather, NW, n_chunks, CH, SUB, DT


def kernel(tokens, embedding):
    V, D = embedding.shape
    S, B = tokens.shape
    scale = float(math.sqrt(D))

    gather, NW, n_chunks, CH, SUB, DT = _make_gather(V, D, S, B, scale)
    idx3 = tokens.reshape(NW, n_chunks, CH).astype(jnp.int32)
    out5 = gather(embedding, idx3)
    return out5.transpose(0, 2, 4, 1, 3).reshape(S, B, D)

# --- scband reference (transcript-rebuilt; emitter-appended) ---
"""Pipeline reference for scband-token-embedding-12103217840834 (READ-ONLY COPY).

The authoritative reference and input builder live on the scoring server;
editing this copy changes nothing except your own understanding.
"""

import jax, jax.numpy as jnp
import numpy as np
import math

VOCAB = 100000
EMB = 64

def setup_inputs(seed: int = 0) -> dict:
    key = jax.random.key(seed)
    k1, k2 = jax.random.split(key)
    tokens = jax.random.randint(k1, (200, 4096), 0, VOCAB, dtype=jnp.int64) if jax.config.jax_enable_x64 else jax.random.randint(k1, (200, 4096), 0, VOCAB, dtype=jnp.int32)
    embedding = jax.random.normal(k2, (VOCAB, EMB), dtype=jnp.float32)
    return {"tokens": tokens, "embedding": embedding}

def reference(tokens, embedding):
    # TokenEmbedding.forward: embedding(tokens) * sqrt(emb_size)
    out = jnp.take(embedding, tokens, axis=0) * math.sqrt(EMB)
    return out

if __name__ == "__main__":
    import jax
    _d = setup_inputs()
    print(jax.jit(kernel)(*tuple(_d.values())))

</pallas_src>

<mosaic_0001>
#map = affine_map<(d0, d1) -> (0, 0)>
#map1 = affine_map<(d0, d1) -> (0, 0, 0)>
#map2 = affine_map<(d0, d1) -> (0, 0, 0, 0, 0)>
module attributes {stable_mosaic.version = 14 : i64} {
  func.func @gather(%arg0: i32, %arg1: i32, %arg2: memref<100000x64xf32, #tpu.memory_space<hbm>>, %arg3: memref<32x200x128xi32, #tpu.memory_space<hbm>>, %arg4: memref<200x8x32x8x128xf32, #tpu.memory_space<hbm>>, %arg5: memref<200x128xi32, #tpu.memory_space<vmem>>, %arg6: memref<256x64xf32, #tpu.memory_space<vmem>>, %arg7: memref<256x64xf32, #tpu.memory_space<vmem>>, %arg8: memref<256x64xf32, #tpu.memory_space<vmem>>, %arg9: memref<8x2x8x129xf32, #tpu.memory_space<vmem>>, %arg10: memref<8x2x8x129xf32, #tpu.memory_space<vmem>>, %arg11: memref<8x2x8x129xf32, #tpu.memory_space<vmem>>, %arg12: memref<!tpu.dma_semaphore, #tpu.memory_space<semaphore_mem>>, %arg13: memref<!tpu.dma_semaphore, #tpu.memory_space<semaphore_mem>>, %arg14: memref<!tpu.dma_semaphore, #tpu.memory_space<semaphore_mem>>, %arg15: memref<!tpu.dma_semaphore, #tpu.memory_space<semaphore_mem>>, %arg16: memref<!tpu.dma_semaphore, #tpu.memory_space<semaphore_mem>>, %arg17: memref<!tpu.dma_semaphore, #tpu.memory_space<semaphore_mem>>) attributes {dimension_semantics = [#tpu.dimension_semantics<core_parallel>, #tpu.dimension_semantics<subcore_parallel>], iteration_bounds = array<i64: 2, 16>, scalar_prefetch = 0 : i64, scratch_operands = 13 : i64, tpu.core_type = #tpu.core_type<sc_vector_subcore>, window_params = [{transform_indices = #map}, {transform_indices = #map1}, {transform_indices = #map2}]} {
    %mul3A = arith.constant 2 : i32
    %mul3A_0 = arith.muli %arg1, %mul3A : i32
    %add3A = arith.addi %mul3A_0, %arg0 : i32
    %mul3A_1 = arith.constant 25600 : i32
    %mul3A_2 = arith.muli %add3A, %mul3A_1 : i32
    "tpu.region"() ({
      %run_scoped3A = tpu.sem_alloc : memref<!tpu.dma_semaphore, #tpu.memory_space<semaphore_mem>>
      %dma_start3A_545 = arith.constant 0 : i32
      %dma_start3A_546 = arith.constant 0 : i32
      %dma_start3A_547 = tpu.memref_slice %arg3[%add3A, %dma_start3A_545, %dma_start3A_546] : memref<32x200x128xi32, #tpu.memory_space<hbm>> -> memref<1x200x128xi32, #tpu.memory_space<hbm>>
      %dma_start3A_548 = tpu.memref_squeeze %dma_start3A_547 : memref<1x200x128xi32, #tpu.memory_space<hbm>> -> memref<200x128xi32, #tpu.memory_space<hbm>>
      %dma_start3A_549 = arith.constant 0 : i32
      %dma_start3A_550 = arith.constant 0 : i32
      %dma_start3A_551 = tpu.memref_slice %arg3[%add3A, %dma_start3A_549, %dma_start3A_550] : memref<32x200x128xi32, #tpu.memory_space<hbm>> -> memref<1x200x128xi32, #tpu.memory_space<hbm>>
      %dma_start3A_552 = tpu.memref_squeeze %dma_start3A_551 : memref<1x200x128xi32, #tpu.memory_space<hbm>> -> memref<200x128xi32, #tpu.memory_space<hbm>>
      tpu.enqueue_dma source(%dma_start3A_552 : memref<200x128xi32, #tpu.memory_space<hbm>>) target(%arg5 : memref<200x128xi32, #tpu.memory_space<vmem>>) target_semaphore(%run_scoped3A : memref<!tpu.dma_semaphore, #tpu.memory_space<semaphore_mem>>)
      %dma_wait3A_553 = arith.constant 0 : i32
      %dma_wait3A_554 = arith.constant 0 : i32
      %dma_wait3A_555 = tpu.memref_slice %arg3[%add3A, %dma_wait3A_553, %dma_wait3A_554] : memref<32x200x128xi32, #tpu.memory_space<hbm>> -> memref<1x200x128xi32, #tpu.memory_space<hbm>>
      %dma_wait3A_556 = tpu.memref_squeeze %dma_wait3A_555 : memref<1x200x128xi32, #tpu.memory_space<hbm>> -> memref<200x128xi32, #tpu.memory_space<hbm>>
      %dma_wait3A_557 = arith.constant 0 : i32
      %dma_wait3A_558 = arith.constant 0 : i32
      %dma_wait3A_559 = tpu.memref_slice %arg3[%add3A, %dma_wait3A_557, %dma_wait3A_558] : memref<32x200x128xi32, #tpu.memory_space<hbm>> -> memref<1x200x128xi32, #tpu.memory_space<hbm>>
      %dma_wait3A_560 = tpu.memref_squeeze %dma_wait3A_559 : memref<1x200x128xi32, #tpu.memory_space<hbm>> -> memref<200x128xi32, #tpu.memory_space<hbm>>
      tpu.wait_dma2 semaphore(%run_scoped3A : memref<!tpu.dma_semaphore, #tpu.memory_space<semaphore_mem>>) src(%dma_wait3A_560 : memref<200x128xi32, #tpu.memory_space<hbm>>) dst(%arg5 : memref<200x128xi32, #tpu.memory_space<vmem>>)
      tpu.yield
    }) : () -> ()
    %iota3A = tpu.iota {dimensions = array<i32: 0>} : vector<16xi32>
    %jit3A = arith.constant 8 : i32
    %div3A = vector.broadcast %jit3A : i32 to vector<16xi32>
    %div3A_3 = arith.divsi %iota3A, %div3A : vector<16xi32>
    %sign3A = arith.constant 0 : i32
    %sign3A_4 = vector.broadcast %sign3A : i32 to vector<16xi32>
    %sign3A_5 = arith.cmpi sgt, %iota3A, %sign3A_4 : vector<16xi32>
    %sign3A_6 = arith.extui %sign3A_5 : vector<16xi1> to vector<16xi32>
    %sign3A_7 = arith.constant 0 : i32
    %sign3A_8 = vector.broadcast %sign3A_7 : i32 to vector<16xi32>
    %sign3A_9 = arith.cmpi slt, %iota3A, %sign3A_8 : vector<16xi32>
    %sign3A_10 = arith.extui %sign3A_9 : vector<16xi1> to vector<16xi32>
    %sign3A_11 = arith.subi %sign3A_6, %sign3A_10 : vector<16xi32>
    %sign3A_12 = arith.constant 0 : i32
    %sign3A_13 = arith.cmpi sgt, %jit3A, %sign3A_12 : i32
    %sign3A_14 = arith.extui %sign3A_13 : i1 to i32
    %sign3A_15 = arith.constant 0 : i32
    %sign3A_16 = arith.cmpi slt, %jit3A, %sign3A_15 : i32
    %sign3A_17 = arith.extui %sign3A_16 : i1 to i32
    %sign3A_18 = arith.subi %sign3A_14, %sign3A_17 : i32
    %ne3A = vector.broadcast %sign3A_18 : i32 to vector<16xi32>
    %ne3A_19 = arith.cmpi ne, %sign3A_11, %ne3A : vector<16xi32>
    %rem3A = vector.broadcast %jit3A : i32 to vector<16xi32>
    %rem3A_20 = arith.remsi %iota3A, %rem3A : vector<16xi32>
    %ne3A_21 = arith.constant 0 : i32
    %ne3A_22 = vector.broadcast %ne3A_21 : i32 to vector<16xi32>
    %ne3A_23 = arith.cmpi ne, %rem3A_20, %ne3A_22 : vector<16xi32>
    %and3A = arith.andi %ne3A_19, %ne3A_23 : vector<16xi1>
    %sub3A = arith.constant 1 : i32
    %sub3A_24 = vector.broadcast %sub3A : i32 to vector<16xi32>
    %sub3A_25 = arith.subi %div3A_3, %sub3A_24 : vector<16xi32>
    %select_n3A = arith.select %and3A, %sub3A_25, %div3A_3 : vector<16xi1>, vector<16xi32>
    %add3A_26 = arith.constant 0 : i32
    %add3A_27 = vector.broadcast %add3A_26 : i32 to vector<16xi32>
    %add3A_28 = arith.addi %add3A_27, %select_n3A : vector<16xi32>
    %jit3A_29 = arith.constant 8 : i32
    %div3A_30 = vector.broadcast %jit3A_29 : i32 to vector<16xi32>
    %div3A_31 = arith.divsi %iota3A, %div3A_30 : vector<16xi32>
    %sign3A_32 = arith.constant 0 : i32
    %sign3A_33 = vector.broadcast %sign3A_32 : i32 to vector<16xi32>
    %sign3A_34 = arith.cmpi sgt, %iota3A, %sign3A_33 : vector<16xi32>
    %sign3A_35 = arith.extui %sign3A_34 : vector<16xi1> to vector<16xi32>
    %sign3A_36 = arith.constant 0 : i32
    %sign3A_37 = vector.broadcast %sign3A_36 : i32 to vector<16xi32>
    %sign3A_38 = arith.cmpi slt, %iota3A, %sign3A_37 : vector<16xi32>
    %sign3A_39 = arith.extui %sign3A_38 : vector<16xi1> to vector<16xi32>
    %sign3A_40 = arith.subi %sign3A_35, %sign3A_39 : vector<16xi32>
    %sign3A_41 = arith.constant 0 : i32
    %sign3A_42 = arith.cmpi sgt, %jit3A_29, %sign3A_41 : i32
    %sign3A_43 = arith.extui %sign3A_42 : i1 to i32
    %sign3A_44 = arith.constant 0 : i32
    %sign3A_45 = arith.cmpi slt, %jit3A_29, %sign3A_44 : i32
    %sign3A_46 = arith.extui %sign3A_45 : i1 to i32
    %sign3A_47 = arith.subi %sign3A_43, %sign3A_46 : i32
    %ne3A_48 = vector.broadcast %sign3A_47 : i32 to vector<16xi32>
    %ne3A_49 = arith.cmpi ne, %sign3A_40, %ne3A_48 : vector<16xi32>
    %rem3A_50 = vector.broadcast %jit3A_29 : i32 to vector<16xi32>
    %rem3A_51 = arith.remsi %iota3A, %rem3A_50 : vector<16xi32>
    %ne3A_52 = arith.constant 0 : i32
    %ne3A_53 = vector.broadcast %ne3A_52 : i32 to vector<16xi32>
    %ne3A_54 = arith.cmpi ne, %rem3A_51, %ne3A_53 : vector<16xi32>
    %and3A_55 = arith.andi %ne3A_49, %ne3A_54 : vector<16xi1>
    %sub3A_56 = arith.constant 1 : i32
    %sub3A_57 = vector.broadcast %sub3A_56 : i32 to vector<16xi32>
    %sub3A_58 = arith.subi %div3A_31, %sub3A_57 : vector<16xi32>
    %select_n3A_59 = arith.select %and3A_55, %sub3A_58, %div3A_31 : vector<16xi1>, vector<16xi32>
    %add3A_60 = arith.constant 2 : i32
    %add3A_61 = vector.broadcast %add3A_60 : i32 to vector<16xi32>
    %add3A_62 = arith.addi %add3A_61, %select_n3A_59 : vector<16xi32>
    %jit3A_63 = arith.constant 8 : i32
    %div3A_64 = vector.broadcast %jit3A_63 : i32 to vector<16xi32>
    %div3A_65 = arith.divsi %iota3A, %div3A_64 : vector<16xi32>
    %sign3A_66 = arith.constant 0 : i32
    %sign3A_67 = vector.broadcast %sign3A_66 : i32 to vector<16xi32>
    %sign3A_68 = arith.cmpi sgt, %iota3A, %sign3A_67 : vector<16xi32>
    %sign3A_69 = arith.extui %sign3A_68 : vector<16xi1> to vector<16xi32>
    %sign3A_70 = arith.constant 0 : i32
    %sign3A_71 = vector.broadcast %sign3A_70 : i32 to vector<16xi32>
    %sign3A_72 = arith.cmpi slt, %iota3A, %sign3A_71 : vector<16xi32>
    %sign3A_73 = arith.extui %sign3A_72 : vector<16xi1> to vector<16xi32>
    %sign3A_74 = arith.subi %sign3A_69, %sign3A_73 : vector<16xi32>
    %sign3A_75 = arith.constant 0 : i32
    %sign3A_76 = arith.cmpi sgt, %jit3A_63, %sign3A_75 : i32
    %sign3A_77 = arith.extui %sign3A_76 : i1 to i32
    %sign3A_78 = arith.constant 0 : i32
    %sign3A_79 = arith.cmpi slt, %jit3A_63, %sign3A_78 : i32
    %sign3A_80 = arith.extui %sign3A_79 : i1 to i32
    %sign3A_81 = arith.subi %sign3A_77, %sign3A_80 : i32
    %ne3A_82 = vector.broadcast %sign3A_81 : i32 to vector<16xi32>
    %ne3A_83 = arith.cmpi ne, %sign3A_74, %ne3A_82 : vector<16xi32>
    %rem3A_84 = vector.broadcast %jit3A_63 : i32 to vector<16xi32>
    %rem3A_85 = arith.remsi %iota3A, %rem3A_84 : vector<16xi32>
    %ne3A_86 = arith.constant 0 : i32
    %ne3A_87 = vector.broadcast %ne3A_86 : i32 to vector<16xi32>
    %ne3A_88 = arith.cmpi ne, %rem3A_85, %ne3A_87 : vector<16xi32>
    %and3A_89 = arith.andi %ne3A_83, %ne3A_88 : vector<16xi1>
    %sub3A_90 = arith.constant 1 : i32
    %sub3A_91 = vector.broadcast %sub3A_90 : i32 to vector<16xi32>
    %sub3A_92 = arith.subi %div3A_65, %sub3A_91 : vector<16xi32>
    %select_n3A_93 = arith.select %and3A_89, %sub3A_92, %div3A_65 : vector<16xi1>, vector<16xi32>
    %add3A_94 = arith.constant 4 : i32
    %add3A_95 = vector.broadcast %add3A_94 : i32 to vector<16xi32>
    %add3A_96 = arith.addi %add3A_95, %select_n3A_93 : vector<16xi32>
    %jit3A_97 = arith.constant 8 : i32
    %div3A_98 = vector.broadcast %jit3A_97 : i32 to vector<16xi32>
    %div3A_99 = arith.divsi %iota3A, %div3A_98 : vector<16xi32>
    %sign3A_100 = arith.constant 0 : i32
    %sign3A_101 = vector.broadcast %sign3A_100 : i32 to vector<16xi32>
    %sign3A_102 = arith.cmpi sgt, %iota3A, %sign3A_101 : vector<16xi32>
    %sign3A_103 = arith.extui %sign3A_102 : vector<16xi1> to vector<16xi32>
    %sign3A_104 = arith.constant 0 : i32
    %sign3A_105 = vector.broadcast %sign3A_104 : i32 to vector<16xi32>
    %sign3A_106 = arith.cmpi slt, %iota3A, %sign3A_105 : vector<16xi32>
    %sign3A_107 = arith.extui %sign3A_106 : vector<16xi1> to vector<16xi32>
    %sign3A_108 = arith.subi %sign3A_103, %sign3A_107 : vector<16xi32>
    %sign3A_109 = arith.constant 0 : i32
    %sign3A_110 = arith.cmpi sgt, %jit3A_97, %sign3A_109 : i32
    %sign3A_111 = arith.extui %sign3A_110 : i1 to i32
    %sign3A_112 = arith.constant 0 : i32
    %sign3A_113 = arith.cmpi slt, %jit3A_97, %sign3A_112 : i32
    %sign3A_114 = arith.extui %sign3A_113 : i1 to i32
    %sign3A_115 = arith.subi %sign3A_111, %sign3A_114 : i32
    %ne3A_116 = vector.broadcast %sign3A_115 : i32 to vector<16xi32>
    %ne3A_117 = arith.cmpi ne, %sign3A_108, %ne3A_116 : vector<16xi32>
    %rem3A_118 = vector.broadcast %jit3A_97 : i32 to vector<16xi32>
    %rem3A_119 = arith.remsi %iota3A, %rem3A_118 : vector<16xi32>
    %ne3A_120 = arith.constant 0 : i32
    %ne3A_121 = vector.broadcast %ne3A_120 : i32 to vector<16xi32>
    %ne3A_122 = arith.cmpi ne, %rem3A_119, %ne3A_121 : vector<16xi32>
    %and3A_123 = arith.andi %ne3A_117, %ne3A_122 : vector<16xi1>
    %sub3A_124 = arith.constant 1 : i32
    %sub3A_125 = vector.broadcast %sub3A_124 : i32 to vector<16xi32>
    %sub3A_126 = arith.subi %div3A_99, %sub3A_125 : vector<16xi32>
    %select_n3A_127 = arith.select %and3A_123, %sub3A_126, %div3A_99 : vector<16xi1>, vector<16xi32>
    %add3A_128 = arith.constant 6 : i32
    %add3A_129 = vector.broadcast %add3A_128 : i32 to vector<16xi32>
    %add3A_130 = arith.addi %add3A_129, %select_n3A_127 : vector<16xi32>
    %jit3A_131 = arith.constant 8 : i32
    %eq3A = arith.constant 0 : i32
    %eq3A_132 = arith.cmpi eq, %jit3A_131, %eq3A : i32
    %jit3A_133 = arith.constant 1 : i32
    %select_n3A_134 = arith.select %eq3A_132, %jit3A_133, %jit3A_131 : i32
    %rem3A_135 = vector.broadcast %select_n3A_134 : i32 to vector<16xi32>
    %rem3A_136 = arith.remsi %iota3A, %rem3A_135 : vector<16xi32>
    %ne3A_137 = arith.constant 0 : i32
    %ne3A_138 = vector.broadcast %ne3A_137 : i32 to vector<16xi32>
    %ne3A_139 = arith.cmpi ne, %rem3A_136, %ne3A_138 : vector<16xi32>
    %lt3A = arith.constant 0 : i32
    %lt3A_140 = vector.broadcast %lt3A : i32 to vector<16xi32>
    %lt3A_141 = arith.cmpi slt, %rem3A_136, %lt3A_140 : vector<16xi32>
    %lt3A_142 = arith.constant 0 : i32
    %lt3A_143 = arith.cmpi slt, %select_n3A_134, %lt3A_142 : i32
    %ne3A_144 = vector.broadcast %lt3A_143 : i1 to vector<16xi1>
    %ne3A_145 = vector.broadcast %ne3A_144 : vector<16xi1> to vector<16xi1>
    %ne3A_146 = arith.xori %lt3A_141, %ne3A_145 : vector<16xi1>
    %and3A_147 = arith.andi %ne3A_146, %ne3A_139 : vector<16xi1>
    %add3A_148 = vector.broadcast %select_n3A_134 : i32 to vector<16xi32>
    %add3A_149 = arith.addi %rem3A_136, %add3A_148 : vector<16xi32>
    %select_n3A_150 = arith.select %and3A_147, %add3A_149, %rem3A_136 : vector<16xi1>, vector<16xi32>
    %dma_start3A = arith.constant 0 : i32
    %dma_start3A_151 = arith.constant 0 : i32
    %dma_start3A_152 = arith.constant 0 : i32
    %dma_start3A_153 = tpu.memref_slice %arg6[%dma_start3A_151, %dma_start3A_152] : memref<256x64xf32, #tpu.memory_space<vmem>> -> memref<128x64xf32, #tpu.memory_space<vmem>>
    %dma_start3A_154 = arith.constant 0 : i32
    %dma_start3A_155 = tpu.memref_slice %arg5[%dma_start3A, %dma_start3A_154] : memref<200x128xi32, #tpu.memory_space<vmem>> -> memref<1x128xi32, #tpu.memory_space<vmem>>
    %dma_start3A_156 = tpu.memref_squeeze %dma_start3A_155 : memref<1x128xi32, #tpu.memory_space<vmem>> -> memref<128xi32, #tpu.memory_space<vmem>>
    %dma_start3A_157 = arith.constant 0 : i32
    %dma_start3A_158 = arith.constant 0 : i32
    %dma_start3A_159 = tpu.memref_slice %arg2[%dma_start3A_157, %dma_start3A_158] : memref<100000x64xf32, #tpu.memory_space<hbm>> -> memref<100000x64xf32, #tpu.memory_space<hbm>>
    tpu.enqueue_indirect_dma source(%dma_start3A_159 : memref<100000x64xf32, #tpu.memory_space<hbm>>) target(%dma_start3A_153 : memref<128x64xf32, #tpu.memory_space<vmem>>) offsets(%dma_start3A_156 : memref<128xi32, #tpu.memory_space<vmem>>) semaphore(%arg12 : memref<!tpu.dma_semaphore, #tpu.memory_space<semaphore_mem>>)
    %dma_start3A_160 = arith.constant 1 : i32
    %dma_start3A_161 = arith.constant 128 : i32
    %dma_start3A_162 = arith.constant 0 : i32
    %dma_start3A_163 = tpu.memref_slice %arg6[%dma_start3A_161, %dma_start3A_162] : memref<256x64xf32, #tpu.memory_space<vmem>> -> memref<128x64xf32, #tpu.memory_space<vmem>>
    %dma_start3A_164 = arith.constant 0 : i32
    %dma_start3A_165 = tpu.memref_slice %arg5[%dma_start3A_160, %dma_start3A_164] : memref<200x128xi32, #tpu.memory_space<vmem>> -> memref<1x128xi32, #tpu.memory_space<vmem>>
    %dma_start3A_166 = tpu.memref_squeeze %dma_start3A_165 : memref<1x128xi32, #tpu.memory_space<vmem>> -> memref<128xi32, #tpu.memory_space<vmem>>
    %dma_start3A_167 = arith.constant 0 : i32
    %dma_start3A_168 = arith.constant 0 : i32
    %dma_start3A_169 = tpu.memref_slice %arg2[%dma_start3A_167, %dma_start3A_168] : memref<100000x64xf32, #tpu.memory_space<hbm>> -> memref<100000x64xf32, #tpu.memory_space<hbm>>
    tpu.enqueue_indirect_dma source(%dma_start3A_169 : memref<100000x64xf32, #tpu.memory_space<hbm>>) target(%dma_start3A_163 : memref<128x64xf32, #tpu.memory_space<vmem>>) offsets(%dma_start3A_166 : memref<128xi32, #tpu.memory_space<vmem>>) semaphore(%arg12 : memref<!tpu.dma_semaphore, #tpu.memory_space<semaphore_mem>>)
    %dma_start3A_170 = arith.constant 2 : i32
    %dma_start3A_171 = arith.constant 0 : i32
    %dma_start3A_172 = arith.constant 0 : i32
    %dma_start3A_173 = tpu.memref_slice %arg7[%dma_start3A_171, %dma_start3A_172] : memref<256x64xf32, #tpu.memory_space<vmem>> -> memref<128x64xf32, #tpu.memory_space<vmem>>
    %dma_start3A_174 = arith.constant 0 : i32
    %dma_start3A_175 = tpu.memref_slice %arg5[%dma_start3A_170, %dma_start3A_174] : memref<200x128xi32, #tpu.memory_space<vmem>> -> memref<1x128xi32, #tpu.memory_space<vmem>>
    %dma_start3A_176 = tpu.memref_squeeze %dma_start3A_175 : memref<1x128xi32, #tpu.memory_space<vmem>> -> memref<128xi32, #tpu.memory_space<vmem>>
    %dma_start3A_177 = arith.constant 0 : i32
    %dma_start3A_178 = arith.constant 0 : i32
    %dma_start3A_179 = tpu.memref_slice %arg2[%dma_start3A_177, %dma_start3A_178] : memref<100000x64xf32, #tpu.memory_space<hbm>> -> memref<100000x64xf32, #tpu.memory_space<hbm>>
    tpu.enqueue_indirect_dma source(%dma_start3A_179 : memref<100000x64xf32, #tpu.memory_space<hbm>>) target(%dma_start3A_173 : memref<128x64xf32, #tpu.memory_space<vmem>>) offsets(%dma_start3A_176 : memref<128xi32, #tpu.memory_space<vmem>>) semaphore(%arg13 : memref<!tpu.dma_semaphore, #tpu.memory_space<semaphore_mem>>)
    %dma_start3A_180 = arith.constant 3 : i32
    %dma_start3A_181 = arith.constant 128 : i32
    %dma_start3A_182 = arith.constant 0 : i32
    %dma_start3A_183 = tpu.memref_slice %arg7[%dma_start3A_181, %dma_start3A_182] : memref<256x64xf32, #tpu.memory_space<vmem>> -> memref<128x64xf32, #tpu.memory_space<vmem>>
    %dma_start3A_184 = arith.constant 0 : i32
    %dma_start3A_185 = tpu.memref_slice %arg5[%dma_start3A_180, %dma_start3A_184] : memref<200x128xi32, #tpu.memory_space<vmem>> -> memref<1x128xi32, #tpu.memory_space<vmem>>
    %dma_start3A_186 = tpu.memref_squeeze %dma_start3A_185 : memref<1x128xi32, #tpu.memory_space<vmem>> -> memref<128xi32, #tpu.memory_space<vmem>>
    %dma_start3A_187 = arith.constant 0 : i32
    %dma_start3A_188 = arith.constant 0 : i32
    %dma_start3A_189 = tpu.memref_slice %arg2[%dma_start3A_187, %dma_start3A_188] : memref<100000x64xf32, #tpu.memory_space<hbm>> -> memref<100000x64xf32, #tpu.memory_space<hbm>>
    tpu.enqueue_indirect_dma source(%dma_start3A_189 : memref<100000x64xf32, #tpu.memory_space<hbm>>) target(%dma_start3A_183 : memref<128x64xf32, #tpu.memory_space<vmem>>) offsets(%dma_start3A_186 : memref<128xi32, #tpu.memory_space<vmem>>) semaphore(%arg13 : memref<!tpu.dma_semaphore, #tpu.memory_space<semaphore_mem>>)
    %dma_start3A_190 = arith.constant 4 : i32
    %dma_start3A_191 = arith.constant 0 : i32
    %dma_start3A_192 = arith.constant 0 : i32
    %dma_start3A_193 = tpu.memref_slice %arg8[%dma_start3A_191, %dma_start3A_192] : memref<256x64xf32, #tpu.memory_space<vmem>> -> memref<128x64xf32, #tpu.memory_space<vmem>>
    %dma_start3A_194 = arith.constant 0 : i32
    %dma_start3A_195 = tpu.memref_slice %arg5[%dma_start3A_190, %dma_start3A_194] : memref<200x128xi32, #tpu.memory_space<vmem>> -> memref<1x128xi32, #tpu.memory_space<vmem>>
    %dma_start3A_196 = tpu.memref_squeeze %dma_start3A_195 : memref<1x128xi32, #tpu.memory_space<vmem>> -> memref<128xi32, #tpu.memory_space<vmem>>
    %dma_start3A_197 = arith.constant 0 : i32
    %dma_start3A_198 = arith.constant 0 : i32
    %dma_start3A_199 = tpu.memref_slice %arg2[%dma_start3A_197, %dma_start3A_198] : memref<100000x64xf32, #tpu.memory_space<hbm>> -> memref<100000x64xf32, #tpu.memory_space<hbm>>
    tpu.enqueue_indirect_dma source(%dma_start3A_199 : memref<100000x64xf32, #tpu.memory_space<hbm>>) target(%dma_start3A_193 : memref<128x64xf32, #tpu.memory_space<vmem>>) offsets(%dma_start3A_196 : memref<128xi32, #tpu.memory_space<vmem>>) semaphore(%arg14 : memref<!tpu.dma_semaphore, #tpu.memory_space<semaphore_mem>>)
    %dma_start3A_200 = arith.constant 5 : i32
    %dma_start3A_201 = arith.constant 128 : i32
    %dma_start3A_202 = arith.constant 0 : i32
    %dma_start3A_203 = tpu.memref_slice %arg8[%dma_start3A_201, %dma_start3A_202] : memref<256x64xf32, #tpu.memory_space<vmem>> -> memref<128x64xf32, #tpu.memory_space<vmem>>
    %dma_start3A_204 = arith.constant 0 : i32
    %dma_start3A_205 = tpu.memref_slice %arg5[%dma_start3A_200, %dma_start3A_204] : memref<200x128xi32, #tpu.memory_space<vmem>> -> memref<1x128xi32, #tpu.memory_space<vmem>>
    %dma_start3A_206 = tpu.memref_squeeze %dma_start3A_205 : memref<1x128xi32, #tpu.memory_space<vmem>> -> memref<128xi32, #tpu.memory_space<vmem>>
    %dma_start3A_207 = arith.constant 0 : i32
    %dma_start3A_208 = arith.constant 0 : i32
    %dma_start3A_209 = tpu.memref_slice %arg2[%dma_start3A_207, %dma_start3A_208] : memref<100000x64xf32, #tpu.memory_space<hbm>> -> memref<100000x64xf32, #tpu.memory_space<hbm>>
    tpu.enqueue_indirect_dma source(%dma_start3A_209 : memref<100000x64xf32, #tpu.memory_space<hbm>>) target(%dma_start3A_203 : memref<128x64xf32, #tpu.memory_space<vmem>>) offsets(%dma_start3A_206 : memref<128xi32, #tpu.memory_space<vmem>>) semaphore(%arg14 : memref<!tpu.dma_semaphore, #tpu.memory_space<semaphore_mem>>)
    %dma_wait3A = arith.constant 0 : i32
    %dma_wait3A_210 = arith.constant 0 : i32
    %dma_wait3A_211 = tpu.memref_slice %arg6[%dma_wait3A, %dma_wait3A_210] : memref<256x64xf32, #tpu.memory_space<vmem>> -> memref<128x64xf32, #tpu.memory_space<vmem>>
    %dma_wait3A_212 = arith.constant 0 : i32
    %dma_wait3A_213 = arith.constant 0 : i32
    %dma_wait3A_214 = tpu.memref_slice %arg2[%dma_wait3A_212, %dma_wait3A_213] : memref<100000x64xf32, #tpu.memory_space<hbm>> -> memref<128x64xf32, #tpu.memory_space<hbm>>
    %dma_wait3A_215 = arith.constant 0 : i32
    %dma_wait3A_216 = arith.constant 0 : i32
    %dma_wait3A_217 = tpu.memref_slice %arg6[%dma_wait3A_215, %dma_wait3A_216] : memref<256x64xf32, #tpu.memory_space<vmem>> -> memref<128x64xf32, #tpu.memory_space<vmem>>
    %dma_wait3A_218 = arith.constant 0 : i32
    %dma_wait3A_219 = arith.constant 0 : i32
    %dma_wait3A_220 = tpu.memref_slice %arg2[%dma_wait3A_218, %dma_wait3A_219] : memref<100000x64xf32, #tpu.memory_space<hbm>> -> memref<128x64xf32, #tpu.memory_space<hbm>>
    tpu.wait_dma2 semaphore(%arg12 : memref<!tpu.dma_semaphore, #tpu.memory_space<semaphore_mem>>) src(%dma_wait3A_220 : memref<128x64xf32, #tpu.memory_space<hbm>>) dst(%dma_wait3A_217 : memref<128x64xf32, #tpu.memory_space<vmem>>)
    %dma_wait3A_221 = arith.constant 128 : i32
    %dma_wait3A_222 = arith.constant 0 : i32
    %dma_wait3A_223 = tpu.memref_slice %arg6[%dma_wait3A_221, %dma_wait3A_222] : memref<256x64xf32, #tpu.memory_space<vmem>> -> memref<128x64xf32, #tpu.memory_space<vmem>>
    %dma_wait3A_224 = arith.constant 0 : i32
    %dma_wait3A_225 = arith.constant 0 : i32
    %dma_wait3A_226 = tpu.memref_slice %arg2[%dma_wait3A_224, %dma_wait3A_225] : memref<100000x64xf32, #tpu.memory_space<hbm>> -> memref<128x64xf32, #tpu.memory_space<hbm>>
    %dma_wait3A_227 = arith.constant 128 : i32
    %dma_wait3A_228 = arith.constant 0 : i32
    %dma_wait3A_229 = tpu.memref_slice %arg6[%dma_wait3A_227, %dma_wait3A_228] : memref<256x64xf32, #tpu.memory_space<vmem>> -> memref<128x64xf32, #tpu.memory_space<vmem>>
    %dma_wait3A_230 = arith.constant 0 : i32
    %dma_wait3A_231 = arith.constant 0 : i32
    %dma_wait3A_232 = tpu.memref_slice %arg2[%dma_wait3A_230, %dma_wait3A_231] : memref<100000x64xf32, #tpu.memory_space<hbm>> -> memref<128x64xf32, #tpu.memory_space<hbm>>
    tpu.wait_dma2 semaphore(%arg12 : memref<!tpu.dma_semaphore, #tpu.memory_space<semaphore_mem>>) src(%dma_wait3A_232 : memref<128x64xf32, #tpu.memory_space<hbm>>) dst(%dma_wait3A_229 : memref<128x64xf32, #tpu.memory_space<vmem>>)
    %parallel_loop3A = arith.constant 0 : i32
    %parallel_loop3A_233 = arith.constant 256 : i32
    %parallel_loop3A_234 = arith.constant 1 : i32
    scf.for %parallel_loop3A_545 = %parallel_loop3A to %parallel_loop3A_233 step %parallel_loop3A_234  : i32 {
      %parallel_loop3A_546 = arith.constant 128 : i32
      %parallel_loop3A_547 = arith.divsi %parallel_loop3A_545, %parallel_loop3A_546 : i32
      %parallel_loop3A_548 = arith.constant 0 : i32
      %parallel_loop3A_549 = arith.cmpi sgt, %parallel_loop3A_545, %parallel_loop3A_548 : i32
      %parallel_loop3A_550 = arith.extui %parallel_loop3A_549 : i1 to i32
      %parallel_loop3A_551 = arith.constant 0 : i32
      %parallel_loop3A_552 = arith.cmpi slt, %parallel_loop3A_545, %parallel_loop3A_551 : i32
      %parallel_loop3A_553 = arith.extui %parallel_loop3A_552 : i1 to i32
      %parallel_loop3A_554 = arith.subi %parallel_loop3A_550, %parallel_loop3A_553 : i32
      %parallel_loop3A_555 = arith.constant 0 : i32
      %parallel_loop3A_556 = arith.cmpi sgt, %parallel_loop3A_546, %parallel_loop3A_555 : i32
      %parallel_loop3A_557 = arith.extui %parallel_loop3A_556 : i1 to i32
      %parallel_loop3A_558 = arith.constant 0 : i32
      %parallel_loop3A_559 = arith.cmpi slt, %parallel_loop3A_546, %parallel_loop3A_558 : i32
      %parallel_loop3A_560 = arith.extui %parallel_loop3A_559 : i1 to i32
      %parallel_loop3A_561 = arith.subi %parallel_loop3A_557, %parallel_loop3A_560 : i32
      %parallel_loop3A_562 = arith.cmpi ne, %parallel_loop3A_554, %parallel_loop3A_561 : i32
      %parallel_loop3A_563 = arith.remsi %parallel_loop3A_545, %parallel_loop3A_546 : i32
      %parallel_loop3A_564 = arith.constant 0 : i32
      %parallel_loop3A_565 = arith.cmpi ne, %parallel_loop3A_563, %parallel_loop3A_564 : i32
      %parallel_loop3A_566 = arith.andi %parallel_loop3A_562, %parallel_loop3A_565 : i1
      %parallel_loop3A_567 = arith.constant 1 : i32
      %parallel_loop3A_568 = arith.subi %parallel_loop3A_547, %parallel_loop3A_567 : i32
      %parallel_loop3A_569 = arith.select %parallel_loop3A_566, %parallel_loop3A_568, %parallel_loop3A_547 : i32
      %parallel_loop3A_570 = arith.constant 128 : i32
      %parallel_loop3A_571 = arith.constant 0 : i32
      %parallel_loop3A_572 = arith.cmpi eq, %parallel_loop3A_570, %parallel_loop3A_571 : i32
      %parallel_loop3A_573 = arith.constant 1 : i32
      %parallel_loop3A_574 = arith.select %parallel_loop3A_572, %parallel_loop3A_573, %parallel_loop3A_570 : i32
      %parallel_loop3A_575 = arith.remsi %parallel_loop3A_545, %parallel_loop3A_574 : i32
      %parallel_loop3A_576 = arith.constant 0 : i32
      %parallel_loop3A_577 = arith.cmpi ne, %parallel_loop3A_575, %parallel_loop3A_576 : i32
      %parallel_loop3A_578 = arith.constant 0 : i32
      %parallel_loop3A_579 = arith.cmpi slt, %parallel_loop3A_575, %parallel_loop3A_578 : i32
      %parallel_loop3A_580 = arith.constant 0 : i32
      %parallel_loop3A_581 = arith.cmpi slt, %parallel_loop3A_574, %parallel_loop3A_580 : i32
      %parallel_loop3A_582 = arith.xori %parallel_loop3A_579, %parallel_loop3A_581 : i1
      %parallel_loop3A_583 = arith.andi %parallel_loop3A_582, %parallel_loop3A_577 : i1
      %parallel_loop3A_584 = arith.addi %parallel_loop3A_575, %parallel_loop3A_574 : i32
      %parallel_loop3A_585 = arith.select %parallel_loop3A_583, %parallel_loop3A_584, %parallel_loop3A_575 : i32
      %parallel_loop3A_586 = vector.broadcast %parallel_loop3A_569 : i32 to vector<16xi32>
      %parallel_loop3A_587 = vector.broadcast %parallel_loop3A_585 : i32 to vector<16xi32>
      %parallel_loop3A_588 = arith.index_cast %parallel_loop3A_545 : i32 to index
      %parallel_loop3A_589 = arith.constant 0 : index
      %parallel_loop3A_590 = tpu.vector_load %arg6[%parallel_loop3A_588, %parallel_loop3A_589] {strides = array<i32>} : memref<256x64xf32, #tpu.memory_space<vmem>>, vector<16xf32>,
      %parallel_loop3A_591 = arith.constant 8.000000e+00 : f32
      %parallel_loop3A_592 = vector.broadcast %parallel_loop3A_591 : f32 to vector<16xf32>
      %parallel_loop3A_593 = arith.mulf %parallel_loop3A_590, %parallel_loop3A_592 : vector<16xf32>
      tpu.vector_store_idx %arg9[%add3A_28, %parallel_loop3A_586, %select_n3A_150, %parallel_loop3A_587], %parallel_loop3A_593 : memref<8x2x8x129xf32, #tpu.memory_space<vmem>>[vector<16xi32>, vector<16xi32>, vector<16xi32>, vector<16xi32>], vector<16xf32>,
      %parallel_loop3A_594 = arith.index_cast %parallel_loop3A_545 : i32 to index
      %parallel_loop3A_595 = arith.constant 16 : index
      %parallel_loop3A_596 = tpu.vector_load %arg6[%parallel_loop3A_594, %parallel_loop3A_595] {strides = array<i32>} : memref<256x64xf32, #tpu.memory_space<vmem>>, vector<16xf32>,
      %parallel_loop3A_597 = arith.constant 8.000000e+00 : f32
      %parallel_loop3A_598 = vector.broadcast %parallel_loop3A_597 : f32 to vector<16xf32>
      %parallel_loop3A_599 = arith.mulf %parallel_loop3A_596, %parallel_loop3A_598 : vector<16xf32>
      tpu.vector_store_idx %arg9[%add3A_62, %parallel_loop3A_586, %select_n3A_150, %parallel_loop3A_587], %parallel_loop3A_599 : memref<8x2x8x129xf32, #tpu.memory_space<vmem>>[vector<16xi32>, vector<16xi32>, vector<16xi32>, vector<16xi32>], vector<16xf32>,
      %parallel_loop3A_600 = arith.index_cast %parallel_loop3A_545 : i32 to index
      %parallel_loop3A_601 = arith.constant 32 : index
      %parallel_loop3A_602 = tpu.vector_load %arg6[%parallel_loop3A_600, %parallel_loop3A_601] {strides = array<i32>} : memref<256x64xf32, #tpu.memory_space<vmem>>, vector<16xf32>,
      %parallel_loop3A_603 = arith.constant 8.000000e+00 : f32
      %parallel_loop3A_604 = vector.broadcast %parallel_loop3A_603 : f32 to vector<16xf32>
      %parallel_loop3A_605 = arith.mulf %parallel_loop3A_602, %parallel_loop3A_604 : vector<16xf32>
      tpu.vector_store_idx %arg9[%add3A_96, %parallel_loop3A_586, %select_n3A_150, %parallel_loop3A_587], %parallel_loop3A_605 : memref<8x2x8x129xf32, #tpu.memory_space<vmem>>[vector<16xi32>, vector<16xi32>, vector<16xi32>, vector<16xi32>], vector<16xf32>,
      %parallel_loop3A_606 = arith.index_cast %parallel_loop3A_545 : i32 to index
      %parallel_loop3A_607 = arith.constant 48 : index
      %parallel_loop3A_608 = tpu.vector_load %arg6[%parallel_loop3A_606, %parallel_loop3A_607] {strides = array<i32>} : memref<256x64xf32, #tpu.memory_space<vmem>>, vector<16xf32>,
      %parallel_loop3A_609 = arith.constant 8.000000e+00 : f32
      %parallel_loop3A_610 = vector.broadcast %parallel_loop3A_609 : f32 to vector<16xf32>
      %parallel_loop3A_611 = arith.mulf %parallel_loop3A_608, %parallel_loop3A_610 : vector<16xf32>
      tpu.vector_store_idx %arg9[%add3A_130, %parallel_loop3A_586, %select_n3A_150, %parallel_loop3A_587], %parallel_loop3A_611 : memref<8x2x8x129xf32, #tpu.memory_space<vmem>>[vector<16xi32>, vector<16xi32>, vector<16xi32>, vector<16xi32>], vector<16xf32>,
    } {sc.loop_unroll_factor = 8 : i64, sc.parallel_access}
    %add3A_235 = arith.constant 0 : i32
    %add3A_236 = arith.addi %mul3A_2, %add3A_235 : i32
    %div3A_237 = arith.constant 4096 : i32
    %div3A_238 = arith.divsi %add3A_236, %div3A_237 : i32
    %rem3A_239 = arith.constant 4096 : i32
    %rem3A_240 = arith.remsi %add3A_236, %rem3A_239 : i32
    %div3A_241 = arith.constant 128 : i32
    %div3A_242 = arith.divsi %rem3A_240, %div3A_241 : i32
    %dma_start3A_243 = arith.constant 0 : i32
    %dma_start3A_244 = arith.constant 0 : i32
    %dma_start3A_245 = arith.constant 0 : i32
    %dma_start3A_246 = arith.constant 0 : i32
    %dma_start3A_247 = tpu.memref_slice %arg9[%dma_start3A_243, %dma_start3A_244, %dma_start3A_245, %dma_start3A_246] : memref<8x2x8x129xf32, #tpu.memory_space<vmem>> -> memref<8x2x8x128xf32, #tpu.memory_space<vmem>>
    %dma_start3A_248 = arith.constant 0 : i32
    %dma_start3A_249 = arith.constant 0 : i32
    %dma_start3A_250 = arith.constant 0 : i32
    %dma_start3A_251 = tpu.memref_slice %arg4[%div3A_238, %dma_start3A_248, %div3A_242, %dma_start3A_249, %dma_start3A_250] : memref<200x8x32x8x128xf32, #tpu.memory_space<hbm>> -> memref<1x8x2x8x128xf32, #tpu.memory_space<hbm>>
    %dma_start3A_252 = tpu.memref_squeeze %dma_start3A_251 : memref<1x8x2x8x128xf32, #tpu.memory_space<hbm>> -> memref<8x2x8x128xf32, #tpu.memory_space<hbm>>
    %dma_start3A_253 = arith.constant 0 : i32
    %dma_start3A_254 = arith.constant 0 : i32
    %dma_start3A_255 = arith.constant 0 : i32
    %dma_start3A_256 = tpu.memref_slice %arg4[%div3A_238, %dma_start3A_253, %div3A_242, %dma_start3A_254, %dma_start3A_255] : memref<200x8x32x8x128xf32, #tpu.memory_space<hbm>> -> memref<1x8x2x8x128xf32, #tpu.memory_space<hbm>>
    %dma_start3A_257 = tpu.memref_squeeze %dma_start3A_256 : memref<1x8x2x8x128xf32, #tpu.memory_space<hbm>> -> memref<8x2x8x128xf32, #tpu.memory_space<hbm>>
    %dma_start3A_258 = arith.constant 0 : i32
    %dma_start3A_259 = arith.constant 0 : i32
    %dma_start3A_260 = arith.constant 0 : i32
    %dma_start3A_261 = arith.constant 0 : i32
    %dma_start3A_262 = tpu.memref_slice %arg9[%dma_start3A_258, %dma_start3A_259, %dma_start3A_260, %dma_start3A_261] : memref<8x2x8x129xf32, #tpu.memory_space<vmem>> -> memref<8x2x8x128xf32, #tpu.memory_space<vmem>>
    tpu.enqueue_dma source(%dma_start3A_262 : memref<8x2x8x128xf32, #tpu.memory_space<vmem>>) target(%dma_start3A_257 : memref<8x2x8x128xf32, #tpu.memory_space<hbm>>) target_semaphore(%arg15 : memref<!tpu.dma_semaphore, #tpu.memory_space<semaphore_mem>>)
    %scan3A = arith.constant 0 : i32
    %scan3A_263 = arith.constant 0 : i32
    %scan3A_264 = arith.constant 32 : i32
    %scan3A_265 = arith.addi %scan3A_263, %scan3A_264 : i32
    %scan3A_266 = arith.constant 1 : i32
    scf.for %scan3A_545 = %scan3A_263 to %scan3A_265 step %scan3A_266  : i32 {
      %mul3A_546 = arith.constant 3 : i32
      %mul3A_547 = arith.muli %mul3A_546, %scan3A_545 : i32
      %add3A_548 = arith.constant 1 : i32
      %add3A_549 = arith.addi %add3A_548, %mul3A_547 : i32
      %add3A_550 = arith.constant 2 : i32
      %add3A_551 = arith.addi %add3A_549, %add3A_550 : i32
      %mul3A_552 = arith.constant 2 : i32
      %mul3A_553 = arith.muli %add3A_551, %mul3A_552 : i32
      %add3A_554 = arith.constant 0 : i32
      %add3A_555 = arith.addi %mul3A_553, %add3A_554 : i32
      %dma_start3A_556 = arith.constant 0 : i32
      %dma_start3A_557 = arith.constant 0 : i32
      %dma_start3A_558 = tpu.memref_slice %arg6[%dma_start3A_556, %dma_start3A_557] : memref<256x64xf32, #tpu.memory_space<vmem>> -> memref<128x64xf32, #tpu.memory_space<vmem>>
      %dma_start3A_559 = arith.constant 0 : i32
      %dma_start3A_560 = tpu.memref_slice %arg5[%add3A_555, %dma_start3A_559] : memref<200x128xi32, #tpu.memory_space<vmem>> -> memref<1x128xi32, #tpu.memory_space<vmem>>
      %dma_start3A_561 = tpu.memref_squeeze %dma_start3A_560 : memref<1x128xi32, #tpu.memory_space<vmem>> -> memref<128xi32, #tpu.memory_space<vmem>>
      %dma_start3A_562 = arith.constant 0 : i32
      %dma_start3A_563 = arith.constant 0 : i32
      %dma_start3A_564 = tpu.memref_slice %arg2[%dma_start3A_562, %dma_start3A_563] : memref<100000x64xf32, #tpu.memory_space<hbm>> -> memref<100000x64xf32, #tpu.memory_space<hbm>>
      tpu.enqueue_indirect_dma source(%dma_start3A_564 : memref<100000x64xf32, #tpu.memory_space<hbm>>) target(%dma_start3A_558 : memref<128x64xf32, #tpu.memory_space<vmem>>) offsets(%dma_start3A_561 : memref<128xi32, #tpu.memory_space<vmem>>) semaphore(%arg12 : memref<!tpu.dma_semaphore, #tpu.memory_space<semaphore_mem>>)
      %mul3A_565 = arith.constant 2 : i32
      %mul3A_566 = arith.muli %add3A_551, %mul3A_565 : i32
      %add3A_567 = arith.constant 1 : i32
      %add3A_568 = arith.addi %mul3A_566, %add3A_567 : i32
      %dma_start3A_569 = arith.constant 128 : i32
      %dma_start3A_570 = arith.constant 0 : i32
      %dma_start3A_571 = tpu.memref_slice %arg6[%dma_start3A_569, %dma_start3A_570] : memref<256x64xf32, #tpu.memory_space<vmem>> -> memref<128x64xf32, #tpu.memory_space<vmem>>
      %dma_start3A_572 = arith.constant 0 : i32
      %dma_start3A_573 = tpu.memref_slice %arg5[%add3A_568, %dma_start3A_572] : memref<200x128xi32, #tpu.memory_space<vmem>> -> memref<1x128xi32, #tpu.memory_space<vmem>>
      %dma_start3A_574 = tpu.memref_squeeze %dma_start3A_573 : memref<1x128xi32, #tpu.memory_space<vmem>> -> memref<128xi32, #tpu.memory_space<vmem>>
      %dma_start3A_575 = arith.constant 0 : i32
      %dma_start3A_576 = arith.constant 0 : i32
      %dma_start3A_577 = tpu.memref_slice %arg2[%dma_start3A_575, %dma_start3A_576] : memref<100000x64xf32, #tpu.memory_space<hbm>> -> memref<100000x64xf32, #tpu.memory_space<hbm>>
      tpu.enqueue_indirect_dma source(%dma_start3A_577 : memref<100000x64xf32, #tpu.memory_space<hbm>>) target(%dma_start3A_571 : memref<128x64xf32, #tpu.memory_space<vmem>>) offsets(%dma_start3A_574 : memref<128xi32, #tpu.memory_space<vmem>>) semaphore(%arg12 : memref<!tpu.dma_semaphore, #tpu.memory_space<semaphore_mem>>)
      %dma_wait3A_578 = arith.constant 0 : i32
      %dma_wait3A_579 = arith.constant 0 : i32
      %dma_wait3A_580 = tpu.memref_slice %arg7[%dma_wait3A_578, %dma_wait3A_579] : memref<256x64xf32, #tpu.memory_space<vmem>> -> memref<128x64xf32, #tpu.memory_space<vmem>>
      %dma_wait3A_581 = arith.constant 0 : i32
      %dma_wait3A_582 = arith.constant 0 : i32
      %dma_wait3A_583 = tpu.memref_slice %arg2[%dma_wait3A_581, %dma_wait3A_582] : memref<100000x64xf32, #tpu.memory_space<hbm>> -> memref<128x64xf32, #tpu.memory_space<hbm>>
      %dma_wait3A_584 = arith.constant 0 : i32
      %dma_wait3A_585 = arith.constant 0 : i32
      %dma_wait3A_586 = tpu.memref_slice %arg7[%dma_wait3A_584, %dma_wait3A_585] : memref<256x64xf32, #tpu.memory_space<vmem>> -> memref<128x64xf32, #tpu.memory_space<vmem>>
      %dma_wait3A_587 = arith.constant 0 : i32
      %dma_wait3A_588 = arith.constant 0 : i32
      %dma_wait3A_589 = tpu.memref_slice %arg2[%dma_wait3A_587, %dma_wait3A_588] : memref<100000x64xf32, #tpu.memory_space<hbm>> -> memref<128x64xf32, #tpu.memory_space<hbm>>
      tpu.wait_dma2 semaphore(%arg13 : memref<!tpu.dma_semaphore, #tpu.memory_space<semaphore_mem>>) src(%dma_wait3A_589 : memref<128x64xf32, #tpu.memory_space<hbm>>) dst(%dma_wait3A_586 : memref<128x64xf32, #tpu.memory_space<vmem>>)
      %dma_wait3A_590 = arith.constant 128 : i32
      %dma_wait3A_591 = arith.constant 0 : i32
      %dma_wait3A_592 = tpu.memref_slice %arg7[%dma_wait3A_590, %dma_wait3A_591] : memref<256x64xf32, #tpu.memory_space<vmem>> -> memref<128x64xf32, #tpu.memory_space<vmem>>
      %dma_wait3A_593 = arith.constant 0 : i32
      %dma_wait3A_594 = arith.constant 0 : i32
      %dma_wait3A_595 = tpu.memref_slice %arg2[%dma_wait3A_593, %dma_wait3A_594] : memref<100000x64xf32, #tpu.memory_space<hbm>> -> memref<128x64xf32, #tpu.memory_space<hbm>>
      %dma_wait3A_596 = arith.constant 128 : i32
      %dma_wait3A_597 = arith.constant 0 : i32
      %dma_wait3A_598 = tpu.memref_slice %arg7[%dma_wait3A_596, %dma_wait3A_597] : memref<256x64xf32, #tpu.memory_space<vmem>> -> memref<128x64xf32, #tpu.memory_space<vmem>>
      %dma_wait3A_599 = arith.constant 0 : i32
      %dma_wait3A_600 = arith.constant 0 : i32
      %dma_wait3A_601 = tpu.memref_slice %arg2[%dma_wait3A_599, %dma_wait3A_600] : memref<100000x64xf32, #tpu.memory_space<hbm>> -> memref<128x64xf32, #tpu.memory_space<hbm>>
      tpu.wait_dma2 semaphore(%arg13 : memref<!tpu.dma_semaphore, #tpu.memory_space<semaphore_mem>>) src(%dma_wait3A_601 : memref<128x64xf32, #tpu.memory_space<hbm>>) dst(%dma_wait3A_598 : memref<128x64xf32, #tpu.memory_space<vmem>>)
      %dma_wait3A_602 = arith.constant 0 : i32
      %dma_wait3A_603 = arith.constant 0 : i32
      %dma_wait3A_604 = arith.constant 0 : i32
      %dma_wait3A_605 = arith.constant 0 : i32
      %dma_wait3A_606 = arith.constant 0 : i32
      %dma_wait3A_607 = tpu.memref_slice %arg9[%dma_wait3A_603, %dma_wait3A_604, %dma_wait3A_605, %dma_wait3A_606] : memref<8x2x8x129xf32, #tpu.memory_space<vmem>> -> memref<8x2x8x128xf32, #tpu.memory_space<vmem>>
      %dma_wait3A_608 = arith.constant 0 : i32
      %dma_wait3A_609 = arith.constant 0 : i32
      %dma_wait3A_610 = arith.constant 0 : i32
      %dma_wait3A_611 = arith.constant 0 : i32
      %dma_wait3A_612 = tpu.memref_slice %arg4[%dma_wait3A_602, %dma_wait3A_608, %dma_wait3A_609, %dma_wait3A_610, %dma_wait3A_611] : memref<200x8x32x8x128xf32, #tpu.memory_space<hbm>> -> memref<1x8x2x8x128xf32, #tpu.memory_space<hbm>>
      %dma_wait3A_613 = tpu.memref_squeeze %dma_wait3A_612 : memref<1x8x2x8x128xf32, #tpu.memory_space<hbm>> -> memref<8x2x8x128xf32, #tpu.memory_space<hbm>>
      %dma_wait3A_614 = arith.constant 0 : i32
      %dma_wait3A_615 = arith.constant 0 : i32
      %dma_wait3A_616 = arith.constant 0 : i32
      %dma_wait3A_617 = arith.constant 0 : i32
      %dma_wait3A_618 = tpu.memref_slice %arg4[%dma_wait3A_602, %dma_wait3A_614, %dma_wait3A_615, %dma_wait3A_616, %dma_wait3A_617] : memref<200x8x32x8x128xf32, #tpu.memory_space<hbm>> -> memref<1x8x2x8x128xf32, #tpu.memory_space<hbm>>
      %dma_wait3A_619 = tpu.memref_squeeze %dma_wait3A_618 : memref<1x8x2x8x128xf32, #tpu.memory_space<hbm>> -> memref<8x2x8x128xf32, #tpu.memory_space<hbm>>
      %dma_wait3A_620 = arith.constant 0 : i32
      %dma_wait3A_621 = arith.constant 0 : i32
      %dma_wait3A_622 = arith.constant 0 : i32
      %dma_wait3A_623 = arith.constant 0 : i32
      %dma_wait3A_624 = tpu.memref_slice %arg9[%dma_wait3A_620, %dma_wait3A_621, %dma_wait3A_622, %dma_wait3A_623] : memref<8x2x8x129xf32, #tpu.memory_space<vmem>> -> memref<8x2x8x128xf32, #tpu.memory_space<vmem>>
      tpu.wait_dma2 semaphore(%arg15 : memref<!tpu.dma_semaphore, #tpu.memory_space<semaphore_mem>>) src(%dma_wait3A_624 : memref<8x2x8x128xf32, #tpu.memory_space<vmem>>) dst(%dma_wait3A_619 : memref<8x2x8x128xf32, #tpu.memory_space<hbm>>)
      %parallel_loop3A_625 = arith.constant 0 : i32
      %parallel_loop3A_626 = arith.constant 256 : i32
      %parallel_loop3A_627 = arith.constant 1 : i32
      scf.for %parallel_loop3A_875 = %parallel_loop3A_625 to %parallel_loop3A_626 step %parallel_loop3A_627  : i32 {
        %parallel_loop3A_876 = arith.constant 128 : i32
        %parallel_loop3A_877 = arith.divsi %parallel_loop3A_875, %parallel_loop3A_876 : i32
        %parallel_loop3A_878 = arith.constant 0 : i32
        %parallel_loop3A_879 = arith.cmpi sgt, %parallel_loop3A_875, %parallel_loop3A_878 : i32
        %parallel_loop3A_880 = arith.extui %parallel_loop3A_879 : i1 to i32
        %parallel_loop3A_881 = arith.constant 0 : i32
        %parallel_loop3A_882 = arith.cmpi slt, %parallel_loop3A_875, %parallel_loop3A_881 : i32
        %parallel_loop3A_883 = arith.extui %parallel_loop3A_882 : i1 to i32
        %parallel_loop3A_884 = arith.subi %parallel_loop3A_880, %parallel_loop3A_883 : i32
        %parallel_loop3A_885 = arith.constant 0 : i32
        %parallel_loop3A_886 = arith.cmpi sgt, %parallel_loop3A_876, %parallel_loop3A_885 : i32
        %parallel_loop3A_887 = arith.extui %parallel_loop3A_886 : i1 to i32
        %parallel_loop3A_888 = arith.constant 0 : i32
        %parallel_loop3A_889 = arith.cmpi slt, %parallel_loop3A_876, %parallel_loop3A_888 : i32
        %parallel_loop3A_890 = arith.extui %parallel_loop3A_889 : i1 to i32
        %parallel_loop3A_891 = arith.subi %parallel_loop3A_887, %parallel_loop3A_890 : i32
        %parallel_loop3A_892 = arith.cmpi ne, %parallel_loop3A_884, %parallel_loop3A_891 : i32
        %parallel_loop3A_893 = arith.remsi %parallel_loop3A_875, %parallel_loop3A_876 : i32
        %parallel_loop3A_894 = arith.constant 0 : i32
        %parallel_loop3A_895 = arith.cmpi ne, %parallel_loop3A_893, %parallel_loop3A_894 : i32
        %parallel_loop3A_896 = arith.andi %parallel_loop3A_892, %parallel_loop3A_895 : i1
        %parallel_loop3A_897 = arith.constant 1 : i32
        %parallel_loop3A_898 = arith.subi %parallel_loop3A_877, %parallel_loop3A_897 : i32
        %parallel_loop3A_899 = arith.select %parallel_loop3A_896, %parallel_loop3A_898, %parallel_loop3A_877 : i32
        %parallel_loop3A_900 = arith.constant 128 : i32
        %parallel_loop3A_901 = arith.constant 0 : i32
        %parallel_loop3A_902 = arith.cmpi eq, %parallel_loop3A_900, %parallel_loop3A_901 : i32
        %parallel_loop3A_903 = arith.constant 1 : i32
        %parallel_loop3A_904 = arith.select %parallel_loop3A_902, %parallel_loop3A_903, %parallel_loop3A_900 : i32
        %parallel_loop3A_905 = arith.remsi %parallel_loop3A_875, %parallel_loop3A_904 : i32
        %parallel_loop3A_906 = arith.constant 0 : i32
        %parallel_loop3A_907 = arith.cmpi ne, %parallel_loop3A_905, %parallel_loop3A_906 : i32
        %parallel_loop3A_908 = arith.constant 0 : i32
        %parallel_loop3A_909 = arith.cmpi slt, %parallel_loop3A_905, %parallel_loop3A_908 : i32
        %parallel_loop3A_910 = arith.constant 0 : i32
        %parallel_loop3A_911 = arith.cmpi slt, %parallel_loop3A_904, %parallel_loop3A_910 : i32
        %parallel_loop3A_912 = arith.xori %parallel_loop3A_909, %parallel_loop3A_911 : i1
        %parallel_loop3A_913 = arith.andi %parallel_loop3A_912, %parallel_loop3A_907 : i1
        %parallel_loop3A_914 = arith.addi %parallel_loop3A_905, %parallel_loop3A_904 : i32
        %parallel_loop3A_915 = arith.select %parallel_loop3A_913, %parallel_loop3A_914, %parallel_loop3A_905 : i32
        %parallel_loop3A_916 = vector.broadcast %parallel_loop3A_899 : i32 to vector<16xi32>
        %parallel_loop3A_917 = vector.broadcast %parallel_loop3A_915 : i32 to vector<16xi32>
        %parallel_loop3A_918 = arith.index_cast %parallel_loop3A_875 : i32 to index
        %parallel_loop3A_919 = arith.constant 0 : index
        %parallel_loop3A_920 = tpu.vector_load %arg7[%parallel_loop3A_918, %parallel_loop3A_919] {strides = array<i32>} : memref<256x64xf32, #tpu.memory_space<vmem>>, vector<16xf32>,
        %parallel_loop3A_921 = arith.constant 8.000000e+00 : f32
        %parallel_loop3A_922 = vector.broadcast %parallel_loop3A_921 : f32 to vector<16xf32>
        %parallel_loop3A_923 = arith.mulf %parallel_loop3A_920, %parallel_loop3A_922 : vector<16xf32>
        tpu.vector_store_idx %arg10[%add3A_28, %parallel_loop3A_916, %select_n3A_150, %parallel_loop3A_917], %parallel_loop3A_923 : memref<8x2x8x129xf32, #tpu.memory_space<vmem>>[vector<16xi32>, vector<16xi32>, vector<16xi32>, vector<16xi32>], vector<16xf32>,
        %parallel_loop3A_924 = arith.index_cast %parallel_loop3A_875 : i32 to index
        %parallel_loop3A_925 = arith.constant 16 : index
        %parallel_loop3A_926 = tpu.vector_load %arg7[%parallel_loop3A_924, %parallel_loop3A_925] {strides = array<i32>} : memref<256x64xf32, #tpu.memory_space<vmem>>, vector<16xf32>,
        %parallel_loop3A_927 = arith.constant 8.000000e+00 : f32
        %parallel_loop3A_928 = vector.broadcast %parallel_loop3A_927 : f32 to vector<16xf32>
        %parallel_loop3A_929 = arith.mulf %parallel_loop3A_926, %parallel_loop3A_928 : vector<16xf32>
        tpu.vector_store_idx %arg10[%add3A_62, %parallel_loop3A_916, %select_n3A_150, %parallel_loop3A_917], %parallel_loop3A_929 : memref<8x2x8x129xf32, #tpu.memory_space<vmem>>[vector<16xi32>, vector<16xi32>, vector<16xi32>, vector<16xi32>], vector<16xf32>,
        %parallel_loop3A_930 = arith.index_cast %parallel_loop3A_875 : i32 to index
        %parallel_loop3A_931 = arith.constant 32 : index
        %parallel_loop3A_932 = tpu.vector_load %arg7[%parallel_loop3A_930, %parallel_loop3A_931] {strides = array<i32>} : memref<256x64xf32, #tpu.memory_space<vmem>>, vector<16xf32>,
        %parallel_loop3A_933 = arith.constant 8.000000e+00 : f32
        %parallel_loop3A_934 = vector.broadcast %parallel_loop3A_933 : f32 to vector<16xf32>
        %parallel_loop3A_935 = arith.mulf %parallel_loop3A_932, %parallel_loop3A_934 : vector<16xf32>
        tpu.vector_store_idx %arg10[%add3A_96, %parallel_loop3A_916, %select_n3A_150, %parallel_loop3A_917], %parallel_loop3A_935 : memref<8x2x8x129xf32, #tpu.memory_space<vmem>>[vector<16xi32>, vector<16xi32>, vector<16xi32>, vector<16xi32>], vector<16xf32>,
        %parallel_loop3A_936 = arith.index_cast %parallel_loop3A_875 : i32 to index
        %parallel_loop3A_937 = arith.constant 48 : index
        %parallel_loop3A_938 = tpu.vector_load %arg7[%parallel_loop3A_936, %parallel_loop3A_937] {strides = array<i32>} : memref<256x64xf32, #tpu.memory_space<vmem>>, vector<16xf32>,
        %parallel_loop3A_939 = arith.constant 8.000000e+00 : f32
        %parallel_loop3A_940 = vector.broadcast %parallel_loop3A_939 : f32 to vector<16xf32>
        %parallel_loop3A_941 = arith.mulf %parallel_loop3A_938, %parallel_loop3A_940 : vector<16xf32>
        tpu.vector_store_idx %arg10[%add3A_130, %parallel_loop3A_916, %select_n3A_150, %parallel_loop3A_917], %parallel_loop3A_941 : memref<8x2x8x129xf32, #tpu.memory_space<vmem>>[vector<16xi32>, vector<16xi32>, vector<16xi32>, vector<16xi32>], vector<16xf32>,
      } {sc.loop_unroll_factor = 8 : i64, sc.parallel_access}
      %mul3A_628 = arith.constant 256 : i32
      %mul3A_629 = arith.muli %add3A_549, %mul3A_628 : i32
      %add3A_630 = arith.addi %mul3A_2, %mul3A_629 : i32
      %div3A_631 = arith.constant 4096 : i32
      %div3A_632 = arith.divsi %add3A_630, %div3A_631 : i32
      %rem3A_633 = arith.constant 4096 : i32
      %rem3A_634 = arith.remsi %add3A_630, %rem3A_633 : i32
      %div3A_635 = arith.constant 128 : i32
      %div3A_636 = arith.divsi %rem3A_634, %div3A_635 : i32
      %dma_start3A_637 = arith.constant 0 : i32
      %dma_start3A_638 = arith.constant 0 : i32
      %dma_start3A_639 = arith.constant 0 : i32
      %dma_start3A_640 = arith.constant 0 : i32
      %dma_start3A_641 = tpu.memref_slice %arg10[%dma_start3A_637, %dma_start3A_638, %dma_start3A_639, %dma_start3A_640] : memref<8x2x8x129xf32, #tpu.memory_space<vmem>> -> memref<8x2x8x128xf32, #tpu.memory_space<vmem>>
      %dma_start3A_642 = arith.constant 0 : i32
      %dma_start3A_643 = arith.constant 0 : i32
      %dma_start3A_644 = arith.constant 0 : i32
      %dma_start3A_645 = tpu.memref_slice %arg4[%div3A_632, %dma_start3A_642, %div3A_636, %dma_start3A_643, %dma_start3A_644] : memref<200x8x32x8x128xf32, #tpu.memory_space<hbm>> -> memref<1x8x2x8x128xf32, #tpu.memory_space<hbm>>
      %dma_start3A_646 = tpu.memref_squeeze %dma_start3A_645 : memref<1x8x2x8x128xf32, #tpu.memory_space<hbm>> -> memref<8x2x8x128xf32, #tpu.memory_space<hbm>>
      %dma_start3A_647 = arith.constant 0 : i32
      %dma_start3A_648 = arith.constant 0 : i32
      %dma_start3A_649 = arith.constant 0 : i32
      %dma_start3A_650 = tpu.memref_slice %arg4[%div3A_632, %dma_start3A_647, %div3A_636, %dma_start3A_648, %dma_start3A_649] : memref<200x8x32x8x128xf32, #tpu.memory_space<hbm>> -> memref<1x8x2x8x128xf32, #tpu.memory_space<hbm>>
      %dma_start3A_651 = tpu.memref_squeeze %dma_start3A_650 : memref<1x8x2x8x128xf32, #tpu.memory_space<hbm>> -> memref<8x2x8x128xf32, #tpu.memory_space<hbm>>
      %dma_start3A_652 = arith.constant 0 : i32
      %dma_start3A_653 = arith.constant 0 : i32
      %dma_start3A_654 = arith.constant 0 : i32
      %dma_start3A_655 = arith.constant 0 : i32
      %dma_start3A_656 = tpu.memref_slice %arg10[%dma_start3A_652, %dma_start3A_653, %dma_start3A_654, %dma_start3A_655] : memref<8x2x8x129xf32, #tpu.memory_space<vmem>> -> memref<8x2x8x128xf32, #tpu.memory_space<vmem>>
      tpu.enqueue_dma source(%dma_start3A_656 : memref<8x2x8x128xf32, #tpu.memory_space<vmem>>) target(%dma_start3A_651 : memref<8x2x8x128xf32, #tpu.memory_space<hbm>>) target_semaphore(%arg16 : memref<!tpu.dma_semaphore, #tpu.memory_space<semaphore_mem>>)
      %add3A_657 = arith.constant 1 : i32
      %add3A_658 = arith.addi %add3A_549, %add3A_657 : i32
      %add3A_659 = arith.constant 2 : i32
      %add3A_660 = arith.addi %add3A_658, %add3A_659 : i32
      %mul3A_661 = arith.constant 2 : i32
      %mul3A_662 = arith.muli %add3A_660, %mul3A_661 : i32
      %add3A_663 = arith.constant 0 : i32
      %add3A_664 = arith.addi %mul3A_662, %add3A_663 : i32
      %dma_start3A_665 = arith.constant 0 : i32
      %dma_start3A_666 = arith.constant 0 : i32
      %dma_start3A_667 = tpu.memref_slice %arg7[%dma_start3A_665, %dma_start3A_666] : memref<256x64xf32, #tpu.memory_space<vmem>> -> memref<128x64xf32, #tpu.memory_space<vmem>>
      %dma_start3A_668 = arith.constant 0 : i32
      %dma_start3A_669 = tpu.memref_slice %arg5[%add3A_664, %dma_start3A_668] : memref<200x128xi32, #tpu.memory_space<vmem>> -> memref<1x128xi32, #tpu.memory_space<vmem>>
      %dma_start3A_670 = tpu.memref_squeeze %dma_start3A_669 : memref<1x128xi32, #tpu.memory_space<vmem>> -> memref<128xi32, #tpu.memory_space<vmem>>
      %dma_start3A_671 = arith.constant 0 : i32
      %dma_start3A_672 = arith.constant 0 : i32
      %dma_start3A_673 = tpu.memref_slice %arg2[%dma_start3A_671, %dma_start3A_672] : memref<100000x64xf32, #tpu.memory_space<hbm>> -> memref<100000x64xf32, #tpu.memory_space<hbm>>
      tpu.enqueue_indirect_dma source(%dma_start3A_673 : memref<100000x64xf32, #tpu.memory_space<hbm>>) target(%dma_start3A_667 : memref<128x64xf32, #tpu.memory_space<vmem>>) offsets(%dma_start3A_670 : memref<128xi32, #tpu.memory_space<vmem>>) semaphore(%arg13 : memref<!tpu.dma_semaphore, #tpu.memory_space<semaphore_mem>>)
      %mul3A_674 = arith.constant 2 : i32
      %mul3A_675 = arith.muli %add3A_660, %mul3A_674 : i32
      %add3A_676 = arith.constant 1 : i32
      %add3A_677 = arith.addi %mul3A_675, %add3A_676 : i32
      %dma_start3A_678 = arith.constant 128 : i32
      %dma_start3A_679 = arith.constant 0 : i32
      %dma_start3A_680 = tpu.memref_slice %arg7[%dma_start3A_678, %dma_start3A_679] : memref<256x64xf32, #tpu.memory_space<vmem>> -> memref<128x64xf32, #tpu.memory_space<vmem>>
      %dma_start3A_681 = arith.constant 0 : i32
      %dma_start3A_682 = tpu.memref_slice %arg5[%add3A_677, %dma_start3A_681] : memref<200x128xi32, #tpu.memory_space<vmem>> -> memref<1x128xi32, #tpu.memory_space<vmem>>
      %dma_start3A_683 = tpu.memref_squeeze %dma_start3A_682 : memref<1x128xi32, #tpu.memory_space<vmem>> -> memref<128xi32, #tpu.memory_space<vmem>>
      %dma_start3A_684 = arith.constant 0 : i32
      %dma_start3A_685 = arith.constant 0 : i32
      %dma_start3A_686 = tpu.memref_slice %arg2[%dma_start3A_684, %dma_start3A_685] : memref<100000x64xf32, #tpu.memory_space<hbm>> -> memref<100000x64xf32, #tpu.memory_space<hbm>>
      tpu.enqueue_indirect_dma source(%dma_start3A_686 : memref<100000x64xf32, #tpu.memory_space<hbm>>) target(%dma_start3A_680 : memref<128x64xf32, #tpu.memory_space<vmem>>) offsets(%dma_start3A_683 : memref<128xi32, #tpu.memory_space<vmem>>) semaphore(%arg13 : memref<!tpu.dma_semaphore, #tpu.memory_space<semaphore_mem>>)
      %dma_wait3A_687 = arith.constant 0 : i32
      %dma_wait3A_688 = arith.constant 0 : i32
      %dma_wait3A_689 = tpu.memref_slice %arg8[%dma_wait3A_687, %dma_wait3A_688] : memref<256x64xf32, #tpu.memory_space<vmem>> -> memref<128x64xf32, #tpu.memory_space<vmem>>
      %dma_wait3A_690 = arith.constant 0 : i32
      %dma_wait3A_691 = arith.constant 0 : i32
      %dma_wait3A_692 = tpu.memref_slice %arg2[%dma_wait3A_690, %dma_wait3A_691] : memref<100000x64xf32, #tpu.memory_space<hbm>> -> memref<128x64xf32, #tpu.memory_space<hbm>>
      %dma_wait3A_693 = arith.constant 0 : i32
      %dma_wait3A_694 = arith.constant 0 : i32
      %dma_wait3A_695 = tpu.memref_slice %arg8[%dma_wait3A_693, %dma_wait3A_694] : memref<256x64xf32, #tpu.memory_space<vmem>> -> memref<128x64xf32, #tpu.memory_space<vmem>>
      %dma_wait3A_696 = arith.constant 0 : i32
      %dma_wait3A_697 = arith.constant 0 : i32
      %dma_wait3A_698 = tpu.memref_slice %arg2[%dma_wait3A_696, %dma_wait3A_697] : memref<100000x64xf32, #tpu.memory_space<hbm>> -> memref<128x64xf32, #tpu.memory_space<hbm>>
      tpu.wait_dma2 semaphore(%arg14 : memref<!tpu.dma_semaphore, #tpu.memory_space<semaphore_mem>>) src(%dma_wait3A_698 : memref<128x64xf32, #tpu.memory_space<hbm>>) dst(%dma_wait3A_695 : memref<128x64xf32, #tpu.memory_space<vmem>>)
      %dma_wait3A_699 = arith.constant 128 : i32
      %dma_wait3A_700 = arith.constant 0 : i32
      %dma_wait3A_701 = tpu.memref_slice %arg8[%dma_wait3A_699, %dma_wait3A_700] : memref<256x64xf32, #tpu.memory_space<vmem>> -> memref<128x64xf32, #tpu.memory_space<vmem>>
      %dma_wait3A_702 = arith.constant 0 : i32
      %dma_wait3A_703 = arith.constant 0 : i32
      %dma_wait3A_704 = tpu.memref_slice %arg2[%dma_wait3A_702, %dma_wait3A_703] : memref<100000x64xf32, #tpu.memory_space<hbm>> -> memref<128x64xf32, #tpu.memory_space<hbm>>
      %dma_wait3A_705 = arith.constant 128 : i32
      %dma_wait3A_706 = arith.constant 0 : i32
      %dma_wait3A_707 = tpu.memref_slice %arg8[%dma_wait3A_705, %dma_wait3A_706] : memref<256x64xf32, #tpu.memory_space<vmem>> -> memref<128x64xf32, #tpu.memory_space<vmem>>
      %dma_wait3A_708 = arith.constant 0 : i32
      %dma_wait3A_709 = arith.constant 0 : i32
      %dma_wait3A_710 = tpu.memref_slice %arg2[%dma_wait3A_708, %dma_wait3A_709] : memref<100000x64xf32, #tpu.memory_space<hbm>> -> memref<128x64xf32, #tpu.memory_space<hbm>>
      tpu.wait_dma2 semaphore(%arg14 : memref<!tpu.dma_semaphore, #tpu.memory_space<semaphore_mem>>) src(%dma_wait3A_710 : memref<128x64xf32, #tpu.memory_space<hbm>>) dst(%dma_wait3A_707 : memref<128x64xf32, #tpu.memory_space<vmem>>)
      %dma_wait3A_711 = arith.constant 0 : i32
      %dma_wait3A_712 = arith.constant 0 : i32
      %dma_wait3A_713 = arith.constant 0 : i32
      %dma_wait3A_714 = arith.constant 0 : i32
      %dma_wait3A_715 = arith.constant 0 : i32
      %dma_wait3A_716 = tpu.memref_slice %arg10[%dma_wait3A_712, %dma_wait3A_713, %dma_wait3A_714, %dma_wait3A_715] : memref<8x2x8x129xf32, #tpu.memory_space<vmem>> -> memref<8x2x8x128xf32, #tpu.memory_space<vmem>>
      %dma_wait3A_717 = arith.constant 0 : i32
      %dma_wait3A_718 = arith.constant 0 : i32
      %dma_wait3A_719 = arith.constant 0 : i32
      %dma_wait3A_720 = arith.constant 0 : i32
      %dma_wait3A_721 = tpu.memref_slice %arg4[%dma_wait3A_711, %dma_wait3A_717, %dma_wait3A_718, %dma_wait3A_719, %dma_wait3A_720] : memref<200x8x32x8x128xf32, #tpu.memory_space<hbm>> -> memref<1x8x2x8x128xf32, #tpu.memory_space<hbm>>
      %dma_wait3A_722 = tpu.memref_squeeze %dma_wait3A_721 : memref<1x8x2x8x128xf32, #tpu.memory_space<hbm>> -> memref<8x2x8x128xf32, #tpu.memory_space<hbm>>
      %dma_wait3A_723 = arith.constant 0 : i32
      %dma_wait3A_724 = arith.constant 0 : i32
      %dma_wait3A_725 = arith.constant 0 : i32
      %dma_wait3A_726 = arith.constant 0 : i32
      %dma_wait3A_727 = tpu.memref_slice %arg4[%dma_wait3A_711, %dma_wait3A_723, %dma_wait3A_724, %dma_wait3A_725, %dma_wait3A_726] : memref<200x8x32x8x128xf32, #tpu.memory_space<hbm>> -> memref<1x8x2x8x128xf32, #tpu.memory_space<hbm>>
      %dma_wait3A_728 = tpu.memref_squeeze %dma_wait3A_727 : memref<1x8x2x8x128xf32, #tpu.memory_space<hbm>> -> memref<8x2x8x128xf32, #tpu.memory_space<hbm>>
      %dma_wait3A_729 = arith.constant 0 : i32
      %dma_wait3A_730 = arith.constant 0 : i32
      %dma_wait3A_731 = arith.constant 0 : i32
      %dma_wait3A_732 = arith.constant 0 : i32
      %dma_wait3A_733 = tpu.memref_slice %arg10[%dma_wait3A_729, %dma_wait3A_730, %dma_wait3A_731, %dma_wait3A_732] : memref<8x2x8x129xf32, #tpu.memory_space<vmem>> -> memref<8x2x8x128xf32, #tpu.memory_space<vmem>>
      tpu.wait_dma2 semaphore(%arg16 : memref<!tpu.dma_semaphore, #tpu.memory_space<semaphore_mem>>) src(%dma_wait3A_733 : memref<8x2x8x128xf32, #tpu.memory_space<vmem>>) dst(%dma_wait3A_728 : memref<8x2x8x128xf32, #tpu.memory_space<hbm>>)
      %parallel_loop3A_734 = arith.constant 0 : i32
      %parallel_loop3A_735 = arith.constant 256 : i32
      %parallel_loop3A_736 = arith.constant 1 : i32
      scf.for %parallel_loop3A_875 = %parallel_loop3A_734 to %parallel_loop3A_735 step %parallel_loop3A_736  : i32 {
        %parallel_loop3A_876 = arith.constant 128 : i32
        %parallel_loop3A_877 = arith.divsi %parallel_loop3A_875, %parallel_loop3A_876 : i32
        %parallel_loop3A_878 = arith.constant 0 : i32
        %parallel_loop3A_879 = arith.cmpi sgt, %parallel_loop3A_875, %parallel_loop3A_878 : i32
        %parallel_loop3A_880 = arith.extui %parallel_loop3A_879 : i1 to i32
        %parallel_loop3A_881 = arith.constant 0 : i32
        %parallel_loop3A_882 = arith.cmpi slt, %parallel_loop3A_875, %parallel_loop3A_881 : i32
        %parallel_loop3A_883 = arith.extui %parallel_loop3A_882 : i1 to i32
        %parallel_loop3A_884 = arith.subi %parallel_loop3A_880, %parallel_loop3A_883 : i32
        %parallel_loop3A_885 = arith.constant 0 : i32
        %parallel_loop3A_886 = arith.cmpi sgt, %parallel_loop3A_876, %parallel_loop3A_885 : i32
        %parallel_loop3A_887 = arith.extui %parallel_loop3A_886 : i1 to i32
        %parallel_loop3A_888 = arith.constant 0 : i32
        %parallel_loop3A_889 = arith.cmpi slt, %parallel_loop3A_876, %parallel_loop3A_888 : i32
        %parallel_loop3A_890 = arith.extui %parallel_loop3A_889 : i1 to i32
        %parallel_loop3A_891 = arith.subi %parallel_loop3A_887, %parallel_loop3A_890 : i32
        %parallel_loop3A_892 = arith.cmpi ne, %parallel_loop3A_884, %parallel_loop3A_891 : i32
        %parallel_loop3A_893 = arith.remsi %parallel_loop3A_875, %parallel_loop3A_876 : i32
        %parallel_loop3A_894 = arith.constant 0 : i32
        %parallel_loop3A_895 = arith.cmpi ne, %parallel_loop3A_893, %parallel_loop3A_894 : i32
        %parallel_loop3A_896 = arith.andi %parallel_loop3A_892, %parallel_loop3A_895 : i1
        %parallel_loop3A_897 = arith.constant 1 : i32
        %parallel_loop3A_898 = arith.subi %parallel_loop3A_877, %parallel_loop3A_897 : i32
        %parallel_loop3A_899 = arith.select %parallel_loop3A_896, %parallel_loop3A_898, %parallel_loop3A_877 : i32
        %parallel_loop3A_900 = arith.constant 128 : i32
        %parallel_loop3A_901 = arith.constant 0 : i32
        %parallel_loop3A_902 = arith.cmpi eq, %parallel_loop3A_900, %parallel_loop3A_901 : i32
        %parallel_loop3A_903 = arith.constant 1 : i32
        %parallel_loop3A_904 = arith.select %parallel_loop3A_902, %parallel_loop3A_903, %parallel_loop3A_900 : i32
        %parallel_loop3A_905 = arith.remsi %parallel_loop3A_875, %parallel_loop3A_904 : i32
        %parallel_loop3A_906 = arith.constant 0 : i32
        %parallel_loop3A_907 = arith.cmpi ne, %parallel_loop3A_905, %parallel_loop3A_906 : i32
        %parallel_loop3A_908 = arith.constant 0 : i32
        %parallel_loop3A_909 = arith.cmpi slt, %parallel_loop3A_905, %parallel_loop3A_908 : i32
        %parallel_loop3A_910 = arith.constant 0 : i32
        %parallel_loop3A_911 = arith.cmpi slt, %parallel_loop3A_904, %parallel_loop3A_910 : i32
        %parallel_loop3A_912 = arith.xori %parallel_loop3A_909, %parallel_loop3A_911 : i1
        %parallel_loop3A_913 = arith.andi %parallel_loop3A_912, %parallel_loop3A_907 : i1
        %parallel_loop3A_914 = arith.addi %parallel_loop3A_905, %parallel_loop3A_904 : i32
        %parallel_loop3A_915 = arith.select %parallel_loop3A_913, %parallel_loop3A_914, %parallel_loop3A_905 : i32
        %parallel_loop3A_916 = vector.broadcast %parallel_loop3A_899 : i32 to vector<16xi32>
        %parallel_loop3A_917 = vector.broadcast %parallel_loop3A_915 : i32 to vector<16xi32>
        %parallel_loop3A_918 = arith.index_cast %parallel_loop3A_875 : i32 to index
        %parallel_loop3A_919 = arith.constant 0 : index
        %parallel_loop3A_920 = tpu.vector_load %arg8[%parallel_loop3A_918, %parallel_loop3A_919] {strides = array<i32>} : memref<256x64xf32, #tpu.memory_space<vmem>>, vector<16xf32>,
        %parallel_loop3A_921 = arith.constant 8.000000e+00 : f32
        %parallel_loop3A_922 = vector.broadcast %parallel_loop3A_921 : f32 to vector<16xf32>
        %parallel_loop3A_923 = arith.mulf %parallel_loop3A_920, %parallel_loop3A_922 : vector<16xf32>
        tpu.vector_store_idx %arg11[%add3A_28, %parallel_loop3A_916, %select_n3A_150, %parallel_loop3A_917], %parallel_loop3A_923 : memref<8x2x8x129xf32, #tpu.memory_space<vmem>>[vector<16xi32>, vector<16xi32>, vector<16xi32>, vector<16xi32>], vector<16xf32>,
        %parallel_loop3A_924 = arith.index_cast %parallel_loop3A_875 : i32 to index
        %parallel_loop3A_925 = arith.constant 16 : index
        %parallel_loop3A_926 = tpu.vector_load %arg8[%parallel_loop3A_924, %parallel_loop3A_925] {strides = array<i32>} : memref<256x64xf32, #tpu.memory_space<vmem>>, vector<16xf32>,
        %parallel_loop3A_927 = arith.constant 8.000000e+00 : f32
        %parallel_loop3A_928 = vector.broadcast %parallel_loop3A_927 : f32 to vector<16xf32>
        %parallel_loop3A_929 = arith.mulf %parallel_loop3A_926, %parallel_loop3A_928 : vector<16xf32>
        tpu.vector_store_idx %arg11[%add3A_62, %parallel_loop3A_916, %select_n3A_150, %parallel_loop3A_917], %parallel_loop3A_929 : memref<8x2x8x129xf32, #tpu.memory_space<vmem>>[vector<16xi32>, vector<16xi32>, vector<16xi32>, vector<16xi32>], vector<16xf32>,
        %parallel_loop3A_930 = arith.index_cast %parallel_loop3A_875 : i32 to index
        %parallel_loop3A_931 = arith.constant 32 : index
        %parallel_loop3A_932 = tpu.vector_load %arg8[%parallel_loop3A_930, %parallel_loop3A_931] {strides = array<i32>} : memref<256x64xf32, #tpu.memory_space<vmem>>, vector<16xf32>,
        %parallel_loop3A_933 = arith.constant 8.000000e+00 : f32
        %parallel_loop3A_934 = vector.broadcast %parallel_loop3A_933 : f32 to vector<16xf32>
        %parallel_loop3A_935 = arith.mulf %parallel_loop3A_932, %parallel_loop3A_934 : vector<16xf32>
        tpu.vector_store_idx %arg11[%add3A_96, %parallel_loop3A_916, %select_n3A_150, %parallel_loop3A_917], %parallel_loop3A_935 : memref<8x2x8x129xf32, #tpu.memory_space<vmem>>[vector<16xi32>, vector<16xi32>, vector<16xi32>, vector<16xi32>], vector<16xf32>,
        %parallel_loop3A_936 = arith.index_cast %parallel_loop3A_875 : i32 to index
        %parallel_loop3A_937 = arith.constant 48 : index
        %parallel_loop3A_938 = tpu.vector_load %arg8[%parallel_loop3A_936, %parallel_loop3A_937] {strides = array<i32>} : memref<256x64xf32, #tpu.memory_space<vmem>>, vector<16xf32>,
        %parallel_loop3A_939 = arith.constant 8.000000e+00 : f32
        %parallel_loop3A_940 = vector.broadcast %parallel_loop3A_939 : f32 to vector<16xf32>
        %parallel_loop3A_941 = arith.mulf %parallel_loop3A_938, %parallel_loop3A_940 : vector<16xf32>
        tpu.vector_store_idx %arg11[%add3A_130, %parallel_loop3A_916, %select_n3A_150, %parallel_loop3A_917], %parallel_loop3A_941 : memref<8x2x8x129xf32, #tpu.memory_space<vmem>>[vector<16xi32>, vector<16xi32>, vector<16xi32>, vector<16xi32>], vector<16xf32>,
      } {sc.loop_unroll_factor = 8 : i64, sc.parallel_access}
      %mul3A_737 = arith.constant 256 : i32
      %mul3A_738 = arith.muli %add3A_658, %mul3A_737 : i32
      %add3A_739 = arith.addi %mul3A_2, %mul3A_738 : i32
      %div3A_740 = arith.constant 4096 : i32
      %div3A_741 = arith.divsi %add3A_739, %div3A_740 : i32
      %rem3A_742 = arith.constant 4096 : i32
      %rem3A_743 = arith.remsi %add3A_739, %rem3A_742 : i32
      %div3A_744 = arith.constant 128 : i32
      %div3A_745 = arith.divsi %rem3A_743, %div3A_744 : i32
      %dma_start3A_746 = arith.constant 0 : i32
      %dma_start3A_747 = arith.constant 0 : i32
      %dma_start3A_748 = arith.constant 0 : i32
      %dma_start3A_749 = arith.constant 0 : i32
      %dma_start3A_750 = tpu.memref_slice %arg11[%dma_start3A_746, %dma_start3A_747, %dma_start3A_748, %dma_start3A_749] : memref<8x2x8x129xf32, #tpu.memory_space<vmem>> -> memref<8x2x8x128xf32, #tpu.memory_space<vmem>>
      %dma_start3A_751 = arith.constant 0 : i32
      %dma_start3A_752 = arith.constant 0 : i32
      %dma_start3A_753 = arith.constant 0 : i32
      %dma_start3A_754 = tpu.memref_slice %arg4[%div3A_741, %dma_start3A_751, %div3A_745, %dma_start3A_752, %dma_start3A_753] : memref<200x8x32x8x128xf32, #tpu.memory_space<hbm>> -> memref<1x8x2x8x128xf32, #tpu.memory_space<hbm>>
      %dma_start3A_755 = tpu.memref_squeeze %dma_start3A_754 : memref<1x8x2x8x128xf32, #tpu.memory_space<hbm>> -> memref<8x2x8x128xf32, #tpu.memory_space<hbm>>
      %dma_start3A_756 = arith.constant 0 : i32
      %dma_start3A_757 = arith.constant 0 : i32
      %dma_start3A_758 = arith.constant 0 : i32
      %dma_start3A_759 = tpu.memref_slice %arg4[%div3A_741, %dma_start3A_756, %div3A_745, %dma_start3A_757, %dma_start3A_758] : memref<200x8x32x8x128xf32, #tpu.memory_space<hbm>> -> memref<1x8x2x8x128xf32, #tpu.memory_space<hbm>>
      %dma_start3A_760 = tpu.memref_squeeze %dma_start3A_759 : memref<1x8x2x8x128xf32, #tpu.memory_space<hbm>> -> memref<8x2x8x128xf32, #tpu.memory_space<hbm>>
      %dma_start3A_761 = arith.constant 0 : i32
      %dma_start3A_762 = arith.constant 0 : i32
      %dma_start3A_763 = arith.constant 0 : i32
      %dma_start3A_764 = arith.constant 0 : i32
      %dma_start3A_765 = tpu.memref_slice %arg11[%dma_start3A_761, %dma_start3A_762, %dma_start3A_763, %dma_start3A_764] : memref<8x2x8x129xf32, #tpu.memory_space<vmem>> -> memref<8x2x8x128xf32, #tpu.memory_space<vmem>>
      tpu.enqueue_dma source(%dma_start3A_765 : memref<8x2x8x128xf32, #tpu.memory_space<vmem>>) target(%dma_start3A_760 : memref<8x2x8x128xf32, #tpu.memory_space<hbm>>) target_semaphore(%arg17 : memref<!tpu.dma_semaphore, #tpu.memory_space<semaphore_mem>>)
      %add3A_766 = arith.constant 2 : i32
      %add3A_767 = arith.addi %add3A_549, %add3A_766 : i32
      %add3A_768 = arith.constant 2 : i32
      %add3A_769 = arith.addi %add3A_767, %add3A_768 : i32
      %mul3A_770 = arith.constant 2 : i32
      %mul3A_771 = arith.muli %add3A_769, %mul3A_770 : i32
      %add3A_772 = arith.constant 0 : i32
      %add3A_773 = arith.addi %mul3A_771, %add3A_772 : i32
      %dma_start3A_774 = arith.constant 0 : i32
      %dma_start3A_775 = arith.constant 0 : i32
      %dma_start3A_776 = tpu.memref_slice %arg8[%dma_start3A_774, %dma_start3A_775] : memref<256x64xf32, #tpu.memory_space<vmem>> -> memref<128x64xf32, #tpu.memory_space<vmem>>
      %dma_start3A_777 = arith.constant 0 : i32
      %dma_start3A_778 = tpu.memref_slice %arg5[%add3A_773, %dma_start3A_777] : memref<200x128xi32, #tpu.memory_space<vmem>> -> memref<1x128xi32, #tpu.memory_space<vmem>>
      %dma_start3A_779 = tpu.memref_squeeze %dma_start3A_778 : memref<1x128xi32, #tpu.memory_space<vmem>> -> memref<128xi32, #tpu.memory_space<vmem>>
      %dma_start3A_780 = arith.constant 0 : i32
      %dma_start3A_781 = arith.constant 0 : i32
      %dma_start3A_782 = tpu.memref_slice %arg2[%dma_start3A_780, %dma_start3A_781] : memref<100000x64xf32, #tpu.memory_space<hbm>> -> memref<100000x64xf32, #tpu.memory_space<hbm>>
      tpu.enqueue_indirect_dma source(%dma_start3A_782 : memref<100000x64xf32, #tpu.memory_space<hbm>>) target(%dma_start3A_776 : memref<128x64xf32, #tpu.memory_space<vmem>>) offsets(%dma_start3A_779 : memref<128xi32, #tpu.memory_space<vmem>>) semaphore(%arg14 : memref<!tpu.dma_semaphore, #tpu.memory_space<semaphore_mem>>)
      %mul3A_783 = arith.constant 2 : i32
      %mul3A_784 = arith.muli %add3A_769, %mul3A_783 : i32
      %add3A_785 = arith.constant 1 : i32
      %add3A_786 = arith.addi %mul3A_784, %add3A_785 : i32
      %dma_start3A_787 = arith.constant 128 : i32
      %dma_start3A_788 = arith.constant 0 : i32
      %dma_start3A_789 = tpu.memref_slice %arg8[%dma_start3A_787, %dma_start3A_788] : memref<256x64xf32, #tpu.memory_space<vmem>> -> memref<128x64xf32, #tpu.memory_space<vmem>>
      %dma_start3A_790 = arith.constant 0 : i32
      %dma_start3A_791 = tpu.memref_slice %arg5[%add3A_786, %dma_start3A_790] : memref<200x128xi32, #tpu.memory_space<vmem>> -> memref<1x128xi32, #tpu.memory_space<vmem>>
      %dma_start3A_792 = tpu.memref_squeeze %dma_start3A_791 : memref<1x128xi32, #tpu.memory_space<vmem>> -> memref<128xi32, #tpu.memory_space<vmem>>
      %dma_start3A_793 = arith.constant 0 : i32
      %dma_start3A_794 = arith.constant 0 : i32
      %dma_start3A_795 = tpu.memref_slice %arg2[%dma_start3A_793, %dma_start3A_794] : memref<100000x64xf32, #tpu.memory_space<hbm>> -> memref<100000x64xf32, #tpu.memory_space<hbm>>
      tpu.enqueue_indirect_dma source(%dma_start3A_795 : memref<100000x64xf32, #tpu.memory_space<hbm>>) target(%dma_start3A_789 : memref<128x64xf32, #tpu.memory_space<vmem>>) offsets(%dma_start3A_792 : memref<128xi32, #tpu.memory_space<vmem>>) semaphore(%arg14 : memref<!tpu.dma_semaphore, #tpu.memory_space<semaphore_mem>>)
      %dma_wait3A_796 = arith.constant 0 : i32
      %dma_wait3A_797 = arith.constant 0 : i32
      %dma_wait3A_798 = tpu.memref_slice %arg6[%dma_wait3A_796, %dma_wait3A_797] : memref<256x64xf32, #tpu.memory_space<vmem>> -> memref<128x64xf32, #tpu.memory_space<vmem>>
      %dma_wait3A_799 = arith.constant 0 : i32
      %dma_wait3A_800 = arith.constant 0 : i32
      %dma_wait3A_801 = tpu.memref_slice %arg2[%dma_wait3A_799, %dma_wait3A_800] : memref<100000x64xf32, #tpu.memory_space<hbm>> -> memref<128x64xf32, #tpu.memory_space<hbm>>
      %dma_wait3A_802 = arith.constant 0 : i32
      %dma_wait3A_803 = arith.constant 0 : i32
      %dma_wait3A_804 = tpu.memref_slice %arg6[%dma_wait3A_802, %dma_wait3A_803] : memref<256x64xf32, #tpu.memory_space<vmem>> -> memref<128x64xf32, #tpu.memory_space<vmem>>
      %dma_wait3A_805 = arith.constant 0 : i32
      %dma_wait3A_806 = arith.constant 0 : i32
      %dma_wait3A_807 = tpu.memref_slice %arg2[%dma_wait3A_805, %dma_wait3A_806] : memref<100000x64xf32, #tpu.memory_space<hbm>> -> memref<128x64xf32, #tpu.memory_space<hbm>>
      tpu.wait_dma2 semaphore(%arg12 : memref<!tpu.dma_semaphore, #tpu.memory_space<semaphore_mem>>) src(%dma_wait3A_807 : memref<128x64xf32, #tpu.memory_space<hbm>>) dst(%dma_wait3A_804 : memref<128x64xf32, #tpu.memory_space<vmem>>)
      %dma_wait3A_808 = arith.constant 128 : i32
      %dma_wait3A_809 = arith.constant 0 : i32
      %dma_wait3A_810 = tpu.memref_slice %arg6[%dma_wait3A_808, %dma_wait3A_809] : memref<256x64xf32, #tpu.memory_space<vmem>> -> memref<128x64xf32, #tpu.memory_space<vmem>>
      %dma_wait3A_811 = arith.constant 0 : i32
      %dma_wait3A_812 = arith.constant 0 : i32
      %dma_wait3A_813 = tpu.memref_slice %arg2[%dma_wait3A_811, %dma_wait3A_812] : memref<100000x64xf32, #tpu.memory_space<hbm>> -> memref<128x64xf32, #tpu.memory_space<hbm>>
      %dma_wait3A_814 = arith.constant 128 : i32
      %dma_wait3A_815 = arith.constant 0 : i32
      %dma_wait3A_816 = tpu.memref_slice %arg6[%dma_wait3A_814, %dma_wait3A_815] : memref<256x64xf32, #tpu.memory_space<vmem>> -> memref<128x64xf32, #tpu.memory_space<vmem>>
      %dma_wait3A_817 = arith.constant 0 : i32
      %dma_wait3A_818 = arith.constant 0 : i32
      %dma_wait3A_819 = tpu.memref_slice %arg2[%dma_wait3A_817, %dma_wait3A_818] : memref<100000x64xf32, #tpu.memory_space<hbm>> -> memref<128x64xf32, #tpu.memory_space<hbm>>
      tpu.wait_dma2 semaphore(%arg12 : memref<!tpu.dma_semaphore, #tpu.memory_space<semaphore_mem>>) src(%dma_wait3A_819 : memref<128x64xf32, #tpu.memory_space<hbm>>) dst(%dma_wait3A_816 : memref<128x64xf32, #tpu.memory_space<vmem>>)
      %dma_wait3A_820 = arith.constant 0 : i32
      %dma_wait3A_821 = arith.constant 0 : i32
      %dma_wait3A_822 = arith.constant 0 : i32
      %dma_wait3A_823 = arith.constant 0 : i32
      %dma_wait3A_824 = arith.constant 0 : i32
      %dma_wait3A_825 = tpu.memref_slice %arg11[%dma_wait3A_821, %dma_wait3A_822, %dma_wait3A_823, %dma_wait3A_824] : memref<8x2x8x129xf32, #tpu.memory_space<vmem>> -> memref<8x2x8x128xf32, #tpu.memory_space<vmem>>
      %dma_wait3A_826 = arith.constant 0 : i32
      %dma_wait3A_827 = arith.constant 0 : i32
      %dma_wait3A_828 = arith.constant 0 : i32
      %dma_wait3A_829 = arith.constant 0 : i32
      %dma_wait3A_830 = tpu.memref_slice %arg4[%dma_wait3A_820, %dma_wait3A_826, %dma_wait3A_827, %dma_wait3A_828, %dma_wait3A_829] : memref<200x8x32x8x128xf32, #tpu.memory_space<hbm>> -> memref<1x8x2x8x128xf32, #tpu.memory_space<hbm>>
      %dma_wait3A_831 = tpu.memref_squeeze %dma_wait3A_830 : memref<1x8x2x8x128xf32, #tpu.memory_space<hbm>> -> memref<8x2x8x128xf32, #tpu.memory_space<hbm>>
      %dma_wait3A_832 = arith.constant 0 : i32
      %dma_wait3A_833 = arith.constant 0 : i32
      %dma_wait3A_834 = arith.constant 0 : i32
      %dma_wait3A_835 = arith.constant 0 : i32
      %dma_wait3A_836 = tpu.memref_slice %arg4[%dma_wait3A_820, %dma_wait3A_832, %dma_wait3A_833, %dma_wait3A_834, %dma_wait3A_835] : memref<200x8x32x8x128xf32, #tpu.memory_space<hbm>> -> memref<1x8x2x8x128xf32, #tpu.memory_space<hbm>>
      %dma_wait3A_837 = tpu.memref_squeeze %dma_wait3A_836 : memref<1x8x2x8x128xf32, #tpu.memory_space<hbm>> -> memref<8x2x8x128xf32, #tpu.memory_space<hbm>>
      %dma_wait3A_838 = arith.constant 0 : i32
      %dma_wait3A_839 = arith.constant 0 : i32
      %dma_wait3A_840 = arith.constant 0 : i32
      %dma_wait3A_841 = arith.constant 0 : i32
      %dma_wait3A_842 = tpu.memref_slice %arg11[%dma_wait3A_838, %dma_wait3A_839, %dma_wait3A_840, %dma_wait3A_841] : memref<8x2x8x129xf32, #tpu.memory_space<vmem>> -> memref<8x2x8x128xf32, #tpu.memory_space<vmem>>
      tpu.wait_dma2 semaphore(%arg17 : memref<!tpu.dma_semaphore, #tpu.memory_space<semaphore_mem>>) src(%dma_wait3A_842 : memref<8x2x8x128xf32, #tpu.memory_space<vmem>>) dst(%dma_wait3A_837 : memref<8x2x8x128xf32, #tpu.memory_space<hbm>>)
      %parallel_loop3A_843 = arith.constant 0 : i32
      %parallel_loop3A_844 = arith.constant 256 : i32
      %parallel_loop3A_845 = arith.constant 1 : i32
      scf.for %parallel_loop3A_875 = %parallel_loop3A_843 to %parallel_loop3A_844 step %parallel_loop3A_845  : i32 {
        %parallel_loop3A_876 = arith.constant 128 : i32
        %parallel_loop3A_877 = arith.divsi %parallel_loop3A_875, %parallel_loop3A_876 : i32
        %parallel_loop3A_878 = arith.constant 0 : i32
        %parallel_loop3A_879 = arith.cmpi sgt, %parallel_loop3A_875, %parallel_loop3A_878 : i32
        %parallel_loop3A_880 = arith.extui %parallel_loop3A_879 : i1 to i32
        %parallel_loop3A_881 = arith.constant 0 : i32
        %parallel_loop3A_882 = arith.cmpi slt, %parallel_loop3A_875, %parallel_loop3A_881 : i32
        %parallel_loop3A_883 = arith.extui %parallel_loop3A_882 : i1 to i32
        %parallel_loop3A_884 = arith.subi %parallel_loop3A_880, %parallel_loop3A_883 : i32
        %parallel_loop3A_885 = arith.constant 0 : i32
        %parallel_loop3A_886 = arith.cmpi sgt, %parallel_loop3A_876, %parallel_loop3A_885 : i32
        %parallel_loop3A_887 = arith.extui %parallel_loop3A_886 : i1 to i32
        %parallel_loop3A_888 = arith.constant 0 : i32
        %parallel_loop3A_889 = arith.cmpi slt, %parallel_loop3A_876, %parallel_loop3A_888 : i32
        %parallel_loop3A_890 = arith.extui %parallel_loop3A_889 : i1 to i32
        %parallel_loop3A_891 = arith.subi %parallel_loop3A_887, %parallel_loop3A_890 : i32
        %parallel_loop3A_892 = arith.cmpi ne, %parallel_loop3A_884, %parallel_loop3A_891 : i32
        %parallel_loop3A_893 = arith.remsi %parallel_loop3A_875, %parallel_loop3A_876 : i32
        %parallel_loop3A_894 = arith.constant 0 : i32
        %parallel_loop3A_895 = arith.cmpi ne, %parallel_loop3A_893, %parallel_loop3A_894 : i32
        %parallel_loop3A_896 = arith.andi %parallel_loop3A_892, %parallel_loop3A_895 : i1
        %parallel_loop3A_897 = arith.constant 1 : i32
        %parallel_loop3A_898 = arith.subi %parallel_loop3A_877, %parallel_loop3A_897 : i32
        %parallel_loop3A_899 = arith.select %parallel_loop3A_896, %parallel_loop3A_898, %parallel_loop3A_877 : i32
        %parallel_loop3A_900 = arith.constant 128 : i32
        %parallel_loop3A_901 = arith.constant 0 : i32
        %parallel_loop3A_902 = arith.cmpi eq, %parallel_loop3A_900, %parallel_loop3A_901 : i32
        %parallel_loop3A_903 = arith.constant 1 : i32
        %parallel_loop3A_904 = arith.select %parallel_loop3A_902, %parallel_loop3A_903, %parallel_loop3A_900 : i32
        %parallel_loop3A_905 = arith.remsi %parallel_loop3A_875, %parallel_loop3A_904 : i32
        %parallel_loop3A_906 = arith.constant 0 : i32
        %parallel_loop3A_907 = arith.cmpi ne, %parallel_loop3A_905, %parallel_loop3A_906 : i32
        %parallel_loop3A_908 = arith.constant 0 : i32
        %parallel_loop3A_909 = arith.cmpi slt, %parallel_loop3A_905, %parallel_loop3A_908 : i32
        %parallel_loop3A_910 = arith.constant 0 : i32
        %parallel_loop3A_911 = arith.cmpi slt, %parallel_loop3A_904, %parallel_loop3A_910 : i32
        %parallel_loop3A_912 = arith.xori %parallel_loop3A_909, %parallel_loop3A_911 : i1
        %parallel_loop3A_913 = arith.andi %parallel_loop3A_912, %parallel_loop3A_907 : i1
        %parallel_loop3A_914 = arith.addi %parallel_loop3A_905, %parallel_loop3A_904 : i32
        %parallel_loop3A_915 = arith.select %parallel_loop3A_913, %parallel_loop3A_914, %parallel_loop3A_905 : i32
        %parallel_loop3A_916 = vector.broadcast %parallel_loop3A_899 : i32 to vector<16xi32>
        %parallel_loop3A_917 = vector.broadcast %parallel_loop3A_915 : i32 to vector<16xi32>
        %parallel_loop3A_918 = arith.index_cast %parallel_loop3A_875 : i32 to index
        %parallel_loop3A_919 = arith.constant 0 : index
        %parallel_loop3A_920 = tpu.vector_load %arg6[%parallel_loop3A_918, %parallel_loop3A_919] {strides = array<i32>} : memref<256x64xf32, #tpu.memory_space<vmem>>, vector<16xf32>,
        %parallel_loop3A_921 = arith.constant 8.000000e+00 : f32
        %parallel_loop3A_922 = vector.broadcast %parallel_loop3A_921 : f32 to vector<16xf32>
        %parallel_loop3A_923 = arith.mulf %parallel_loop3A_920, %parallel_loop3A_922 : vector<16xf32>
        tpu.vector_store_idx %arg9[%add3A_28, %parallel_loop3A_916, %select_n3A_150, %parallel_loop3A_917], %parallel_loop3A_923 : memref<8x2x8x129xf32, #tpu.memory_space<vmem>>[vector<16xi32>, vector<16xi32>, vector<16xi32>, vector<16xi32>], vector<16xf32>,
        %parallel_loop3A_924 = arith.index_cast %parallel_loop3A_875 : i32 to index
        %parallel_loop3A_925 = arith.constant 16 : index
        %parallel_loop3A_926 = tpu.vector_load %arg6[%parallel_loop3A_924, %parallel_loop3A_925] {strides = array<i32>} : memref<256x64xf32, #tpu.memory_space<vmem>>, vector<16xf32>,
        %parallel_loop3A_927 = arith.constant 8.000000e+00 : f32
        %parallel_loop3A_928 = vector.broadcast %parallel_loop3A_927 : f32 to vector<16xf32>
        %parallel_loop3A_929 = arith.mulf %parallel_loop3A_926, %parallel_loop3A_928 : vector<16xf32>
        tpu.vector_store_idx %arg9[%add3A_62, %parallel_loop3A_916, %select_n3A_150, %parallel_loop3A_917], %parallel_loop3A_929 : memref<8x2x8x129xf32, #tpu.memory_space<vmem>>[vector<16xi32>, vector<16xi32>, vector<16xi32>, vector<16xi32>], vector<16xf32>,
        %parallel_loop3A_930 = arith.index_cast %parallel_loop3A_875 : i32 to index
        %parallel_loop3A_931 = arith.constant 32 : index
        %parallel_loop3A_932 = tpu.vector_load %arg6[%parallel_loop3A_930, %parallel_loop3A_931] {strides = array<i32>} : memref<256x64xf32, #tpu.memory_space<vmem>>, vector<16xf32>,
        %parallel_loop3A_933 = arith.constant 8.000000e+00 : f32
        %parallel_loop3A_934 = vector.broadcast %parallel_loop3A_933 : f32 to vector<16xf32>
        %parallel_loop3A_935 = arith.mulf %parallel_loop3A_932, %parallel_loop3A_934 : vector<16xf32>
        tpu.vector_store_idx %arg9[%add3A_96, %parallel_loop3A_916, %select_n3A_150, %parallel_loop3A_917], %parallel_loop3A_935 : memref<8x2x8x129xf32, #tpu.memory_space<vmem>>[vector<16xi32>, vector<16xi32>, vector<16xi32>, vector<16xi32>], vector<16xf32>,
        %parallel_loop3A_936 = arith.index_cast %parallel_loop3A_875 : i32 to index
        %parallel_loop3A_937 = arith.constant 48 : index
        %parallel_loop3A_938 = tpu.vector_load %arg6[%parallel_loop3A_936, %parallel_loop3A_937] {strides = array<i32>} : memref<256x64xf32, #tpu.memory_space<vmem>>, vector<16xf32>,
        %parallel_loop3A_939 = arith.constant 8.000000e+00 : f32
        %parallel_loop3A_940 = vector.broadcast %parallel_loop3A_939 : f32 to vector<16xf32>
        %parallel_loop3A_941 = arith.mulf %parallel_loop3A_938, %parallel_loop3A_940 : vector<16xf32>
        tpu.vector_store_idx %arg9[%add3A_130, %parallel_loop3A_916, %select_n3A_150, %parallel_loop3A_917], %parallel_loop3A_941 : memref<8x2x8x129xf32, #tpu.memory_space<vmem>>[vector<16xi32>, vector<16xi32>, vector<16xi32>, vector<16xi32>], vector<16xf32>,
      } {sc.loop_unroll_factor = 8 : i64, sc.parallel_access}
      %mul3A_846 = arith.constant 256 : i32
      %mul3A_847 = arith.muli %add3A_767, %mul3A_846 : i32
      %add3A_848 = arith.addi %mul3A_2, %mul3A_847 : i32
      %div3A_849 = arith.constant 4096 : i32
      %div3A_850 = arith.divsi %add3A_848, %div3A_849 : i32
      %rem3A_851 = arith.constant 4096 : i32
      %rem3A_852 = arith.remsi %add3A_848, %rem3A_851 : i32
      %div3A_853 = arith.constant 128 : i32
      %div3A_854 = arith.divsi %rem3A_852, %div3A_853 : i32
      %dma_start3A_855 = arith.constant 0 : i32
      %dma_start3A_856 = arith.constant 0 : i32
      %dma_start3A_857 = arith.constant 0 : i32
      %dma_start3A_858 = arith.constant 0 : i32
      %dma_start3A_859 = tpu.memref_slice %arg9[%dma_start3A_855, %dma_start3A_856, %dma_start3A_857, %dma_start3A_858] : memref<8x2x8x129xf32, #tpu.memory_space<vmem>> -> memref<8x2x8x128xf32, #tpu.memory_space<vmem>>
      %dma_start3A_860 = arith.constant 0 : i32
      %dma_start3A_861 = arith.constant 0 : i32
      %dma_start3A_862 = arith.constant 0 : i32
      %dma_start3A_863 = tpu.memref_slice %arg4[%div3A_850, %dma_start3A_860, %div3A_854, %dma_start3A_861, %dma_start3A_862] : memref<200x8x32x8x128xf32, #tpu.memory_space<hbm>> -> memref<1x8x2x8x128xf32, #tpu.memory_space<hbm>>
      %dma_start3A_864 = tpu.memref_squeeze %dma_start3A_863 : memref<1x8x2x8x128xf32, #tpu.memory_space<hbm>> -> memref<8x2x8x128xf32, #tpu.memory_space<hbm>>
      %dma_start3A_865 = arith.constant 0 : i32
      %dma_start3A_866 = arith.constant 0 : i32
      %dma_start3A_867 = arith.constant 0 : i32
      %dma_start3A_868 = tpu.memref_slice %arg4[%div3A_850, %dma_start3A_865, %div3A_854, %dma_start3A_866, %dma_start3A_867] : memref<200x8x32x8x128xf32, #tpu.memory_space<hbm>> -> memref<1x8x2x8x128xf32, #tpu.memory_space<hbm>>
      %dma_start3A_869 = tpu.memref_squeeze %dma_start3A_868 : memref<1x8x2x8x128xf32, #tpu.memory_space<hbm>> -> memref<8x2x8x128xf32, #tpu.memory_space<hbm>>
      %dma_start3A_870 = arith.constant 0 : i32
      %dma_start3A_871 = arith.constant 0 : i32
      %dma_start3A_872 = arith.constant 0 : i32
      %dma_start3A_873 = arith.constant 0 : i32
      %dma_start3A_874 = tpu.memref_slice %arg9[%dma_start3A_870, %dma_start3A_871, %dma_start3A_872, %dma_start3A_873] : memref<8x2x8x129xf32, #tpu.memory_space<vmem>> -> memref<8x2x8x128xf32, #tpu.memory_space<vmem>>
      tpu.enqueue_dma source(%dma_start3A_874 : memref<8x2x8x128xf32, #tpu.memory_space<vmem>>) target(%dma_start3A_869 : memref<8x2x8x128xf32, #tpu.memory_space<hbm>>) target_semaphore(%arg15 : memref<!tpu.dma_semaphore, #tpu.memory_space<semaphore_mem>>)
    }
    %scan3A_267 = arith.constant 32 : i32
    %dma_start3A_268 = arith.constant 198 : i32
    %dma_start3A_269 = arith.constant 0 : i32
    %dma_start3A_270 = arith.constant 0 : i32
    %dma_start3A_271 = tpu.memref_slice %arg6[%dma_start3A_269, %dma_start3A_270] : memref<256x64xf32, #tpu.memory_space<vmem>> -> memref<128x64xf32, #tpu.memory_space<vmem>>
    %dma_start3A_272 = arith.constant 0 : i32
    %dma_start3A_273 = tpu.memref_slice %arg5[%dma_start3A_268, %dma_start3A_272] : memref<200x128xi32, #tpu.memory_space<vmem>> -> memref<1x128xi32, #tpu.memory_space<vmem>>
    %dma_start3A_274 = tpu.memref_squeeze %dma_start3A_273 : memref<1x128xi32, #tpu.memory_space<vmem>> -> memref<128xi32, #tpu.memory_space<vmem>>
    %dma_start3A_275 = arith.constant 0 : i32
    %dma_start3A_276 = arith.constant 0 : i32
    %dma_start3A_277 = tpu.memref_slice %arg2[%dma_start3A_275, %dma_start3A_276] : memref<100000x64xf32, #tpu.memory_space<hbm>> -> memref<100000x64xf32, #tpu.memory_space<hbm>>
    tpu.enqueue_indirect_dma source(%dma_start3A_277 : memref<100000x64xf32, #tpu.memory_space<hbm>>) target(%dma_start3A_271 : memref<128x64xf32, #tpu.memory_space<vmem>>) offsets(%dma_start3A_274 : memref<128xi32, #tpu.memory_space<vmem>>) semaphore(%arg12 : memref<!tpu.dma_semaphore, #tpu.memory_space<semaphore_mem>>)
    %dma_start3A_278 = arith.constant 199 : i32
    %dma_start3A_279 = arith.constant 128 : i32
    %dma_start3A_280 = arith.constant 0 : i32
    %dma_start3A_281 = tpu.memref_slice %arg6[%dma_start3A_279, %dma_start3A_280] : memref<256x64xf32, #tpu.memory_space<vmem>> -> memref<128x64xf32, #tpu.memory_space<vmem>>
    %dma_start3A_282 = arith.constant 0 : i32
    %dma_start3A_283 = tpu.memref_slice %arg5[%dma_start3A_278, %dma_start3A_282] : memref<200x128xi32, #tpu.memory_space<vmem>> -> memref<1x128xi32, #tpu.memory_space<vmem>>
    %dma_start3A_284 = tpu.memref_squeeze %dma_start3A_283 : memref<1x128xi32, #tpu.memory_space<vmem>> -> memref<128xi32, #tpu.memory_space<vmem>>
    %dma_start3A_285 = arith.constant 0 : i32
    %dma_start3A_286 = arith.constant 0 : i32
    %dma_start3A_287 = tpu.memref_slice %arg2[%dma_start3A_285, %dma_start3A_286] : memref<100000x64xf32, #tpu.memory_space<hbm>> -> memref<100000x64xf32, #tpu.memory_space<hbm>>
    tpu.enqueue_indirect_dma source(%dma_start3A_287 : memref<100000x64xf32, #tpu.memory_space<hbm>>) target(%dma_start3A_281 : memref<128x64xf32, #tpu.memory_space<vmem>>) offsets(%dma_start3A_284 : memref<128xi32, #tpu.memory_space<vmem>>) semaphore(%arg12 : memref<!tpu.dma_semaphore, #tpu.memory_space<semaphore_mem>>)
    %dma_wait3A_288 = arith.constant 0 : i32
    %dma_wait3A_289 = arith.constant 0 : i32
    %dma_wait3A_290 = tpu.memref_slice %arg7[%dma_wait3A_288, %dma_wait3A_289] : memref<256x64xf32, #tpu.memory_space<vmem>> -> memref<128x64xf32, #tpu.memory_space<vmem>>
    %dma_wait3A_291 = arith.constant 0 : i32
    %dma_wait3A_292 = arith.constant 0 : i32
    %dma_wait3A_293 = tpu.memref_slice %arg2[%dma_wait3A_291, %dma_wait3A_292] : memref<100000x64xf32, #tpu.memory_space<hbm>> -> memref<128x64xf32, #tpu.memory_space<hbm>>
    %dma_wait3A_294 = arith.constant 0 : i32
    %dma_wait3A_295 = arith.constant 0 : i32
    %dma_wait3A_296 = tpu.memref_slice %arg7[%dma_wait3A_294, %dma_wait3A_295] : memref<256x64xf32, #tpu.memory_space<vmem>> -> memref<128x64xf32, #tpu.memory_space<vmem>>
    %dma_wait3A_297 = arith.constant 0 : i32
    %dma_wait3A_298 = arith.constant 0 : i32
    %dma_wait3A_299 = tpu.memref_slice %arg2[%dma_wait3A_297, %dma_wait3A_298] : memref<100000x64xf32, #tpu.memory_space<hbm>> -> memref<128x64xf32, #tpu.memory_space<hbm>>
    tpu.wait_dma2 semaphore(%arg13 : memref<!tpu.dma_semaphore, #tpu.memory_space<semaphore_mem>>) src(%dma_wait3A_299 : memref<128x64xf32, #tpu.memory_space<hbm>>) dst(%dma_wait3A_296 : memref<128x64xf32, #tpu.memory_space<vmem>>)
    %dma_wait3A_300 = arith.constant 128 : i32
    %dma_wait3A_301 = arith.constant 0 : i32
    %dma_wait3A_302 = tpu.memref_slice %arg7[%dma_wait3A_300, %dma_wait3A_301] : memref<256x64xf32, #tpu.memory_space<vmem>> -> memref<128x64xf32, #tpu.memory_space<vmem>>
    %dma_wait3A_303 = arith.constant 0 : i32
    %dma_wait3A_304 = arith.constant 0 : i32
    %dma_wait3A_305 = tpu.memref_slice %arg2[%dma_wait3A_303, %dma_wait3A_304] : memref<100000x64xf32, #tpu.memory_space<hbm>> -> memref<128x64xf32, #tpu.memory_space<hbm>>
    %dma_wait3A_306 = arith.constant 128 : i32
    %dma_wait3A_307 = arith.constant 0 : i32
    %dma_wait3A_308 = tpu.memref_slice %arg7[%dma_wait3A_306, %dma_wait3A_307] : memref<256x64xf32, #tpu.memory_space<vmem>> -> memref<128x64xf32, #tpu.memory_space<vmem>>
    %dma_wait3A_309 = arith.constant 0 : i32
    %dma_wait3A_310 = arith.constant 0 : i32
    %dma_wait3A_311 = tpu.memref_slice %arg2[%dma_wait3A_309, %dma_wait3A_310] : memref<100000x64xf32, #tpu.memory_space<hbm>> -> memref<128x64xf32, #tpu.memory_space<hbm>>
    tpu.wait_dma2 semaphore(%arg13 : memref<!tpu.dma_semaphore, #tpu.memory_space<semaphore_mem>>) src(%dma_wait3A_311 : memref<128x64xf32, #tpu.memory_space<hbm>>) dst(%dma_wait3A_308 : memref<128x64xf32, #tpu.memory_space<vmem>>)
    %dma_wait3A_312 = arith.constant 0 : i32
    %dma_wait3A_313 = arith.constant 0 : i32
    %dma_wait3A_314 = arith.constant 0 : i32
    %dma_wait3A_315 = arith.constant 0 : i32
    %dma_wait3A_316 = arith.constant 0 : i32
    %dma_wait3A_317 = tpu.memref_slice %arg9[%dma_wait3A_313, %dma_wait3A_314, %dma_wait3A_315, %dma_wait3A_316] : memref<8x2x8x129xf32, #tpu.memory_space<vmem>> -> memref<8x2x8x128xf32, #tpu.memory_space<vmem>>
    %dma_wait3A_318 = arith.constant 0 : i32
    %dma_wait3A_319 = arith.constant 0 : i32
    %dma_wait3A_320 = arith.constant 0 : i32
    %dma_wait3A_321 = arith.constant 0 : i32
    %dma_wait3A_322 = tpu.memref_slice %arg4[%dma_wait3A_312, %dma_wait3A_318, %dma_wait3A_319, %dma_wait3A_320, %dma_wait3A_321] : memref<200x8x32x8x128xf32, #tpu.memory_space<hbm>> -> memref<1x8x2x8x128xf32, #tpu.memory_space<hbm>>
    %dma_wait3A_323 = tpu.memref_squeeze %dma_wait3A_322 : memref<1x8x2x8x128xf32, #tpu.memory_space<hbm>> -> memref<8x2x8x128xf32, #tpu.memory_space<hbm>>
    %dma_wait3A_324 = arith.constant 0 : i32
    %dma_wait3A_325 = arith.constant 0 : i32
    %dma_wait3A_326 = arith.constant 0 : i32
    %dma_wait3A_327 = arith.constant 0 : i32
    %dma_wait3A_328 = tpu.memref_slice %arg4[%dma_wait3A_312, %dma_wait3A_324, %dma_wait3A_325, %dma_wait3A_326, %dma_wait3A_327] : memref<200x8x32x8x128xf32, #tpu.memory_space<hbm>> -> memref<1x8x2x8x128xf32, #tpu.memory_space<hbm>>
    %dma_wait3A_329 = tpu.memref_squeeze %dma_wait3A_328 : memref<1x8x2x8x128xf32, #tpu.memory_space<hbm>> -> memref<8x2x8x128xf32, #tpu.memory_space<hbm>>
    %dma_wait3A_330 = arith.constant 0 : i32
    %dma_wait3A_331 = arith.constant 0 : i32
    %dma_wait3A_332 = arith.constant 0 : i32
    %dma_wait3A_333 = arith.constant 0 : i32
    %dma_wait3A_334 = tpu.memref_slice %arg9[%dma_wait3A_330, %dma_wait3A_331, %dma_wait3A_332, %dma_wait3A_333] : memref<8x2x8x129xf32, #tpu.memory_space<vmem>> -> memref<8x2x8x128xf32, #tpu.memory_space<vmem>>
    tpu.wait_dma2 semaphore(%arg15 : memref<!tpu.dma_semaphore, #tpu.memory_space<semaphore_mem>>) src(%dma_wait3A_334 : memref<8x2x8x128xf32, #tpu.memory_space<vmem>>) dst(%dma_wait3A_329 : memref<8x2x8x128xf32, #tpu.memory_space<hbm>>)
    %parallel_loop3A_335 = arith.constant 0 : i32
    %parallel_loop3A_336 = arith.constant 256 : i32
    %parallel_loop3A_337 = arith.constant 1 : i32
    scf.for %parallel_loop3A_545 = %parallel_loop3A_335 to %parallel_loop3A_336 step %parallel_loop3A_337  : i32 {
      %parallel_loop3A_546 = arith.constant 128 : i32
      %parallel_loop3A_547 = arith.divsi %parallel_loop3A_545, %parallel_loop3A_546 : i32
      %parallel_loop3A_548 = arith.constant 0 : i32
      %parallel_loop3A_549 = arith.cmpi sgt, %parallel_loop3A_545, %parallel_loop3A_548 : i32
      %parallel_loop3A_550 = arith.extui %parallel_loop3A_549 : i1 to i32
      %parallel_loop3A_551 = arith.constant 0 : i32
      %parallel_loop3A_552 = arith.cmpi slt, %parallel_loop3A_545, %parallel_loop3A_551 : i32
      %parallel_loop3A_553 = arith.extui %parallel_loop3A_552 : i1 to i32
      %parallel_loop3A_554 = arith.subi %parallel_loop3A_550, %parallel_loop3A_553 : i32
      %parallel_loop3A_555 = arith.constant 0 : i32
      %parallel_loop3A_556 = arith.cmpi sgt, %parallel_loop3A_546, %parallel_loop3A_555 : i32
      %parallel_loop3A_557 = arith.extui %parallel_loop3A_556 : i1 to i32
      %parallel_loop3A_558 = arith.constant 0 : i32
      %parallel_loop3A_559 = arith.cmpi slt, %parallel_loop3A_546, %parallel_loop3A_558 : i32
      %parallel_loop3A_560 = arith.extui %parallel_loop3A_559 : i1 to i32
      %parallel_loop3A_561 = arith.subi %parallel_loop3A_557, %parallel_loop3A_560 : i32
      %parallel_loop3A_562 = arith.cmpi ne, %parallel_loop3A_554, %parallel_loop3A_561 : i32
      %parallel_loop3A_563 = arith.remsi %parallel_loop3A_545, %parallel_loop3A_546 : i32
      %parallel_loop3A_564 = arith.constant 0 : i32
      %parallel_loop3A_565 = arith.cmpi ne, %parallel_loop3A_563, %parallel_loop3A_564 : i32
      %parallel_loop3A_566 = arith.andi %parallel_loop3A_562, %parallel_loop3A_565 : i1
      %parallel_loop3A_567 = arith.constant 1 : i32
      %parallel_loop3A_568 = arith.subi %parallel_loop3A_547, %parallel_loop3A_567 : i32
      %parallel_loop3A_569 = arith.select %parallel_loop3A_566, %parallel_loop3A_568, %parallel_loop3A_547 : i32
      %parallel_loop3A_570 = arith.constant 128 : i32
      %parallel_loop3A_571 = arith.constant 0 : i32
      %parallel_loop3A_572 = arith.cmpi eq, %parallel_loop3A_570, %parallel_loop3A_571 : i32
      %parallel_loop3A_573 = arith.constant 1 : i32
      %parallel_loop3A_574 = arith.select %parallel_loop3A_572, %parallel_loop3A_573, %parallel_loop3A_570 : i32
      %parallel_loop3A_575 = arith.remsi %parallel_loop3A_545, %parallel_loop3A_574 : i32
      %parallel_loop3A_576 = arith.constant 0 : i32
      %parallel_loop3A_577 = arith.cmpi ne, %parallel_loop3A_575, %parallel_loop3A_576 : i32
      %parallel_loop3A_578 = arith.constant 0 : i32
      %parallel_loop3A_579 = arith.cmpi slt, %parallel_loop3A_575, %parallel_loop3A_578 : i32
      %parallel_loop3A_580 = arith.constant 0 : i32
      %parallel_loop3A_581 = arith.cmpi slt, %parallel_loop3A_574, %parallel_loop3A_580 : i32
      %parallel_loop3A_582 = arith.xori %parallel_loop3A_579, %parallel_loop3A_581 : i1
      %parallel_loop3A_583 = arith.andi %parallel_loop3A_582, %parallel_loop3A_577 : i1
      %parallel_loop3A_584 = arith.addi %parallel_loop3A_575, %parallel_loop3A_574 : i32
      %parallel_loop3A_585 = arith.select %parallel_loop3A_583, %parallel_loop3A_584, %parallel_loop3A_575 : i32
      %parallel_loop3A_586 = vector.broadcast %parallel_loop3A_569 : i32 to vector<16xi32>
      %parallel_loop3A_587 = vector.broadcast %parallel_loop3A_585 : i32 to vector<16xi32>
      %parallel_loop3A_588 = arith.index_cast %parallel_loop3A_545 : i32 to index
      %parallel_loop3A_589 = arith.constant 0 : index
      %parallel_loop3A_590 = tpu.vector_load %arg7[%parallel_loop3A_588, %parallel_loop3A_589] {strides = array<i32>} : memref<256x64xf32, #tpu.memory_space<vmem>>, vector<16xf32>,
      %parallel_loop3A_591 = arith.constant 8.000000e+00 : f32
      %parallel_loop3A_592 = vector.broadcast %parallel_loop3A_591 : f32 to vector<16xf32>
      %parallel_loop3A_593 = arith.mulf %parallel_loop3A_590, %parallel_loop3A_592 : vector<16xf32>
      tpu.vector_store_idx %arg10[%add3A_28, %parallel_loop3A_586, %select_n3A_150, %parallel_loop3A_587], %parallel_loop3A_593 : memref<8x2x8x129xf32, #tpu.memory_space<vmem>>[vector<16xi32>, vector<16xi32>, vector<16xi32>, vector<16xi32>], vector<16xf32>,
      %parallel_loop3A_594 = arith.index_cast %parallel_loop3A_545 : i32 to index
      %parallel_loop3A_595 = arith.constant 16 : index
      %parallel_loop3A_596 = tpu.vector_load %arg7[%parallel_loop3A_594, %parallel_loop3A_595] {strides = array<i32>} : memref<256x64xf32, #tpu.memory_space<vmem>>, vector<16xf32>,
      %parallel_loop3A_597 = arith.constant 8.000000e+00 : f32
      %parallel_loop3A_598 = vector.broadcast %parallel_loop3A_597 : f32 to vector<16xf32>
      %parallel_loop3A_599 = arith.mulf %parallel_loop3A_596, %parallel_loop3A_598 : vector<16xf32>
      tpu.vector_store_idx %arg10[%add3A_62, %parallel_loop3A_586, %select_n3A_150, %parallel_loop3A_587], %parallel_loop3A_599 : memref<8x2x8x129xf32, #tpu.memory_space<vmem>>[vector<16xi32>, vector<16xi32>, vector<16xi32>, vector<16xi32>], vector<16xf32>,
      %parallel_loop3A_600 = arith.index_cast %parallel_loop3A_545 : i32 to index
      %parallel_loop3A_601 = arith.constant 32 : index
      %parallel_loop3A_602 = tpu.vector_load %arg7[%parallel_loop3A_600, %parallel_loop3A_601] {strides = array<i32>} : memref<256x64xf32, #tpu.memory_space<vmem>>, vector<16xf32>,
      %parallel_loop3A_603 = arith.constant 8.000000e+00 : f32
      %parallel_loop3A_604 = vector.broadcast %parallel_loop3A_603 : f32 to vector<16xf32>
      %parallel_loop3A_605 = arith.mulf %parallel_loop3A_602, %parallel_loop3A_604 : vector<16xf32>
      tpu.vector_store_idx %arg10[%add3A_96, %parallel_loop3A_586, %select_n3A_150, %parallel_loop3A_587], %parallel_loop3A_605 : memref<8x2x8x129xf32, #tpu.memory_space<vmem>>[vector<16xi32>, vector<16xi32>, vector<16xi32>, vector<16xi32>], vector<16xf32>,
      %parallel_loop3A_606 = arith.index_cast %parallel_loop3A_545 : i32 to index
      %parallel_loop3A_607 = arith.constant 48 : index
      %parallel_loop3A_608 = tpu.vector_load %arg7[%parallel_loop3A_606, %parallel_loop3A_607] {strides = array<i32>} : memref<256x64xf32, #tpu.memory_space<vmem>>, vector<16xf32>,
      %parallel_loop3A_609 = arith.constant 8.000000e+00 : f32
      %parallel_loop3A_610 = vector.broadcast %parallel_loop3A_609 : f32 to vector<16xf32>
      %parallel_loop3A_611 = arith.mulf %parallel_loop3A_608, %parallel_loop3A_610 : vector<16xf32>
      tpu.vector_store_idx %arg10[%add3A_130, %parallel_loop3A_586, %select_n3A_150, %parallel_loop3A_587], %parallel_loop3A_611 : memref<8x2x8x129xf32, #tpu.memory_space<vmem>>[vector<16xi32>, vector<16xi32>, vector<16xi32>, vector<16xi32>], vector<16xf32>,
    } {sc.loop_unroll_factor = 8 : i64, sc.parallel_access}
    %add3A_338 = arith.constant 24832 : i32
    %add3A_339 = arith.addi %mul3A_2, %add3A_338 : i32
    %div3A_340 = arith.constant 4096 : i32
    %div3A_341 = arith.divsi %add3A_339, %div3A_340 : i32
    %rem3A_342 = arith.constant 4096 : i32
    %rem3A_343 = arith.remsi %add3A_339, %rem3A_342 : i32
    %div3A_344 = arith.constant 128 : i32
    %div3A_345 = arith.divsi %rem3A_343, %div3A_344 : i32
    %dma_start3A_346 = arith.constant 0 : i32
    %dma_start3A_347 = arith.constant 0 : i32
    %dma_start3A_348 = arith.constant 0 : i32
    %dma_start3A_349 = arith.constant 0 : i32
    %dma_start3A_350 = tpu.memref_slice %arg10[%dma_start3A_346, %dma_start3A_347, %dma_start3A_348, %dma_start3A_349] : memref<8x2x8x129xf32, #tpu.memory_space<vmem>> -> memref<8x2x8x128xf32, #tpu.memory_space<vmem>>
    %dma_start3A_351 = arith.constant 0 : i32
    %dma_start3A_352 = arith.constant 0 : i32
    %dma_start3A_353 = arith.constant 0 : i32
    %dma_start3A_354 = tpu.memref_slice %arg4[%div3A_341, %dma_start3A_351, %div3A_345, %dma_start3A_352, %dma_start3A_353] : memref<200x8x32x8x128xf32, #tpu.memory_space<hbm>> -> memref<1x8x2x8x128xf32, #tpu.memory_space<hbm>>
    %dma_start3A_355 = tpu.memref_squeeze %dma_start3A_354 : memref<1x8x2x8x128xf32, #tpu.memory_space<hbm>> -> memref<8x2x8x128xf32, #tpu.memory_space<hbm>>
    %dma_start3A_356 = arith.constant 0 : i32
    %dma_start3A_357 = arith.constant 0 : i32
    %dma_start3A_358 = arith.constant 0 : i32
    %dma_start3A_359 = tpu.memref_slice %arg4[%div3A_341, %dma_start3A_356, %div3A_345, %dma_start3A_357, %dma_start3A_358] : memref<200x8x32x8x128xf32, #tpu.memory_space<hbm>> -> memref<1x8x2x8x128xf32, #tpu.memory_space<hbm>>
    %dma_start3A_360 = tpu.memref_squeeze %dma_start3A_359 : memref<1x8x2x8x128xf32, #tpu.memory_space<hbm>> -> memref<8x2x8x128xf32, #tpu.memory_space<hbm>>
    %dma_start3A_361 = arith.constant 0 : i32
    %dma_start3A_362 = arith.constant 0 : i32
    %dma_start3A_363 = arith.constant 0 : i32
    %dma_start3A_364 = arith.constant 0 : i32
    %dma_start3A_365 = tpu.memref_slice %arg10[%dma_start3A_361, %dma_start3A_362, %dma_start3A_363, %dma_start3A_364] : memref<8x2x8x129xf32, #tpu.memory_space<vmem>> -> memref<8x2x8x128xf32, #tpu.memory_space<vmem>>
    tpu.enqueue_dma source(%dma_start3A_365 : memref<8x2x8x128xf32, #tpu.memory_space<vmem>>) target(%dma_start3A_360 : memref<8x2x8x128xf32, #tpu.memory_space<hbm>>) target_semaphore(%arg16 : memref<!tpu.dma_semaphore, #tpu.memory_space<semaphore_mem>>)
    %dma_wait3A_366 = arith.constant 0 : i32
    %dma_wait3A_367 = arith.constant 0 : i32
    %dma_wait3A_368 = tpu.memref_slice %arg8[%dma_wait3A_366, %dma_wait3A_367] : memref<256x64xf32, #tpu.memory_space<vmem>> -> memref<128x64xf32, #tpu.memory_space<vmem>>
    %dma_wait3A_369 = arith.constant 0 : i32
    %dma_wait3A_370 = arith.constant 0 : i32
    %dma_wait3A_371 = tpu.memref_slice %arg2[%dma_wait3A_369, %dma_wait3A_370] : memref<100000x64xf32, #tpu.memory_space<hbm>> -> memref<128x64xf32, #tpu.memory_space<hbm>>
    %dma_wait3A_372 = arith.constant 0 : i32
    %dma_wait3A_373 = arith.constant 0 : i32
    %dma_wait3A_374 = tpu.memref_slice %arg8[%dma_wait3A_372, %dma_wait3A_373] : memref<256x64xf32, #tpu.memory_space<vmem>> -> memref<128x64xf32, #tpu.memory_space<vmem>>
    %dma_wait3A_375 = arith.constant 0 : i32
    %dma_wait3A_376 = arith.constant 0 : i32
    %dma_wait3A_377 = tpu.memref_slice %arg2[%dma_wait3A_375, %dma_wait3A_376] : memref<100000x64xf32, #tpu.memory_space<hbm>> -> memref<128x64xf32, #tpu.memory_space<hbm>>
    tpu.wait_dma2 semaphore(%arg14 : memref<!tpu.dma_semaphore, #tpu.memory_space<semaphore_mem>>) src(%dma_wait3A_377 : memref<128x64xf32, #tpu.memory_space<hbm>>) dst(%dma_wait3A_374 : memref<128x64xf32, #tpu.memory_space<vmem>>)
    %dma_wait3A_378 = arith.constant 128 : i32
    %dma_wait3A_379 = arith.constant 0 : i32
    %dma_wait3A_380 = tpu.memref_slice %arg8[%dma_wait3A_378, %dma_wait3A_379] : memref<256x64xf32, #tpu.memory_space<vmem>> -> memref<128x64xf32, #tpu.memory_space<vmem>>
    %dma_wait3A_381 = arith.constant 0 : i32
    %dma_wait3A_382 = arith.constant 0 : i32
    %dma_wait3A_383 = tpu.memref_slice %arg2[%dma_wait3A_381, %dma_wait3A_382] : memref<100000x64xf32, #tpu.memory_space<hbm>> -> memref<128x64xf32, #tpu.memory_space<hbm>>
    %dma_wait3A_384 = arith.constant 128 : i32
    %dma_wait3A_385 = arith.constant 0 : i32
    %dma_wait3A_386 = tpu.memref_slice %arg8[%dma_wait3A_384, %dma_wait3A_385] : memref<256x64xf32, #tpu.memory_space<vmem>> -> memref<128x64xf32, #tpu.memory_space<vmem>>
    %dma_wait3A_387 = arith.constant 0 : i32
    %dma_wait3A_388 = arith.constant 0 : i32
    %dma_wait3A_389 = tpu.memref_slice %arg2[%dma_wait3A_387, %dma_wait3A_388] : memref<100000x64xf32, #tpu.memory_space<hbm>> -> memref<128x64xf32, #tpu.memory_space<hbm>>
    tpu.wait_dma2 semaphore(%arg14 : memref<!tpu.dma_semaphore, #tpu.memory_space<semaphore_mem>>) src(%dma_wait3A_389 : memref<128x64xf32, #tpu.memory_space<hbm>>) dst(%dma_wait3A_386 : memref<128x64xf32, #tpu.memory_space<vmem>>)
    %dma_wait3A_390 = arith.constant 0 : i32
    %dma_wait3A_391 = arith.constant 0 : i32
    %dma_wait3A_392 = arith.constant 0 : i32
    %dma_wait3A_393 = arith.constant 0 : i32
    %dma_wait3A_394 = arith.constant 0 : i32
    %dma_wait3A_395 = tpu.memref_slice %arg10[%dma_wait3A_391, %dma_wait3A_392, %dma_wait3A_393, %dma_wait3A_394] : memref<8x2x8x129xf32, #tpu.memory_space<vmem>> -> memref<8x2x8x128xf32, #tpu.memory_space<vmem>>
    %dma_wait3A_396 = arith.constant 0 : i32
    %dma_wait3A_397 = arith.constant 0 : i32
    %dma_wait3A_398 = arith.constant 0 : i32
    %dma_wait3A_399 = arith.constant 0 : i32
    %dma_wait3A_400 = tpu.memref_slice %arg4[%dma_wait3A_390, %dma_wait3A_396, %dma_wait3A_397, %dma_wait3A_398, %dma_wait3A_399] : memref<200x8x32x8x128xf32, #tpu.memory_space<hbm>> -> memref<1x8x2x8x128xf32, #tpu.memory_space<hbm>>
    %dma_wait3A_401 = tpu.memref_squeeze %dma_wait3A_400 : memref<1x8x2x8x128xf32, #tpu.memory_space<hbm>> -> memref<8x2x8x128xf32, #tpu.memory_space<hbm>>
    %dma_wait3A_402 = arith.constant 0 : i32
    %dma_wait3A_403 = arith.constant 0 : i32
    %dma_wait3A_404 = arith.constant 0 : i32
    %dma_wait3A_405 = arith.constant 0 : i32
    %dma_wait3A_406 = tpu.memref_slice %arg4[%dma_wait3A_390, %dma_wait3A_402, %dma_wait3A_403, %dma_wait3A_404, %dma_wait3A_405] : memref<200x8x32x8x128xf32, #tpu.memory_space<hbm>> -> memref<1x8x2x8x128xf32, #tpu.memory_space<hbm>>
    %dma_wait3A_407 = tpu.memref_squeeze %dma_wait3A_406 : memref<1x8x2x8x128xf32, #tpu.memory_space<hbm>> -> memref<8x2x8x128xf32, #tpu.memory_space<hbm>>
    %dma_wait3A_408 = arith.constant 0 : i32
    %dma_wait3A_409 = arith.constant 0 : i32
    %dma_wait3A_410 = arith.constant 0 : i32
    %dma_wait3A_411 = arith.constant 0 : i32
    %dma_wait3A_412 = tpu.memref_slice %arg10[%dma_wait3A_408, %dma_wait3A_409, %dma_wait3A_410, %dma_wait3A_411] : memref<8x2x8x129xf32, #tpu.memory_space<vmem>> -> memref<8x2x8x128xf32, #tpu.memory_space<vmem>>
    tpu.wait_dma2 semaphore(%arg16 : memref<!tpu.dma_semaphore, #tpu.memory_space<semaphore_mem>>) src(%dma_wait3A_412 : memref<8x2x8x128xf32, #tpu.memory_space<vmem>>) dst(%dma_wait3A_407 : memref<8x2x8x128xf32, #tpu.memory_space<hbm>>)
    %parallel_loop3A_413 = arith.constant 0 : i32
    %parallel_loop3A_414 = arith.constant 256 : i32
    %parallel_loop3A_415 = arith.constant 1 : i32
    scf.for %parallel_loop3A_545 = %parallel_loop3A_413 to %parallel_loop3A_414 step %parallel_loop3A_415  : i32 {
      %parallel_loop3A_546 = arith.constant 128 : i32
      %parallel_loop3A_547 = arith.divsi %parallel_loop3A_545, %parallel_loop3A_546 : i32
      %parallel_loop3A_548 = arith.constant 0 : i32
      %parallel_loop3A_549 = arith.cmpi sgt, %parallel_loop3A_545, %parallel_loop3A_548 : i32
      %parallel_loop3A_550 = arith.extui %parallel_loop3A_549 : i1 to i32
      %parallel_loop3A_551 = arith.constant 0 : i32
      %parallel_loop3A_552 = arith.cmpi slt, %parallel_loop3A_545, %parallel_loop3A_551 : i32
      %parallel_loop3A_553 = arith.extui %parallel_loop3A_552 : i1 to i32
      %parallel_loop3A_554 = arith.subi %parallel_loop3A_550, %parallel_loop3A_553 : i32
      %parallel_loop3A_555 = arith.constant 0 : i32
      %parallel_loop3A_556 = arith.cmpi sgt, %parallel_loop3A_546, %parallel_loop3A_555 : i32
      %parallel_loop3A_557 = arith.extui %parallel_loop3A_556 : i1 to i32
      %parallel_loop3A_558 = arith.constant 0 : i32
      %parallel_loop3A_559 = arith.cmpi slt, %parallel_loop3A_546, %parallel_loop3A_558 : i32
      %parallel_loop3A_560 = arith.extui %parallel_loop3A_559 : i1 to i32
      %parallel_loop3A_561 = arith.subi %parallel_loop3A_557, %parallel_loop3A_560 : i32
      %parallel_loop3A_562 = arith.cmpi ne, %parallel_loop3A_554, %parallel_loop3A_561 : i32
      %parallel_loop3A_563 = arith.remsi %parallel_loop3A_545, %parallel_loop3A_546 : i32
      %parallel_loop3A_564 = arith.constant 0 : i32
      %parallel_loop3A_565 = arith.cmpi ne, %parallel_loop3A_563, %parallel_loop3A_564 : i32
      %parallel_loop3A_566 = arith.andi %parallel_loop3A_562, %parallel_loop3A_565 : i1
      %parallel_loop3A_567 = arith.constant 1 : i32
      %parallel_loop3A_568 = arith.subi %parallel_loop3A_547, %parallel_loop3A_567 : i32
      %parallel_loop3A_569 = arith.select %parallel_loop3A_566, %parallel_loop3A_568, %parallel_loop3A_547 : i32
      %parallel_loop3A_570 = arith.constant 128 : i32
      %parallel_loop3A_571 = arith.constant 0 : i32
      %parallel_loop3A_572 = arith.cmpi eq, %parallel_loop3A_570, %parallel_loop3A_571 : i32
      %parallel_loop3A_573 = arith.constant 1 : i32
      %parallel_loop3A_574 = arith.select %parallel_loop3A_572, %parallel_loop3A_573, %parallel_loop3A_570 : i32
      %parallel_loop3A_575 = arith.remsi %parallel_loop3A_545, %parallel_loop3A_574 : i32
      %parallel_loop3A_576 = arith.constant 0 : i32
      %parallel_loop3A_577 = arith.cmpi ne, %parallel_loop3A_575, %parallel_loop3A_576 : i32
      %parallel_loop3A_578 = arith.constant 0 : i32
      %parallel_loop3A_579 = arith.cmpi slt, %parallel_loop3A_575, %parallel_loop3A_578 : i32
      %parallel_loop3A_580 = arith.constant 0 : i32
      %parallel_loop3A_581 = arith.cmpi slt, %parallel_loop3A_574, %parallel_loop3A_580 : i32
      %parallel_loop3A_582 = arith.xori %parallel_loop3A_579, %parallel_loop3A_581 : i1
      %parallel_loop3A_583 = arith.andi %parallel_loop3A_582, %parallel_loop3A_577 : i1
      %parallel_loop3A_584 = arith.addi %parallel_loop3A_575, %parallel_loop3A_574 : i32
      %parallel_loop3A_585 = arith.select %parallel_loop3A_583, %parallel_loop3A_584, %parallel_loop3A_575 : i32
      %parallel_loop3A_586 = vector.broadcast %parallel_loop3A_569 : i32 to vector<16xi32>
      %parallel_loop3A_587 = vector.broadcast %parallel_loop3A_585 : i32 to vector<16xi32>
      %parallel_loop3A_588 = arith.index_cast %parallel_loop3A_545 : i32 to index
      %parallel_loop3A_589 = arith.constant 0 : index
      %parallel_loop3A_590 = tpu.vector_load %arg8[%parallel_loop3A_588, %parallel_loop3A_589] {strides = array<i32>} : memref<256x64xf32, #tpu.memory_space<vmem>>, vector<16xf32>,
      %parallel_loop3A_591 = arith.constant 8.000000e+00 : f32
      %parallel_loop3A_592 = vector.broadcast %parallel_loop3A_591 : f32 to vector<16xf32>
      %parallel_loop3A_593 = arith.mulf %parallel_loop3A_590, %parallel_loop3A_592 : vector<16xf32>
      tpu.vector_store_idx %arg11[%add3A_28, %parallel_loop3A_586, %select_n3A_150, %parallel_loop3A_587], %parallel_loop3A_593 : memref<8x2x8x129xf32, #tpu.memory_space<vmem>>[vector<16xi32>, vector<16xi32>, vector<16xi32>, vector<16xi32>], vector<16xf32>,
      %parallel_loop3A_594 = arith.index_cast %parallel_loop3A_545 : i32 to index
      %parallel_loop3A_595 = arith.constant 16 : index
      %parallel_loop3A_596 = tpu.vector_load %arg8[%parallel_loop3A_594, %parallel_loop3A_595] {strides = array<i32>} : memref<256x64xf32, #tpu.memory_space<vmem>>, vector<16xf32>,
      %parallel_loop3A_597 = arith.constant 8.000000e+00 : f32
      %parallel_loop3A_598 = vector.broadcast %parallel_loop3A_597 : f32 to vector<16xf32>
      %parallel_loop3A_599 = arith.mulf %parallel_loop3A_596, %parallel_loop3A_598 : vector<16xf32>
      tpu.vector_store_idx %arg11[%add3A_62, %parallel_loop3A_586, %select_n3A_150, %parallel_loop3A_587], %parallel_loop3A_599 : memref<8x2x8x129xf32, #tpu.memory_space<vmem>>[vector<16xi32>, vector<16xi32>, vector<16xi32>, vector<16xi32>], vector<16xf32>,
      %parallel_loop3A_600 = arith.index_cast %parallel_loop3A_545 : i32 to index
      %parallel_loop3A_601 = arith.constant 32 : index
      %parallel_loop3A_602 = tpu.vector_load %arg8[%parallel_loop3A_600, %parallel_loop3A_601] {strides = array<i32>} : memref<256x64xf32, #tpu.memory_space<vmem>>, vector<16xf32>,
      %parallel_loop3A_603 = arith.constant 8.000000e+00 : f32
      %parallel_loop3A_604 = vector.broadcast %parallel_loop3A_603 : f32 to vector<16xf32>
      %parallel_loop3A_605 = arith.mulf %parallel_loop3A_602, %parallel_loop3A_604 : vector<16xf32>
      tpu.vector_store_idx %arg11[%add3A_96, %parallel_loop3A_586, %select_n3A_150, %parallel_loop3A_587], %parallel_loop3A_605 : memref<8x2x8x129xf32, #tpu.memory_space<vmem>>[vector<16xi32>, vector<16xi32>, vector<16xi32>, vector<16xi32>], vector<16xf32>,
      %parallel_loop3A_606 = arith.index_cast %parallel_loop3A_545 : i32 to index
      %parallel_loop3A_607 = arith.constant 48 : index
      %parallel_loop3A_608 = tpu.vector_load %arg8[%parallel_loop3A_606, %parallel_loop3A_607] {strides = array<i32>} : memref<256x64xf32, #tpu.memory_space<vmem>>, vector<16xf32>,
      %parallel_loop3A_609 = arith.constant 8.000000e+00 : f32
      %parallel_loop3A_610 = vector.broadcast %parallel_loop3A_609 : f32 to vector<16xf32>
      %parallel_loop3A_611 = arith.mulf %parallel_loop3A_608, %parallel_loop3A_610 : vector<16xf32>
      tpu.vector_store_idx %arg11[%add3A_130, %parallel_loop3A_586, %select_n3A_150, %parallel_loop3A_587], %parallel_loop3A_611 : memref<8x2x8x129xf32, #tpu.memory_space<vmem>>[vector<16xi32>, vector<16xi32>, vector<16xi32>, vector<16xi32>], vector<16xf32>,
    } {sc.loop_unroll_factor = 8 : i64, sc.parallel_access}
    %add3A_416 = arith.constant 25088 : i32
    %add3A_417 = arith.addi %mul3A_2, %add3A_416 : i32
    %div3A_418 = arith.constant 4096 : i32
    %div3A_419 = arith.divsi %add3A_417, %div3A_418 : i32
    %rem3A_420 = arith.constant 4096 : i32
    %rem3A_421 = arith.remsi %add3A_417, %rem3A_420 : i32
    %div3A_422 = arith.constant 128 : i32
    %div3A_423 = arith.divsi %rem3A_421, %div3A_422 : i32
    %dma_start3A_424 = arith.constant 0 : i32
    %dma_start3A_425 = arith.constant 0 : i32
    %dma_start3A_426 = arith.constant 0 : i32
    %dma_start3A_427 = arith.constant 0 : i32
    %dma_start3A_428 = tpu.memref_slice %arg11[%dma_start3A_424, %dma_start3A_425, %dma_start3A_426, %dma_start3A_427] : memref<8x2x8x129xf32, #tpu.memory_space<vmem>> -> memref<8x2x8x128xf32, #tpu.memory_space<vmem>>
    %dma_start3A_429 = arith.constant 0 : i32
    %dma_start3A_430 = arith.constant 0 : i32
    %dma_start3A_431 = arith.constant 0 : i32
    %dma_start3A_432 = tpu.memref_slice %arg4[%div3A_419, %dma_start3A_429, %div3A_423, %dma_start3A_430, %dma_start3A_431] : memref<200x8x32x8x128xf32, #tpu.memory_space<hbm>> -> memref<1x8x2x8x128xf32, #tpu.memory_space<hbm>>
    %dma_start3A_433 = tpu.memref_squeeze %dma_start3A_432 : memref<1x8x2x8x128xf32, #tpu.memory_space<hbm>> -> memref<8x2x8x128xf32, #tpu.memory_space<hbm>>
    %dma_start3A_434 = arith.constant 0 : i32
    %dma_start3A_435 = arith.constant 0 : i32
    %dma_start3A_436 = arith.constant 0 : i32
    %dma_start3A_437 = tpu.memref_slice %arg4[%div3A_419, %dma_start3A_434, %div3A_423, %dma_start3A_435, %dma_start3A_436] : memref<200x8x32x8x128xf32, #tpu.memory_space<hbm>> -> memref<1x8x2x8x128xf32, #tpu.memory_space<hbm>>
    %dma_start3A_438 = tpu.memref_squeeze %dma_start3A_437 : memref<1x8x2x8x128xf32, #tpu.memory_space<hbm>> -> memref<8x2x8x128xf32, #tpu.memory_space<hbm>>
    %dma_start3A_439 = arith.constant 0 : i32
    %dma_start3A_440 = arith.constant 0 : i32
    %dma_start3A_441 = arith.constant 0 : i32
    %dma_start3A_442 = arith.constant 0 : i32
    %dma_start3A_443 = tpu.memref_slice %arg11[%dma_start3A_439, %dma_start3A_440, %dma_start3A_441, %dma_start3A_442] : memref<8x2x8x129xf32, #tpu.memory_space<vmem>> -> memref<8x2x8x128xf32, #tpu.memory_space<vmem>>
    tpu.enqueue_dma source(%dma_start3A_443 : memref<8x2x8x128xf32, #tpu.memory_space<vmem>>) target(%dma_start3A_438 : memref<8x2x8x128xf32, #tpu.memory_space<hbm>>) target_semaphore(%arg17 : memref<!tpu.dma_semaphore, #tpu.memory_space<semaphore_mem>>)
    %dma_wait3A_444 = arith.constant 0 : i32
    %dma_wait3A_445 = arith.constant 0 : i32
    %dma_wait3A_446 = tpu.memref_slice %arg6[%dma_wait3A_444, %dma_wait3A_445] : memref<256x64xf32, #tpu.memory_space<vmem>> -> memref<128x64xf32, #tpu.memory_space<vmem>>
    %dma_wait3A_447 = arith.constant 0 : i32
    %dma_wait3A_448 = arith.constant 0 : i32
    %dma_wait3A_449 = tpu.memref_slice %arg2[%dma_wait3A_447, %dma_wait3A_448] : memref<100000x64xf32, #tpu.memory_space<hbm>> -> memref<128x64xf32, #tpu.memory_space<hbm>>
    %dma_wait3A_450 = arith.constant 0 : i32
    %dma_wait3A_451 = arith.constant 0 : i32
    %dma_wait3A_452 = tpu.memref_slice %arg6[%dma_wait3A_450, %dma_wait3A_451] : memref<256x64xf32, #tpu.memory_space<vmem>> -> memref<128x64xf32, #tpu.memory_space<vmem>>
    %dma_wait3A_453 = arith.constant 0 : i32
    %dma_wait3A_454 = arith.constant 0 : i32
    %dma_wait3A_455 = tpu.memref_slice %arg2[%dma_wait3A_453, %dma_wait3A_454] : memref<100000x64xf32, #tpu.memory_space<hbm>> -> memref<128x64xf32, #tpu.memory_space<hbm>>
    tpu.wait_dma2 semaphore(%arg12 : memref<!tpu.dma_semaphore, #tpu.memory_space<semaphore_mem>>) src(%dma_wait3A_455 : memref<128x64xf32, #tpu.memory_space<hbm>>) dst(%dma_wait3A_452 : memref<128x64xf32, #tpu.memory_space<vmem>>)
    %dma_wait3A_456 = arith.constant 128 : i32
    %dma_wait3A_457 = arith.constant 0 : i32
    %dma_wait3A_458 = tpu.memref_slice %arg6[%dma_wait3A_456, %dma_wait3A_457] : memref<256x64xf32, #tpu.memory_space<vmem>> -> memref<128x64xf32, #tpu.memory_space<vmem>>
    %dma_wait3A_459 = arith.constant 0 : i32
    %dma_wait3A_460 = arith.constant 0 : i32
    %dma_wait3A_461 = tpu.memref_slice %arg2[%dma_wait3A_459, %dma_wait3A_460] : memref<100000x64xf32, #tpu.memory_space<hbm>> -> memref<128x64xf32, #tpu.memory_space<hbm>>
    %dma_wait3A_462 = arith.constant 128 : i32
    %dma_wait3A_463 = arith.constant 0 : i32
    %dma_wait3A_464 = tpu.memref_slice %arg6[%dma_wait3A_462, %dma_wait3A_463] : memref<256x64xf32, #tpu.memory_space<vmem>> -> memref<128x64xf32, #tpu.memory_space<vmem>>
    %dma_wait3A_465 = arith.constant 0 : i32
    %dma_wait3A_466 = arith.constant 0 : i32
    %dma_wait3A_467 = tpu.memref_slice %arg2[%dma_wait3A_465, %dma_wait3A_466] : memref<100000x64xf32, #tpu.memory_space<hbm>> -> memref<128x64xf32, #tpu.memory_space<hbm>>
    tpu.wait_dma2 semaphore(%arg12 : memref<!tpu.dma_semaphore, #tpu.memory_space<semaphore_mem>>) src(%dma_wait3A_467 : memref<128x64xf32, #tpu.memory_space<hbm>>) dst(%dma_wait3A_464 : memref<128x64xf32, #tpu.memory_space<vmem>>)
    %dma_wait3A_468 = arith.constant 0 : i32
    %dma_wait3A_469 = arith.constant 0 : i32
    %dma_wait3A_470 = arith.constant 0 : i32
    %dma_wait3A_471 = arith.constant 0 : i32
    %dma_wait3A_472 = arith.constant 0 : i32
    %dma_wait3A_473 = tpu.memref_slice %arg11[%dma_wait3A_469, %dma_wait3A_470, %dma_wait3A_471, %dma_wait3A_472] : memref<8x2x8x129xf32, #tpu.memory_space<vmem>> -> memref<8x2x8x128xf32, #tpu.memory_space<vmem>>
    %dma_wait3A_474 = arith.constant 0 : i32
    %dma_wait3A_475 = arith.constant 0 : i32
    %dma_wait3A_476 = arith.constant 0 : i32
    %dma_wait3A_477 = arith.constant 0 : i32
    %dma_wait3A_478 = tpu.memref_slice %arg4[%dma_wait3A_468, %dma_wait3A_474, %dma_wait3A_475, %dma_wait3A_476, %dma_wait3A_477] : memref<200x8x32x8x128xf32, #tpu.memory_space<hbm>> -> memref<1x8x2x8x128xf32, #tpu.memory_space<hbm>>
    %dma_wait3A_479 = tpu.memref_squeeze %dma_wait3A_478 : memref<1x8x2x8x128xf32, #tpu.memory_space<hbm>> -> memref<8x2x8x128xf32, #tpu.memory_space<hbm>>
    %dma_wait3A_480 = arith.constant 0 : i32
    %dma_wait3A_481 = arith.constant 0 : i32
    %dma_wait3A_482 = arith.constant 0 : i32
    %dma_wait3A_483 = arith.constant 0 : i32
    %dma_wait3A_484 = tpu.memref_slice %arg4[%dma_wait3A_468, %dma_wait3A_480, %dma_wait3A_481, %dma_wait3A_482, %dma_wait3A_483] : memref<200x8x32x8x128xf32, #tpu.memory_space<hbm>> -> memref<1x8x2x8x128xf32, #tpu.memory_space<hbm>>
    %dma_wait3A_485 = tpu.memref_squeeze %dma_wait3A_484 : memref<1x8x2x8x128xf32, #tpu.memory_space<hbm>> -> memref<8x2x8x128xf32, #tpu.memory_space<hbm>>
    %dma_wait3A_486 = arith.constant 0 : i32
    %dma_wait3A_487 = arith.constant 0 : i32
    %dma_wait3A_488 = arith.constant 0 : i32
    %dma_wait3A_489 = arith.constant 0 : i32
    %dma_wait3A_490 = tpu.memref_slice %arg11[%dma_wait3A_486, %dma_wait3A_487, %dma_wait3A_488, %dma_wait3A_489] : memref<8x2x8x129xf32, #tpu.memory_space<vmem>> -> memref<8x2x8x128xf32, #tpu.memory_space<vmem>>
    tpu.wait_dma2 semaphore(%arg17 : memref<!tpu.dma_semaphore, #tpu.memory_space<semaphore_mem>>) src(%dma_wait3A_490 : memref<8x2x8x128xf32, #tpu.memory_space<vmem>>) dst(%dma_wait3A_485 : memref<8x2x8x128xf32, #tpu.memory_space<hbm>>)
    %parallel_loop3A_491 = arith.constant 0 : i32
    %parallel_loop3A_492 = arith.constant 256 : i32
    %parallel_loop3A_493 = arith.constant 1 : i32
    scf.for %parallel_loop3A_545 = %parallel_loop3A_491 to %parallel_loop3A_492 step %parallel_loop3A_493  : i32 {
      %parallel_loop3A_546 = arith.constant 128 : i32
      %parallel_loop3A_547 = arith.divsi %parallel_loop3A_545, %parallel_loop3A_546 : i32
      %parallel_loop3A_548 = arith.constant 0 : i32
      %parallel_loop3A_549 = arith.cmpi sgt, %parallel_loop3A_545, %parallel_loop3A_548 : i32
      %parallel_loop3A_550 = arith.extui %parallel_loop3A_549 : i1 to i32
      %parallel_loop3A_551 = arith.constant 0 : i32
      %parallel_loop3A_552 = arith.cmpi slt, %parallel_loop3A_545, %parallel_loop3A_551 : i32
      %parallel_loop3A_553 = arith.extui %parallel_loop3A_552 : i1 to i32
      %parallel_loop3A_554 = arith.subi %parallel_loop3A_550, %parallel_loop3A_553 : i32
      %parallel_loop3A_555 = arith.constant 0 : i32
      %parallel_loop3A_556 = arith.cmpi sgt, %parallel_loop3A_546, %parallel_loop3A_555 : i32
      %parallel_loop3A_557 = arith.extui %parallel_loop3A_556 : i1 to i32
      %parallel_loop3A_558 = arith.constant 0 : i32
      %parallel_loop3A_559 = arith.cmpi slt, %parallel_loop3A_546, %parallel_loop3A_558 : i32
      %parallel_loop3A_560 = arith.extui %parallel_loop3A_559 : i1 to i32
      %parallel_loop3A_561 = arith.subi %parallel_loop3A_557, %parallel_loop3A_560 : i32
      %parallel_loop3A_562 = arith.cmpi ne, %parallel_loop3A_554, %parallel_loop3A_561 : i32
      %parallel_loop3A_563 = arith.remsi %parallel_loop3A_545, %parallel_loop3A_546 : i32
      %parallel_loop3A_564 = arith.constant 0 : i32
      %parallel_loop3A_565 = arith.cmpi ne, %parallel_loop3A_563, %parallel_loop3A_564 : i32
      %parallel_loop3A_566 = arith.andi %parallel_loop3A_562, %parallel_loop3A_565 : i1
      %parallel_loop3A_567 = arith.constant 1 : i32
      %parallel_loop3A_568 = arith.subi %parallel_loop3A_547, %parallel_loop3A_567 : i32
      %parallel_loop3A_569 = arith.select %parallel_loop3A_566, %parallel_loop3A_568, %parallel_loop3A_547 : i32
      %parallel_loop3A_570 = arith.constant 128 : i32
      %parallel_loop3A_571 = arith.constant 0 : i32
      %parallel_loop3A_572 = arith.cmpi eq, %parallel_loop3A_570, %parallel_loop3A_571 : i32
      %parallel_loop3A_573 = arith.constant 1 : i32
      %parallel_loop3A_574 = arith.select %parallel_loop3A_572, %parallel_loop3A_573, %parallel_loop3A_570 : i32
      %parallel_loop3A_575 = arith.remsi %parallel_loop3A_545, %parallel_loop3A_574 : i32
      %parallel_loop3A_576 = arith.constant 0 : i32
      %parallel_loop3A_577 = arith.cmpi ne, %parallel_loop3A_575, %parallel_loop3A_576 : i32
      %parallel_loop3A_578 = arith.constant 0 : i32
      %parallel_loop3A_579 = arith.cmpi slt, %parallel_loop3A_575, %parallel_loop3A_578 : i32
      %parallel_loop3A_580 = arith.constant 0 : i32
      %parallel_loop3A_581 = arith.cmpi slt, %parallel_loop3A_574, %parallel_loop3A_580 : i32
      %parallel_loop3A_582 = arith.xori %parallel_loop3A_579, %parallel_loop3A_581 : i1
      %parallel_loop3A_583 = arith.andi %parallel_loop3A_582, %parallel_loop3A_577 : i1
      %parallel_loop3A_584 = arith.addi %parallel_loop3A_575, %parallel_loop3A_574 : i32
      %parallel_loop3A_585 = arith.select %parallel_loop3A_583, %parallel_loop3A_584, %parallel_loop3A_575 : i32
      %parallel_loop3A_586 = vector.broadcast %parallel_loop3A_569 : i32 to vector<16xi32>
      %parallel_loop3A_587 = vector.broadcast %parallel_loop3A_585 : i32 to vector<16xi32>
      %parallel_loop3A_588 = arith.index_cast %parallel_loop3A_545 : i32 to index
      %parallel_loop3A_589 = arith.constant 0 : index
      %parallel_loop3A_590 = tpu.vector_load %arg6[%parallel_loop3A_588, %parallel_loop3A_589] {strides = array<i32>} : memref<256x64xf32, #tpu.memory_space<vmem>>, vector<16xf32>,
      %parallel_loop3A_591 = arith.constant 8.000000e+00 : f32
      %parallel_loop3A_592 = vector.broadcast %parallel_loop3A_591 : f32 to vector<16xf32>
      %parallel_loop3A_593 = arith.mulf %parallel_loop3A_590, %parallel_loop3A_592 : vector<16xf32>
      tpu.vector_store_idx %arg9[%add3A_28, %parallel_loop3A_586, %select_n3A_150, %parallel_loop3A_587], %parallel_loop3A_593 : memref<8x2x8x129xf32, #tpu.memory_space<vmem>>[vector<16xi32>, vector<16xi32>, vector<16xi32>, vector<16xi32>], vector<16xf32>,
      %parallel_loop3A_594 = arith.index_cast %parallel_loop3A_545 : i32 to index
      %parallel_loop3A_595 = arith.constant 16 : index
      %parallel_loop3A_596 = tpu.vector_load %arg6[%parallel_loop3A_594, %parallel_loop3A_595] {strides = array<i32>} : memref<256x64xf32, #tpu.memory_space<vmem>>, vector<16xf32>,
      %parallel_loop3A_597 = arith.constant 8.000000e+00 : f32
      %parallel_loop3A_598 = vector.broadcast %parallel_loop3A_597 : f32 to vector<16xf32>
      %parallel_loop3A_599 = arith.mulf %parallel_loop3A_596, %parallel_loop3A_598 : vector<16xf32>
      tpu.vector_store_idx %arg9[%add3A_62, %parallel_loop3A_586, %select_n3A_150, %parallel_loop3A_587], %parallel_loop3A_599 : memref<8x2x8x129xf32, #tpu.memory_space<vmem>>[vector<16xi32>, vector<16xi32>, vector<16xi32>, vector<16xi32>], vector<16xf32>,
      %parallel_loop3A_600 = arith.index_cast %parallel_loop3A_545 : i32 to index
      %parallel_loop3A_601 = arith.constant 32 : index
      %parallel_loop3A_602 = tpu.vector_load %arg6[%parallel_loop3A_600, %parallel_loop3A_601] {strides = array<i32>} : memref<256x64xf32, #tpu.memory_space<vmem>>, vector<16xf32>,
      %parallel_loop3A_603 = arith.constant 8.000000e+00 : f32
      %parallel_loop3A_604 = vector.broadcast %parallel_loop3A_603 : f32 to vector<16xf32>
      %parallel_loop3A_605 = arith.mulf %parallel_loop3A_602, %parallel_loop3A_604 : vector<16xf32>
      tpu.vector_store_idx %arg9[%add3A_96, %parallel_loop3A_586, %select_n3A_150, %parallel_loop3A_587], %parallel_loop3A_605 : memref<8x2x8x129xf32, #tpu.memory_space<vmem>>[vector<16xi32>, vector<16xi32>, vector<16xi32>, vector<16xi32>], vector<16xf32>,
      %parallel_loop3A_606 = arith.index_cast %parallel_loop3A_545 : i32 to index
      %parallel_loop3A_607 = arith.constant 48 : index
      %parallel_loop3A_608 = tpu.vector_load %arg6[%parallel_loop3A_606, %parallel_loop3A_607] {strides = array<i32>} : memref<256x64xf32, #tpu.memory_space<vmem>>, vector<16xf32>,
      %parallel_loop3A_609 = arith.constant 8.000000e+00 : f32
      %parallel_loop3A_610 = vector.broadcast %parallel_loop3A_609 : f32 to vector<16xf32>
      %parallel_loop3A_611 = arith.mulf %parallel_loop3A_608, %parallel_loop3A_610 : vector<16xf32>
      tpu.vector_store_idx %arg9[%add3A_130, %parallel_loop3A_586, %select_n3A_150, %parallel_loop3A_587], %parallel_loop3A_611 : memref<8x2x8x129xf32, #tpu.memory_space<vmem>>[vector<16xi32>, vector<16xi32>, vector<16xi32>, vector<16xi32>], vector<16xf32>,
    } {sc.loop_unroll_factor = 8 : i64, sc.parallel_access}
    %add3A_494 = arith.constant 25344 : i32
    %add3A_495 = arith.addi %mul3A_2, %add3A_494 : i32
    %div3A_496 = arith.constant 4096 : i32
    %div3A_497 = arith.divsi %add3A_495, %div3A_496 : i32
    %rem3A_498 = arith.constant 4096 : i32
    %rem3A_499 = arith.remsi %add3A_495, %rem3A_498 : i32
    %div3A_500 = arith.constant 128 : i32
    %div3A_501 = arith.divsi %rem3A_499, %div3A_500 : i32
    %dma_start3A_502 = arith.constant 0 : i32
    %dma_start3A_503 = arith.constant 0 : i32
    %dma_start3A_504 = arith.constant 0 : i32
    %dma_start3A_505 = arith.constant 0 : i32
    %dma_start3A_506 = tpu.memref_slice %arg9[%dma_start3A_502, %dma_start3A_503, %dma_start3A_504, %dma_start3A_505] : memref<8x2x8x129xf32, #tpu.memory_space<vmem>> -> memref<8x2x8x128xf32, #tpu.memory_space<vmem>>
    %dma_start3A_507 = arith.constant 0 : i32
    %dma_start3A_508 = arith.constant 0 : i32
    %dma_start3A_509 = arith.constant 0 : i32
    %dma_start3A_510 = tpu.memref_slice %arg4[%div3A_497, %dma_start3A_507, %div3A_501, %dma_start3A_508, %dma_start3A_509] : memref<200x8x32x8x128xf32, #tpu.memory_space<hbm>> -> memref<1x8x2x8x128xf32, #tpu.memory_space<hbm>>
    %dma_start3A_511 = tpu.memref_squeeze %dma_start3A_510 : memref<1x8x2x8x128xf32, #tpu.memory_space<hbm>> -> memref<8x2x8x128xf32, #tpu.memory_space<hbm>>
    %dma_start3A_512 = arith.constant 0 : i32
    %dma_start3A_513 = arith.constant 0 : i32
    %dma_start3A_514 = arith.constant 0 : i32
    %dma_start3A_515 = tpu.memref_slice %arg4[%div3A_497, %dma_start3A_512, %div3A_501, %dma_start3A_513, %dma_start3A_514] : memref<200x8x32x8x128xf32, #tpu.memory_space<hbm>> -> memref<1x8x2x8x128xf32, #tpu.memory_space<hbm>>
    %dma_start3A_516 = tpu.memref_squeeze %dma_start3A_515 : memref<1x8x2x8x128xf32, #tpu.memory_space<hbm>> -> memref<8x2x8x128xf32, #tpu.memory_space<hbm>>
    %dma_start3A_517 = arith.constant 0 : i32
    %dma_start3A_518 = arith.constant 0 : i32
    %dma_start3A_519 = arith.constant 0 : i32
    %dma_start3A_520 = arith.constant 0 : i32
    %dma_start3A_521 = tpu.memref_slice %arg9[%dma_start3A_517, %dma_start3A_518, %dma_start3A_519, %dma_start3A_520] : memref<8x2x8x129xf32, #tpu.memory_space<vmem>> -> memref<8x2x8x128xf32, #tpu.memory_space<vmem>>
    tpu.enqueue_dma source(%dma_start3A_521 : memref<8x2x8x128xf32, #tpu.memory_space<vmem>>) target(%dma_start3A_516 : memref<8x2x8x128xf32, #tpu.memory_space<hbm>>) target_semaphore(%arg15 : memref<!tpu.dma_semaphore, #tpu.memory_space<semaphore_mem>>)
    %dma_wait3A_522 = arith.constant 0 : i32
    %dma_wait3A_523 = arith.constant 0 : i32
    %dma_wait3A_524 = arith.constant 0 : i32
    %dma_wait3A_525 = arith.constant 0 : i32
    %dma_wait3A_526 = arith.constant 0 : i32
    %dma_wait3A_527 = tpu.memref_slice %arg9[%dma_wait3A_523, %dma_wait3A_524, %dma_wait3A_525, %dma_wait3A_526] : memref<8x2x8x129xf32, #tpu.memory_space<vmem>> -> memref<8x2x8x128xf32, #tpu.memory_space<vmem>>
    %dma_wait3A_528 = arith.constant 0 : i32
    %dma_wait3A_529 = arith.constant 0 : i32
    %dma_wait3A_530 = arith.constant 0 : i32
    %dma_wait3A_531 = arith.constant 0 : i32
    %dma_wait3A_532 = tpu.memref_slice %arg4[%dma_wait3A_522, %dma_wait3A_528, %dma_wait3A_529, %dma_wait3A_530, %dma_wait3A_531] : memref<200x8x32x8x128xf32, #tpu.memory_space<hbm>> -> memref<1x8x2x8x128xf32, #tpu.memory_space<hbm>>
    %dma_wait3A_533 = tpu.memref_squeeze %dma_wait3A_532 : memref<1x8x2x8x128xf32, #tpu.memory_space<hbm>> -> memref<8x2x8x128xf32, #tpu.memory_space<hbm>>
    %dma_wait3A_534 = arith.constant 0 : i32
    %dma_wait3A_535 = arith.constant 0 : i32
    %dma_wait3A_536 = arith.constant 0 : i32
    %dma_wait3A_537 = arith.constant 0 : i32
    %dma_wait3A_538 = tpu.memref_slice %arg4[%dma_wait3A_522, %dma_wait3A_534, %dma_wait3A_535, %dma_wait3A_536, %dma_wait3A_537] : memref<200x8x32x8x128xf32, #tpu.memory_space<hbm>> -> memref<1x8x2x8x128xf32, #tpu.memory_space<hbm>>
    %dma_wait3A_539 = tpu.memref_squeeze %dma_wait3A_538 : memref<1x8x2x8x128xf32, #tpu.memory_space<hbm>> -> memref<8x2x8x128xf32, #tpu.memory_space<hbm>>
    %dma_wait3A_540 = arith.constant 0 : i32
    %dma_wait3A_541 = arith.constant 0 : i32
    %dma_wait3A_542 = arith.constant 0 : i32
    %dma_wait3A_543 = arith.constant 0 : i32
    %dma_wait3A_544 = tpu.memref_slice %arg9[%dma_wait3A_540, %dma_wait3A_541, %dma_wait3A_542, %dma_wait3A_543] : memref<8x2x8x129xf32, #tpu.memory_space<vmem>> -> memref<8x2x8x128xf32, #tpu.memory_space<vmem>>
    tpu.wait_dma2 semaphore(%arg15 : memref<!tpu.dma_semaphore, #tpu.memory_space<semaphore_mem>>) src(%dma_wait3A_544 : memref<8x2x8x128xf32, #tpu.memory_space<vmem>>) dst(%dma_wait3A_539 : memref<8x2x8x128xf32, #tpu.memory_space<hbm>>)
    return
  }
}

</mosaic_0001>

<sc_bundles>
// kernel: kernel.3.cloned.1.call-start
scs
__scs_entry_jumppad:
0x0: {  	(pc) =	sbr.rel $0x88, $3  }
0x1: {  	(tag) =	ssettag $0x0;
	lr =	simm.s32 $0x1  }
0x2: {  	[smem:$0x3F9F] =	sst lr;
	_ =	strace $0xD0000000  }
0x3: {  	_ = 	snop  }
0x4: {  	_ = 	snop  }
0x5: {  	_ = 	snop  }
0x6: {  	_ = 	snop  }
0x7: {  	_ = 	snop  }
__scs_overlays_trampoline_lowered:
0x8: {  	[smem:$0x3FAE] =	sst s0  }
0x9: {  	[smem:$0x3FAF] =	sst s1  }
0xa: {  	[smem:$0x3FB0] =	sst s2  }
0xb: {  	[smem:$0x3FB1] =	sst s3  }
0xc: {  	[smem:$0x3FB2] =	sst s4  }
0xd: {  	[smem:$0x3FB3] =	sst s5  }
0xe: {  	[smem:$0x3FB4] =	sst s6  }
0xf: {  	[smem:$0x3FB5] =	sst s7  }
0x10: {  	[smem:$0x3FB6] =	sst s8  }
0x11: {  	[smem:$0x3FB7] =	sst s9;
	s0 =	simm.s32 @!p0 $0x0  }
0x12: {  	s1 =	sld [smem:$0x3F9D];
	s0 =	simm.s32 @p0 $0x1  }
0x13: {  	[smem:$0x3FB8] =	sst s0;
	s0 =	simm.s32 @!p1 $0x0  }
0x14: {  	s2 =	sld [smem:$0x3F9C];
	s0 =	simm.s32 @p1 $0x1  }
0x15: {  	[smem:$0x3FB9] =	sst s0;
	s0 =	simm.s32 @!p2 $0x0  }
0x16: {  	s3 =	sld [smem:$0x3FDB];
	s0 =	simm.s32 @p2 $0x1  }
0x17: {  	s4 =	simm.s32 $0x1BF5;
	[smem:$0x3FBB] =	sst s0  }
0x18: {  	s0 =	sld [smem:$0x3F9E];
	_ =	swait.ge [sflag:s4], $0x0  }
0x19: {  	s7 =	sld [smem:$0x3F9F]  }
0x1a: {  	s8 =	sadd.s32 $0xFFFFE003, lr  }
0x1b: {  	s9 =	sadd.s32 $0xFFFFFEF7, lr;
	s5 =	simm.s32 $0xFFFFFFFF;
	p2 =	slt.u32 s8, $0xFFFFF086  }
0x1c: {  	p1 =	slt.u32 s9, $0xF7A;
	s5 =	simm.s32 @!p2 $0x0  }
0x1d: {  	s5 =	simm.s32 @p1 $0x1;
	p0 =	seq.s32 s7, s2  }
0x1e: {  	s7 =	smul.u32 @!p0 $0xF7A, s2;
	p2 =	seq.s32 @!p0 s5, $0x0  }
0x1f: {  	s9 =	smul.u32 $0xF7A, s1;
	s8 =	simm.s32 @!p0 $0x1BF5;
	p2 =	por !p2, p0  }
0x20: {  	[sflag:s8] =	ssyncset.s32 @!p0 $0xFFFFF086;
	s6 =	sadd.s32 @!p0 s3, s7;
	s7 =	simm.s32 @!p0 $0x108  }
0x21: {  	s3 =	sadd.s32 s3, s9;
	s6 =	sadd.s32 @!p0 $0x88, s6;
	s7 =	simm.s32 @p2 $0x1082  }
0x22: {  	[simem:s7], [sflag:s8] =	dma.local @!p0 [hbm:s6], $0xF7A  }
0x23: {  	s9 =	sor.u32 $0xD0000000, s2;
	s6 =	simm.s32 $0x108;
	_ =	swait.ge @!p0 [sflag:s8], $0x0  }
0x24: {  	s3 =	sadd.s32 $0x88, s3;
	s6 =	simm.s32 @!p1 $0x1082;
	[sflag:s4] =	ssyncset.s32 $0xFFFFF086  }
0x25: {  	[simem:s6], [sflag:s4] =	dma.local [hbm:s3], $0xF7A  }
0x26: {  	[smem:$0x3F9F] =	sst s1;
	(tag) =	ssettag s2;
	_ =	strace s9  }
0x27: {  	s1 =	sld [smem:$0x3FAF]  }
0x28: {  	s2 =	sld [smem:$0x3FB0]  }
0x29: {  	s4 =	sld [smem:$0x3FB2]  }
0x2a: {  	p0 =	seq.s32 s5, $0x0;
	s5 =	sld [smem:$0x3FB3]  }
0x2b: {  	s6 =	sld [smem:$0x3FB4]  }
0x2c: {  	s7 =	sld [smem:$0x3FB5]  }
0x2d: {  	s3 =	simm.s32 $0x108;
	s8 =	sld [smem:$0x3FB6]  }
0x2e: {  	s3 =	simm.s32 @!p0 $0x1082;
	s9 =	sld [smem:$0x3FB7]  }
0x2f: {  	lr =	sadd.s32 s0, s3;
	s0 =	sld [smem:$0x3FAE]  }
0x30: {  	s3 =	sld [smem:$0x3FB1]  }
0x31: {  	[smem:$0x3FBA] =	sst s10  }
0x32: {  	s10 =	sld [smem:$0x3FB8];
	_ =	sdelay $0x3  }
0x33: {  	p0 =	seq.s32 s10, $0x1;
	s10 =	sld [smem:$0x3FBA];
	_ =	sdelay $0x3  }
0x34: {  	[smem:$0x3FBA] =	sst s10  }
0x35: {  	s10 =	sld [smem:$0x3FB9];
	_ =	sdelay $0x3  }
0x36: {  	p1 =	seq.s32 s10, $0x1;
	s10 =	sld [smem:$0x3FBA];
	_ =	sdelay $0x3  }
0x37: {  	[smem:$0x3FBA] =	sst s10  }
0x38: {  	s10 =	sld [smem:$0x3FBB]  }
0x39: {  	_ = 	snop;
	(pc) =	sbr.ind lr, $3  }
0x3a: {  	_ = 	snop  }
0x3b: {  	_ = 	snop  }
0x3c: {  	p2 =	seq.s32 s10, $0x1;
	s10 =	sld [smem:$0x3FBA]  }
0x3d: {  	_ =	shalt  }
0x3e: {  	_ =	shalt  }
0x3f: {  	_ =	shalt  }
0x40: {  	_ =	shalt  }
0x41: {  	_ =	shalt  }
0x42: {  	_ =	shalt  }
0x43: {  	_ =	shalt  }
0x44: {  	_ =	shalt  }
0x45: {  	_ =	shalt  }
0x46: {  	_ =	shalt  }
0x47: {  	_ =	shalt  }
0x48: {  	_ =	shalt  }
0x49: {  	_ =	shalt  }
0x4a: {  	_ =	shalt  }
0x4b: {  	_ =	shalt  }
0x4c: {  	_ =	shalt  }
0x4d: {  	_ =	shalt  }
0x4e: {  	_ =	shalt  }
0x4f: {  	_ =	shalt  }
0x50: {  	_ =	shalt  }
0x51: {  	_ =	shalt  }
0x52: {  	_ =	shalt  }
0x53: {  	_ =	shalt  }
0x54: {  	_ =	shalt  }
0x55: {  	_ =	shalt  }
0x56: {  	_ =	shalt  }
0x57: {  	_ =	shalt  }
0x58: {  	_ =	shalt  }
0x59: {  	_ =	shalt  }
0x5a: {  	_ =	shalt  }
0x5b: {  	_ =	shalt  }
0x5c: {  	_ =	shalt  }
0x5d: {  	_ =	shalt  }
0x5e: {  	_ =	shalt  }
0x5f: {  	_ =	shalt  }
0x60: {  	_ =	shalt  }
0x61: {  	_ =	shalt  }
0x62: {  	_ =	shalt  }
0x63: {  	_ =	shalt  }
0x64: {  	_ =	shalt  }
0x65: {  	_ =	shalt  }
0x66: {  	_ =	shalt  }
0x67: {  	_ =	shalt  }
0x68: {  	_ =	shalt  }
0x69: {  	_ =	shalt  }
0x6a: {  	_ =	shalt  }
0x6b: {  	_ =	shalt  }
0x6c: {  	_ =	shalt  }
0x6d: {  	_ =	shalt  }
0x6e: {  	_ =	shalt  }
0x6f: {  	_ =	shalt  }
0x70: {  	_ =	shalt  }
0x71: {  	_ =	shalt  }
0x72: {  	_ =	shalt  }
0x73: {  	_ =	shalt  }
0x74: {  	_ =	shalt  }
0x75: {  	_ =	shalt  }
0x76: {  	_ =	shalt  }
0x77: {  	_ =	shalt  }
0x78: {  	_ =	shalt  }
0x79: {  	_ =	shalt  }
0x7a: {  	_ =	shalt  }
0x7b: {  	_ =	shalt  }
0x7c: {  	_ =	shalt  }
0x7d: {  	_ =	shalt  }
0x7e: {  	_ =	shalt  }
0x7f: {  	_ =	shalt  }
0x80: {  	_ =	shalt  }
0x81: {  	_ =	shalt  }
0x82: {  	_ =	shalt  }
0x83: {  	_ =	shalt  }
0x84: {  	_ =	shalt  }
0x85: {  	_ =	shalt  }
0x86: {  	_ =	shalt  }
0x87: {  	_ =	shalt  }
.Lfunc_end0:
.L_simem_size_0:
called_computation_lowered:
.L_overlay_start_0:
0x88: {  	s2 =	sld [smem:$0x3FD9]  }
0x89: {  	s3 =	sld [smem:$0x3FFE];
	_ =	sdelay $0x1  }
0x8a: {  	s1 =	srdreg.scid  }
0x8b: {  	s0 =	sand.u32 $0x1, s1  }
0x8c: {  	s17 =	sshll.u32 s0, $0xA;
	s2 =	sadd.s32 s3, s2  }
0x8d: {  	s2 =	sadd.s32 s2, s17  }
0x8e: {  	[smem:$0x3FC6] =	sst s2  }
0x8f: {  	_ = 	snop  }
0x90: {  	s2 =	sld [smem:$0x3FD0];
	(tm) =	ssettm $0x1  }
0x91: {  	s18 =	sld [smem:$0x3FFB];
	_ =	sdelay $0x3  }
0x92: {  	_ =	strace s18  }
0x93: {  	s3 =	sld [smem:$0x3FFC];
	_ =	sdelay $0x3  }
0x94: {  	_ =	strace s3  }
0x95: {  	s3 =	sld [smem:$0x3FFD];
	_ =	sdelay $0x3  }
0x96: {  	_ =	strace s3  }
0x97: {  	_ =	strace $0x8FFFFFFF  }
0x98: {  	s19 =	sld [smem:$0x3FDB];
	_ =	sdelay $0x1  }
0x99: {  	s4 =	simm.s32 $_scs_section_size  }
0x9a: {  	s5 =	simm.s32 $_size__tile_overlayer_lowered;
	s6 =	simm.s32 $_tile_overlayer_lowered  }
0x9b: {  	s22 =	simm.s32 $0x1BFF;
	s21 =	sshll.u32 s6, $0x1;
	s3 =	sadd.s32 s4, s19  }
0x9c: {  	s7 =	simm.s32 $0x0;
	s20 =	sshll.u32 s5, $0x1;
	s5 =	sadd.s32 s21, s3  }
0x9d: {  	[timem:s7], [sflag:s22] =	dma.local [hbm:s5], s20  }
0x9e: {  	_ =	swait.ge [sflag:s22], s20  }
0x9f: {  	s4 =	ssub.s32 $0x0, s20;
	[sflag:s22] =	ssyncset.done $0x0  }
0xa0: {  	[sflag:s22] =	ssyncadd.s32 s4;
	_ =	sdelay $0x1  }
0xa1: {  	s23 =	simm.s32 $0x1B8B  }
0xa2: {  	_ =	swait.ge [sflag:s23], $0x1  }
0xa3: {  	[sflag:s23] =	ssyncset.done $0x0  }
0xa4: {  	s25 =	simm.s32 $0x1B8E;
	s24 =	sld [smem:$0x3FFE];
	[sflag:s23] =	ssyncadd.s32 $0xFFFFFFFF  }
0xa5: {  	s26 =	simm.s32 $execute0_lowered;
	[smem:$0x3FD2] =	sst s25  }
0xa6: {  	s5 =	sshll.u32 s26, $0x1;
	_ =	strace $0x80000046;
	[dreg:$0x1] =	wrdreg $0xFFFFFFFF  }
0xa7: {  	s28 =	simm.s32 $_size_execute0_lowered;
	s3 =	sadd.s32 s3, s5;
	[dreg:$0x0] =	wrdreg $0x0  }
0xa8: {  	s5 =	sshll.u32 s28, $0x1;
	[dreg:$0x2] =	wrdreg s3  }
0xa9: {  	[dreg:$0x3] =	wrdreg s5  }
0xaa: {  	[dreg:$0x4] =	wrdreg $0xC0  }
0xab: {  	_ =	task [dreg:s7], $0x5FFFF  }
0xac: {  	[dreg:$0x1] =	wrdreg $0xFFFFFFFF  }
0xad: {  	[dreg:$0x0] =	wrdreg $0x60  }
0xae: {  	[dreg:$0x2] =	wrdreg s24  }
0xaf: {  	[dreg:$0x3] =	wrdreg s2  }
0xb0: {  	[dreg:$0x4] =	wrdreg $0x9  }
0xb1: {  	_ =	task.clear_ibuf [dreg:s7], $0x5FFFF;
	_ =	strace $0x90000046  }
0xb2: {  	s29 =	simm.s32 $0x9;
	_ =	strace $0x80000048  }
0xb3: {  	_ =	swait.ge [sflag:s29], $0x1  }
0xb4: {  	[sflag:s29] =	ssyncadd.s32 $0xFFFFFFFF  }
0xb5: {  	_ =	strace $0x90000048  }
0xb6: {  	_ =	sfence  }
0xb7: {  	s30 =	sld [smem:$0x0];
	_ =	sdelay $0x2  }
0xb8: {  	s31 =	sshll.u32 s1, $0xD;
	s1 =	sshrl.u32 s1, $0x2  }
0xb9: {  	s3 =	sand.u32 $0x4000, s31;
	s1 =	sadd.s32 s1, s30  }
0xba: {  	s0 =	sor.u32 s3, s0;
	s1 =	sshll.u32 s1, $0x11  }
0xbb: {  	s0 =	sor.u32 s1, s0  }
0xbc: {  	s0 =	sadd.s32 $0x8F2B, s0  }
0xbd: {  	[sflag:s0] =	ssyncadd.remote.s32 $0x1  }
0xbe: {  	_ =	sfence.sel $0xFFFF  }
0xbf: {  	[dreg:$0x0] =	wrdreg $0xFFFFFFFF;
	(pc) =	sbr.abs _section_cstart, $3  }
0xc0: {  	[dreg:$0x1] =	wrdreg $0xFFFFFFFF  }
0xc1: {  	_ =	task.clear_ibuf [dreg:s7], $0x2FFFF;
	_ =	strace $0x9FFFFFFF  }
0xc2: {  	(tm) =	ssettm $0x7FFFFFFF  }
0xc3: {  	_ =	shalt  }
tec
execute0_lowered:
.L_overlay_start_1:
0x0: {  	(tag) =	ssettag $0x1  }
0x1: {  	v0 =	vimm.s32 $0xC38;
	vm14 =	vcmask $0x300;
	vm13 =	vcmask $0x704  }
0x2: {  	vm12 =	vcmask $0xB08;
	vm11 =	vcmask $0xF0C;
	vm10 =	vcmask $0x1310  }
0x3: {  	vm9 =	vcmask $0x1714;
	vm8 =	vcmask $0x1B18;
	vm7 =	vcmask $0x1F1C  }
0x4: {  	vm6 =	vcmask $0x2320;
	vm4 =	vcmask $0x2724;
	vm3 =	vcmask $0x2B28  }
0x5: {  	vm5 =	vcmask $0x2F2C;
	vm2 =	vcmask $0x3330;
	vm1 =	vcmask $0x3734  }
0x6: {  	vm0 =	vcmask $0x3B38;
	v1 =	vimm.s32 $0x0;
	v2 =	vimm.s32 $0x1D38  }
0x7: {  	s0 =	rddreg [dreg:$0x0];
	s1 =	srdreg.scid;
	v3 =	vimm.s32 $0x2E38;
	v4 =	vimm.s32 $0x3F38;
	v0 =	vsel vm14, $0x0, v0  }
0x8: {  	s3 =	stileid.u32;
	s2 =	rddreg [dreg:$0x1];
	s15 =	simm.s32 $0x80;
	v1 =	vsel vm14, $0x3, v1;
	v2 =	vsel vm14, $0x1100, v2;
	v3 =	vsel vm14, $0x2200, v3  }
0x9: {  	s17 =	simm.s32 $0x8400;
	s28 =	simm.s32 $0x12400;
	s29 =	simm.s32 $0x2;
	v4 =	vsel vm14, $0x3300, v4;
	v0 =	vsel vm13, $0x88, v0;
	v2 =	vsel vm13, $0x1188, v2  }
0xa: {  	s30 =	simm.s32 $0x4;
	s1 =	sand.u32 $0x1, s1;
	s4 =	sshll.u32 s3, $0x1;
	v3 =	vsel vm13, $0x2288, v3;
	v4 =	vsel vm13, $0x3388, v4;
	v0 =	vsel vm12, $0x110, v0  }
0xb: {  	s31 =	simm.s32 $0x16800;
	s18 =	simm.s32 $0x1AC00;
	s6 =	sor.u32 s1, s4;
	v2 =	vsel vm12, $0x1210, v2;
	v3 =	vsel vm12, $0x2310, v3;
	v4 =	vsel vm12, $0x3410, v4  }
0xc: {  	s3 =	simm.s32 $0x0;
	s1 =	ssub.s32 $0x2, s1;
	s4 =	smul.u32 $0x6400, s6;
	v0 =	vsel vm11, $0x198, v0;
	v2 =	vsel vm11, $0x1298, v2;
	v3 =	vsel vm11, $0x2398, v3  }
0xd: {  	[smem:$0x7FF] =	sst s3;
	s19 =	sshrl.u32 s1, $0x1;
	s6 =	smul.u32 $0x32000, s6;
	v4 =	vsel vm11, $0x3498, v4;
	v0 =	vsel vm10, $0x220, v0;
	v2 =	vsel vm10, $0x1320, v2  }
0xe: {  	s5 =	sadd.s32 $0x19400, s0;
	_ =	strace $0x80000047;
	s1 =	ssub.s32 s1, s19;
	v3 =	vsel vm10, $0x2420, v3;
	v4 =	vsel vm10, $0x3520, v4;
	v0 =	vsel vm9, $0x2A8, v0  }
0xf: {  	s7 =	sshrl.u32 s4, $0x3;
	s20 =	sand.u32 $0xC00, s4;
	s6 =	sand.u32 $0x7F8000, s6;
	v2 =	vsel vm9, $0x13A8, v2;
	v3 =	vsel vm9, $0x24A8, v3;
	v4 =	vsel vm9, $0x35A8, v4  }
0x10: {  	s8 =	sadd.s32 $0x6100, s4;
	s9 =	sor.u32 $0x200, s4;
	s23 =	sadd.s32 $0x6200, s4;
	v0 =	vsel vm8, $0x330, v0;
	v2 =	vsel vm8, $0x1430, v2;
	v3 =	vsel vm8, $0x2530, v3  }
0x11: {  	s11 =	sadd.s32 $0x6300, s4;
	s26 =	smax.u32 s1, $0x1;
	s1 =	simm.s32 $0x3;
	v4 =	vsel vm8, $0x3630, v4;
	v0 =	vsel vm7, $0x3B8, v0;
	v2 =	vsel vm7, $0x14B8, v2  }
0x12: {  	s0 =	sadd.s32 s7, s0;
	s21 =	sand.u32 $0xD00, s8;
	s22 =	sshll.u32 s8, $0x3;
	v3 =	vsel vm7, $0x25B8, v3;
	v4 =	vsel vm7, $0x36B8, v4;
	v0 =	vsel vm6, $0x880, v0  }
0x13: {  	s8 =	sor.u32 $0x100, s4;
	s24 =	sand.u32 $0xE00, s23;
	s0 =	sadd.s32 $0x400, s0;
	v2 =	vsel vm6, $0x1980, v2;
	v3 =	vsel vm6, $0x2A80, v3;
	v4 =	vsel vm6, $0x3B80, v4  }
0x14: {  	s12 =	sand.u32 $0xF00, s11;
	[dreg:$0x3] =	wrdreg s0;
	s0 =	sadd.s32 s2, s20;
	v0 =	vsel vm4, $0x908, v0;
	v2 =	vsel vm4, $0x1A08, v2;
	v3 =	vsel vm4, $0x2B08, v3  }
0x15: {  	s11 =	sshll.u32 s11, $0x3;
	[dreg:$0x8] =	wrdreg s26;
	s0 =	sadd.s32 s6, s0;
	v4 =	vsel vm4, $0x3C08, v4;
	v0 =	vsel vm3, $0x990, v0;
	v2 =	vsel vm3, $0x1A90, v2  }
0x16: {  	s6 =	sand.u32 $0xFF8000, s22;
	[dreg:$0x4] =	wrdreg s0;
	s0 =	sadd.s32 s2, s21;
	v3 =	vsel vm3, $0x2B90, v3;
	v4 =	vsel vm3, $0x3C90, v4;
	v0 =	vsel vm5, $0xA18, v0  }
0x17: {  	s26 =	simm.s32 $0x1;
	s13 =	sand.u32 $0xFF8000, s11;
	s0 =	sadd.s32 s6, s0;
	v2 =	vsel vm5, $0x1B18, v2;
	v3 =	vsel vm5, $0x2C18, v3;
	v4 =	vsel vm5, $0x3D18, v4  }
0x18: {  	s12 =	sadd.s32 s2, s12;
	[dreg:$0x5] =	wrdreg s0;
	s0 =	sshll.u32 s23, $0x3;
	v0 =	vsel vm2, $0xAA0, v0;
	v2 =	vsel vm2, $0x1BA0, v2;
	v3 =	vsel vm2, $0x2CA0, v3  }
0x19: {  	s25 =	sadd.s32 s13, s12;
	s6 =	sadd.s32 s2, s24;
	s0 =	sand.u32 $0xFF8000, s0;
	v4 =	vsel vm2, $0x3DA0, v4;
	v0 =	vsel vm1, $0xB28, v0;
	v2 =	vsel vm1, $0x1C28, v2  }
0x1a: {  	s7 =	simm.s32 $0x0;
	[dreg:$0x7] =	wrdreg s25;
	s0 =	sadd.s32 s0, s6;
	v3 =	vsel vm1, $0x2D28, v3;
	v4 =	vsel vm1, $0x3E28, v4;
	v0 =	vsel vm0, $0xBB0, v0  }
0x1b: {  	s20 =	simm.s32 $0x6;
	[dreg:$0x6] =	wrdreg s0;
	s0 =	simm.s32 $0x5;
	v2 =	vsel vm0, $0x1CB0, v2;
	v3 =	vsel vm0, $0x2DB0, v3;
	v4 =	vsel vm0, $0x3EB0, v4  }
.LBB2_1:
0x1c: {  	[dreg:$0x9] =	wrdreg s7  }
0x1d: {  	s6 =	rddreg [dreg:$0x3];
	s12 =	simm.s32 $0x7  }
0x1e: {  	[tilespmem:s3], [sflag:$0x7] =	stream.linear.gather [hbm4b:s6+s3], $0x6400, $0x38;
	[tilespmem:$0x1F000] =	vst v63  }
0x1f: {  	_ =	swait.ge [sflag:s12], $0x6400  }
0x20: {  	[sflag:s12] =	ssyncset.done $0x0  }
0x21: {  	s13 =	simm.s32 $0x6400;
	s14 =	simm.s32 $0x100;
	[sflag:s12] =	ssyncadd.s32 $0xFFFF9C00  }
0x22: {  	[tilespmem:s13], [sflag:$0x1] =	stream.indirect.gather [hbm4b:s5+s15], $0x40, s3, s15, $0xb8;
	[tilespmem:$0x1F000] =	vst v63  }
0x23: {  	s16 =	simm.s32 $0xA400;
	s19 =	simm.s32 $0x180;
	s21 =	simm.s32 $0xC400  }
0x24: {  	[tilespmem:s17], [sflag:$0x1] =	stream.indirect.gather [hbm4b:s5+s15], $0x40, s15, s15, $0xb8;
	[tilespmem:$0x1F000] =	vst v63  }
0x25: {  	s22 =	simm.s32 $0x200;
	s23 =	simm.s32 $0xE400;
	s24 =	simm.s32 $0x280  }
0x26: {  	[tilespmem:s16], [sflag:$0x2] =	stream.indirect.gather [hbm4b:s5+s15], $0x40, s14, s15, $0xb8;
	[tilespmem:$0x1F000] =	vst v63  }
0x27: {  	s7 =	simm.s32 $0x1;
	s11 =	simm.s32 $0x7;
	s13 =	simm.s32 $0x0  }
0x28: {  	[tilespmem:s21], [sflag:$0x2] =	stream.indirect.gather [hbm4b:s5+s15], $0x40, s19, s15, $0xb8;
	[tilespmem:$0x1F000] =	vst v63  }
0x29: {  	s12 =	sand.u32 $0x78, s11;
	s10 =	sand.u32 $0x78, s13;
	s14 =	simm.s32 $0x0  }
0x2a: {  	v9 =	vmov s12;
	v7 =	vmov s10;
	[tilespmem:s23], [sflag:$0x3] =	stream.indirect.gather [hbm4b:s5+s15], $0x40, s22, s15, $0xb8;
	[tilespmem:$0x1F000] =	vst v63  }
0x2b: {  	s25 =	simm.s32 $0x10400;
	v9 =	vshrl.u32 v9, $0x3;
	v7 =	vshrl.u32 v7, $0x3;
	v5 =	vmov s14;
	s19 =	sand.u32 $0x78, s7;
	s21 =	simm.s32 $0x6  }
0x2c: {  	v9 =	vshll.u32 v9, v1;
	v7 =	vshll.u32 v7, v1;
	v5 =	vmul.u32 $0x440, v5;
	[tilespmem:s25], [sflag:$0x3] =	stream.indirect.gather [hbm4b:s5+s15], $0x40, s24, s15, $0xb8;
	[tilespmem:$0x1F000] =	vst v63  }
0x2d: {  	v9 =	vbroadcast v9, $0x0;
	v7 =	vbroadcast v7, $0x0;
	v6 =	vmov s19;
	s16 =	sand.u32 $0x78, s21;
	s19 =	simm.s32 $0x2;
	_ =	swait.ge [sflag:s26], $0x2000  }
0x2e: {  	s21 =	simm.s32 $0x4;
	v6 =	vshrl.u32 v6, $0x3;
	v5 =	vbroadcast v5, $0x0;
	v11 =	vmov s16;
	s14 =	sand.u32 $0x78, s19;
	[sflag:s26] =	ssyncset.done $0x0  }
0x2f: {  	s23 =	sand.u32 $0x78, s21;
	v6 =	vshll.u32 v6, v1;
	v11 =	vshrl.u32 v11, $0x3;
	v16 =	vmov s14;
	[sflag:s26] =	ssyncadd.s32 $0xFFFFE000  }
0x30: {  	v19 =	vmov s23;
	v12 =	vbroadcast v6, $0x0;
	v10 =	vadd.s32 v4, v5;
	_ =	swait.ge [sflag:s26], $0x2000  }
0x31: {  	s22 =	simm.s32 $0x5;
	v13 =	vadd.s32 v0, v5;
	v19 =	vshrl.u32 v19, $0x3;
	v21 =	vadd.s32 v2, v5;
	[sflag:s26] =	ssyncset.done $0x0  }
0x32: {  	s6 =	simm.s32 $0x6500;
	s24 =	sand.u32 $0x78, s22;
	v22 =	vadd.s32 v3, v5;
	v16 =	vshrl.u32 v16, $0x3;
	v11 =	vshll.u32 v11, v1;
	[sflag:s26] =	ssyncadd.s32 $0xFFFFE000  }
0x33: {  	v18 =	vadd.s32 v13, v9;
	v20 =	vmov s24;
	v19 =	vshll.u32 v19, v1;
	v8 =	vld [tilespmem:s6+$0x0]  }
0x34: {  	v24 =	vadd.s32 v21, v9;
	v16 =	vshll.u32 v16, v1;
	v30 =	vbroadcast v11, $0x0  }
0x35: {  	v14 =	vadd.s32 v13, v12;
	v18 =	vor.u32 $0x7, v18;
	v20 =	vshrl.u32 v20, $0x3  }
0x36: {  	v19 =	vbroadcast v19, $0x0;
	v27 =	vbroadcast v16, $0x0;
	v24 =	vor.u32 $0x7, v24;
	v6 =	vld [tilespmem:s6+$0xFFFFFF40]  }
0x37: {  	v20 =	vshll.u32 v20, v1;
	v32 =	vadd.s32 v13, v30;
	v59 =	vadd.s32 v22, v30;
	v15 =	vld [tilespmem:s6+$0xC0]  }
0x38: {  	v61 =	vadd.s32 v21, v30;
	v17 =	vmul.f32 $8.000000000e+00, v8;
	v8 =	vor.u32 $0x1, v14  }
0x39: {  	v25 =	vadd.s32 v13, v19;
	v26 =	vadd.s32 v21, v19;
	v28 =	vadd.s32 v21, v27  }
0x3a: {  	s25 =	simm.s32 $0x3;
	v11 =	vadd.s32 v22, v27;
	v20 =	vbroadcast v20, $0x0;
	v31 =	vadd.s32 v13, v27;
	v16 =	vld [tilespmem:s6+$0x80]  }
0x3b: {  	s14 =	sand.u32 $0x78, s25;
	v32 =	vor.u32 $0x6, v32;
	v40 =	vadd.s32 v22, v19;
	v23 =	vld [tilespmem:s6+$0x40];
	v6 =	vmul.f32 $8.000000000e+00, v6  }
0x3c: {  	v27 =	vadd.s32 v10, v27;
	v29 =	vld [tilespmem:s6+$0xFFFFFF80];
	v5 =	vmul.f32 $8.000000000e+00, v15;
	v15 =	vmov s14  }
0x3d: {  	v35 =	vadd.s32 v13, v20;
	v34 =	vld [tilespmem:s6+$0xFFFFFFC0];
	[tilespmem:v8+s28+$0x0] =	vst.idx.msk $0xffff, v6;
	v6 =	vshrl.u32 v15, $0x3;
	v15 =	vor.u32 $0x4, v25  }
0x3e: {  	v31 =	vor.u32 $0x2, v31;
	v39 =	vor.u32 $0x4, v26;
	[tilespmem:v18+s28+$0x0] =	vst.idx.msk $0xffff, v5;
	v5 =	vor.u32 $0x5, v35;
	v8 =	vld [tilespmem:s6+$0xFFFFFF50]  }
0x3f: {  	v62 =	vor.u32 $0x2, v28;
	v42 =	vadd.s32 v10, v20;
	v36 =	vmul.f32 $8.000000000e+00, v16  }
0x40: {  	v14 =	vadd.s32 v10, v12;
	v37 =	vld [tilespmem:s6+$0xD0];
	v25 =	vadd.s32 v21, v12;
	v6 =	vshll.u32 v6, v1  }
0x41: {  	v23 =	vmul.f32 $8.000000000e+00, v23;
	[tilespmem:v32+s28+$0x0] =	vst.idx.msk $0xffff, v36;
	v25 =	vor.u32 $0x1, v25;
	v18 =	vbroadcast v6, $0x0  }
0x42: {  	v38 =	vld [tilespmem:s6+$0xFFFFFF00];
	v26 =	vmul.f32 $8.000000000e+00, v34;
	[tilespmem:v15+s28+$0x0] =	vst.idx.msk $0xffff, v17;
	v15 =	vadd.s32 v21, v20;
	v17 =	vmul.f32 $8.000000000e+00, v29  }
0x43: {  	v36 =	vld [tilespmem:s6+$0x90];
	[tilespmem:v5+s28+$0x0] =	vst.idx.msk $0xffff, v23;
	v29 =	vadd.s32 v13, v18;
	v13 =	vadd.s32 v7, v13;
	v33 =	vmul.f32 $8.000000000e+00, v8  }
0x44: {  	v23 =	vld [tilespmem:s6+$0x50];
	v8 =	vor.u32 $0x2, v11;
	v11 =	vadd.s32 v22, v20;
	v29 =	vor.u32 $0x3, v29  }
0x45: {  	v20 =	vadd.s32 v7, v21;
	[tilespmem:v31+s28+$0x0] =	vst.idx.msk $0xffff, v17;
	v31 =	vadd.s32 v21, v18;
	v21 =	vmul.f32 $8.000000000e+00, v37  }
0x46: {  	v32 =	vor.u32 $0x6, v61;
	v12 =	vadd.s32 v22, v12;
	v6 =	vadd.s32 v7, v22;
	v41 =	vld [tilespmem:s6+$0xFFFFFF90];
	[tilespmem:v25+s28+$0x0] =	vst.idx.msk $0xffff, v33  }
0x47: {  	v5 =	vadd.s32 v7, v10;
	v60 =	vld [tilespmem:s6+$0x10];
	v7 =	vmul.f32 $8.000000000e+00, v38;
	[tilespmem:v24+s28+$0x0] =	vst.idx.msk $0xffff, v21;
	v21 =	vor.u32 $0x5, v15  }
0x48: {  	v16 =	vadd.s32 v22, v18;
	v17 =	vadd.s32 v10, v18;
	v18 =	vadd.s32 v22, v9;
	v22 =	vld [tilespmem:s6+$0xFFFFFF60]  }
0x49: {  	v9 =	vadd.s32 v10, v9;
	v23 =	vmul.f32 $8.000000000e+00, v23;
	v15 =	vmul.f32 $8.000000000e+00, v36;
	v63 =	vld [tilespmem:s6+$0xE0];
	[tilespmem:v13+s28+$0x0] =	vst.idx.msk $0xffff, v7  }
0x4a: {  	v9 =	vor.u32 $0x7, v9;
	v24 =	vadd.s32 v10, v19;
	v19 =	vor.u32 $0x7, v18;
	[tilespmem:v29+s28+$0x0] =	vst.idx.msk $0xffff, v26;
	v28 =	vld [tilespmem:s6+$0xFFFFFF10]  }
0x4b: {  	v18 =	vor.u32 $0x1, v12;
	v12 =	vor.u32 $0x5, v42;
	[tilespmem:v32+s28+$0x0] =	vst.idx.msk $0xffff, v15;
	v25 =	vld [tilespmem:s6+$0xFFFFFFD0];
	v26 =	vmul.f32 $8.000000000e+00, v41  }
0x4c: {  	v10 =	vadd.s32 v10, v30;
	v34 =	vmul.f32 $8.000000000e+00, v60;
	v15 =	vor.u32 $0x2, v27;
	v27 =	vld [tilespmem:s6+$0xA0];
	[tilespmem:v21+s28+$0x0] =	vst.idx.msk $0xffff, v23  }
0x4d: {  	v7 =	vor.u32 $0x1, v14;
	v14 =	vor.u32 $0x4, v40;
	v29 =	vor.u32 $0x3, v31;
	[tilespmem:v62+s28+$0x0] =	vst.idx.msk $0xffff, v26;
	v23 =	vld [tilespmem:s6+$0x60]  }
0x4e: {  	s14 =	simm.s32 $0x6700;
	v13 =	vor.u32 $0x4, v24;
	v24 =	vor.u32 $0x6, v59;
	[tilespmem:v39+s28+$0x0] =	vst.idx.msk $0xffff, v34;
	v21 =	vmul.f32 $8.000000000e+00, v63;
	v26 =	vld [tilespmem:s6+$0xFFFFFFA0]  }
.LBB2_2:
0x4f: {  	s21 =	sadd.s32 $0x9, s13  }
0x50: {  	s22 =	sadd.s32 $0xA, s13;
	v22 =	vmul.f32 $8.000000000e+00, v22;
	v25 =	vmul.f32 $8.000000000e+00, v25;
	v30 =	vld [tilespmem:s6+$0x20];
	v31 =	vor.u32 $0x6, v10;
	s19 =	smov.u32 s13;
	s13 =	sadd.s32 $0x8, s13  }
0x51: {  	v16 =	vor.u32 $0x3, v16;
	v11 =	vor.u32 $0x5, v11;
	s23 =	sshrl.u32 s13, $0x7;
	s24 =	sand.u32 $0x78, s13;
	s21 =	sand.u32 $0x78, s21;
	v32 =	vld [tilespmem:s14+$0xC0];
	v10 =	vmul.f32 $8.000000000e+00, v28  }
0x52: {  	s25 =	sadd.s32 $0xF, s19;
	v28 =	vmov s23;
	v33 =	vmov s21;
	v34 =	vld [tilespmem:s14+$0xFFFFFF40];
	s21 =	sadd.s32 $0xB, s19;
	s23 =	sadd.s32 $0xE, s19;
	[tilespmem:v29+s28+$0x0] =	vst.idx.msk $0xffff, v25;
	v25 =	vmul.f32 $8.000000000e+00, v27  }
0x53: {  	v27 =	vmov s24;
	s24 =	sadd.s32 $0xD, s19;
	s25 =	sand.u32 $0x78, s25;
	v28 =	vmul.u32 $0x440, v28;
	v29 =	vld [tilespmem:s14+$0x0];
	s23 =	sand.u32 $0x78, s23;
	[tilespmem:v20+s28+$0x0] =	vst.idx.msk $0xffff, v10;
	v10 =	vmul.f32 $8.000000000e+00, v26  }
0x54: {  	v35 =	vor.u32 $0x3, v17;
	s22 =	sand.u32 $0x78, s22;
	s21 =	sand.u32 $0x78, s21;
	s24 =	sand.u32 $0x78, s24;
	v20 =	vmov s25;
	v26 =	vld [tilespmem:s6+$0xFFFFFFE0];
	v17 =	vmul.f32 $8.000000000e+00, v23;
	[tilespmem:v24+s28+$0x0] =	vst.idx.msk $0xffff, v25  }
0x55: {  	p0 =	slt.u32 s13, $0xF8;
	v24 =	vshrl.u32 v33, $0x3;
	v23 =	vbroadcast v28, $0x0;
	v25 =	vld [tilespmem:s6+$0xFFFFFF20];
	[tilespmem:v8+s28+$0x0] =	vst.idx.msk $0xffff, v10;
	v8 =	vmul.f32 $8.000000000e+00, v30  }
0x56: {  	v20 =	vshrl.u32 v20, $0x3;
	v24 =	vshll.u32 v24, v1;
	v28 =	vmov s23;
	v30 =	vld [tilespmem:s6+$0xFFFFFFB0];
	[tilespmem:v11+s28+$0x0] =	vst.idx.msk $0xffff, v17  }
0x57: {  	v17 =	vbroadcast v24, $0x0;
	v11 =	vshll.u32 v20, v1;
	v10 =	vadd.s32 v4, v23;
	[tilespmem:v14+s28+$0x0] =	vst.idx.msk $0xffff, v8;
	v8 =	vld [tilespmem:s6+$0x70]  }
0x58: {  	v24 =	vshrl.u32 v28, $0x3;
	v20 =	vadd.s32 v0, v23;
	v14 =	vbroadcast v11, $0x0;
	[tilespmem:v18+s28+$0x0] =	vst.idx.msk $0xffff, v22;
	v11 =	vld [tilespmem:s6+$0x30]  }
0x59: {  	v18 =	vadd.s32 v20, v17;
	v22 =	vmov s22;
	v28 =	vmul.f32 $8.000000000e+00, v29;
	v29 =	vld [tilespmem:s6+$0xB0]  }
0x5a: {  	s19 =	sadd.s32 $0xC, s19;
	v33 =	vor.u32 $0x1, v18;
	v18 =	vadd.s32 v10, v17;
	v36 =	vadd.s32 v20, v14;
	v37 =	vld [tilespmem:s6+$0xFFFFFF70]  }
0x5b: {  	s19 =	sand.u32 $0x78, s19;
	v38 =	vmov s24;
	v26 =	vmul.f32 $8.000000000e+00, v26;
	v36 =	vor.u32 $0x7, v36  }
0x5c: {  	v39 =	vmov s19;
	v34 =	vmul.f32 $8.000000000e+00, v34;
	v30 =	vmul.f32 $8.000000000e+00, v30;
	[tilespmem:v19+s28+$0x0] =	vst.idx.msk $0xffff, v21  }
0x5d: {  	v38 =	vshrl.u32 v38, $0x3;
	v25 =	vmul.f32 $8.000000000e+00, v25;
	v21 =	vadd.s32 v2, v23;
	[tilespmem:v16+s28+$0x0] =	vst.idx.msk $0xffff, v26;
	v16 =	vld [tilespmem:s6+$0xF0]  }
0x5e: {  	v19 =	vadd.s32 v3, v23;
	v23 =	vshrl.u32 v39, $0x3;
	v26 =	vmul.f32 $8.000000000e+00, v32;
	[tilespmem:v15+s28+$0x0] =	vst.idx.msk $0xffff, v30;
	v15 =	vld [tilespmem:s6+$0xFFFFFFF0]  }
0x5f: {  	v23 =	vshll.u32 v23, v1;
	v30 =	vmov s21;
	[tilespmem:v6+s28+$0x0] =	vst.idx.msk $0xffff, v25;
	v6 =	vmul.f32 $8.000000000e+00, v11  }
0x60: {  	v8 =	vmul.f32 $8.000000000e+00, v8;
	v23 =	vbroadcast v23, $0x0;
	v25 =	vadd.s32 v21, v14;
	v11 =	vld [tilespmem:s14+$0x40]  }
0x61: {  	v22 =	vshrl.u32 v22, $0x3;
	v32 =	vshll.u32 v38, v1;
	v38 =	vld [tilespmem:s6+$0xFFFFFF30];
	[tilespmem:v13+s28+$0x0] =	vst.idx.msk $0xffff, v6;
	v6 =	vmul.f32 $8.000000000e+00, v29;
	s6 =	smov.u32 s14  }
0x62: {  	v13 =	vadd.s32 v20, v23;
	v29 =	vadd.s32 v21, v23;
	[tilespmem:v33+s28+$0x0] =	vst.idx.msk $0xffff, v34;
	v33 =	vmul.f32 $8.000000000e+00, v37  }
0x63: {  	v30 =	vshrl.u32 v30, $0x3;
	v13 =	vor.u32 $0x4, v13;
	v15 =	vmul.f32 $8.000000000e+00, v15;
	[tilespmem:v31+s28+$0x0] =	vst.idx.msk $0xffff, v6  }
0x64: {  	v22 =	vshll.u32 v22, v1;
	v6 =	vshrl.u32 v27, $0x3;
	v27 =	vld [tilespmem:s14+$0xFFFFFF50];
	[tilespmem:v12+s28+$0x0] =	vst.idx.msk $0xffff, v8;
	v8 =	vmul.f32 $8.000000000e+00, v16  }
0x65: {  	v6 =	vshll.u32 v6, v1;
	v12 =	vadd.s32 v21, v17;
	v31 =	vmul.f32 $8.000000000e+00, v11;
	[tilespmem:v35+s28+$0x0] =	vst.idx.msk $0xffff, v15  }
0x66: {  	v15 =	vbroadcast v22, $0x0;
	v11 =	vshll.u32 v24, v1;
	v16 =	vmul.f32 $8.000000000e+00, v38;
	[tilespmem:v9+s28+$0x0] =	vst.idx.msk $0xffff, v8  }
0x67: {  	v22 =	vor.u32 $0x7, v25;
	v9 =	vshll.u32 v30, v1;
	v30 =	vbroadcast v11, $0x0;
	[tilespmem:v7+s28+$0x0] =	vst.idx.msk $0xffff, v33  }
0x68: {  	v24 =	vbroadcast v32, $0x0;
	v7 =	vadd.s32 v21, v15;
	v8 =	vadd.s32 v19, v15;
	v25 =	vld [tilespmem:s14+$0x80];
	[tilespmem:v5+s28+$0x0] =	vst.idx.msk $0xffff, v16  }
0x69: {  	v11 =	vadd.s32 v20, v15;
	v16 =	vadd.s32 v20, v30;
	v27 =	vmul.f32 $8.000000000e+00, v27;
	v5 =	vld [tilespmem:s14+$0xFFFFFF80]  }
0x6a: {  	v32 =	vor.u32 $0x2, v11;
	v8 =	vor.u32 $0x2, v8;
	v34 =	vor.u32 $0x6, v16;
	v33 =	vld [tilespmem:s14+$0xFFFFFFC0]  }
0x6b: {  	v35 =	vbroadcast v6, $0x0;
	v6 =	vadd.s32 v20, v24;
	v11 =	vadd.s32 v19, v24;
	[tilespmem:v36+s28+$0x0] =	vst.idx.msk $0xffff, v26  }
0x6c: {  	v9 =	vbroadcast v9, $0x0;
	v36 =	vadd.s32 v19, v30;
	[tilespmem:v13+s28+$0x0] =	vst.idx.msk $0xffff, v28;
	v13 =	vor.u32 $0x5, v6  }
0x6d: {  	v26 =	vadd.s32 v21, v24;
	v6 =	vadd.s32 v35, v19;
	v25 =	vmul.f32 $8.000000000e+00, v25;
	v28 =	vld [tilespmem:s14+$0xD0]  }
0x6e: {  	v38 =	vor.u32 $0x4, v29;
	v16 =	vadd.s32 v19, v9;
	v37 =	vld [tilespmem:s14+$0xFFFFFF00];
	v5 =	vmul.f32 $8.000000000e+00, v5  }
0x6f: {  	v29 =	vmul.f32 $8.000000000e+00, v33;
	v33 =	vadd.s32 v20, v9;
	v39 =	vld [tilespmem:s14+$0x10];
	[tilespmem:v34+s28+$0x0] =	vst.idx.msk $0xffff, v25;
	v25 =	vadd.s32 v21, v30  }
0x70: {  	v34 =	vadd.s32 v19, v23;
	[tilespmem:v32+s28+$0x0] =	vst.idx.msk $0xffff, v5;
	v32 =	vor.u32 $0x3, v33;
	v33 =	vadd.s32 v21, v9;
	v40 =	vld [tilespmem:s14+$0x90]  }
0x71: {  	v12 =	vor.u32 $0x1, v12;
	v41 =	vadd.s32 v35, v20;
	v24 =	vadd.s32 v10, v24;
	v42 =	vld [tilespmem:s14+$0xFFFFFF90];
	[tilespmem:v13+s28+$0x0] =	vst.idx.msk $0xffff, v31  }
0x72: {  	v20 =	vadd.s32 v35, v21;
	v21 =	vor.u32 $0x6, v25;
	v13 =	vld [tilespmem:s14+$0x50];
	v25 =	vmul.f32 $8.000000000e+00, v28  }
0x73: {  	v5 =	vadd.s32 v35, v10;
	v35 =	vor.u32 $0x2, v7;
	v31 =	vadd.s32 v19, v17  }
0x74: {  	v43 =	vor.u32 $0x5, v26;
	v17 =	vadd.s32 v10, v9;
	v39 =	vmul.f32 $8.000000000e+00, v39;
	[tilespmem:v22+s28+$0x0] =	vst.idx.msk $0xffff, v25  }
0x75: {  	v23 =	vadd.s32 v10, v23;
	v7 =	vmul.f32 $8.000000000e+00, v37;
	[tilespmem:v32+s28+$0x0] =	vst.idx.msk $0xffff, v29;
	v9 =	vmul.f32 $8.000000000e+00, v40;
	v32 =	vld [tilespmem:s14+$0xE0]  }
0x76: {  	v15 =	vadd.s32 v10, v15;
	v19 =	vadd.s32 v19, v14;
	[tilespmem:v12+s28+$0x0] =	vst.idx.msk $0xffff, v27;
	v12 =	vmul.f32 $8.000000000e+00, v42;
	v25 =	vld [tilespmem:s14+$0xFFFFFFD0]  }
.Ltmp0:
0x77: {  	[tilespmem:v41+s28+$0x0] =	vst.idx.msk $0xffff, v7;
	v22 =	vld [tilespmem:s14+$0xFFFFFF60];
	v7 =	vor.u32 $0x1, v18;
	v37 =	vmul.f32 $8.000000000e+00, v13;
	v13 =	vadd.s32 v10, v14;
	(pc) =	sbr.rel @p0 .LBB2_2-.Ltmp0, $4  }
0x78: {  	v19 =	vor.u32 $0x7, v19;
	v28 =	vld [tilespmem:s14+$0xFFFFFF10];
	[tilespmem:v21+s28+$0x0] =	vst.idx.msk $0xffff, v9;
	v9 =	vor.u32 $0x7, v13  }
0x79: {  	v15 =	vor.u32 $0x2, v15;
	v29 =	vor.u32 $0x3, v33;
	v18 =	vor.u32 $0x1, v31;
	[tilespmem:v35+s28+$0x0] =	vst.idx.msk $0xffff, v12;
	v27 =	vld [tilespmem:s14+$0xA0]  }
0x7a: {  	v14 =	vor.u32 $0x4, v34;
	v13 =	vor.u32 $0x4, v23;
	v26 =	vld [tilespmem:s14+$0xFFFFFFA0];
	[tilespmem:v43+s28+$0x0] =	vst.idx.msk $0xffff, v37;
	v21 =	vmul.f32 $8.000000000e+00, v32  }
0x7b: {  	v10 =	vadd.s32 v10, v30;
	v12 =	vor.u32 $0x5, v24;
	v24 =	vor.u32 $0x6, v36;
	s14 =	sadd.s32 $0x200, s14;
	[tilespmem:v38+s28+$0x0] =	vst.idx.msk $0xffff, v39;
	v23 =	vld [tilespmem:s6+$0x60]  }
0x7c: {  	_ =	sdelay $0x1  }
0x7d: {  	v25 =	vmul.f32 $8.000000000e+00, v25  }
0x7e: {  	v30 =	vld [tilespmem:s6+$0x20]  }
0x7f: {  	v44 =	vmul.f32 $8.000000000e+00, v28;
	[tilespmem:v29+s28+$0x0] =	vst.idx.msk $0xffff, v25  }
0x80: {  	v45 =	vld [tilespmem:s6+$0xFFFFFFE0]  }
0x81: {  	v53 =	vmul.f32 $8.000000000e+00, v22;
	[tilespmem:v20+s28+$0x0] =	vst.idx.msk $0xffff, v44  }
0x82: {  	v16 =	vor.u32 $0x3, v16;
	[tilespmem:v19+s28+$0x0] =	vst.idx.msk $0xffff, v21;
	v47 =	vmul.f32 $8.000000000e+00, v27;
	v48 =	vld [tilespmem:s6+$0xFFFFFF20]  }
0x83: {  	v11 =	vor.u32 $0x5, v11;
	v58 =	vld [tilespmem:s6+$0xF0];
	[tilespmem:v18+s28+$0x0] =	vst.idx.msk $0xffff, v53;
	v46 =	vmul.f32 $8.000000000e+00, v30  }
0x84: {  	v26 =	vmul.f32 $8.000000000e+00, v26;
	v59 =	vld [tilespmem:s6+$0xFFFFFF70];
	[tilespmem:v24+s28+$0x0] =	vst.idx.msk $0xffff, v47  }
0x85: {  	v52 =	vld [tilespmem:s6+$0xB0];
	[tilespmem:v14+s28+$0x0] =	vst.idx.msk $0xffff, v46;
	v51 =	vmul.f32 $8.000000000e+00, v45  }
0x86: {  	v49 =	vmul.f32 $8.000000000e+00, v23;
	[tilespmem:v8+s28+$0x0] =	vst.idx.msk $0xffff, v26;
	v14 =	vld [tilespmem:s6+$0x30]  }
0x87: {  	v10 =	vor.u32 $0x6, v10;
	v50 =	vld [tilespmem:s6+$0xFFFFFFB0];
	v55 =	vmul.f32 $8.000000000e+00, v48;
	[tilespmem:v16+s28+$0x0] =	vst.idx.msk $0xffff, v51  }
0x88: {  	[tilespmem:v11+s28+$0x0] =	vst.idx.msk $0xffff, v49;
	v62 =	vmul.f32 $8.000000000e+00, v58;
	v56 =	vld [tilespmem:s6+$0xFFFFFFF0]  }
0x89: {  	v54 =	vld [tilespmem:s6+$0x70];
	v63 =	vmul.f32 $8.000000000e+00, v59;
	[tilespmem:v6+s28+$0x0] =	vst.idx.msk $0xffff, v55  }
0x8a: {  	v17 =	vor.u32 $0x3, v17;
	[tilespmem:v9+s28+$0x0] =	vst.idx.msk $0xffff, v62;
	v8 =	vmul.f32 $8.000000000e+00, v52;
	v60 =	vld [tilespmem:s6+$0xFFFFFF30]  }
0x8b: {  	[tilespmem:v7+s28+$0x0] =	vst.idx.msk $0xffff, v63;
	v6 =	vmul.f32 $8.000000000e+00, v14  }
0x8c: {  	v57 =	vmul.f32 $8.000000000e+00, v50;
	[tilespmem:v10+s28+$0x0] =	vst.idx.msk $0xffff, v8  }
0x8d: {  	[tilespmem:v13+s28+$0x0] =	vst.idx.msk $0xffff, v6;
	v6 =	vmul.f32 $8.000000000e+00, v56  }
0x8e: {  	v61 =	vmul.f32 $8.000000000e+00, v54;
	[tilespmem:v15+s28+$0x0] =	vst.idx.msk $0xffff, v57  }
0x8f: {  	[tilespmem:v17+s28+$0x0] =	vst.idx.msk $0xffff, v6;
	v6 =	vmul.f32 $8.000000000e+00, v60  }
0x90: {  	[tilespmem:v12+s28+$0x0] =	vst.idx.msk $0xffff, v61  }
0x91: {  	[tilespmem:v5+s28+$0x0] =	vst.idx.msk $0xffff, v6  }
0x92: {  	s24 =	simm.s32 $0x0;
	s14 =	simm.s32 $0x12400;
	s7 =	rddreg [dreg:$0x4]  }
0x93: {  	[hbm4b:s7+s24] =	stream.linear.scatter [tilespmem:s14], [sflag:$0x4], $0x80, $0x38;
	[tilespmem:$0x1F000] =	vst v63  }
0x94: {  	s16 =	simm.s32 $0x12488;
	s13 =	sadd.s32 $0x10, s7  }
0x95: {  	[hbm4b:s13+s24] =	stream.linear.scatter [tilespmem:s16], [sflag:$0x4], $0x80, $0x38;
	[tilespmem:$0x1F000] =	vst v63  }
0x96: {  	s19 =	simm.s32 $0x12510;
	s21 =	sadd.s32 $0x20, s7  }
0x97: {  	[hbm4b:s21+s24] =	stream.linear.scatter [tilespmem:s19], [sflag:$0x4], $0x80, $0x38;
	[tilespmem:$0x1F000] =	vst v63  }
0x98: {  	s22 =	simm.s32 $0x12598;
	s23 =	sadd.s32 $0x30, s7  }
0x99: {  	[hbm4b:s23+s24] =	stream.linear.scatter [tilespmem:s22], [sflag:$0x4], $0x80, $0x38;
	[tilespmem:$0x1F000] =	vst v63  }
0x9a: {  	s25 =	simm.s32 $0x12620;
	s10 =	sadd.s32 $0x40, s7  }
0x9b: {  	[hbm4b:s10+s24] =	stream.linear.scatter [tilespmem:s25], [sflag:$0x4], $0x80, $0x38;
	[tilespmem:$0x1F000] =	vst v63  }
0x9c: {  	s11 =	simm.s32 $0x126A8;
	s12 =	sadd.s32 $0x50, s7  }
0x9d: {  	[hbm4b:s12+s24] =	stream.linear.scatter [tilespmem:s11], [sflag:$0x4], $0x80, $0x38;
	[tilespmem:$0x1F000] =	vst v63  }
0x9e: {  	s14 =	simm.s32 $0x12730;
	s16 =	sadd.s32 $0x60, s7  }
0x9f: {  	[hbm4b:s16+s24] =	stream.linear.scatter [tilespmem:s14], [sflag:$0x4], $0x80, $0x38;
	[tilespmem:$0x1F000] =	vst v63  }
0xa0: {  	s19 =	simm.s32 $0x127B8;
	s21 =	sadd.s32 $0x70, s7  }
0xa1: {  	[hbm4b:s21+s24] =	stream.linear.scatter [tilespmem:s19], [sflag:$0x4], $0x80, $0x38;
	[tilespmem:$0x1F000] =	vst v63  }
0xa2: {  	s22 =	simm.s32 $0x12840;
	s23 =	sadd.s32 $0x80, s7  }
0xa3: {  	[hbm4b:s23+s24] =	stream.linear.scatter [tilespmem:s22], [sflag:$0x4], $0x80, $0x38;
	[tilespmem:$0x1F000] =	vst v63  }
0xa4: {  	s25 =	simm.s32 $0x128C8;
	s10 =	sadd.s32 $0x90, s7  }
0xa5: {  	[hbm4b:s10+s24] =	stream.linear.scatter [tilespmem:s25], [sflag:$0x4], $0x80, $0x38;
	[tilespmem:$0x1F000] =	vst v63  }
0xa6: {  	s6 =	simm.s32 $0x880;
	s11 =	simm.s32 $0x12950;
	s12 =	sadd.s32 $0xA0, s7  }
0xa7: {  	[hbm4b:s12+s24] =	stream.linear.scatter [tilespmem:s11], [sflag:$0x4], $0x80, $0x38;
	[tilespmem:$0x1F000] =	vst v63  }
0xa8: {  	s13 =	simm.s32 $0x129D8;
	s14 =	sadd.s32 $0xB0, s7;
	s16 =	simm.s32 $0x12A60  }
0xa9: {  	[hbm4b:s14+s24] =	stream.linear.scatter [tilespmem:s13], [sflag:$0x4], $0x80, $0x38;
	[tilespmem:$0x1F000] =	vst v63  }
0xaa: {  	s19 =	sadd.s32 $0xC0, s7;
	s21 =	simm.s32 $0x12AE8;
	s22 =	sadd.s32 $0xD0, s7  }
0xab: {  	[hbm4b:s19+s24] =	stream.linear.scatter [tilespmem:s16], [sflag:$0x4], $0x80, $0x38;
	[tilespmem:$0x1F000] =	vst v63  }
0xac: {  	s23 =	simm.s32 $0x12B70;
	s25 =	sadd.s32 $0xE0, s7;
	s14 =	simm.s32 $0x12BF8  }
0xad: {  	[hbm4b:s22+s24] =	stream.linear.scatter [tilespmem:s21], [sflag:$0x4], $0x80, $0x38;
	[tilespmem:$0x1F000] =	vst v63  }
0xae: {  	s13 =	sadd.s32 $0x1000, s7;
	s21 =	simm.s32 $0x4400;
	s22 =	sadd.s32 $0xF0, s7  }
0xaf: {  	[hbm4b:s25+s24] =	stream.linear.scatter [tilespmem:s23], [sflag:$0x4], $0x80, $0x38;
	[tilespmem:$0x1F000] =	vst v63  }
.LBB2_4:
0xb0: {  	[hbm4b:s22+s24] =	stream.linear.scatter [tilespmem:s14], [sflag:$0x4], $0x80, $0x38;
	[tilespmem:$0x1F000] =	vst v63  }
0xb1: {  	s14 =	smov.u32 s6;
	s6 =	smov.u32 s21  }
0xb2: {  	s19 =	sadd.s32 $0x2200, s21;
	s6 =	sshra.s32 s6, $0x2;
	s22 =	sadd.s32 $0x12400, s14  }
0xb3: {  	[hbm4b:s13+s24] =	stream.linear.scatter [tilespmem:s22], [sflag:$0x4], $0x80, $0x38;
	[tilespmem:$0x1F000] =	vst v63  }
0xb4: {  	p0 =	sne.s32 s21, $0xEE00;
	s21 =	sadd.s32 $0x12488, s14;
	s22 =	sadd.s32 $0x10, s13  }
0xb5: {  	[hbm4b:s22+s24] =	stream.linear.scatter [tilespmem:s21], [sflag:$0x4], $0x80, $0x38;
	[tilespmem:$0x1F000] =	vst v63  }
0xb6: {  	s21 =	sadd.s32 $0x12510, s14;
	s22 =	sadd.s32 $0x20, s13  }
0xb7: {  	[hbm4b:s22+s24] =	stream.linear.scatter [tilespmem:s21], [sflag:$0x4], $0x80, $0x38;
	[tilespmem:$0x1F000] =	vst v63  }
0xb8: {  	s21 =	sadd.s32 $0x12598, s14;
	s22 =	sadd.s32 $0x30, s13  }
0xb9: {  	[hbm4b:s22+s24] =	stream.linear.scatter [tilespmem:s21], [sflag:$0x4], $0x80, $0x38;
	[tilespmem:$0x1F000] =	vst v63  }
0xba: {  	s21 =	sadd.s32 $0x12620, s14;
	s22 =	sadd.s32 $0x40, s13  }
0xbb: {  	[hbm4b:s22+s24] =	stream.linear.scatter [tilespmem:s21], [sflag:$0x4], $0x80, $0x38;
	[tilespmem:$0x1F000] =	vst v63  }
0xbc: {  	s21 =	sadd.s32 $0x126A8, s14;
	s22 =	sadd.s32 $0x50, s13  }
0xbd: {  	[hbm4b:s22+s24] =	stream.linear.scatter [tilespmem:s21], [sflag:$0x4], $0x80, $0x38;
	[tilespmem:$0x1F000] =	vst v63  }
0xbe: {  	s21 =	sadd.s32 $0x12730, s14;
	s22 =	sadd.s32 $0x60, s13  }
0xbf: {  	[hbm4b:s22+s24] =	stream.linear.scatter [tilespmem:s21], [sflag:$0x4], $0x80, $0x38;
	[tilespmem:$0x1F000] =	vst v63  }
0xc0: {  	s21 =	sadd.s32 $0x127B8, s14;
	s22 =	sadd.s32 $0x70, s13  }
0xc1: {  	[hbm4b:s22+s24] =	stream.linear.scatter [tilespmem:s21], [sflag:$0x4], $0x80, $0x38;
	[tilespmem:$0x1F000] =	vst v63  }
0xc2: {  	s21 =	sadd.s32 $0x12840, s14;
	s22 =	sadd.s32 $0x80, s13  }
0xc3: {  	[hbm4b:s22+s24] =	stream.linear.scatter [tilespmem:s21], [sflag:$0x4], $0x80, $0x38;
	[tilespmem:$0x1F000] =	vst v63  }
0xc4: {  	s21 =	sadd.s32 $0x128C8, s14;
	s22 =	sadd.s32 $0x90, s13  }
0xc5: {  	[hbm4b:s22+s24] =	stream.linear.scatter [tilespmem:s21], [sflag:$0x4], $0x80, $0x38;
	[tilespmem:$0x1F000] =	vst v63  }
0xc6: {  	s21 =	sadd.s32 $0x12950, s14;
	s22 =	sadd.s32 $0xA0, s13  }
0xc7: {  	[hbm4b:s22+s24] =	stream.linear.scatter [tilespmem:s21], [sflag:$0x4], $0x80, $0x38;
	[tilespmem:$0x1F000] =	vst v63  }
0xc8: {  	s21 =	sadd.s32 $0x129D8, s14;
	s22 =	sadd.s32 $0xB0, s13  }
0xc9: {  	[hbm4b:s22+s24] =	stream.linear.scatter [tilespmem:s21], [sflag:$0x4], $0x80, $0x38;
	[tilespmem:$0x1F000] =	vst v63  }
0xca: {  	s21 =	sadd.s32 $0x12A60, s14;
	s22 =	sadd.s32 $0xC0, s13  }
0xcb: {  	[hbm4b:s22+s24] =	stream.linear.scatter [tilespmem:s21], [sflag:$0x4], $0x80, $0x38;
	[tilespmem:$0x1F000] =	vst v63  }
.Ltmp1:
0xcc: {  	s21 =	sadd.s32 $0x12AE8, s14;
	s22 =	sadd.s32 $0xD0, s13;
	(pc) =	sbr.rel @p0 .LBB2_4-.Ltmp1, $4  }
0xcd: {  	[hbm4b:s22+s24] =	stream.linear.scatter [tilespmem:s21], [sflag:$0x4], $0x80, $0x38;
	[tilespmem:$0x1F000] =	vst v63  }
0xce: {  	s21 =	sadd.s32 $0x12B70, s14;
	s22 =	sadd.s32 $0xE0, s13;
	s14 =	sadd.s32 $0x12BF8, s14  }
0xcf: {  	[hbm4b:s22+s24] =	stream.linear.scatter [tilespmem:s21], [sflag:$0x4], $0x80, $0x38;
	[tilespmem:$0x1F000] =	vst v63  }
0xd0: {  	s22 =	sadd.s32 $0xF0, s13;
	s13 =	sadd.s32 $0x1000, s13;
	s21 =	smov.u32 s19  }
0xd1: {  	[hbm4b:s22+s24] =	stream.linear.scatter [tilespmem:s14], [sflag:$0x4], $0x80, $0x38;
	[tilespmem:$0x1F000] =	vst v63  }
0xd2: {  	s25 =	sadd.s32 $0x12400, s6  }
0xd3: {  	[hbm4b:s13+s24] =	stream.linear.scatter [tilespmem:s25], [sflag:$0x4], $0x80, $0x38;
	[tilespmem:$0x1F000] =	vst v63  }
0xd4: {  	s7 =	sadd.s32 $0x12488, s6;
	s19 =	sadd.s32 $0x10, s13  }
0xd5: {  	[hbm4b:s19+s24] =	stream.linear.scatter [tilespmem:s7], [sflag:$0x4], $0x80, $0x38;
	[tilespmem:$0x1F000] =	vst v63  }
0xd6: {  	s10 =	sadd.s32 $0x12510, s6;
	s11 =	sadd.s32 $0x20, s13  }
0xd7: {  	[hbm4b:s11+s24] =	stream.linear.scatter [tilespmem:s10], [sflag:$0x4], $0x80, $0x38;
	[tilespmem:$0x1F000] =	vst v63  }
0xd8: {  	s12 =	sadd.s32 $0x12598, s6;
	s16 =	sadd.s32 $0x30, s13  }
0xd9: {  	[hbm4b:s16+s24] =	stream.linear.scatter [tilespmem:s12], [sflag:$0x4], $0x80, $0x38;
	[tilespmem:$0x1F000] =	vst v63  }
0xda: {  	s21 =	sadd.s32 $0x40, s13;
	s19 =	sadd.s32 $0x12620, s6  }
0xdb: {  	[hbm4b:s21+s24] =	stream.linear.scatter [tilespmem:s19], [sflag:$0x4], $0x80, $0x38;
	[tilespmem:$0x1F000] =	vst v63  }
0xdc: {  	s22 =	sadd.s32 $0x126A8, s6;
	s23 =	sadd.s32 $0x50, s13  }
0xdd: {  	[hbm4b:s23+s24] =	stream.linear.scatter [tilespmem:s22], [sflag:$0x4], $0x80, $0x38;
	[tilespmem:$0x1F000] =	vst v63  }
0xde: {  	s25 =	sadd.s32 $0x12730, s6;
	s7 =	sadd.s32 $0x60, s13  }
0xdf: {  	[hbm4b:s7+s24] =	stream.linear.scatter [tilespmem:s25], [sflag:$0x4], $0x80, $0x38;
	[tilespmem:$0x1F000] =	vst v63  }
0xe0: {  	s10 =	sadd.s32 $0x127B8, s6;
	s11 =	sadd.s32 $0x70, s13  }
0xe1: {  	[hbm4b:s11+s24] =	stream.linear.scatter [tilespmem:s10], [sflag:$0x4], $0x80, $0x38;
	[tilespmem:$0x1F000] =	vst v63  }
0xe2: {  	s12 =	sadd.s32 $0x12840, s6;
	s16 =	sadd.s32 $0x80, s13  }
0xe3: {  	[hbm4b:s16+s24] =	stream.linear.scatter [tilespmem:s12], [sflag:$0x4], $0x80, $0x38;
	[tilespmem:$0x1F000] =	vst v63  }
0xe4: {  	s19 =	sadd.s32 $0x128C8, s6;
	s21 =	sadd.s32 $0x90, s13  }
0xe5: {  	[hbm4b:s21+s24] =	stream.linear.scatter [tilespmem:s19], [sflag:$0x4], $0x80, $0x38;
	[tilespmem:$0x1F000] =	vst v63  }
0xe6: {  	s22 =	sadd.s32 $0x12950, s6;
	s23 =	sadd.s32 $0xA0, s13  }
0xe7: {  	[hbm4b:s23+s24] =	stream.linear.scatter [tilespmem:s22], [sflag:$0x4], $0x80, $0x38;
	[tilespmem:$0x1F000] =	vst v63  }
0xe8: {  	s25 =	sadd.s32 $0x129D8, s6;
	s7 =	sadd.s32 $0xB0, s13  }
0xe9: {  	[hbm4b:s7+s24] =	stream.linear.scatter [tilespmem:s25], [sflag:$0x4], $0x80, $0x38;
	[tilespmem:$0x1F000] =	vst v63  }
0xea: {  	s10 =	sadd.s32 $0x12A60, s6;
	s11 =	sadd.s32 $0xC0, s13  }
0xeb: {  	[hbm4b:s11+s24] =	stream.linear.scatter [tilespmem:s10], [sflag:$0x4], $0x80, $0x38;
	[tilespmem:$0x1F000] =	vst v63  }
0xec: {  	s12 =	sadd.s32 $0x12AE8, s6;
	s16 =	sadd.s32 $0xD0, s13  }
0xed: {  	[hbm4b:s16+s24] =	stream.linear.scatter [tilespmem:s12], [sflag:$0x4], $0x80, $0x38;
	[tilespmem:$0x1F000] =	vst v63  }
0xee: {  	s21 =	sadd.s32 $0x12B70, s6;
	s22 =	sadd.s32 $0xE0, s13  }
0xef: {  	[hbm4b:s22+s24] =	stream.linear.scatter [tilespmem:s21], [sflag:$0x4], $0x80, $0x38;
	[tilespmem:$0x1F000] =	vst v63  }
0xf0: {  	s23 =	sadd.s32 $0x12BF8, s6;
	s25 =	sadd.s32 $0xF0, s13  }
0xf1: {  	[hbm4b:s25+s24] =	stream.linear.scatter [tilespmem:s23], [sflag:$0x4], $0x80, $0x38;
	[tilespmem:$0x1F000] =	vst v63  }
.LBB2_6:
0xf2: {  	s6 =	smul.u32 $0x3, s24  }
0xf3: {  	s7 =	simm.s32 $0x6400  }
0xf4: {  	s22 =	simm.s32 $0x1;
	s19 =	simm.s32 $0x0;
	s6 =	sadd.s32 $0x3, s6  }
0xf5: {  	s14 =	simm.s32 $0x0;
	s11 =	simm.s32 $0x2;
	s6 =	sshll.u32 s6, $0x8  }
0xf6: {  	s12 =	simm.s32 $0x4;
	s16 =	simm.s32 $0x5;
	s13 =	sand.u32 $0x3FFFFF00, s6  }
0xf7: {  	[tilespmem:s7], [sflag:$0x1] =	stream.indirect.gather [hbm4b:s5+s15], $0x40, s13, s15, $0xb8;
	[tilespmem:$0x1F000] =	vst v63  }
0xf8: {  	s21 =	sand.u32 $0x78, s22;
	s23 =	sand.u32 $0x78, s14;
	s13 =	sor.u32 $0x80, s13  }
0xf9: {  	[tilespmem:s17], [sflag:$0x1] =	stream.indirect.gather [hbm4b:s5+s15], $0x40, s13, s15, $0xb8;
	[tilespmem:$0x1F000] =	vst v63  }
0xfa: {  	v5 =	vmov s19;
	s22 =	simm.s32 $0x6;
	s19 =	sand.u32 $0x78, s11;
	v6 =	vmov s21;
	_ =	swait.ge [sflag:s29], $0x2000  }
0xfb: {  	v5 =	vmul.u32 $0x440, v5;
	v7 =	vmov s23;
	s10 =	sand.u32 $0x78, s22;
	v16 =	vmov s19;
	s21 =	sand.u32 $0x78, s12;
	[sflag:s29] =	ssyncset.done $0x0  }
0xfc: {  	s23 =	sand.u32 $0x78, s16;
	v6 =	vshrl.u32 v6, $0x3;
	v11 =	vmov s10;
	v19 =	vmov s21;
	[sflag:s29] =	ssyncadd.s32 $0xFFFFE000  }
0xfd: {  	v20 =	vmov s23;
	v16 =	vshrl.u32 v16, $0x3;
	v7 =	vshrl.u32 v7, $0x3;
	_ =	swait.ge [sflag:s29], $0x2000  }
0xfe: {  	v5 =	vbroadcast v5, $0x0;
	v6 =	vshll.u32 v6, v1;
	v11 =	vshrl.u32 v11, $0x3;
	[sflag:s29] =	ssyncset.done $0x0  }
0xff: {  	v19 =	vshrl.u32 v19, $0x3;
	v20 =	vshrl.u32 v20, $0x3;
	v16 =	vshll.u32 v16, v1;
	[sflag:s29] =	ssyncadd.s32 $0xFFFFE000  }
0x100: {  	s25 =	simm.s32 $0x7;
	v7 =	vshll.u32 v7, v1;
	v12 =	vbroadcast v6, $0x0;
	v19 =	vshll.u32 v19, v1;
	_ =	swait.ge [sflag:s30], $0x4000  }
0x101: {  	s7 =	sand.u32 $0x78, s25;
	v20 =	vshll.u32 v20, v1;
	v27 =	vbroadcast v16, $0x0;
	v11 =	vshll.u32 v11, v1;
	[sflag:s30] =	ssyncset.done $0x0  }
0x102: {  	v7 =	vbroadcast v7, $0x0;
	v9 =	vmov s7;
	v10 =	vadd.s32 v4, v5;
	s13 =	simm.s32 $0xA500;
	[sflag:s30] =	ssyncadd.s32 $0xFFFFC000  }
0x103: {  	v13 =	vadd.s32 v0, v5;
	v21 =	vadd.s32 v2, v5;
	v22 =	vadd.s32 v3, v5;
	v8 =	vld [tilespmem:s13+$0x0]  }
0x104: {  	v19 =	vbroadcast v19, $0x0;
	v30 =	vbroadcast v11, $0x0;
	v9 =	vshrl.u32 v9, $0x3  }
0x105: {  	v20 =	vbroadcast v20, $0x0;
	v14 =	vadd.s32 v13, v12;
	v9 =	vshll.u32 v9, v1  }
0x106: {  	v28 =	vadd.s32 v21, v27;
	v11 =	vadd.s32 v22, v27;
	v9 =	vbroadcast v9, $0x0;
	v6 =	vld [tilespmem:s13+$0xFFFFFF40]  }
0x107: {  	v31 =	vadd.s32 v13, v27;
	v27 =	vadd.s32 v10, v27;
	v25 =	vadd.s32 v13, v19;
	v15 =	vld [tilespmem:s13+$0xC0]  }
0x108: {  	v18 =	vadd.s32 v13, v9;
	v17 =	vmul.f32 $8.000000000e+00, v8;
	v8 =	vor.u32 $0x1, v14  }
0x109: {  	v26 =	vadd.s32 v21, v19;
	v32 =	vadd.s32 v13, v30;
	v18 =	vor.u32 $0x7, v18  }
0x10a: {  	s25 =	simm.s32 $0x3;
	v31 =	vor.u32 $0x2, v31;
	v35 =	vadd.s32 v13, v20;
	v59 =	vadd.s32 v22, v30;
	v16 =	vld [tilespmem:s13+$0x80]  }
0x10b: {  	s19 =	sand.u32 $0x78, s25;
	v61 =	vadd.s32 v21, v30;
	v40 =	vadd.s32 v22, v19;
	v23 =	vld [tilespmem:s13+$0x40];
	v6 =	vmul.f32 $8.000000000e+00, v6  }
0x10c: {  	v32 =	vor.u32 $0x6, v32;
	v29 =	vld [tilespmem:s13+$0xFFFFFF80];
	v5 =	vmul.f32 $8.000000000e+00, v15;
	v15 =	vmov s19  }
0x10d: {  	v42 =	vadd.s32 v10, v20;
	v34 =	vld [tilespmem:s13+$0xFFFFFFC0];
	[tilespmem:v8+s31+$0x0] =	vst.idx.msk $0xffff, v6;
	v6 =	vshrl.u32 v15, $0x3;
	v15 =	vor.u32 $0x4, v25  }
0x10e: {  	v62 =	vor.u32 $0x2, v28;
	v24 =	vadd.s32 v21, v9;
	[tilespmem:v18+s31+$0x0] =	vst.idx.msk $0xffff, v5;
	v5 =	vor.u32 $0x5, v35;
	v8 =	vld [tilespmem:s13+$0xFFFFFF50]  }
0x10f: {  	v39 =	vor.u32 $0x4, v26;
	v24 =	vor.u32 $0x7, v24;
	v36 =	vmul.f32 $8.000000000e+00, v16  }
0x110: {  	v14 =	vadd.s32 v10, v12;
	v37 =	vld [tilespmem:s13+$0xD0];
	v25 =	vadd.s32 v21, v12;
	v6 =	vshll.u32 v6, v1  }
0x111: {  	v23 =	vmul.f32 $8.000000000e+00, v23;
	[tilespmem:v32+s31+$0x0] =	vst.idx.msk $0xffff, v36;
	v25 =	vor.u32 $0x1, v25;
	v18 =	vbroadcast v6, $0x0  }
0x112: {  	v38 =	vld [tilespmem:s13+$0xFFFFFF00];
	v26 =	vmul.f32 $8.000000000e+00, v34;
	[tilespmem:v15+s31+$0x0] =	vst.idx.msk $0xffff, v17;
	v15 =	vadd.s32 v21, v20;
	v17 =	vmul.f32 $8.000000000e+00, v29  }
0x113: {  	v36 =	vld [tilespmem:s13+$0x90];
	[tilespmem:v5+s31+$0x0] =	vst.idx.msk $0xffff, v23;
	v29 =	vadd.s32 v13, v18;
	v13 =	vadd.s32 v7, v13;
	v33 =	vmul.f32 $8.000000000e+00, v8  }
0x114: {  	v23 =	vld [tilespmem:s13+$0x50];
	v8 =	vor.u32 $0x2, v11;
	v11 =	vadd.s32 v22, v20;
	v29 =	vor.u32 $0x3, v29  }
0x115: {  	v20 =	vadd.s32 v7, v21;
	[tilespmem:v31+s31+$0x0] =	vst.idx.msk $0xffff, v17;
	v31 =	vadd.s32 v21, v18;
	v21 =	vmul.f32 $8.000000000e+00, v37  }
0x116: {  	v32 =	vor.u32 $0x6, v61;
	v12 =	vadd.s32 v22, v12;
	v6 =	vadd.s32 v7, v22;
	v41 =	vld [tilespmem:s13+$0xFFFFFF90];
	[tilespmem:v25+s31+$0x0] =	vst.idx.msk $0xffff, v33  }
0x117: {  	v5 =	vadd.s32 v7, v10;
	v60 =	vld [tilespmem:s13+$0x10];
	v7 =	vmul.f32 $8.000000000e+00, v38;
	[tilespmem:v24+s31+$0x0] =	vst.idx.msk $0xffff, v21;
	v21 =	vor.u32 $0x5, v15  }
0x118: {  	v16 =	vadd.s32 v22, v18;
	v17 =	vadd.s32 v10, v18;
	v18 =	vadd.s32 v22, v9;
	v22 =	vld [tilespmem:s13+$0xFFFFFF60]  }
0x119: {  	v9 =	vadd.s32 v10, v9;
	v23 =	vmul.f32 $8.000000000e+00, v23;
	v15 =	vmul.f32 $8.000000000e+00, v36;
	v63 =	vld [tilespmem:s13+$0xE0];
	[tilespmem:v13+s31+$0x0] =	vst.idx.msk $0xffff, v7  }
0x11a: {  	v9 =	vor.u32 $0x7, v9;
	v24 =	vadd.s32 v10, v19;
	v19 =	vor.u32 $0x7, v18;
	[tilespmem:v29+s31+$0x0] =	vst.idx.msk $0xffff, v26;
	v28 =	vld [tilespmem:s13+$0xFFFFFF10]  }
0x11b: {  	v18 =	vor.u32 $0x1, v12;
	v12 =	vor.u32 $0x5, v42;
	[tilespmem:v32+s31+$0x0] =	vst.idx.msk $0xffff, v15;
	v25 =	vld [tilespmem:s13+$0xFFFFFFD0];
	v26 =	vmul.f32 $8.000000000e+00, v41  }
0x11c: {  	v10 =	vadd.s32 v10, v30;
	v34 =	vmul.f32 $8.000000000e+00, v60;
	v15 =	vor.u32 $0x2, v27;
	v27 =	vld [tilespmem:s13+$0xA0];
	[tilespmem:v21+s31+$0x0] =	vst.idx.msk $0xffff, v23  }
0x11d: {  	v7 =	vor.u32 $0x1, v14;
	v14 =	vor.u32 $0x4, v40;
	v29 =	vor.u32 $0x3, v31;
	[tilespmem:v62+s31+$0x0] =	vst.idx.msk $0xffff, v26;
	v23 =	vld [tilespmem:s13+$0x60]  }
0x11e: {  	s19 =	simm.s32 $0xA700;
	v13 =	vor.u32 $0x4, v24;
	v24 =	vor.u32 $0x6, v59;
	[tilespmem:v39+s31+$0x0] =	vst.idx.msk $0xffff, v34;
	v21 =	vmul.f32 $8.000000000e+00, v63;
	v26 =	vld [tilespmem:s13+$0xFFFFFFA0]  }
.LBB2_7:
0x11f: {  	s22 =	sadd.s32 $0x9, s14  }
0x120: {  	s23 =	sadd.s32 $0xA, s14;
	v22 =	vmul.f32 $8.000000000e+00, v22;
	v25 =	vmul.f32 $8.000000000e+00, v25;
	v30 =	vld [tilespmem:s13+$0x20];
	v31 =	vor.u32 $0x6, v10;
	s21 =	smov.u32 s14;
	s14 =	sadd.s32 $0x8, s14  }
0x121: {  	v16 =	vor.u32 $0x3, v16;
	v11 =	vor.u32 $0x5, v11;
	s25 =	sshrl.u32 s14, $0x7;
	s7 =	sand.u32 $0x78, s14;
	s22 =	sand.u32 $0x78, s22;
	v32 =	vld [tilespmem:s19+$0xC0];
	v10 =	vmul.f32 $8.000000000e+00, v28  }
0x122: {  	s10 =	sadd.s32 $0xF, s21;
	v28 =	vmov s25;
	v33 =	vmov s22;
	v34 =	vld [tilespmem:s19+$0xFFFFFF40];
	s22 =	sadd.s32 $0xB, s21;
	s25 =	sadd.s32 $0xE, s21;
	[tilespmem:v29+s31+$0x0] =	vst.idx.msk $0xffff, v25;
	v25 =	vmul.f32 $8.000000000e+00, v27  }
0x123: {  	v27 =	vmov s7;
	s7 =	sadd.s32 $0xD, s21;
	s10 =	sand.u32 $0x78, s10;
	v28 =	vmul.u32 $0x440, v28;
	v29 =	vld [tilespmem:s19+$0x0];
	s25 =	sand.u32 $0x78, s25;
	[tilespmem:v20+s31+$0x0] =	vst.idx.msk $0xffff, v10;
	v10 =	vmul.f32 $8.000000000e+00, v26  }
0x124: {  	v35 =	vor.u32 $0x3, v17;
	s23 =	sand.u32 $0x78, s23;
	s22 =	sand.u32 $0x78, s22;
	s7 =	sand.u32 $0x78, s7;
	v20 =	vmov s10;
	v26 =	vld [tilespmem:s13+$0xFFFFFFE0];
	v17 =	vmul.f32 $8.000000000e+00, v23;
	[tilespmem:v24+s31+$0x0] =	vst.idx.msk $0xffff, v25  }
0x125: {  	p0 =	slt.u32 s14, $0xF8;
	v24 =	vshrl.u32 v33, $0x3;
	v23 =	vbroadcast v28, $0x0;
	v25 =	vld [tilespmem:s13+$0xFFFFFF20];
	[tilespmem:v8+s31+$0x0] =	vst.idx.msk $0xffff, v10;
	v8 =	vmul.f32 $8.000000000e+00, v30  }
0x126: {  	v20 =	vshrl.u32 v20, $0x3;
	v24 =	vshll.u32 v24, v1;
	v28 =	vmov s25;
	v30 =	vld [tilespmem:s13+$0xFFFFFFB0];
	[tilespmem:v11+s31+$0x0] =	vst.idx.msk $0xffff, v17  }
0x127: {  	v17 =	vbroadcast v24, $0x0;
	v11 =	vshll.u32 v20, v1;
	v10 =	vadd.s32 v4, v23;
	[tilespmem:v14+s31+$0x0] =	vst.idx.msk $0xffff, v8;
	v8 =	vld [tilespmem:s13+$0x70]  }
0x128: {  	v24 =	vshrl.u32 v28, $0x3;
	v20 =	vadd.s32 v0, v23;
	v14 =	vbroadcast v11, $0x0;
	[tilespmem:v18+s31+$0x0] =	vst.idx.msk $0xffff, v22;
	v11 =	vld [tilespmem:s13+$0x30]  }
0x129: {  	v18 =	vadd.s32 v20, v17;
	v22 =	vmov s23;
	v28 =	vmul.f32 $8.000000000e+00, v29;
	v29 =	vld [tilespmem:s13+$0xB0]  }
0x12a: {  	s10 =	sadd.s32 $0xC, s21;
	v33 =	vor.u32 $0x1, v18;
	v18 =	vadd.s32 v10, v17;
	v36 =	vadd.s32 v20, v14;
	v37 =	vld [tilespmem:s13+$0xFFFFFF70]  }
0x12b: {  	s10 =	sand.u32 $0x78, s10;
	v38 =	vmov s7;
	v26 =	vmul.f32 $8.000000000e+00, v26;
	v36 =	vor.u32 $0x7, v36  }
0x12c: {  	v39 =	vmov s10;
	v34 =	vmul.f32 $8.000000000e+00, v34;
	v30 =	vmul.f32 $8.000000000e+00, v30;
	[tilespmem:v19+s31+$0x0] =	vst.idx.msk $0xffff, v21  }
0x12d: {  	v38 =	vshrl.u32 v38, $0x3;
	v25 =	vmul.f32 $8.000000000e+00, v25;
	v21 =	vadd.s32 v2, v23;
	[tilespmem:v16+s31+$0x0] =	vst.idx.msk $0xffff, v26;
	v16 =	vld [tilespmem:s13+$0xF0]  }
0x12e: {  	v19 =	vadd.s32 v3, v23;
	v23 =	vshrl.u32 v39, $0x3;
	v26 =	vmul.f32 $8.000000000e+00, v32;
	[tilespmem:v15+s31+$0x0] =	vst.idx.msk $0xffff, v30;
	v15 =	vld [tilespmem:s13+$0xFFFFFFF0]  }
0x12f: {  	v23 =	vshll.u32 v23, v1;
	v30 =	vmov s22;
	[tilespmem:v6+s31+$0x0] =	vst.idx.msk $0xffff, v25;
	v6 =	vmul.f32 $8.000000000e+00, v11  }
0x130: {  	v8 =	vmul.f32 $8.000000000e+00, v8;
	v23 =	vbroadcast v23, $0x0;
	v25 =	vadd.s32 v21, v14;
	v11 =	vld [tilespmem:s19+$0x40]  }
0x131: {  	v22 =	vshrl.u32 v22, $0x3;
	v32 =	vshll.u32 v38, v1;
	v38 =	vld [tilespmem:s13+$0xFFFFFF30];
	[tilespmem:v13+s31+$0x0] =	vst.idx.msk $0xffff, v6;
	v6 =	vmul.f32 $8.000000000e+00, v29;
	s13 =	smov.u32 s19  }
0x132: {  	v13 =	vadd.s32 v20, v23;
	v29 =	vadd.s32 v21, v23;
	[tilespmem:v33+s31+$0x0] =	vst.idx.msk $0xffff, v34;
	v33 =	vmul.f32 $8.000000000e+00, v37  }
0x133: {  	v30 =	vshrl.u32 v30, $0x3;
	v13 =	vor.u32 $0x4, v13;
	v15 =	vmul.f32 $8.000000000e+00, v15;
	[tilespmem:v31+s31+$0x0] =	vst.idx.msk $0xffff, v6  }
0x134: {  	v22 =	vshll.u32 v22, v1;
	v6 =	vshrl.u32 v27, $0x3;
	v27 =	vld [tilespmem:s19+$0xFFFFFF50];
	[tilespmem:v12+s31+$0x0] =	vst.idx.msk $0xffff, v8;
	v8 =	vmul.f32 $8.000000000e+00, v16  }
0x135: {  	v6 =	vshll.u32 v6, v1;
	v12 =	vadd.s32 v21, v17;
	v31 =	vmul.f32 $8.000000000e+00, v11;
	[tilespmem:v35+s31+$0x0] =	vst.idx.msk $0xffff, v15  }
0x136: {  	v15 =	vbroadcast v22, $0x0;
	v11 =	vshll.u32 v24, v1;
	v16 =	vmul.f32 $8.000000000e+00, v38;
	[tilespmem:v9+s31+$0x0] =	vst.idx.msk $0xffff, v8  }
0x137: {  	v22 =	vor.u32 $0x7, v25;
	v9 =	vshll.u32 v30, v1;
	v30 =	vbroadcast v11, $0x0;
	[tilespmem:v7+s31+$0x0] =	vst.idx.msk $0xffff, v33  }
0x138: {  	v24 =	vbroadcast v32, $0x0;
	v7 =	vadd.s32 v21, v15;
	v8 =	vadd.s32 v19, v15;
	v25 =	vld [tilespmem:s19+$0x80];
	[tilespmem:v5+s31+$0x0] =	vst.idx.msk $0xffff, v16  }
0x139: {  	v11 =	vadd.s32 v20, v15;
	v16 =	vadd.s32 v20, v30;
	v27 =	vmul.f32 $8.000000000e+00, v27;
	v5 =	vld [tilespmem:s19+$0xFFFFFF80]  }
0x13a: {  	v32 =	vor.u32 $0x2, v11;
	v8 =	vor.u32 $0x2, v8;
	v34 =	vor.u32 $0x6, v16;
	v33 =	vld [tilespmem:s19+$0xFFFFFFC0]  }
0x13b: {  	v35 =	vbroadcast v6, $0x0;
	v6 =	vadd.s32 v20, v24;
	v11 =	vadd.s32 v19, v24;
	[tilespmem:v36+s31+$0x0] =	vst.idx.msk $0xffff, v26  }
0x13c: {  	v9 =	vbroadcast v9, $0x0;
	v36 =	vadd.s32 v19, v30;
	[tilespmem:v13+s31+$0x0] =	vst.idx.msk $0xffff, v28;
	v13 =	vor.u32 $0x5, v6  }
0x13d: {  	v26 =	vadd.s32 v21, v24;
	v6 =	vadd.s32 v35, v19;
	v25 =	vmul.f32 $8.000000000e+00, v25;
	v28 =	vld [tilespmem:s19+$0xD0]  }
0x13e: {  	v38 =	vor.u32 $0x4, v29;
	v16 =	vadd.s32 v19, v9;
	v37 =	vld [tilespmem:s19+$0xFFFFFF00];
	v5 =	vmul.f32 $8.000000000e+00, v5  }
0x13f: {  	v29 =	vmul.f32 $8.000000000e+00, v33;
	v33 =	vadd.s32 v20, v9;
	v39 =	vld [tilespmem:s19+$0x10];
	[tilespmem:v34+s31+$0x0] =	vst.idx.msk $0xffff, v25;
	v25 =	vadd.s32 v21, v30  }
0x140: {  	v34 =	vadd.s32 v19, v23;
	[tilespmem:v32+s31+$0x0] =	vst.idx.msk $0xffff, v5;
	v32 =	vor.u32 $0x3, v33;
	v33 =	vadd.s32 v21, v9;
	v40 =	vld [tilespmem:s19+$0x90]  }
0x141: {  	v12 =	vor.u32 $0x1, v12;
	v41 =	vadd.s32 v35, v20;
	v24 =	vadd.s32 v10, v24;
	v42 =	vld [tilespmem:s19+$0xFFFFFF90];
	[tilespmem:v13+s31+$0x0] =	vst.idx.msk $0xffff, v31  }
0x142: {  	v20 =	vadd.s32 v35, v21;
	v21 =	vor.u32 $0x6, v25;
	v13 =	vld [tilespmem:s19+$0x50];
	v25 =	vmul.f32 $8.000000000e+00, v28  }
0x143: {  	v5 =	vadd.s32 v35, v10;
	v35 =	vor.u32 $0x2, v7;
	v31 =	vadd.s32 v19, v17  }
0x144: {  	v43 =	vor.u32 $0x5, v26;
	v17 =	vadd.s32 v10, v9;
	v39 =	vmul.f32 $8.000000000e+00, v39;
	[tilespmem:v22+s31+$0x0] =	vst.idx.msk $0xffff, v25  }
0x145: {  	v23 =	vadd.s32 v10, v23;
	v7 =	vmul.f32 $8.000000000e+00, v37;
	[tilespmem:v32+s31+$0x0] =	vst.idx.msk $0xffff, v29;
	v9 =	vmul.f32 $8.000000000e+00, v40;
	v32 =	vld [tilespmem:s19+$0xE0]  }
0x146: {  	v15 =	vadd.s32 v10, v15;
	v19 =	vadd.s32 v19, v14;
	[tilespmem:v12+s31+$0x0] =	vst.idx.msk $0xffff, v27;
	v12 =	vmul.f32 $8.000000000e+00, v42;
	v25 =	vld [tilespmem:s19+$0xFFFFFFD0]  }
.Ltmp2:
0x147: {  	[tilespmem:v41+s31+$0x0] =	vst.idx.msk $0xffff, v7;
	v22 =	vld [tilespmem:s19+$0xFFFFFF60];
	v7 =	vor.u32 $0x1, v18;
	v37 =	vmul.f32 $8.000000000e+00, v13;
	v13 =	vadd.s32 v10, v14;
	(pc) =	sbr.rel @p0 .LBB2_7-.Ltmp2, $4  }
0x148: {  	v19 =	vor.u32 $0x7, v19;
	v28 =	vld [tilespmem:s19+$0xFFFFFF10];
	[tilespmem:v21+s31+$0x0] =	vst.idx.msk $0xffff, v9;
	v9 =	vor.u32 $0x7, v13  }
0x149: {  	v15 =	vor.u32 $0x2, v15;
	v29 =	vor.u32 $0x3, v33;
	v18 =	vor.u32 $0x1, v31;
	[tilespmem:v35+s31+$0x0] =	vst.idx.msk $0xffff, v12;
	v27 =	vld [tilespmem:s19+$0xA0]  }
0x14a: {  	v14 =	vor.u32 $0x4, v34;
	v13 =	vor.u32 $0x4, v23;
	v26 =	vld [tilespmem:s19+$0xFFFFFFA0];
	[tilespmem:v43+s31+$0x0] =	vst.idx.msk $0xffff, v37;
	v21 =	vmul.f32 $8.000000000e+00, v32  }
0x14b: {  	v10 =	vadd.s32 v10, v30;
	v12 =	vor.u32 $0x5, v24;
	v24 =	vor.u32 $0x6, v36;
	s19 =	sadd.s32 $0x200, s19;
	[tilespmem:v38+s31+$0x0] =	vst.idx.msk $0xffff, v39;
	v23 =	vld [tilespmem:s13+$0x60]  }
0x14c: {  	_ =	sdelay $0x1  }
0x14d: {  	v25 =	vmul.f32 $8.000000000e+00, v25  }
0x14e: {  	v30 =	vld [tilespmem:s13+$0x20]  }
0x14f: {  	v44 =	vmul.f32 $8.000000000e+00, v28;
	[tilespmem:v29+s31+$0x0] =	vst.idx.msk $0xffff, v25  }
0x150: {  	v45 =	vld [tilespmem:s13+$0xFFFFFFE0]  }
0x151: {  	v53 =	vmul.f32 $8.000000000e+00, v22;
	[tilespmem:v20+s31+$0x0] =	vst.idx.msk $0xffff, v44  }
0x152: {  	v16 =	vor.u32 $0x3, v16;
	[tilespmem:v19+s31+$0x0] =	vst.idx.msk $0xffff, v21;
	v47 =	vmul.f32 $8.000000000e+00, v27;
	v48 =	vld [tilespmem:s13+$0xFFFFFF20]  }
0x153: {  	v11 =	vor.u32 $0x5, v11;
	v58 =	vld [tilespmem:s13+$0xF0];
	[tilespmem:v18+s31+$0x0] =	vst.idx.msk $0xffff, v53;
	v46 =	vmul.f32 $8.000000000e+00, v30  }
0x154: {  	v26 =	vmul.f32 $8.000000000e+00, v26;
	v59 =	vld [tilespmem:s13+$0xFFFFFF70];
	[tilespmem:v24+s31+$0x0] =	vst.idx.msk $0xffff, v47  }
0x155: {  	v52 =	vld [tilespmem:s13+$0xB0];
	[tilespmem:v14+s31+$0x0] =	vst.idx.msk $0xffff, v46;
	v51 =	vmul.f32 $8.000000000e+00, v45  }
0x156: {  	v49 =	vmul.f32 $8.000000000e+00, v23;
	[tilespmem:v8+s31+$0x0] =	vst.idx.msk $0xffff, v26;
	v14 =	vld [tilespmem:s13+$0x30]  }
0x157: {  	v10 =	vor.u32 $0x6, v10;
	v50 =	vld [tilespmem:s13+$0xFFFFFFB0];
	v55 =	vmul.f32 $8.000000000e+00, v48;
	[tilespmem:v16+s31+$0x0] =	vst.idx.msk $0xffff, v51  }
0x158: {  	[tilespmem:v11+s31+$0x0] =	vst.idx.msk $0xffff, v49;
	v62 =	vmul.f32 $8.000000000e+00, v58;
	v56 =	vld [tilespmem:s13+$0xFFFFFFF0]  }
0x159: {  	v54 =	vld [tilespmem:s13+$0x70];
	v63 =	vmul.f32 $8.000000000e+00, v59;
	[tilespmem:v6+s31+$0x0] =	vst.idx.msk $0xffff, v55  }
0x15a: {  	v17 =	vor.u32 $0x3, v17;
	[tilespmem:v9+s31+$0x0] =	vst.idx.msk $0xffff, v62;
	v8 =	vmul.f32 $8.000000000e+00, v52;
	v60 =	vld [tilespmem:s13+$0xFFFFFF30]  }
0x15b: {  	[tilespmem:v7+s31+$0x0] =	vst.idx.msk $0xffff, v63;
	v6 =	vmul.f32 $8.000000000e+00, v14  }
0x15c: {  	v57 =	vmul.f32 $8.000000000e+00, v50;
	[tilespmem:v10+s31+$0x0] =	vst.idx.msk $0xffff, v8;
	s13 =	smul.u32 $0x300, s24  }
0x15d: {  	[tilespmem:v13+s31+$0x0] =	vst.idx.msk $0xffff, v6;
	v6 =	vmul.f32 $8.000000000e+00, v56  }
0x15e: {  	v61 =	vmul.f32 $8.000000000e+00, v54;
	[tilespmem:v15+s31+$0x0] =	vst.idx.msk $0xffff, v57;
	s7 =	sadd.s32 s13, s8  }
0x15f: {  	s10 =	sand.u32 $0xF00, s7;
	s7 =	sshll.u32 s7, $0x3;
	[tilespmem:v17+s31+$0x0] =	vst.idx.msk $0xffff, v6;
	v6 =	vmul.f32 $8.000000000e+00, v60  }
0x160: {  	[tilespmem:v12+s31+$0x0] =	vst.idx.msk $0xffff, v61;
	s7 =	sand.u32 $0x1FFF8000, s7;
	s10 =	sadd.s32 s2, s10  }
0x161: {  	s21 =	simm.s32 $0x16800;
	s7 =	sadd.s32 s7, s10;
	[tilespmem:v5+s31+$0x0] =	vst.idx.msk $0xffff, v6  }
0x162: {  	[hbm4b:s7+s3] =	stream.linear.scatter [tilespmem:s21], [sflag:$0x5], $0x80, $0x38;
	[tilespmem:$0x1F000] =	vst v63  }
0x163: {  	s22 =	simm.s32 $0x16888;
	s14 =	sadd.s32 $0x10, s7  }
0x164: {  	[hbm4b:s14+s3] =	stream.linear.scatter [tilespmem:s22], [sflag:$0x5], $0x80, $0x38;
	[tilespmem:$0x1F000] =	vst v63  }
0x165: {  	s23 =	simm.s32 $0x16910;
	s25 =	sadd.s32 $0x20, s7  }
0x166: {  	[hbm4b:s25+s3] =	stream.linear.scatter [tilespmem:s23], [sflag:$0x5], $0x80, $0x38;
	[tilespmem:$0x1F000] =	vst v63  }
0x167: {  	s11 =	simm.s32 $0x16998;
	s12 =	sadd.s32 $0x30, s7  }
0x168: {  	[hbm4b:s12+s3] =	stream.linear.scatter [tilespmem:s11], [sflag:$0x5], $0x80, $0x38;
	[tilespmem:$0x1F000] =	vst v63  }
0x169: {  	s16 =	simm.s32 $0x16A20;
	s19 =	sadd.s32 $0x40, s7  }
0x16a: {  	[hbm4b:s19+s3] =	stream.linear.scatter [tilespmem:s16], [sflag:$0x5], $0x80, $0x38;
	[tilespmem:$0x1F000] =	vst v63  }
0x16b: {  	s21 =	simm.s32 $0x16AA8;
	s22 =	sadd.s32 $0x50, s7  }
0x16c: {  	[hbm4b:s22+s3] =	stream.linear.scatter [tilespmem:s21], [sflag:$0x5], $0x80, $0x38;
	[tilespmem:$0x1F000] =	vst v63  }
0x16d: {  	s23 =	simm.s32 $0x16B30;
	s25 =	sadd.s32 $0x60, s7  }
0x16e: {  	[hbm4b:s25+s3] =	stream.linear.scatter [tilespmem:s23], [sflag:$0x5], $0x80, $0x38;
	[tilespmem:$0x1F000] =	vst v63  }
0x16f: {  	s11 =	simm.s32 $0x16BB8;
	s12 =	sadd.s32 $0x70, s7  }
0x170: {  	[hbm4b:s12+s3] =	stream.linear.scatter [tilespmem:s11], [sflag:$0x5], $0x80, $0x38;
	[tilespmem:$0x1F000] =	vst v63  }
0x171: {  	s16 =	simm.s32 $0x16C40;
	s19 =	sadd.s32 $0x80, s7  }
0x172: {  	[hbm4b:s19+s3] =	stream.linear.scatter [tilespmem:s16], [sflag:$0x5], $0x80, $0x38;
	[tilespmem:$0x1F000] =	vst v63  }
0x173: {  	s21 =	simm.s32 $0x16CC8;
	s22 =	sadd.s32 $0x90, s7  }
0x174: {  	[hbm4b:s22+s3] =	stream.linear.scatter [tilespmem:s21], [sflag:$0x5], $0x80, $0x38;
	[tilespmem:$0x1F000] =	vst v63  }
0x175: {  	s23 =	simm.s32 $0x16D50;
	s25 =	sadd.s32 $0xA0, s7  }
0x176: {  	[hbm4b:s25+s3] =	stream.linear.scatter [tilespmem:s23], [sflag:$0x5], $0x80, $0x38;
	[tilespmem:$0x1F000] =	vst v63  }
0x177: {  	s11 =	simm.s32 $0x16DD8;
	s12 =	sadd.s32 $0xB0, s7  }
0x178: {  	[hbm4b:s12+s3] =	stream.linear.scatter [tilespmem:s11], [sflag:$0x5], $0x80, $0x38;
	[tilespmem:$0x1F000] =	vst v63  }
0x179: {  	s16 =	simm.s32 $0x16E60;
	s19 =	sadd.s32 $0xC0, s7  }
0x17a: {  	[hbm4b:s19+s3] =	stream.linear.scatter [tilespmem:s16], [sflag:$0x5], $0x80, $0x38;
	[tilespmem:$0x1F000] =	vst v63  }
0x17b: {  	s14 =	simm.s32 $0x880;
	s21 =	simm.s32 $0x16EE8;
	s22 =	sadd.s32 $0xD0, s7  }
0x17c: {  	[hbm4b:s22+s3] =	stream.linear.scatter [tilespmem:s21], [sflag:$0x5], $0x80, $0x38;
	[tilespmem:$0x1F000] =	vst v63  }
0x17d: {  	s23 =	simm.s32 $0x16F70;
	s25 =	sadd.s32 $0xE0, s7;
	s19 =	sadd.s32 $0x1000, s7  }
0x17e: {  	[hbm4b:s25+s3] =	stream.linear.scatter [tilespmem:s23], [sflag:$0x5], $0x80, $0x38;
	[tilespmem:$0x1F000] =	vst v63  }
0x17f: {  	s21 =	simm.s32 $0x16FF8;
	s23 =	simm.s32 $0x4400;
	s25 =	sadd.s32 $0xF0, s7  }
.LBB2_9:
0x180: {  	[hbm4b:s25+s3] =	stream.linear.scatter [tilespmem:s21], [sflag:$0x5], $0x80, $0x38;
	[tilespmem:$0x1F000] =	vst v63  }
0x181: {  	s21 =	smov.u32 s14;
	s7 =	smov.u32 s23  }
0x182: {  	s22 =	sadd.s32 $0x2200, s23;
	s14 =	sshra.s32 s7, $0x2;
	s7 =	sadd.s32 $0x16800, s21  }
0x183: {  	[hbm4b:s19+s3] =	stream.linear.scatter [tilespmem:s7], [sflag:$0x5], $0x80, $0x38;
	[tilespmem:$0x1F000] =	vst v63  }
0x184: {  	p0 =	sne.s32 s23, $0xEE00;
	s10 =	sadd.s32 $0x10, s19;
	s7 =	sadd.s32 $0x16888, s21  }
0x185: {  	[hbm4b:s10+s3] =	stream.linear.scatter [tilespmem:s7], [sflag:$0x5], $0x80, $0x38;
	[tilespmem:$0x1F000] =	vst v63  }
0x186: {  	s7 =	sadd.s32 $0x16910, s21;
	s10 =	sadd.s32 $0x20, s19  }
0x187: {  	[hbm4b:s10+s3] =	stream.linear.scatter [tilespmem:s7], [sflag:$0x5], $0x80, $0x38;
	[tilespmem:$0x1F000] =	vst v63  }
0x188: {  	s7 =	sadd.s32 $0x16998, s21;
	s10 =	sadd.s32 $0x30, s19  }
0x189: {  	[hbm4b:s10+s3] =	stream.linear.scatter [tilespmem:s7], [sflag:$0x5], $0x80, $0x38;
	[tilespmem:$0x1F000] =	vst v63  }
0x18a: {  	s7 =	sadd.s32 $0x16A20, s21;
	s10 =	sadd.s32 $0x40, s19  }
0x18b: {  	[hbm4b:s10+s3] =	stream.linear.scatter [tilespmem:s7], [sflag:$0x5], $0x80, $0x38;
	[tilespmem:$0x1F000] =	vst v63  }
0x18c: {  	s7 =	sadd.s32 $0x16AA8, s21;
	s10 =	sadd.s32 $0x50, s19  }
0x18d: {  	[hbm4b:s10+s3] =	stream.linear.scatter [tilespmem:s7], [sflag:$0x5], $0x80, $0x38;
	[tilespmem:$0x1F000] =	vst v63  }
0x18e: {  	s7 =	sadd.s32 $0x16B30, s21;
	s10 =	sadd.s32 $0x60, s19  }
0x18f: {  	[hbm4b:s10+s3] =	stream.linear.scatter [tilespmem:s7], [sflag:$0x5], $0x80, $0x38;
	[tilespmem:$0x1F000] =	vst v63  }
0x190: {  	s7 =	sadd.s32 $0x16BB8, s21;
	s10 =	sadd.s32 $0x70, s19  }
0x191: {  	[hbm4b:s10+s3] =	stream.linear.scatter [tilespmem:s7], [sflag:$0x5], $0x80, $0x38;
	[tilespmem:$0x1F000] =	vst v63  }
0x192: {  	s7 =	sadd.s32 $0x16C40, s21;
	s10 =	sadd.s32 $0x80, s19  }
0x193: {  	[hbm4b:s10+s3] =	stream.linear.scatter [tilespmem:s7], [sflag:$0x5], $0x80, $0x38;
	[tilespmem:$0x1F000] =	vst v63  }
0x194: {  	s7 =	sadd.s32 $0x16CC8, s21;
	s10 =	sadd.s32 $0x90, s19  }
0x195: {  	[hbm4b:s10+s3] =	stream.linear.scatter [tilespmem:s7], [sflag:$0x5], $0x80, $0x38;
	[tilespmem:$0x1F000] =	vst v63  }
0x196: {  	s7 =	sadd.s32 $0x16D50, s21;
	s10 =	sadd.s32 $0xA0, s19  }
0x197: {  	[hbm4b:s10+s3] =	stream.linear.scatter [tilespmem:s7], [sflag:$0x5], $0x80, $0x38;
	[tilespmem:$0x1F000] =	vst v63  }
0x198: {  	s7 =	sadd.s32 $0x16DD8, s21;
	s10 =	sadd.s32 $0xB0, s19  }
0x199: {  	[hbm4b:s10+s3] =	stream.linear.scatter [tilespmem:s7], [sflag:$0x5], $0x80, $0x38;
	[tilespmem:$0x1F000] =	vst v63  }
0x19a: {  	s7 =	sadd.s32 $0x16E60, s21;
	s10 =	sadd.s32 $0xC0, s19  }
0x19b: {  	[hbm4b:s10+s3] =	stream.linear.scatter [tilespmem:s7], [sflag:$0x5], $0x80, $0x38;
	[tilespmem:$0x1F000] =	vst v63  }
.Ltmp3:
0x19c: {  	s7 =	sadd.s32 $0x16EE8, s21;
	s10 =	sadd.s32 $0xD0, s19;
	(pc) =	sbr.rel @p0 .LBB2_9-.Ltmp3, $4  }
0x19d: {  	[hbm4b:s10+s3] =	stream.linear.scatter [tilespmem:s7], [sflag:$0x5], $0x80, $0x38;
	[tilespmem:$0x1F000] =	vst v63  }
0x19e: {  	s25 =	sadd.s32 $0xF0, s19;
	s7 =	sadd.s32 $0x16F70, s21;
	s10 =	sadd.s32 $0xE0, s19  }
0x19f: {  	[hbm4b:s10+s3] =	stream.linear.scatter [tilespmem:s7], [sflag:$0x5], $0x80, $0x38;
	[tilespmem:$0x1F000] =	vst v63  }
0x1a0: {  	s23 =	smov.u32 s22;
	s21 =	sadd.s32 $0x16FF8, s21;
	s19 =	sadd.s32 $0x1000, s19  }
0x1a1: {  	[hbm4b:s25+s3] =	stream.linear.scatter [tilespmem:s21], [sflag:$0x5], $0x80, $0x38;
	[tilespmem:$0x1F000] =	vst v63  }
0x1a2: {  	s7 =	sadd.s32 $0x16800, s14  }
0x1a3: {  	[hbm4b:s19+s3] =	stream.linear.scatter [tilespmem:s7], [sflag:$0x5], $0x80, $0x38;
	[tilespmem:$0x1F000] =	vst v63  }
0x1a4: {  	s25 =	sadd.s32 $0x16888, s14;
	s10 =	sadd.s32 $0x10, s19  }
0x1a5: {  	[hbm4b:s10+s3] =	stream.linear.scatter [tilespmem:s25], [sflag:$0x5], $0x80, $0x38;
	[tilespmem:$0x1F000] =	vst v63  }
0x1a6: {  	s11 =	sadd.s32 $0x20, s19;
	s10 =	sadd.s32 $0x16910, s14  }
0x1a7: {  	[hbm4b:s11+s3] =	stream.linear.scatter [tilespmem:s10], [sflag:$0x5], $0x80, $0x38;
	[tilespmem:$0x1F000] =	vst v63  }
0x1a8: {  	s12 =	sadd.s32 $0x16998, s14;
	s16 =	sadd.s32 $0x30, s19  }
0x1a9: {  	[hbm4b:s16+s3] =	stream.linear.scatter [tilespmem:s12], [sflag:$0x5], $0x80, $0x38;
	[tilespmem:$0x1F000] =	vst v63  }
0x1aa: {  	s21 =	sadd.s32 $0x16A20, s14;
	s22 =	sadd.s32 $0x40, s19  }
0x1ab: {  	[hbm4b:s22+s3] =	stream.linear.scatter [tilespmem:s21], [sflag:$0x5], $0x80, $0x38;
	[tilespmem:$0x1F000] =	vst v63  }
0x1ac: {  	s23 =	sadd.s32 $0x16AA8, s14;
	s25 =	sadd.s32 $0x50, s19  }
0x1ad: {  	[hbm4b:s25+s3] =	stream.linear.scatter [tilespmem:s23], [sflag:$0x5], $0x80, $0x38;
	[tilespmem:$0x1F000] =	vst v63  }
0x1ae: {  	s10 =	sadd.s32 $0x16B30, s14;
	s11 =	sadd.s32 $0x60, s19  }
0x1af: {  	[hbm4b:s11+s3] =	stream.linear.scatter [tilespmem:s10], [sflag:$0x5], $0x80, $0x38;
	[tilespmem:$0x1F000] =	vst v63  }
0x1b0: {  	s12 =	sadd.s32 $0x16BB8, s14;
	s16 =	sadd.s32 $0x70, s19  }
0x1b1: {  	[hbm4b:s16+s3] =	stream.linear.scatter [tilespmem:s12], [sflag:$0x5], $0x80, $0x38;
	[tilespmem:$0x1F000] =	vst v63  }
0x1b2: {  	s21 =	sadd.s32 $0x16C40, s14;
	s22 =	sadd.s32 $0x80, s19  }
0x1b3: {  	[hbm4b:s22+s3] =	stream.linear.scatter [tilespmem:s21], [sflag:$0x5], $0x80, $0x38;
	[tilespmem:$0x1F000] =	vst v63  }
0x1b4: {  	s23 =	sadd.s32 $0x16CC8, s14;
	s25 =	sadd.s32 $0x90, s19  }
0x1b5: {  	[hbm4b:s25+s3] =	stream.linear.scatter [tilespmem:s23], [sflag:$0x5], $0x80, $0x38;
	[tilespmem:$0x1F000] =	vst v63  }
0x1b6: {  	s10 =	sadd.s32 $0x16D50, s14;
	s11 =	sadd.s32 $0xA0, s19  }
0x1b7: {  	[hbm4b:s11+s3] =	stream.linear.scatter [tilespmem:s10], [sflag:$0x5], $0x80, $0x38;
	[tilespmem:$0x1F000] =	vst v63  }
0x1b8: {  	s12 =	sadd.s32 $0x16DD8, s14;
	s16 =	sadd.s32 $0xB0, s19  }
0x1b9: {  	[hbm4b:s16+s3] =	stream.linear.scatter [tilespmem:s12], [sflag:$0x5], $0x80, $0x38;
	[tilespmem:$0x1F000] =	vst v63  }
0x1ba: {  	s21 =	sadd.s32 $0x16E60, s14;
	s22 =	sadd.s32 $0xC0, s19  }
0x1bb: {  	[hbm4b:s22+s3] =	stream.linear.scatter [tilespmem:s21], [sflag:$0x5], $0x80, $0x38;
	[tilespmem:$0x1F000] =	vst v63  }
0x1bc: {  	s23 =	sadd.s32 $0x16EE8, s14;
	s25 =	sadd.s32 $0xD0, s19  }
0x1bd: {  	[hbm4b:s25+s3] =	stream.linear.scatter [tilespmem:s23], [sflag:$0x5], $0x80, $0x38;
	[tilespmem:$0x1F000] =	vst v63  }
0x1be: {  	s11 =	sadd.s32 $0x16F70, s14;
	s12 =	sadd.s32 $0xE0, s19  }
0x1bf: {  	[hbm4b:s12+s3] =	stream.linear.scatter [tilespmem:s11], [sflag:$0x5], $0x80, $0x38;
	[tilespmem:$0x1F000] =	vst v63  }
0x1c0: {  	s14 =	sadd.s32 $0x16FF8, s14;
	s16 =	sadd.s32 $0xF0, s19;
	s19 =	smul.u32 $0xC00, s24  }
0x1c1: {  	[hbm4b:s16+s3] =	stream.linear.scatter [tilespmem:s14], [sflag:$0x5], $0x80, $0x38;
	[tilespmem:$0x1F000] =	vst v63  }
0x1c2: {  	s22 =	simm.s32 $0xA400;
	s14 =	sshra.s32 s19, $0x2  }
0x1c3: {  	s25 =	simm.s32 $0xC400;
	s11 =	simm.s32 $0x1;
	s21 =	sadd.s32 $0x400, s14  }
0x1c4: {  	[tilespmem:s22], [sflag:$0x2] =	stream.indirect.gather [hbm4b:s5+s15], $0x40, s21, s15, $0xb8;
	[tilespmem:$0x1F000] =	vst v63  }
0x1c5: {  	s12 =	simm.s32 $0x0;
	s7 =	sand.u32 $0x78, s11;
	s23 =	sadd.s32 $0x480, s14  }
0x1c6: {  	v5 =	vmov s12;
	v6 =	vmov s7;
	[tilespmem:s25], [sflag:$0x2] =	stream.indirect.gather [hbm4b:s5+s15], $0x40, s23, s15, $0xb8;
	[tilespmem:$0x1F000] =	vst v63  }
0x1c7: {  	s11 =	simm.s32 $0x4;
	s19 =	simm.s32 $0x0;
	v5 =	vmul.u32 $0x440, v5;
	v6 =	vshrl.u32 v6, $0x3;
	_ =	swait.ge [sflag:s1], $0x2000  }
0x1c8: {  	s16 =	sand.u32 $0x78, s19;
	s21 =	simm.s32 $0x7;
	v6 =	vshll.u32 v6, v1;
	[sflag:s1] =	ssyncset.done $0x0  }
0x1c9: {  	v7 =	vmov s16;
	v5 =	vbroadcast v5, $0x0;
	s16 =	sand.u32 $0x78, s11;
	s7 =	sand.u32 $0x78, s21;
	v12 =	vbroadcast v6, $0x0;
	[sflag:s1] =	ssyncadd.s32 $0xFFFFE000  }
0x1ca: {  	v19 =	vmov s16;
	v7 =	vshrl.u32 v7, $0x3;
	v9 =	vmov s7;
	_ =	swait.ge [sflag:s1], $0x2000  }
0x1cb: {  	s10 =	simm.s32 $0x2;
	v10 =	vadd.s32 v4, v5;
	v13 =	vadd.s32 v0, v5;
	v19 =	vshrl.u32 v19, $0x3;
	[sflag:s1] =	ssyncset.done $0x0  }
0x1cc: {  	s23 =	simm.s32 $0x6;
	s7 =	sand.u32 $0x78, s10;
	v21 =	vadd.s32 v2, v5;
	v22 =	vadd.s32 v3, v5;
	v7 =	vshll.u32 v7, v1;
	[sflag:s1] =	ssyncadd.s32 $0xFFFFE000  }
0x1cd: {  	s12 =	simm.s32 $0x5;
	s25 =	sand.u32 $0x78, s23;
	v9 =	vshrl.u32 v9, $0x3;
	v14 =	vadd.s32 v13, v12;
	v16 =	vmov s7;
	_ =	swait.ge [sflag:s0], $0x4000  }
0x1ce: {  	s23 =	sand.u32 $0x78, s12;
	v19 =	vshll.u32 v19, v1;
	v7 =	vbroadcast v7, $0x0;
	v11 =	vmov s25;
	[sflag:s0] =	ssyncset.done $0x0  }
0x1cf: {  	s22 =	simm.s32 $0xE500;
	v9 =	vshll.u32 v9, v1;
	v20 =	vmov s23;
	v19 =	vbroadcast v19, $0x0;
	[sflag:s0] =	ssyncadd.s32 $0xFFFFC000  }
0x1d0: {  	v16 =	vshrl.u32 v16, $0x3;
	v11 =	vshrl.u32 v11, $0x3;
	v20 =	vshrl.u32 v20, $0x3;
	v8 =	vld [tilespmem:s22+$0x0]  }
0x1d1: {  	v9 =	vbroadcast v9, $0x0;
	v16 =	vshll.u32 v16, v1;
	v20 =	vshll.u32 v20, v1  }
0x1d2: {  	v25 =	vadd.s32 v13, v19;
	v26 =	vadd.s32 v21, v19;
	v27 =	vbroadcast v16, $0x0  }
0x1d3: {  	v11 =	vshll.u32 v11, v1;
	v40 =	vadd.s32 v22, v19;
	v18 =	vadd.s32 v13, v9;
	v6 =	vld [tilespmem:s22+$0xFFFFFF40]  }
0x1d4: {  	v24 =	vadd.s32 v21, v9;
	v30 =	vbroadcast v11, $0x0;
	v20 =	vbroadcast v20, $0x0;
	v15 =	vld [tilespmem:s22+$0xC0]  }
0x1d5: {  	v39 =	vor.u32 $0x4, v26;
	v17 =	vmul.f32 $8.000000000e+00, v8;
	v8 =	vor.u32 $0x1, v14  }
0x1d6: {  	v18 =	vor.u32 $0x7, v18;
	v24 =	vor.u32 $0x7, v24;
	v28 =	vadd.s32 v21, v27  }
0x1d7: {  	s25 =	simm.s32 $0x3;
	v11 =	vadd.s32 v22, v27;
	v31 =	vadd.s32 v13, v27;
	v27 =	vadd.s32 v10, v27;
	v16 =	vld [tilespmem:s22+$0x80]  }
0x1d8: {  	s7 =	sand.u32 $0x78, s25;
	v32 =	vadd.s32 v13, v30;
	v31 =	vor.u32 $0x2, v31;
	v23 =	vld [tilespmem:s22+$0x40];
	v6 =	vmul.f32 $8.000000000e+00, v6  }
0x1d9: {  	v32 =	vor.u32 $0x6, v32;
	v29 =	vld [tilespmem:s22+$0xFFFFFF80];
	v5 =	vmul.f32 $8.000000000e+00, v15;
	v15 =	vmov s7  }
0x1da: {  	v35 =	vadd.s32 v13, v20;
	v34 =	vld [tilespmem:s22+$0xFFFFFFC0];
	[tilespmem:v8+s18+$0x0] =	vst.idx.msk $0xffff, v6;
	v6 =	vshrl.u32 v15, $0x3;
	v15 =	vor.u32 $0x4, v25  }
0x1db: {  	v59 =	vadd.s32 v22, v30;
	v61 =	vadd.s32 v21, v30;
	[tilespmem:v18+s18+$0x0] =	vst.idx.msk $0xffff, v5;
	v5 =	vor.u32 $0x5, v35;
	v8 =	vld [tilespmem:s22+$0xFFFFFF50]  }
0x1dc: {  	v42 =	vadd.s32 v10, v20;
	v62 =	vor.u32 $0x2, v28;
	v36 =	vmul.f32 $8.000000000e+00, v16  }
0x1dd: {  	v14 =	vadd.s32 v10, v12;
	v37 =	vld [tilespmem:s22+$0xD0];
	v25 =	vadd.s32 v21, v12;
	v6 =	vshll.u32 v6, v1  }
0x1de: {  	v23 =	vmul.f32 $8.000000000e+00, v23;
	[tilespmem:v32+s18+$0x0] =	vst.idx.msk $0xffff, v36;
	v25 =	vor.u32 $0x1, v25;
	v18 =	vbroadcast v6, $0x0  }
0x1df: {  	v38 =	vld [tilespmem:s22+$0xFFFFFF00];
	v26 =	vmul.f32 $8.000000000e+00, v34;
	[tilespmem:v15+s18+$0x0] =	vst.idx.msk $0xffff, v17;
	v15 =	vadd.s32 v21, v20;
	v17 =	vmul.f32 $8.000000000e+00, v29  }
0x1e0: {  	v36 =	vld [tilespmem:s22+$0x90];
	[tilespmem:v5+s18+$0x0] =	vst.idx.msk $0xffff, v23;
	v29 =	vadd.s32 v13, v18;
	v13 =	vadd.s32 v7, v13;
	v33 =	vmul.f32 $8.000000000e+00, v8  }
0x1e1: {  	v23 =	vld [tilespmem:s22+$0x50];
	v8 =	vor.u32 $0x2, v11;
	v11 =	vadd.s32 v22, v20;
	v29 =	vor.u32 $0x3, v29  }
0x1e2: {  	v20 =	vadd.s32 v7, v21;
	[tilespmem:v31+s18+$0x0] =	vst.idx.msk $0xffff, v17;
	v31 =	vadd.s32 v21, v18;
	v21 =	vmul.f32 $8.000000000e+00, v37  }
0x1e3: {  	v32 =	vor.u32 $0x6, v61;
	v12 =	vadd.s32 v22, v12;
	v6 =	vadd.s32 v7, v22;
	v41 =	vld [tilespmem:s22+$0xFFFFFF90];
	[tilespmem:v25+s18+$0x0] =	vst.idx.msk $0xffff, v33  }
0x1e4: {  	v5 =	vadd.s32 v7, v10;
	v60 =	vld [tilespmem:s22+$0x10];
	v7 =	vmul.f32 $8.000000000e+00, v38;
	[tilespmem:v24+s18+$0x0] =	vst.idx.msk $0xffff, v21;
	v21 =	vor.u32 $0x5, v15  }
0x1e5: {  	v16 =	vadd.s32 v22, v18;
	v17 =	vadd.s32 v10, v18;
	v18 =	vadd.s32 v22, v9;
	v22 =	vld [tilespmem:s22+$0xFFFFFF60]  }
0x1e6: {  	v9 =	vadd.s32 v10, v9;
	v23 =	vmul.f32 $8.000000000e+00, v23;
	v15 =	vmul.f32 $8.000000000e+00, v36;
	v63 =	vld [tilespmem:s22+$0xE0];
	[tilespmem:v13+s18+$0x0] =	vst.idx.msk $0xffff, v7  }
0x1e7: {  	v9 =	vor.u32 $0x7, v9;
	v24 =	vadd.s32 v10, v19;
	v19 =	vor.u32 $0x7, v18;
	[tilespmem:v29+s18+$0x0] =	vst.idx.msk $0xffff, v26;
	v28 =	vld [tilespmem:s22+$0xFFFFFF10]  }
0x1e8: {  	v18 =	vor.u32 $0x1, v12;
	v12 =	vor.u32 $0x5, v42;
	[tilespmem:v32+s18+$0x0] =	vst.idx.msk $0xffff, v15;
	v25 =	vld [tilespmem:s22+$0xFFFFFFD0];
	v26 =	vmul.f32 $8.000000000e+00, v41  }
0x1e9: {  	v10 =	vadd.s32 v10, v30;
	v34 =	vmul.f32 $8.000000000e+00, v60;
	v15 =	vor.u32 $0x2, v27;
	v27 =	vld [tilespmem:s22+$0xA0];
	[tilespmem:v21+s18+$0x0] =	vst.idx.msk $0xffff, v23  }
0x1ea: {  	v7 =	vor.u32 $0x1, v14;
	v14 =	vor.u32 $0x4, v40;
	v29 =	vor.u32 $0x3, v31;
	[tilespmem:v62+s18+$0x0] =	vst.idx.msk $0xffff, v26;
	v23 =	vld [tilespmem:s22+$0x60]  }
0x1eb: {  	s21 =	simm.s32 $0xE700;
	v13 =	vor.u32 $0x4, v24;
	v24 =	vor.u32 $0x6, v59;
	[tilespmem:v39+s18+$0x0] =	vst.idx.msk $0xffff, v34;
	v21 =	vmul.f32 $8.000000000e+00, v63;
	v26 =	vld [tilespmem:s22+$0xFFFFFFA0]  }
.LBB2_11:
0x1ec: {  	s7 =	sadd.s32 $0x9, s19  }
0x1ed: {  	s10 =	sadd.s32 $0xA, s19;
	v22 =	vmul.f32 $8.000000000e+00, v22;
	v25 =	vmul.f32 $8.000000000e+00, v25;
	v30 =	vld [tilespmem:s22+$0x20];
	v31 =	vor.u32 $0x6, v10;
	s23 =	smov.u32 s19;
	s19 =	sadd.s32 $0x8, s19  }
0x1ee: {  	v16 =	vor.u32 $0x3, v16;
	v11 =	vor.u32 $0x5, v11;
	s25 =	sshrl.u32 s19, $0x7;
	s11 =	sand.u32 $0x78, s19;
	s7 =	sand.u32 $0x78, s7;
	v32 =	vld [tilespmem:s21+$0xC0];
	v10 =	vmul.f32 $8.000000000e+00, v28  }
0x1ef: {  	s12 =	sadd.s32 $0xF, s23;
	v28 =	vmov s25;
	v33 =	vmov s7;
	v34 =	vld [tilespmem:s21+$0xFFFFFF40];
	s7 =	sadd.s32 $0xB, s23;
	s25 =	sadd.s32 $0xE, s23;
	[tilespmem:v29+s18+$0x0] =	vst.idx.msk $0xffff, v25;
	v25 =	vmul.f32 $8.000000000e+00, v27  }
0x1f0: {  	v27 =	vmov s11;
	s11 =	sadd.s32 $0xD, s23;
	s12 =	sand.u32 $0x78, s12;
	v28 =	vmul.u32 $0x440, v28;
	v29 =	vld [tilespmem:s21+$0x0];
	s16 =	sand.u32 $0x78, s25;
	[tilespmem:v20+s18+$0x0] =	vst.idx.msk $0xffff, v10;
	v10 =	vmul.f32 $8.000000000e+00, v26  }
0x1f1: {  	v35 =	vor.u32 $0x3, v17;
	s10 =	sand.u32 $0x78, s10;
	s25 =	sand.u32 $0x78, s7;
	s7 =	sand.u32 $0x78, s11;
	v20 =	vmov s12;
	v26 =	vld [tilespmem:s22+$0xFFFFFFE0];
	v17 =	vmul.f32 $8.000000000e+00, v23;
	[tilespmem:v24+s18+$0x0] =	vst.idx.msk $0xffff, v25  }
0x1f2: {  	p0 =	slt.u32 s19, $0xF8;
	v24 =	vshrl.u32 v33, $0x3;
	v23 =	vbroadcast v28, $0x0;
	v25 =	vld [tilespmem:s22+$0xFFFFFF20];
	[tilespmem:v8+s18+$0x0] =	vst.idx.msk $0xffff, v10;
	v8 =	vmul.f32 $8.000000000e+00, v30  }
0x1f3: {  	v20 =	vshrl.u32 v20, $0x3;
	v24 =	vshll.u32 v24, v1;
	v28 =	vmov s16;
	v30 =	vld [tilespmem:s22+$0xFFFFFFB0];
	[tilespmem:v11+s18+$0x0] =	vst.idx.msk $0xffff, v17  }
0x1f4: {  	v17 =	vbroadcast v24, $0x0;
	v11 =	vshll.u32 v20, v1;
	v10 =	vadd.s32 v4, v23;
	[tilespmem:v14+s18+$0x0] =	vst.idx.msk $0xffff, v8;
	v8 =	vld [tilespmem:s22+$0x70]  }
0x1f5: {  	v24 =	vshrl.u32 v28, $0x3;
	v20 =	vadd.s32 v0, v23;
	v14 =	vbroadcast v11, $0x0;
	[tilespmem:v18+s18+$0x0] =	vst.idx.msk $0xffff, v22;
	v11 =	vld [tilespmem:s22+$0x30]  }
0x1f6: {  	v18 =	vadd.s32 v20, v17;
	v22 =	vmov s10;
	v28 =	vmul.f32 $8.000000000e+00, v29;
	v29 =	vld [tilespmem:s22+$0xB0]  }
0x1f7: {  	s10 =	sadd.s32 $0xC, s23;
	v33 =	vor.u32 $0x1, v18;
	v18 =	vadd.s32 v10, v17;
	v36 =	vadd.s32 v20, v14;
	v37 =	vld [tilespmem:s22+$0xFFFFFF70]  }
0x1f8: {  	v38 =	vmov s7;
	s10 =	sand.u32 $0x78, s10;
	v26 =	vmul.f32 $8.000000000e+00, v26;
	v36 =	vor.u32 $0x7, v36  }
0x1f9: {  	v34 =	vmul.f32 $8.000000000e+00, v34;
	v39 =	vmov s10;
	v30 =	vmul.f32 $8.000000000e+00, v30;
	[tilespmem:v19+s18+$0x0] =	vst.idx.msk $0xffff, v21  }
0x1fa: {  	v38 =	vshrl.u32 v38, $0x3;
	v25 =	vmul.f32 $8.000000000e+00, v25;
	v21 =	vadd.s32 v2, v23;
	[tilespmem:v16+s18+$0x0] =	vst.idx.msk $0xffff, v26;
	v16 =	vld [tilespmem:s22+$0xF0]  }
0x1fb: {  	v19 =	vadd.s32 v3, v23;
	v23 =	vshrl.u32 v39, $0x3;
	v26 =	vmul.f32 $8.000000000e+00, v32;
	[tilespmem:v15+s18+$0x0] =	vst.idx.msk $0xffff, v30;
	v15 =	vld [tilespmem:s22+$0xFFFFFFF0]  }
0x1fc: {  	v23 =	vshll.u32 v23, v1;
	v30 =	vmov s25;
	[tilespmem:v6+s18+$0x0] =	vst.idx.msk $0xffff, v25;
	v6 =	vmul.f32 $8.000000000e+00, v11  }
0x1fd: {  	v8 =	vmul.f32 $8.000000000e+00, v8;
	v23 =	vbroadcast v23, $0x0;
	v25 =	vadd.s32 v21, v14;
	v11 =	vld [tilespmem:s21+$0x40]  }
0x1fe: {  	v22 =	vshrl.u32 v22, $0x3;
	v32 =	vshll.u32 v38, v1;
	v38 =	vld [tilespmem:s22+$0xFFFFFF30];
	[tilespmem:v13+s18+$0x0] =	vst.idx.msk $0xffff, v6;
	v6 =	vmul.f32 $8.000000000e+00, v29;
	s22 =	smov.u32 s21  }
0x1ff: {  	v13 =	vadd.s32 v20, v23;
	v29 =	vadd.s32 v21, v23;
	[tilespmem:v33+s18+$0x0] =	vst.idx.msk $0xffff, v34;
	v33 =	vmul.f32 $8.000000000e+00, v37  }
0x200: {  	v30 =	vshrl.u32 v30, $0x3;
	v13 =	vor.u32 $0x4, v13;
	v15 =	vmul.f32 $8.000000000e+00, v15;
	[tilespmem:v31+s18+$0x0] =	vst.idx.msk $0xffff, v6  }
0x201: {  	v22 =	vshll.u32 v22, v1;
	v6 =	vshrl.u32 v27, $0x3;
	v27 =	vld [tilespmem:s21+$0xFFFFFF50];
	[tilespmem:v12+s18+$0x0] =	vst.idx.msk $0xffff, v8;
	v8 =	vmul.f32 $8.000000000e+00, v16  }
0x202: {  	v6 =	vshll.u32 v6, v1;
	v12 =	vadd.s32 v21, v17;
	v31 =	vmul.f32 $8.000000000e+00, v11;
	[tilespmem:v35+s18+$0x0] =	vst.idx.msk $0xffff, v15  }
0x203: {  	v15 =	vbroadcast v22, $0x0;
	v11 =	vshll.u32 v24, v1;
	v16 =	vmul.f32 $8.000000000e+00, v38;
	[tilespmem:v9+s18+$0x0] =	vst.idx.msk $0xffff, v8  }
0x204: {  	v22 =	vor.u32 $0x7, v25;
	v9 =	vshll.u32 v30, v1;
	v30 =	vbroadcast v11, $0x0;
	[tilespmem:v7+s18+$0x0] =	vst.idx.msk $0xffff, v33  }
0x205: {  	v24 =	vbroadcast v32, $0x0;
	v7 =	vadd.s32 v21, v15;
	v8 =	vadd.s32 v19, v15;
	v25 =	vld [tilespmem:s21+$0x80];
	[tilespmem:v5+s18+$0x0] =	vst.idx.msk $0xffff, v16  }
0x206: {  	v11 =	vadd.s32 v20, v15;
	v16 =	vadd.s32 v20, v30;
	v27 =	vmul.f32 $8.000000000e+00, v27;
	v5 =	vld [tilespmem:s21+$0xFFFFFF80]  }
0x207: {  	v32 =	vor.u32 $0x2, v11;
	v8 =	vor.u32 $0x2, v8;
	v34 =	vor.u32 $0x6, v16;
	v33 =	vld [tilespmem:s21+$0xFFFFFFC0]  }
0x208: {  	v35 =	vbroadcast v6, $0x0;
	v6 =	vadd.s32 v20, v24;
	v11 =	vadd.s32 v19, v24;
	[tilespmem:v36+s18+$0x0] =	vst.idx.msk $0xffff, v26  }
0x209: {  	v9 =	vbroadcast v9, $0x0;
	v36 =	vadd.s32 v19, v30;
	[tilespmem:v13+s18+$0x0] =	vst.idx.msk $0xffff, v28;
	v13 =	vor.u32 $0x5, v6  }
0x20a: {  	v26 =	vadd.s32 v21, v24;
	v6 =	vadd.s32 v35, v19;
	v25 =	vmul.f32 $8.000000000e+00, v25;
	v28 =	vld [tilespmem:s21+$0xD0]  }
0x20b: {  	v38 =	vor.u32 $0x4, v29;
	v16 =	vadd.s32 v19, v9;
	v37 =	vld [tilespmem:s21+$0xFFFFFF00];
	v5 =	vmul.f32 $8.000000000e+00, v5  }
0x20c: {  	v29 =	vmul.f32 $8.000000000e+00, v33;
	v33 =	vadd.s32 v20, v9;
	v39 =	vld [tilespmem:s21+$0x10];
	[tilespmem:v34+s18+$0x0] =	vst.idx.msk $0xffff, v25;
	v25 =	vadd.s32 v21, v30  }
0x20d: {  	v34 =	vadd.s32 v19, v23;
	[tilespmem:v32+s18+$0x0] =	vst.idx.msk $0xffff, v5;
	v32 =	vor.u32 $0x3, v33;
	v33 =	vadd.s32 v21, v9;
	v40 =	vld [tilespmem:s21+$0x90]  }
0x20e: {  	v12 =	vor.u32 $0x1, v12;
	v41 =	vadd.s32 v35, v20;
	v24 =	vadd.s32 v10, v24;
	v42 =	vld [tilespmem:s21+$0xFFFFFF90];
	[tilespmem:v13+s18+$0x0] =	vst.idx.msk $0xffff, v31  }
0x20f: {  	v20 =	vadd.s32 v35, v21;
	v21 =	vor.u32 $0x6, v25;
	v13 =	vld [tilespmem:s21+$0x50];
	v25 =	vmul.f32 $8.000000000e+00, v28  }
0x210: {  	v5 =	vadd.s32 v35, v10;
	v35 =	vor.u32 $0x2, v7;
	v31 =	vadd.s32 v19, v17  }
0x211: {  	v43 =	vor.u32 $0x5, v26;
	v17 =	vadd.s32 v10, v9;
	v39 =	vmul.f32 $8.000000000e+00, v39;
	[tilespmem:v22+s18+$0x0] =	vst.idx.msk $0xffff, v25  }
0x212: {  	v23 =	vadd.s32 v10, v23;
	v7 =	vmul.f32 $8.000000000e+00, v37;
	[tilespmem:v32+s18+$0x0] =	vst.idx.msk $0xffff, v29;
	v9 =	vmul.f32 $8.000000000e+00, v40;
	v32 =	vld [tilespmem:s21+$0xE0]  }
0x213: {  	v15 =	vadd.s32 v10, v15;
	v19 =	vadd.s32 v19, v14;
	[tilespmem:v12+s18+$0x0] =	vst.idx.msk $0xffff, v27;
	v12 =	vmul.f32 $8.000000000e+00, v42;
	v25 =	vld [tilespmem:s21+$0xFFFFFFD0]  }
.Ltmp4:
0x214: {  	[tilespmem:v41+s18+$0x0] =	vst.idx.msk $0xffff, v7;
	v22 =	vld [tilespmem:s21+$0xFFFFFF60];
	v7 =	vor.u32 $0x1, v18;
	v37 =	vmul.f32 $8.000000000e+00, v13;
	v13 =	vadd.s32 v10, v14;
	(pc) =	sbr.rel @p0 .LBB2_11-.Ltmp4, $4  }
0x215: {  	v19 =	vor.u32 $0x7, v19;
	v28 =	vld [tilespmem:s21+$0xFFFFFF10];
	[tilespmem:v21+s18+$0x0] =	vst.idx.msk $0xffff, v9;
	v9 =	vor.u32 $0x7, v13  }
0x216: {  	v15 =	vor.u32 $0x2, v15;
	v29 =	vor.u32 $0x3, v33;
	v18 =	vor.u32 $0x1, v31;
	[tilespmem:v35+s18+$0x0] =	vst.idx.msk $0xffff, v12;
	v27 =	vld [tilespmem:s21+$0xA0]  }
0x217: {  	v14 =	vor.u32 $0x4, v34;
	v13 =	vor.u32 $0x4, v23;
	v26 =	vld [tilespmem:s21+$0xFFFFFFA0];
	[tilespmem:v43+s18+$0x0] =	vst.idx.msk $0xffff, v37;
	v21 =	vmul.f32 $8.000000000e+00, v32  }
0x218: {  	v10 =	vadd.s32 v10, v30;
	v12 =	vor.u32 $0x5, v24;
	v24 =	vor.u32 $0x6, v36;
	s21 =	sadd.s32 $0x200, s21;
	[tilespmem:v38+s18+$0x0] =	vst.idx.msk $0xffff, v39;
	v23 =	vld [tilespmem:s22+$0x60]  }
0x219: {  	_ =	sdelay $0x1  }
0x21a: {  	v25 =	vmul.f32 $8.000000000e+00, v25  }
0x21b: {  	v30 =	vld [tilespmem:s22+$0x20]  }
0x21c: {  	v44 =	vmul.f32 $8.000000000e+00, v28;
	[tilespmem:v29+s18+$0x0] =	vst.idx.msk $0xffff, v25  }
0x21d: {  	v45 =	vld [tilespmem:s22+$0xFFFFFFE0]  }
0x21e: {  	v53 =	vmul.f32 $8.000000000e+00, v22;
	[tilespmem:v20+s18+$0x0] =	vst.idx.msk $0xffff, v44  }
0x21f: {  	v16 =	vor.u32 $0x3, v16;
	[tilespmem:v19+s18+$0x0] =	vst.idx.msk $0xffff, v21;
	v47 =	vmul.f32 $8.000000000e+00, v27;
	v48 =	vld [tilespmem:s22+$0xFFFFFF20]  }
0x220: {  	v11 =	vor.u32 $0x5, v11;
	v58 =	vld [tilespmem:s22+$0xF0];
	[tilespmem:v18+s18+$0x0] =	vst.idx.msk $0xffff, v53;
	v46 =	vmul.f32 $8.000000000e+00, v30  }
0x221: {  	v26 =	vmul.f32 $8.000000000e+00, v26;
	v59 =	vld [tilespmem:s22+$0xFFFFFF70];
	[tilespmem:v24+s18+$0x0] =	vst.idx.msk $0xffff, v47  }
0x222: {  	v52 =	vld [tilespmem:s22+$0xB0];
	[tilespmem:v14+s18+$0x0] =	vst.idx.msk $0xffff, v46;
	v51 =	vmul.f32 $8.000000000e+00, v45  }
0x223: {  	v49 =	vmul.f32 $8.000000000e+00, v23;
	[tilespmem:v8+s18+$0x0] =	vst.idx.msk $0xffff, v26;
	v14 =	vld [tilespmem:s22+$0x30]  }
0x224: {  	v10 =	vor.u32 $0x6, v10;
	v50 =	vld [tilespmem:s22+$0xFFFFFFB0];
	v55 =	vmul.f32 $8.000000000e+00, v48;
	[tilespmem:v16+s18+$0x0] =	vst.idx.msk $0xffff, v51  }
0x225: {  	[tilespmem:v11+s18+$0x0] =	vst.idx.msk $0xffff, v49;
	v62 =	vmul.f32 $8.000000000e+00, v58;
	v56 =	vld [tilespmem:s22+$0xFFFFFFF0]  }
0x226: {  	v54 =	vld [tilespmem:s22+$0x70];
	v63 =	vmul.f32 $8.000000000e+00, v59;
	[tilespmem:v6+s18+$0x0] =	vst.idx.msk $0xffff, v55  }
0x227: {  	v17 =	vor.u32 $0x3, v17;
	[tilespmem:v9+s18+$0x0] =	vst.idx.msk $0xffff, v62;
	v8 =	vmul.f32 $8.000000000e+00, v52;
	v60 =	vld [tilespmem:s22+$0xFFFFFF30]  }
0x228: {  	[tilespmem:v7+s18+$0x0] =	vst.idx.msk $0xffff, v63;
	v6 =	vmul.f32 $8.000000000e+00, v14  }
0x229: {  	v57 =	vmul.f32 $8.000000000e+00, v50;
	[tilespmem:v10+s18+$0x0] =	vst.idx.msk $0xffff, v8  }
0x22a: {  	[tilespmem:v13+s18+$0x0] =	vst.idx.msk $0xffff, v6;
	v6 =	vmul.f32 $8.000000000e+00, v56  }
0x22b: {  	s7 =	sadd.s32 s13, s9;
	v61 =	vmul.f32 $8.000000000e+00, v54;
	[tilespmem:v15+s18+$0x0] =	vst.idx.msk $0xffff, v57  }
0x22c: {  	s10 =	sand.u32 $0xF00, s7;
	s7 =	sshll.u32 s7, $0x3;
	[tilespmem:v17+s18+$0x0] =	vst.idx.msk $0xffff, v6;
	v6 =	vmul.f32 $8.000000000e+00, v60  }
0x22d: {  	s7 =	sand.u32 $0x1FFF8000, s7;
	s10 =	sadd.s32 s2, s10;
	[tilespmem:v12+s18+$0x0] =	vst.idx.msk $0xffff, v61  }
0x22e: {  	s21 =	simm.s32 $0x1AC00;
	s7 =	sadd.s32 s7, s10;
	[tilespmem:v5+s18+$0x0] =	vst.idx.msk $0xffff, v6  }
0x22f: {  	[hbm4b:s7+s3] =	stream.linear.scatter [tilespmem:s21], [sflag:$0x6], $0x80, $0x38;
	[tilespmem:$0x1F000] =	vst v63  }
0x230: {  	s11 =	sadd.s32 $0x10, s7;
	s22 =	simm.s32 $0x1AC88  }
0x231: {  	[hbm4b:s11+s3] =	stream.linear.scatter [tilespmem:s22], [sflag:$0x6], $0x80, $0x38;
	[tilespmem:$0x1F000] =	vst v63  }
0x232: {  	s23 =	simm.s32 $0x1AD10;
	s25 =	sadd.s32 $0x20, s7  }
0x233: {  	[hbm4b:s25+s3] =	stream.linear.scatter [tilespmem:s23], [sflag:$0x6], $0x80, $0x38;
	[tilespmem:$0x1F000] =	vst v63  }
0x234: {  	s12 =	simm.s32 $0x1AD98;
	s13 =	sadd.s32 $0x30, s7  }
0x235: {  	[hbm4b:s13+s3] =	stream.linear.scatter [tilespmem:s12], [sflag:$0x6], $0x80, $0x38;
	[tilespmem:$0x1F000] =	vst v63  }
0x236: {  	s16 =	simm.s32 $0x1AE20;
	s19 =	sadd.s32 $0x40, s7  }
0x237: {  	[hbm4b:s19+s3] =	stream.linear.scatter [tilespmem:s16], [sflag:$0x6], $0x80, $0x38;
	[tilespmem:$0x1F000] =	vst v63  }
0x238: {  	s21 =	simm.s32 $0x1AEA8;
	s22 =	sadd.s32 $0x50, s7  }
0x239: {  	[hbm4b:s22+s3] =	stream.linear.scatter [tilespmem:s21], [sflag:$0x6], $0x80, $0x38;
	[tilespmem:$0x1F000] =	vst v63  }
0x23a: {  	s23 =	simm.s32 $0x1AF30;
	s25 =	sadd.s32 $0x60, s7  }
0x23b: {  	[hbm4b:s25+s3] =	stream.linear.scatter [tilespmem:s23], [sflag:$0x6], $0x80, $0x38;
	[tilespmem:$0x1F000] =	vst v63  }
0x23c: {  	s12 =	simm.s32 $0x1AFB8;
	s13 =	sadd.s32 $0x70, s7  }
0x23d: {  	[hbm4b:s13+s3] =	stream.linear.scatter [tilespmem:s12], [sflag:$0x6], $0x80, $0x38;
	[tilespmem:$0x1F000] =	vst v63  }
0x23e: {  	s16 =	simm.s32 $0x1B040;
	s19 =	sadd.s32 $0x80, s7  }
0x23f: {  	[hbm4b:s19+s3] =	stream.linear.scatter [tilespmem:s16], [sflag:$0x6], $0x80, $0x38;
	[tilespmem:$0x1F000] =	vst v63  }
0x240: {  	s21 =	simm.s32 $0x1B0C8;
	s22 =	sadd.s32 $0x90, s7  }
0x241: {  	[hbm4b:s22+s3] =	stream.linear.scatter [tilespmem:s21], [sflag:$0x6], $0x80, $0x38;
	[tilespmem:$0x1F000] =	vst v63  }
0x242: {  	s23 =	simm.s32 $0x1B150;
	s25 =	sadd.s32 $0xA0, s7  }
0x243: {  	[hbm4b:s25+s3] =	stream.linear.scatter [tilespmem:s23], [sflag:$0x6], $0x80, $0x38;
	[tilespmem:$0x1F000] =	vst v63  }
0x244: {  	s12 =	simm.s32 $0x1B1D8;
	s13 =	sadd.s32 $0xB0, s7  }
0x245: {  	[hbm4b:s13+s3] =	stream.linear.scatter [tilespmem:s12], [sflag:$0x6], $0x80, $0x38;
	[tilespmem:$0x1F000] =	vst v63  }
0x246: {  	s16 =	simm.s32 $0x1B260;
	s19 =	sadd.s32 $0xC0, s7  }
0x247: {  	[hbm4b:s19+s3] =	stream.linear.scatter [tilespmem:s16], [sflag:$0x6], $0x80, $0x38;
	[tilespmem:$0x1F000] =	vst v63  }
0x248: {  	s21 =	simm.s32 $0x1B2E8;
	s22 =	sadd.s32 $0xD0, s7;
	s23 =	simm.s32 $0x1B370  }
0x249: {  	[hbm4b:s22+s3] =	stream.linear.scatter [tilespmem:s21], [sflag:$0x6], $0x80, $0x38;
	[tilespmem:$0x1F000] =	vst v63  }
0x24a: {  	s25 =	sadd.s32 $0xE0, s7;
	s13 =	simm.s32 $0x880;
	s19 =	sadd.s32 $0x1000, s7  }
0x24b: {  	[hbm4b:s25+s3] =	stream.linear.scatter [tilespmem:s23], [sflag:$0x6], $0x80, $0x38;
	[tilespmem:$0x1F000] =	vst v63  }
0x24c: {  	s21 =	simm.s32 $0x1B3F8;
	s23 =	simm.s32 $0x4400;
	s25 =	sadd.s32 $0xF0, s7  }
.LBB2_13:
0x24d: {  	[hbm4b:s25+s3] =	stream.linear.scatter [tilespmem:s21], [sflag:$0x6], $0x80, $0x38;
	[tilespmem:$0x1F000] =	vst v63  }
0x24e: {  	s21 =	smov.u32 s13;
	s7 =	smov.u32 s23  }
0x24f: {  	s22 =	sadd.s32 $0x2200, s23;
	s13 =	sshra.s32 s7, $0x2;
	s7 =	sadd.s32 $0x1AC00, s21  }
0x250: {  	[hbm4b:s19+s3] =	stream.linear.scatter [tilespmem:s7], [sflag:$0x6], $0x80, $0x38;
	[tilespmem:$0x1F000] =	vst v63  }
0x251: {  	p0 =	sne.s32 s23, $0xEE00;
	s10 =	sadd.s32 $0x10, s19;
	s7 =	sadd.s32 $0x1AC88, s21  }
0x252: {  	[hbm4b:s10+s3] =	stream.linear.scatter [tilespmem:s7], [sflag:$0x6], $0x80, $0x38;
	[tilespmem:$0x1F000] =	vst v63  }
0x253: {  	s7 =	sadd.s32 $0x1AD10, s21;
	s10 =	sadd.s32 $0x20, s19  }
0x254: {  	[hbm4b:s10+s3] =	stream.linear.scatter [tilespmem:s7], [sflag:$0x6], $0x80, $0x38;
	[tilespmem:$0x1F000] =	vst v63  }
0x255: {  	s7 =	sadd.s32 $0x1AD98, s21;
	s10 =	sadd.s32 $0x30, s19  }
0x256: {  	[hbm4b:s10+s3] =	stream.linear.scatter [tilespmem:s7], [sflag:$0x6], $0x80, $0x38;
	[tilespmem:$0x1F000] =	vst v63  }
0x257: {  	s7 =	sadd.s32 $0x1AE20, s21;
	s10 =	sadd.s32 $0x40, s19  }
0x258: {  	[hbm4b:s10+s3] =	stream.linear.scatter [tilespmem:s7], [sflag:$0x6], $0x80, $0x38;
	[tilespmem:$0x1F000] =	vst v63  }
0x259: {  	s7 =	sadd.s32 $0x1AEA8, s21;
	s10 =	sadd.s32 $0x50, s19  }
0x25a: {  	[hbm4b:s10+s3] =	stream.linear.scatter [tilespmem:s7], [sflag:$0x6], $0x80, $0x38;
	[tilespmem:$0x1F000] =	vst v63  }
0x25b: {  	s7 =	sadd.s32 $0x1AF30, s21;
	s10 =	sadd.s32 $0x60, s19  }
0x25c: {  	[hbm4b:s10+s3] =	stream.linear.scatter [tilespmem:s7], [sflag:$0x6], $0x80, $0x38;
	[tilespmem:$0x1F000] =	vst v63  }
0x25d: {  	s7 =	sadd.s32 $0x1AFB8, s21;
	s10 =	sadd.s32 $0x70, s19  }
0x25e: {  	[hbm4b:s10+s3] =	stream.linear.scatter [tilespmem:s7], [sflag:$0x6], $0x80, $0x38;
	[tilespmem:$0x1F000] =	vst v63  }
0x25f: {  	s7 =	sadd.s32 $0x1B040, s21;
	s10 =	sadd.s32 $0x80, s19  }
0x260: {  	[hbm4b:s10+s3] =	stream.linear.scatter [tilespmem:s7], [sflag:$0x6], $0x80, $0x38;
	[tilespmem:$0x1F000] =	vst v63  }
0x261: {  	s7 =	sadd.s32 $0x1B0C8, s21;
	s10 =	sadd.s32 $0x90, s19  }
0x262: {  	[hbm4b:s10+s3] =	stream.linear.scatter [tilespmem:s7], [sflag:$0x6], $0x80, $0x38;
	[tilespmem:$0x1F000] =	vst v63  }
0x263: {  	s7 =	sadd.s32 $0x1B150, s21;
	s10 =	sadd.s32 $0xA0, s19  }
0x264: {  	[hbm4b:s10+s3] =	stream.linear.scatter [tilespmem:s7], [sflag:$0x6], $0x80, $0x38;
	[tilespmem:$0x1F000] =	vst v63  }
0x265: {  	s7 =	sadd.s32 $0x1B1D8, s21;
	s10 =	sadd.s32 $0xB0, s19  }
0x266: {  	[hbm4b:s10+s3] =	stream.linear.scatter [tilespmem:s7], [sflag:$0x6], $0x80, $0x38;
	[tilespmem:$0x1F000] =	vst v63  }
0x267: {  	s7 =	sadd.s32 $0x1B260, s21;
	s10 =	sadd.s32 $0xC0, s19  }
0x268: {  	[hbm4b:s10+s3] =	stream.linear.scatter [tilespmem:s7], [sflag:$0x6], $0x80, $0x38;
	[tilespmem:$0x1F000] =	vst v63  }
.Ltmp5:
0x269: {  	s7 =	sadd.s32 $0x1B2E8, s21;
	s10 =	sadd.s32 $0xD0, s19;
	(pc) =	sbr.rel @p0 .LBB2_13-.Ltmp5, $4  }
0x26a: {  	[hbm4b:s10+s3] =	stream.linear.scatter [tilespmem:s7], [sflag:$0x6], $0x80, $0x38;
	[tilespmem:$0x1F000] =	vst v63  }
0x26b: {  	s25 =	sadd.s32 $0xF0, s19;
	s7 =	sadd.s32 $0x1B370, s21;
	s10 =	sadd.s32 $0xE0, s19  }
0x26c: {  	[hbm4b:s10+s3] =	stream.linear.scatter [tilespmem:s7], [sflag:$0x6], $0x80, $0x38;
	[tilespmem:$0x1F000] =	vst v63  }
0x26d: {  	s23 =	smov.u32 s22;
	s21 =	sadd.s32 $0x1B3F8, s21;
	s19 =	sadd.s32 $0x1000, s19  }
0x26e: {  	[hbm4b:s25+s3] =	stream.linear.scatter [tilespmem:s21], [sflag:$0x6], $0x80, $0x38;
	[tilespmem:$0x1F000] =	vst v63  }
0x26f: {  	s7 =	sadd.s32 $0x1AC00, s13  }
0x270: {  	[hbm4b:s19+s3] =	stream.linear.scatter [tilespmem:s7], [sflag:$0x6], $0x80, $0x38;
	[tilespmem:$0x1F000] =	vst v63  }
0x271: {  	s22 =	sadd.s32 $0x1AC88, s13;
	s10 =	sadd.s32 $0x10, s19  }
0x272: {  	[hbm4b:s10+s3] =	stream.linear.scatter [tilespmem:s22], [sflag:$0x6], $0x80, $0x38;
	[tilespmem:$0x1F000] =	vst v63  }
0x273: {  	s23 =	sadd.s32 $0x1AD10, s13;
	s25 =	sadd.s32 $0x20, s19  }
0x274: {  	[hbm4b:s25+s3] =	stream.linear.scatter [tilespmem:s23], [sflag:$0x6], $0x80, $0x38;
	[tilespmem:$0x1F000] =	vst v63  }
0x275: {  	s11 =	sadd.s32 $0x30, s19;
	s10 =	sadd.s32 $0x1AD98, s13  }
0x276: {  	[hbm4b:s11+s3] =	stream.linear.scatter [tilespmem:s10], [sflag:$0x6], $0x80, $0x38;
	[tilespmem:$0x1F000] =	vst v63  }
0x277: {  	s12 =	sadd.s32 $0x1AE20, s13;
	s16 =	sadd.s32 $0x40, s19  }
0x278: {  	[hbm4b:s16+s3] =	stream.linear.scatter [tilespmem:s12], [sflag:$0x6], $0x80, $0x38;
	[tilespmem:$0x1F000] =	vst v63  }
0x279: {  	s21 =	sadd.s32 $0x1AEA8, s13;
	s22 =	sadd.s32 $0x50, s19  }
0x27a: {  	[hbm4b:s22+s3] =	stream.linear.scatter [tilespmem:s21], [sflag:$0x6], $0x80, $0x38;
	[tilespmem:$0x1F000] =	vst v63  }
0x27b: {  	s23 =	sadd.s32 $0x1AF30, s13;
	s25 =	sadd.s32 $0x60, s19  }
0x27c: {  	[hbm4b:s25+s3] =	stream.linear.scatter [tilespmem:s23], [sflag:$0x6], $0x80, $0x38;
	[tilespmem:$0x1F000] =	vst v63  }
0x27d: {  	s10 =	sadd.s32 $0x1AFB8, s13;
	s11 =	sadd.s32 $0x70, s19  }
0x27e: {  	[hbm4b:s11+s3] =	stream.linear.scatter [tilespmem:s10], [sflag:$0x6], $0x80, $0x38;
	[tilespmem:$0x1F000] =	vst v63  }
0x27f: {  	s12 =	sadd.s32 $0x1B040, s13;
	s16 =	sadd.s32 $0x80, s19  }
0x280: {  	[hbm4b:s16+s3] =	stream.linear.scatter [tilespmem:s12], [sflag:$0x6], $0x80, $0x38;
	[tilespmem:$0x1F000] =	vst v63  }
0x281: {  	s21 =	sadd.s32 $0x1B0C8, s13;
	s22 =	sadd.s32 $0x90, s19  }
0x282: {  	[hbm4b:s22+s3] =	stream.linear.scatter [tilespmem:s21], [sflag:$0x6], $0x80, $0x38;
	[tilespmem:$0x1F000] =	vst v63  }
0x283: {  	s23 =	sadd.s32 $0x1B150, s13;
	s25 =	sadd.s32 $0xA0, s19  }
0x284: {  	[hbm4b:s25+s3] =	stream.linear.scatter [tilespmem:s23], [sflag:$0x6], $0x80, $0x38;
	[tilespmem:$0x1F000] =	vst v63  }
0x285: {  	s10 =	sadd.s32 $0x1B1D8, s13;
	s11 =	sadd.s32 $0xB0, s19  }
0x286: {  	[hbm4b:s11+s3] =	stream.linear.scatter [tilespmem:s10], [sflag:$0x6], $0x80, $0x38;
	[tilespmem:$0x1F000] =	vst v63  }
0x287: {  	s12 =	sadd.s32 $0x1B260, s13;
	s16 =	sadd.s32 $0xC0, s19  }
0x288: {  	[hbm4b:s16+s3] =	stream.linear.scatter [tilespmem:s12], [sflag:$0x6], $0x80, $0x38;
	[tilespmem:$0x1F000] =	vst v63  }
0x289: {  	s21 =	sadd.s32 $0x1B2E8, s13;
	s22 =	sadd.s32 $0xD0, s19  }
0x28a: {  	[hbm4b:s22+s3] =	stream.linear.scatter [tilespmem:s21], [sflag:$0x6], $0x80, $0x38;
	[tilespmem:$0x1F000] =	vst v63  }
0x28b: {  	s23 =	sadd.s32 $0x1B370, s13;
	s25 =	sadd.s32 $0xE0, s19;
	s10 =	sadd.s32 $0x1B3F8, s13  }
0x28c: {  	[hbm4b:s25+s3] =	stream.linear.scatter [tilespmem:s23], [sflag:$0x6], $0x80, $0x38;
	[tilespmem:$0x1F000] =	vst v63  }
0x28d: {  	s11 =	sadd.s32 $0xF0, s19;
	s13 =	simm.s32 $0xE400;
	s19 =	simm.s32 $0x10400  }
0x28e: {  	[hbm4b:s11+s3] =	stream.linear.scatter [tilespmem:s10], [sflag:$0x6], $0x80, $0x38;
	[tilespmem:$0x1F000] =	vst v63  }
0x28f: {  	s12 =	sadd.s32 $0x500, s14;
	s16 =	sadd.s32 $0x580, s14;
	s21 =	simm.s32 $0x1  }
0x290: {  	[tilespmem:s13], [sflag:$0x3] =	stream.indirect.gather [hbm4b:s5+s15], $0x40, s12, s15, $0xb8;
	[tilespmem:$0x1F000] =	vst v63  }
0x291: {  	s14 =	simm.s32 $0x0;
	s22 =	simm.s32 $0x0;
	s7 =	sand.u32 $0x78, s21  }
0x292: {  	v5 =	vmov s22;
	[tilespmem:s19], [sflag:$0x3] =	stream.indirect.gather [hbm4b:s5+s15], $0x40, s16, s15, $0xb8;
	[tilespmem:$0x1F000] =	vst v63  }
0x293: {  	s23 =	sand.u32 $0x78, s14;
	v6 =	vmov s7;
	s25 =	simm.s32 $0x7;
	v5 =	vmul.u32 $0x440, v5;
	_ =	swait.ge [sflag:s26], $0x2000  }
0x294: {  	s21 =	simm.s32 $0x5;
	v7 =	vmov s23;
	s7 =	sand.u32 $0x78, s25;
	v6 =	vshrl.u32 v6, $0x3;
	[sflag:s26] =	ssyncset.done $0x0  }
0x295: {  	s23 =	sand.u32 $0x78, s21;
	v9 =	vmov s7;
	v5 =	vbroadcast v5, $0x0;
	v6 =	vshll.u32 v6, v1;
	[sflag:s26] =	ssyncadd.s32 $0xFFFFE000  }
0x296: {  	v20 =	vmov s23;
	v7 =	vshrl.u32 v7, $0x3;
	v9 =	vshrl.u32 v9, $0x3;
	_ =	swait.ge [sflag:s26], $0x2000  }
0x297: {  	v12 =	vbroadcast v6, $0x0;
	v20 =	vshrl.u32 v20, $0x3;
	v7 =	vshll.u32 v7, v1;
	[sflag:s26] =	ssyncset.done $0x0  }
0x298: {  	s11 =	simm.s32 $0x6;
	v10 =	vadd.s32 v4, v5;
	v9 =	vshll.u32 v9, v1;
	v13 =	vadd.s32 v0, v5;
	[sflag:s26] =	ssyncadd.s32 $0xFFFFE000  }
0x299: {  	s12 =	sand.u32 $0x78, s11;
	v21 =	vadd.s32 v2, v5;
	v22 =	vadd.s32 v3, v5;
	v20 =	vshll.u32 v20, v1;
	_ =	swait.ge [sflag:s20], $0x4000  }
0x29a: {  	v7 =	vbroadcast v7, $0x0;
	v11 =	vmov s12;
	v9 =	vbroadcast v9, $0x0;
	[sflag:s20] =	ssyncset.done $0x0  }
0x29b: {  	s13 =	simm.s32 $0x6500;
	v14 =	vadd.s32 v13, v12;
	v20 =	vbroadcast v20, $0x0;
	s16 =	simm.s32 $0x2;
	v11 =	vshrl.u32 v11, $0x3;
	[sflag:s20] =	ssyncadd.s32 $0xFFFFC000  }
0x29c: {  	s19 =	simm.s32 $0x4;
	s7 =	sand.u32 $0x78, s16;
	v18 =	vadd.s32 v13, v9;
	v24 =	vadd.s32 v21, v9;
	v11 =	vshll.u32 v11, v1;
	v8 =	vld [tilespmem:s13+$0x0]  }
0x29d: {  	s22 =	sand.u32 $0x78, s19;
	v35 =	vadd.s32 v13, v20;
	v42 =	vadd.s32 v10, v20;
	v16 =	vmov s7  }
0x29e: {  	v19 =	vmov s22;
	v18 =	vor.u32 $0x7, v18;
	v30 =	vbroadcast v11, $0x0  }
0x29f: {  	v24 =	vor.u32 $0x7, v24;
	v19 =	vshrl.u32 v19, $0x3;
	v16 =	vshrl.u32 v16, $0x3;
	v6 =	vld [tilespmem:s13+$0xFFFFFF40]  }
0x2a0: {  	v19 =	vshll.u32 v19, v1;
	v16 =	vshll.u32 v16, v1;
	v32 =	vadd.s32 v13, v30;
	v15 =	vld [tilespmem:s13+$0xC0]  }
0x2a1: {  	v19 =	vbroadcast v19, $0x0;
	v17 =	vmul.f32 $8.000000000e+00, v8;
	v8 =	vor.u32 $0x1, v14  }
0x2a2: {  	v59 =	vadd.s32 v22, v30;
	v61 =	vadd.s32 v21, v30;
	v27 =	vbroadcast v16, $0x0  }
0x2a3: {  	s25 =	simm.s32 $0x3;
	v32 =	vor.u32 $0x6, v32;
	v25 =	vadd.s32 v13, v19;
	v26 =	vadd.s32 v21, v19;
	v16 =	vld [tilespmem:s13+$0x80]  }
0x2a4: {  	s7 =	sand.u32 $0x78, s25;
	v28 =	vadd.s32 v21, v27;
	v11 =	vadd.s32 v22, v27;
	v23 =	vld [tilespmem:s13+$0x40];
	v6 =	vmul.f32 $8.000000000e+00, v6  }
0x2a5: {  	v31 =	vadd.s32 v13, v27;
	v29 =	vld [tilespmem:s13+$0xFFFFFF80];
	v5 =	vmul.f32 $8.000000000e+00, v15;
	v15 =	vmov s7  }
0x2a6: {  	v40 =	vadd.s32 v22, v19;
	v34 =	vld [tilespmem:s13+$0xFFFFFFC0];
	[tilespmem:v8+s28+$0x0] =	vst.idx.msk $0xffff, v6;
	v6 =	vshrl.u32 v15, $0x3;
	v15 =	vor.u32 $0x4, v25  }
0x2a7: {  	v27 =	vadd.s32 v10, v27;
	v31 =	vor.u32 $0x2, v31;
	[tilespmem:v18+s28+$0x0] =	vst.idx.msk $0xffff, v5;
	v5 =	vor.u32 $0x5, v35;
	v8 =	vld [tilespmem:s13+$0xFFFFFF50]  }
0x2a8: {  	v39 =	vor.u32 $0x4, v26;
	v62 =	vor.u32 $0x2, v28;
	v36 =	vmul.f32 $8.000000000e+00, v16  }
0x2a9: {  	v14 =	vadd.s32 v10, v12;
	v37 =	vld [tilespmem:s13+$0xD0];
	v25 =	vadd.s32 v21, v12;
	v6 =	vshll.u32 v6, v1  }
0x2aa: {  	v23 =	vmul.f32 $8.000000000e+00, v23;
	[tilespmem:v32+s28+$0x0] =	vst.idx.msk $0xffff, v36;
	v25 =	vor.u32 $0x1, v25;
	v18 =	vbroadcast v6, $0x0  }
0x2ab: {  	v38 =	vld [tilespmem:s13+$0xFFFFFF00];
	v26 =	vmul.f32 $8.000000000e+00, v34;
	[tilespmem:v15+s28+$0x0] =	vst.idx.msk $0xffff, v17;
	v15 =	vadd.s32 v21, v20;
	v17 =	vmul.f32 $8.000000000e+00, v29  }
0x2ac: {  	v36 =	vld [tilespmem:s13+$0x90];
	[tilespmem:v5+s28+$0x0] =	vst.idx.msk $0xffff, v23;
	v29 =	vadd.s32 v13, v18;
	v13 =	vadd.s32 v7, v13;
	v33 =	vmul.f32 $8.000000000e+00, v8  }
0x2ad: {  	v23 =	vld [tilespmem:s13+$0x50];
	v8 =	vor.u32 $0x2, v11;
	v11 =	vadd.s32 v22, v20;
	v29 =	vor.u32 $0x3, v29  }
0x2ae: {  	v20 =	vadd.s32 v7, v21;
	[tilespmem:v31+s28+$0x0] =	vst.idx.msk $0xffff, v17;
	v31 =	vadd.s32 v21, v18;
	v21 =	vmul.f32 $8.000000000e+00, v37  }
0x2af: {  	v32 =	vor.u32 $0x6, v61;
	v12 =	vadd.s32 v22, v12;
	v6 =	vadd.s32 v7, v22;
	v41 =	vld [tilespmem:s13+$0xFFFFFF90];
	[tilespmem:v25+s28+$0x0] =	vst.idx.msk $0xffff, v33  }
0x2b0: {  	v5 =	vadd.s32 v7, v10;
	v60 =	vld [tilespmem:s13+$0x10];
	v7 =	vmul.f32 $8.000000000e+00, v38;
	[tilespmem:v24+s28+$0x0] =	vst.idx.msk $0xffff, v21;
	v21 =	vor.u32 $0x5, v15  }
0x2b1: {  	v16 =	vadd.s32 v22, v18;
	v17 =	vadd.s32 v10, v18;
	v18 =	vadd.s32 v22, v9;
	v22 =	vld [tilespmem:s13+$0xFFFFFF60]  }
0x2b2: {  	v9 =	vadd.s32 v10, v9;
	v23 =	vmul.f32 $8.000000000e+00, v23;
	v15 =	vmul.f32 $8.000000000e+00, v36;
	v63 =	vld [tilespmem:s13+$0xE0];
	[tilespmem:v13+s28+$0x0] =	vst.idx.msk $0xffff, v7  }
0x2b3: {  	v9 =	vor.u32 $0x7, v9;
	v24 =	vadd.s32 v10, v19;
	v19 =	vor.u32 $0x7, v18;
	[tilespmem:v29+s28+$0x0] =	vst.idx.msk $0xffff, v26;
	v28 =	vld [tilespmem:s13+$0xFFFFFF10]  }
0x2b4: {  	v18 =	vor.u32 $0x1, v12;
	v12 =	vor.u32 $0x5, v42;
	[tilespmem:v32+s28+$0x0] =	vst.idx.msk $0xffff, v15;
	v25 =	vld [tilespmem:s13+$0xFFFFFFD0];
	v26 =	vmul.f32 $8.000000000e+00, v41  }
0x2b5: {  	v10 =	vadd.s32 v10, v30;
	v34 =	vmul.f32 $8.000000000e+00, v60;
	v15 =	vor.u32 $0x2, v27;
	v27 =	vld [tilespmem:s13+$0xA0];
	[tilespmem:v21+s28+$0x0] =	vst.idx.msk $0xffff, v23  }
0x2b6: {  	v7 =	vor.u32 $0x1, v14;
	v14 =	vor.u32 $0x4, v40;
	v29 =	vor.u32 $0x3, v31;
	[tilespmem:v62+s28+$0x0] =	vst.idx.msk $0xffff, v26;
	v23 =	vld [tilespmem:s13+$0x60]  }
0x2b7: {  	s19 =	simm.s32 $0x6700;
	v13 =	vor.u32 $0x4, v24;
	v24 =	vor.u32 $0x6, v59;
	[tilespmem:v39+s28+$0x0] =	vst.idx.msk $0xffff, v34;
	v21 =	vmul.f32 $8.000000000e+00, v63;
	v26 =	vld [tilespmem:s13+$0xFFFFFFA0]  }
.LBB2_15:
0x2b8: {  	s7 =	sadd.s32 $0x9, s14  }
0x2b9: {  	s10 =	sadd.s32 $0xA, s14;
	v22 =	vmul.f32 $8.000000000e+00, v22;
	v25 =	vmul.f32 $8.000000000e+00, v25;
	v30 =	vld [tilespmem:s13+$0x20];
	v31 =	vor.u32 $0x6, v10;
	s21 =	smov.u32 s14;
	s14 =	sadd.s32 $0x8, s14  }
0x2ba: {  	v16 =	vor.u32 $0x3, v16;
	v11 =	vor.u32 $0x5, v11;
	s11 =	sshrl.u32 s14, $0x7;
	s12 =	sand.u32 $0x78, s14;
	s7 =	sand.u32 $0x78, s7;
	v32 =	vld [tilespmem:s19+$0xC0];
	v10 =	vmul.f32 $8.000000000e+00, v28  }
0x2bb: {  	s16 =	sadd.s32 $0xF, s21;
	v28 =	vmov s11;
	v33 =	vmov s7;
	v34 =	vld [tilespmem:s19+$0xFFFFFF40];
	s7 =	sadd.s32 $0xB, s21;
	s11 =	sadd.s32 $0xE, s21;
	[tilespmem:v29+s28+$0x0] =	vst.idx.msk $0xffff, v25;
	v25 =	vmul.f32 $8.000000000e+00, v27  }
0x2bc: {  	v27 =	vmov s12;
	s12 =	sadd.s32 $0xD, s21;
	s16 =	sand.u32 $0x78, s16;
	v28 =	vmul.u32 $0x440, v28;
	v29 =	vld [tilespmem:s19+$0x0];
	s11 =	sand.u32 $0x78, s11;
	[tilespmem:v20+s28+$0x0] =	vst.idx.msk $0xffff, v10;
	v10 =	vmul.f32 $8.000000000e+00, v26  }
0x2bd: {  	v35 =	vor.u32 $0x3, v17;
	s10 =	sand.u32 $0x78, s10;
	s22 =	sand.u32 $0x78, s7;
	s7 =	sand.u32 $0x78, s12;
	v20 =	vmov s16;
	v26 =	vld [tilespmem:s13+$0xFFFFFFE0];
	v17 =	vmul.f32 $8.000000000e+00, v23;
	[tilespmem:v24+s28+$0x0] =	vst.idx.msk $0xffff, v25  }
0x2be: {  	p0 =	slt.u32 s14, $0xF8;
	v24 =	vshrl.u32 v33, $0x3;
	v23 =	vbroadcast v28, $0x0;
	v25 =	vld [tilespmem:s13+$0xFFFFFF20];
	[tilespmem:v8+s28+$0x0] =	vst.idx.msk $0xffff, v10;
	v8 =	vmul.f32 $8.000000000e+00, v30  }
0x2bf: {  	v20 =	vshrl.u32 v20, $0x3;
	v24 =	vshll.u32 v24, v1;
	v28 =	vmov s11;
	v30 =	vld [tilespmem:s13+$0xFFFFFFB0];
	[tilespmem:v11+s28+$0x0] =	vst.idx.msk $0xffff, v17  }
0x2c0: {  	v17 =	vbroadcast v24, $0x0;
	v11 =	vshll.u32 v20, v1;
	v10 =	vadd.s32 v4, v23;
	[tilespmem:v14+s28+$0x0] =	vst.idx.msk $0xffff, v8;
	v8 =	vld [tilespmem:s13+$0x70]  }
0x2c1: {  	v24 =	vshrl.u32 v28, $0x3;
	v20 =	vadd.s32 v0, v23;
	v14 =	vbroadcast v11, $0x0;
	[tilespmem:v18+s28+$0x0] =	vst.idx.msk $0xffff, v22;
	v11 =	vld [tilespmem:s13+$0x30]  }
0x2c2: {  	v18 =	vadd.s32 v20, v17;
	v22 =	vmov s10;
	v28 =	vmul.f32 $8.000000000e+00, v29;
	v29 =	vld [tilespmem:s13+$0xB0]  }
0x2c3: {  	s10 =	sadd.s32 $0xC, s21;
	v33 =	vor.u32 $0x1, v18;
	v18 =	vadd.s32 v10, v17;
	v36 =	vadd.s32 v20, v14;
	v37 =	vld [tilespmem:s13+$0xFFFFFF70]  }
0x2c4: {  	v38 =	vmov s7;
	s10 =	sand.u32 $0x78, s10;
	v26 =	vmul.f32 $8.000000000e+00, v26;
	v36 =	vor.u32 $0x7, v36  }
0x2c5: {  	v34 =	vmul.f32 $8.000000000e+00, v34;
	v39 =	vmov s10;
	v30 =	vmul.f32 $8.000000000e+00, v30;
	[tilespmem:v19+s28+$0x0] =	vst.idx.msk $0xffff, v21  }
0x2c6: {  	v38 =	vshrl.u32 v38, $0x3;
	v25 =	vmul.f32 $8.000000000e+00, v25;
	v21 =	vadd.s32 v2, v23;
	[tilespmem:v16+s28+$0x0] =	vst.idx.msk $0xffff, v26;
	v16 =	vld [tilespmem:s13+$0xF0]  }
0x2c7: {  	v19 =	vadd.s32 v3, v23;
	v23 =	vshrl.u32 v39, $0x3;
	v26 =	vmul.f32 $8.000000000e+00, v32;
	[tilespmem:v15+s28+$0x0] =	vst.idx.msk $0xffff, v30;
	v15 =	vld [tilespmem:s13+$0xFFFFFFF0]  }
0x2c8: {  	v23 =	vshll.u32 v23, v1;
	v30 =	vmov s22;
	[tilespmem:v6+s28+$0x0] =	vst.idx.msk $0xffff, v25;
	v6 =	vmul.f32 $8.000000000e+00, v11  }
0x2c9: {  	v8 =	vmul.f32 $8.000000000e+00, v8;
	v23 =	vbroadcast v23, $0x0;
	v25 =	vadd.s32 v21, v14;
	v11 =	vld [tilespmem:s19+$0x40]  }
0x2ca: {  	v22 =	vshrl.u32 v22, $0x3;
	v32 =	vshll.u32 v38, v1;
	v38 =	vld [tilespmem:s13+$0xFFFFFF30];
	[tilespmem:v13+s28+$0x0] =	vst.idx.msk $0xffff, v6;
	v6 =	vmul.f32 $8.000000000e+00, v29;
	s13 =	smov.u32 s19  }
0x2cb: {  	v13 =	vadd.s32 v20, v23;
	v29 =	vadd.s32 v21, v23;
	[tilespmem:v33+s28+$0x0] =	vst.idx.msk $0xffff, v34;
	v33 =	vmul.f32 $8.000000000e+00, v37  }
0x2cc: {  	v30 =	vshrl.u32 v30, $0x3;
	v13 =	vor.u32 $0x4, v13;
	v15 =	vmul.f32 $8.000000000e+00, v15;
	[tilespmem:v31+s28+$0x0] =	vst.idx.msk $0xffff, v6  }
0x2cd: {  	v22 =	vshll.u32 v22, v1;
	v6 =	vshrl.u32 v27, $0x3;
	v27 =	vld [tilespmem:s19+$0xFFFFFF50];
	[tilespmem:v12+s28+$0x0] =	vst.idx.msk $0xffff, v8;
	v8 =	vmul.f32 $8.000000000e+00, v16  }
0x2ce: {  	v6 =	vshll.u32 v6, v1;
	v12 =	vadd.s32 v21, v17;
	v31 =	vmul.f32 $8.000000000e+00, v11;
	[tilespmem:v35+s28+$0x0] =	vst.idx.msk $0xffff, v15  }
0x2cf: {  	v15 =	vbroadcast v22, $0x0;
	v11 =	vshll.u32 v24, v1;
	v16 =	vmul.f32 $8.000000000e+00, v38;
	[tilespmem:v9+s28+$0x0] =	vst.idx.msk $0xffff, v8  }
0x2d0: {  	v22 =	vor.u32 $0x7, v25;
	v9 =	vshll.u32 v30, v1;
	v30 =	vbroadcast v11, $0x0;
	[tilespmem:v7+s28+$0x0] =	vst.idx.msk $0xffff, v33  }
0x2d1: {  	v24 =	vbroadcast v32, $0x0;
	v7 =	vadd.s32 v21, v15;
	v8 =	vadd.s32 v19, v15;
	v25 =	vld [tilespmem:s19+$0x80];
	[tilespmem:v5+s28+$0x0] =	vst.idx.msk $0xffff, v16  }
0x2d2: {  	v11 =	vadd.s32 v20, v15;
	v16 =	vadd.s32 v20, v30;
	v27 =	vmul.f32 $8.000000000e+00, v27;
	v5 =	vld [tilespmem:s19+$0xFFFFFF80]  }
0x2d3: {  	v32 =	vor.u32 $0x2, v11;
	v8 =	vor.u32 $0x2, v8;
	v34 =	vor.u32 $0x6, v16;
	v33 =	vld [tilespmem:s19+$0xFFFFFFC0]  }
0x2d4: {  	v35 =	vbroadcast v6, $0x0;
	v6 =	vadd.s32 v20, v24;
	v11 =	vadd.s32 v19, v24;
	[tilespmem:v36+s28+$0x0] =	vst.idx.msk $0xffff, v26  }
0x2d5: {  	v9 =	vbroadcast v9, $0x0;
	v36 =	vadd.s32 v19, v30;
	[tilespmem:v13+s28+$0x0] =	vst.idx.msk $0xffff, v28;
	v13 =	vor.u32 $0x5, v6  }
0x2d6: {  	v26 =	vadd.s32 v21, v24;
	v6 =	vadd.s32 v35, v19;
	v25 =	vmul.f32 $8.000000000e+00, v25;
	v28 =	vld [tilespmem:s19+$0xD0]  }
0x2d7: {  	v38 =	vor.u32 $0x4, v29;
	v16 =	vadd.s32 v19, v9;
	v37 =	vld [tilespmem:s19+$0xFFFFFF00];
	v5 =	vmul.f32 $8.000000000e+00, v5  }
0x2d8: {  	v29 =	vmul.f32 $8.000000000e+00, v33;
	v33 =	vadd.s32 v20, v9;
	v39 =	vld [tilespmem:s19+$0x10];
	[tilespmem:v34+s28+$0x0] =	vst.idx.msk $0xffff, v25;
	v25 =	vadd.s32 v21, v30  }
0x2d9: {  	v34 =	vadd.s32 v19, v23;
	[tilespmem:v32+s28+$0x0] =	vst.idx.msk $0xffff, v5;
	v32 =	vor.u32 $0x3, v33;
	v33 =	vadd.s32 v21, v9;
	v40 =	vld [tilespmem:s19+$0x90]  }
0x2da: {  	v12 =	vor.u32 $0x1, v12;
	v41 =	vadd.s32 v35, v20;
	v24 =	vadd.s32 v10, v24;
	v42 =	vld [tilespmem:s19+$0xFFFFFF90];
	[tilespmem:v13+s28+$0x0] =	vst.idx.msk $0xffff, v31  }
0x2db: {  	v20 =	vadd.s32 v35, v21;
	v21 =	vor.u32 $0x6, v25;
	v13 =	vld [tilespmem:s19+$0x50];
	v25 =	vmul.f32 $8.000000000e+00, v28  }
0x2dc: {  	v5 =	vadd.s32 v35, v10;
	v35 =	vor.u32 $0x2, v7;
	v31 =	vadd.s32 v19, v17  }
0x2dd: {  	v43 =	vor.u32 $0x5, v26;
	v17 =	vadd.s32 v10, v9;
	v39 =	vmul.f32 $8.000000000e+00, v39;
	[tilespmem:v22+s28+$0x0] =	vst.idx.msk $0xffff, v25  }
0x2de: {  	v23 =	vadd.s32 v10, v23;
	v7 =	vmul.f32 $8.000000000e+00, v37;
	[tilespmem:v32+s28+$0x0] =	vst.idx.msk $0xffff, v29;
	v9 =	vmul.f32 $8.000000000e+00, v40;
	v32 =	vld [tilespmem:s19+$0xE0]  }
0x2df: {  	v15 =	vadd.s32 v10, v15;
	v19 =	vadd.s32 v19, v14;
	[tilespmem:v12+s28+$0x0] =	vst.idx.msk $0xffff, v27;
	v12 =	vmul.f32 $8.000000000e+00, v42;
	v25 =	vld [tilespmem:s19+$0xFFFFFFD0]  }
.Ltmp6:
0x2e0: {  	[tilespmem:v41+s28+$0x0] =	vst.idx.msk $0xffff, v7;
	v22 =	vld [tilespmem:s19+$0xFFFFFF60];
	v7 =	vor.u32 $0x1, v18;
	v37 =	vmul.f32 $8.000000000e+00, v13;
	v13 =	vadd.s32 v10, v14;
	(pc) =	sbr.rel @p0 .LBB2_15-.Ltmp6, $4  }
0x2e1: {  	v19 =	vor.u32 $0x7, v19;
	v28 =	vld [tilespmem:s19+$0xFFFFFF10];
	[tilespmem:v21+s28+$0x0] =	vst.idx.msk $0xffff, v9;
	v9 =	vor.u32 $0x7, v13  }
0x2e2: {  	v15 =	vor.u32 $0x2, v15;
	v29 =	vor.u32 $0x3, v33;
	v18 =	vor.u32 $0x1, v31;
	[tilespmem:v35+s28+$0x0] =	vst.idx.msk $0xffff, v12;
	v27 =	vld [tilespmem:s19+$0xA0]  }
0x2e3: {  	v14 =	vor.u32 $0x4, v34;
	v13 =	vor.u32 $0x4, v23;
	v26 =	vld [tilespmem:s19+$0xFFFFFFA0];
	[tilespmem:v43+s28+$0x0] =	vst.idx.msk $0xffff, v37;
	v21 =	vmul.f32 $8.000000000e+00, v32  }
0x2e4: {  	v10 =	vadd.s32 v10, v30;
	v12 =	vor.u32 $0x5, v24;
	v24 =	vor.u32 $0x6, v36;
	s19 =	sadd.s32 $0x200, s19;
	[tilespmem:v38+s28+$0x0] =	vst.idx.msk $0xffff, v39;
	v23 =	vld [tilespmem:s13+$0x60]  }
0x2e5: {  	_ =	sdelay $0x1  }
0x2e6: {  	v25 =	vmul.f32 $8.000000000e+00, v25  }
0x2e7: {  	v30 =	vld [tilespmem:s13+$0x20]  }
0x2e8: {  	v44 =	vmul.f32 $8.000000000e+00, v28;
	[tilespmem:v29+s28+$0x0] =	vst.idx.msk $0xffff, v25  }
0x2e9: {  	v45 =	vld [tilespmem:s13+$0xFFFFFFE0]  }
0x2ea: {  	v53 =	vmul.f32 $8.000000000e+00, v22;
	[tilespmem:v20+s28+$0x0] =	vst.idx.msk $0xffff, v44  }
0x2eb: {  	v16 =	vor.u32 $0x3, v16;
	[tilespmem:v19+s28+$0x0] =	vst.idx.msk $0xffff, v21;
	v47 =	vmul.f32 $8.000000000e+00, v27;
	v48 =	vld [tilespmem:s13+$0xFFFFFF20]  }
0x2ec: {  	v11 =	vor.u32 $0x5, v11;
	v58 =	vld [tilespmem:s13+$0xF0];
	[tilespmem:v18+s28+$0x0] =	vst.idx.msk $0xffff, v53;
	v46 =	vmul.f32 $8.000000000e+00, v30  }
0x2ed: {  	v26 =	vmul.f32 $8.000000000e+00, v26;
	v59 =	vld [tilespmem:s13+$0xFFFFFF70];
	[tilespmem:v24+s28+$0x0] =	vst.idx.msk $0xffff, v47  }
0x2ee: {  	v52 =	vld [tilespmem:s13+$0xB0];
	[tilespmem:v14+s28+$0x0] =	vst.idx.msk $0xffff, v46;
	v51 =	vmul.f32 $8.000000000e+00, v45  }
0x2ef: {  	v49 =	vmul.f32 $8.000000000e+00, v23;
	[tilespmem:v8+s28+$0x0] =	vst.idx.msk $0xffff, v26;
	v14 =	vld [tilespmem:s13+$0x30]  }
0x2f0: {  	v10 =	vor.u32 $0x6, v10;
	v50 =	vld [tilespmem:s13+$0xFFFFFFB0];
	v55 =	vmul.f32 $8.000000000e+00, v48;
	[tilespmem:v16+s28+$0x0] =	vst.idx.msk $0xffff, v51  }
0x2f1: {  	[tilespmem:v11+s28+$0x0] =	vst.idx.msk $0xffff, v49;
	v62 =	vmul.f32 $8.000000000e+00, v58;
	v56 =	vld [tilespmem:s13+$0xFFFFFFF0]  }
0x2f2: {  	v54 =	vld [tilespmem:s13+$0x70];
	v63 =	vmul.f32 $8.000000000e+00, v59;
	[tilespmem:v6+s28+$0x0] =	vst.idx.msk $0xffff, v55  }
0x2f3: {  	v17 =	vor.u32 $0x3, v17;
	[tilespmem:v9+s28+$0x0] =	vst.idx.msk $0xffff, v62;
	v8 =	vmul.f32 $8.000000000e+00, v52;
	v60 =	vld [tilespmem:s13+$0xFFFFFF30]  }
0x2f4: {  	[tilespmem:v7+s28+$0x0] =	vst.idx.msk $0xffff, v63;
	v6 =	vmul.f32 $8.000000000e+00, v14  }
0x2f5: {  	v57 =	vmul.f32 $8.000000000e+00, v50;
	[tilespmem:v10+s28+$0x0] =	vst.idx.msk $0xffff, v8  }
0x2f6: {  	[tilespmem:v13+s28+$0x0] =	vst.idx.msk $0xffff, v6;
	v6 =	vmul.f32 $8.000000000e+00, v56  }
0x2f7: {  	s6 =	sadd.s32 s4, s6;
	v61 =	vmul.f32 $8.000000000e+00, v54;
	[tilespmem:v15+s28+$0x0] =	vst.idx.msk $0xffff, v57  }
0x2f8: {  	s7 =	sand.u32 $0xF00, s6;
	s6 =	sshll.u32 s6, $0x3;
	[tilespmem:v17+s28+$0x0] =	vst.idx.msk $0xffff, v6;
	v6 =	vmul.f32 $8.000000000e+00, v60  }
0x2f9: {  	s6 =	sand.u32 $0x1FFF8000, s6;
	s7 =	sadd.s32 s2, s7;
	[tilespmem:v12+s28+$0x0] =	vst.idx.msk $0xffff, v61  }
0x2fa: {  	s7 =	sadd.s32 s6, s7;
	s13 =	simm.s32 $0x12400;
	[tilespmem:v5+s28+$0x0] =	vst.idx.msk $0xffff, v6  }
0x2fb: {  	[hbm4b:s7+s3] =	stream.linear.scatter [tilespmem:s13], [sflag:$0x4], $0x80, $0x38;
	[tilespmem:$0x1F000] =	vst v63  }
0x2fc: {  	s14 =	simm.s32 $0x12488;
	s10 =	sadd.s32 $0x10, s7  }
0x2fd: {  	[hbm4b:s10+s3] =	stream.linear.scatter [tilespmem:s14], [sflag:$0x4], $0x80, $0x38;
	[tilespmem:$0x1F000] =	vst v63  }
0x2fe: {  	s16 =	simm.s32 $0x12510;
	s19 =	sadd.s32 $0x20, s7  }
0x2ff: {  	[hbm4b:s19+s3] =	stream.linear.scatter [tilespmem:s16], [sflag:$0x4], $0x80, $0x38;
	[tilespmem:$0x1F000] =	vst v63  }
0x300: {  	s21 =	simm.s32 $0x12598;
	s22 =	sadd.s32 $0x30, s7  }
0x301: {  	[hbm4b:s22+s3] =	stream.linear.scatter [tilespmem:s21], [sflag:$0x4], $0x80, $0x38;
	[tilespmem:$0x1F000] =	vst v63  }
0x302: {  	s23 =	simm.s32 $0x12620;
	s25 =	sadd.s32 $0x40, s7  }
0x303: {  	[hbm4b:s25+s3] =	stream.linear.scatter [tilespmem:s23], [sflag:$0x4], $0x80, $0x38;
	[tilespmem:$0x1F000] =	vst v63  }
0x304: {  	s11 =	simm.s32 $0x126A8;
	s12 =	sadd.s32 $0x50, s7  }
0x305: {  	[hbm4b:s12+s3] =	stream.linear.scatter [tilespmem:s11], [sflag:$0x4], $0x80, $0x38;
	[tilespmem:$0x1F000] =	vst v63  }
0x306: {  	s13 =	simm.s32 $0x12730;
	s14 =	sadd.s32 $0x60, s7  }
0x307: {  	[hbm4b:s14+s3] =	stream.linear.scatter [tilespmem:s13], [sflag:$0x4], $0x80, $0x38;
	[tilespmem:$0x1F000] =	vst v63  }
0x308: {  	s16 =	simm.s32 $0x127B8;
	s19 =	sadd.s32 $0x70, s7  }
0x309: {  	[hbm4b:s19+s3] =	stream.linear.scatter [tilespmem:s16], [sflag:$0x4], $0x80, $0x38;
	[tilespmem:$0x1F000] =	vst v63  }
0x30a: {  	s21 =	simm.s32 $0x12840;
	s22 =	sadd.s32 $0x80, s7  }
0x30b: {  	[hbm4b:s22+s3] =	stream.linear.scatter [tilespmem:s21], [sflag:$0x4], $0x80, $0x38;
	[tilespmem:$0x1F000] =	vst v63  }
0x30c: {  	s23 =	simm.s32 $0x128C8;
	s25 =	sadd.s32 $0x90, s7  }
0x30d: {  	[hbm4b:s25+s3] =	stream.linear.scatter [tilespmem:s23], [sflag:$0x4], $0x80, $0x38;
	[tilespmem:$0x1F000] =	vst v63  }
0x30e: {  	s6 =	simm.s32 $0x880;
	s11 =	simm.s32 $0x12950;
	s12 =	sadd.s32 $0xA0, s7  }
0x30f: {  	[hbm4b:s12+s3] =	stream.linear.scatter [tilespmem:s11], [sflag:$0x4], $0x80, $0x38;
	[tilespmem:$0x1F000] =	vst v63  }
0x310: {  	s13 =	simm.s32 $0x129D8;
	s14 =	sadd.s32 $0xB0, s7;
	s16 =	simm.s32 $0x12A60  }
0x311: {  	[hbm4b:s14+s3] =	stream.linear.scatter [tilespmem:s13], [sflag:$0x4], $0x80, $0x38;
	[tilespmem:$0x1F000] =	vst v63  }
0x312: {  	s19 =	sadd.s32 $0xC0, s7;
	s21 =	simm.s32 $0x12AE8;
	s22 =	sadd.s32 $0xD0, s7  }
0x313: {  	[hbm4b:s19+s3] =	stream.linear.scatter [tilespmem:s16], [sflag:$0x4], $0x80, $0x38;
	[tilespmem:$0x1F000] =	vst v63  }
0x314: {  	s23 =	simm.s32 $0x12B70;
	s25 =	sadd.s32 $0xE0, s7;
	s14 =	simm.s32 $0x12BF8  }
0x315: {  	[hbm4b:s22+s3] =	stream.linear.scatter [tilespmem:s21], [sflag:$0x4], $0x80, $0x38;
	[tilespmem:$0x1F000] =	vst v63  }
0x316: {  	s13 =	sadd.s32 $0x1000, s7;
	s21 =	simm.s32 $0x4400;
	s22 =	sadd.s32 $0xF0, s7  }
0x317: {  	[hbm4b:s25+s3] =	stream.linear.scatter [tilespmem:s23], [sflag:$0x4], $0x80, $0x38;
	[tilespmem:$0x1F000] =	vst v63  }
.LBB2_17:
0x318: {  	[hbm4b:s22+s3] =	stream.linear.scatter [tilespmem:s14], [sflag:$0x4], $0x80, $0x38;
	[tilespmem:$0x1F000] =	vst v63  }
0x319: {  	s14 =	smov.u32 s6;
	s6 =	smov.u32 s21  }
0x31a: {  	s19 =	sadd.s32 $0x2200, s21;
	s6 =	sshra.s32 s6, $0x2;
	s7 =	sadd.s32 $0x12400, s14  }
0x31b: {  	[hbm4b:s13+s3] =	stream.linear.scatter [tilespmem:s7], [sflag:$0x4], $0x80, $0x38;
	[tilespmem:$0x1F000] =	vst v63  }
0x31c: {  	p0 =	sne.s32 s21, $0xEE00;
	s10 =	sadd.s32 $0x10, s13;
	s7 =	sadd.s32 $0x12488, s14  }
0x31d: {  	[hbm4b:s10+s3] =	stream.linear.scatter [tilespmem:s7], [sflag:$0x4], $0x80, $0x38;
	[tilespmem:$0x1F000] =	vst v63  }
0x31e: {  	s7 =	sadd.s32 $0x12510, s14;
	s10 =	sadd.s32 $0x20, s13  }
0x31f: {  	[hbm4b:s10+s3] =	stream.linear.scatter [tilespmem:s7], [sflag:$0x4], $0x80, $0x38;
	[tilespmem:$0x1F000] =	vst v63  }
0x320: {  	s7 =	sadd.s32 $0x12598, s14;
	s10 =	sadd.s32 $0x30, s13  }
0x321: {  	[hbm4b:s10+s3] =	stream.linear.scatter [tilespmem:s7], [sflag:$0x4], $0x80, $0x38;
	[tilespmem:$0x1F000] =	vst v63  }
0x322: {  	s7 =	sadd.s32 $0x12620, s14;
	s10 =	sadd.s32 $0x40, s13  }
0x323: {  	[hbm4b:s10+s3] =	stream.linear.scatter [tilespmem:s7], [sflag:$0x4], $0x80, $0x38;
	[tilespmem:$0x1F000] =	vst v63  }
0x324: {  	s7 =	sadd.s32 $0x126A8, s14;
	s10 =	sadd.s32 $0x50, s13  }
0x325: {  	[hbm4b:s10+s3] =	stream.linear.scatter [tilespmem:s7], [sflag:$0x4], $0x80, $0x38;
	[tilespmem:$0x1F000] =	vst v63  }
0x326: {  	s7 =	sadd.s32 $0x12730, s14;
	s10 =	sadd.s32 $0x60, s13  }
0x327: {  	[hbm4b:s10+s3] =	stream.linear.scatter [tilespmem:s7], [sflag:$0x4], $0x80, $0x38;
	[tilespmem:$0x1F000] =	vst v63  }
0x328: {  	s7 =	sadd.s32 $0x127B8, s14;
	s10 =	sadd.s32 $0x70, s13  }
0x329: {  	[hbm4b:s10+s3] =	stream.linear.scatter [tilespmem:s7], [sflag:$0x4], $0x80, $0x38;
	[tilespmem:$0x1F000] =	vst v63  }
0x32a: {  	s7 =	sadd.s32 $0x12840, s14;
	s10 =	sadd.s32 $0x80, s13  }
0x32b: {  	[hbm4b:s10+s3] =	stream.linear.scatter [tilespmem:s7], [sflag:$0x4], $0x80, $0x38;
	[tilespmem:$0x1F000] =	vst v63  }
0x32c: {  	s7 =	sadd.s32 $0x128C8, s14;
	s10 =	sadd.s32 $0x90, s13  }
0x32d: {  	[hbm4b:s10+s3] =	stream.linear.scatter [tilespmem:s7], [sflag:$0x4], $0x80, $0x38;
	[tilespmem:$0x1F000] =	vst v63  }
0x32e: {  	s7 =	sadd.s32 $0x12950, s14;
	s10 =	sadd.s32 $0xA0, s13  }
0x32f: {  	[hbm4b:s10+s3] =	stream.linear.scatter [tilespmem:s7], [sflag:$0x4], $0x80, $0x38;
	[tilespmem:$0x1F000] =	vst v63  }
0x330: {  	s7 =	sadd.s32 $0x129D8, s14;
	s10 =	sadd.s32 $0xB0, s13  }
0x331: {  	[hbm4b:s10+s3] =	stream.linear.scatter [tilespmem:s7], [sflag:$0x4], $0x80, $0x38;
	[tilespmem:$0x1F000] =	vst v63  }
0x332: {  	s7 =	sadd.s32 $0x12A60, s14;
	s10 =	sadd.s32 $0xC0, s13  }
0x333: {  	[hbm4b:s10+s3] =	stream.linear.scatter [tilespmem:s7], [sflag:$0x4], $0x80, $0x38;
	[tilespmem:$0x1F000] =	vst v63  }
.Ltmp7:
0x334: {  	s7 =	sadd.s32 $0x12AE8, s14;
	s10 =	sadd.s32 $0xD0, s13;
	(pc) =	sbr.rel @p0 .LBB2_17-.Ltmp7, $4  }
0x335: {  	[hbm4b:s10+s3] =	stream.linear.scatter [tilespmem:s7], [sflag:$0x4], $0x80, $0x38;
	[tilespmem:$0x1F000] =	vst v63  }
0x336: {  	s22 =	sadd.s32 $0xF0, s13;
	s7 =	sadd.s32 $0x12B70, s14;
	s10 =	sadd.s32 $0xE0, s13  }
0x337: {  	[hbm4b:s10+s3] =	stream.linear.scatter [tilespmem:s7], [sflag:$0x4], $0x80, $0x38;
	[tilespmem:$0x1F000] =	vst v63  }
0x338: {  	s21 =	smov.u32 s19;
	s14 =	sadd.s32 $0x12BF8, s14;
	s13 =	sadd.s32 $0x1000, s13  }
0x339: {  	[hbm4b:s22+s3] =	stream.linear.scatter [tilespmem:s14], [sflag:$0x4], $0x80, $0x38;
	[tilespmem:$0x1F000] =	vst v63  }
0x33a: {  	s7 =	sadd.s32 $0x12400, s6  }
0x33b: {  	[hbm4b:s13+s3] =	stream.linear.scatter [tilespmem:s7], [sflag:$0x4], $0x80, $0x38;
	[tilespmem:$0x1F000] =	vst v63  }
0x33c: {  	s11 =	sadd.s32 $0x12488, s6;
	s10 =	sadd.s32 $0x10, s13  }
0x33d: {  	[hbm4b:s10+s3] =	stream.linear.scatter [tilespmem:s11], [sflag:$0x4], $0x80, $0x38;
	[tilespmem:$0x1F000] =	vst v63  }
0x33e: {  	s12 =	sadd.s32 $0x12510, s6;
	s14 =	sadd.s32 $0x20, s13  }
0x33f: {  	[hbm4b:s14+s3] =	stream.linear.scatter [tilespmem:s12], [sflag:$0x4], $0x80, $0x38;
	[tilespmem:$0x1F000] =	vst v63  }
0x340: {  	s16 =	sadd.s32 $0x12598, s6;
	s19 =	sadd.s32 $0x30, s13  }
0x341: {  	[hbm4b:s19+s3] =	stream.linear.scatter [tilespmem:s16], [sflag:$0x4], $0x80, $0x38;
	[tilespmem:$0x1F000] =	vst v63  }
0x342: {  	s21 =	sadd.s32 $0x12620, s6;
	s22 =	sadd.s32 $0x40, s13  }
0x343: {  	[hbm4b:s22+s3] =	stream.linear.scatter [tilespmem:s21], [sflag:$0x4], $0x80, $0x38;
	[tilespmem:$0x1F000] =	vst v63  }
0x344: {  	s23 =	sadd.s32 $0x126A8, s6;
	s25 =	sadd.s32 $0x50, s13  }
0x345: {  	[hbm4b:s25+s3] =	stream.linear.scatter [tilespmem:s23], [sflag:$0x4], $0x80, $0x38;
	[tilespmem:$0x1F000] =	vst v63  }
0x346: {  	s10 =	sadd.s32 $0x12730, s6;
	s11 =	sadd.s32 $0x60, s13  }
0x347: {  	[hbm4b:s11+s3] =	stream.linear.scatter [tilespmem:s10], [sflag:$0x4], $0x80, $0x38;
	[tilespmem:$0x1F000] =	vst v63  }
0x348: {  	s12 =	sadd.s32 $0x127B8, s6;
	s14 =	sadd.s32 $0x70, s13  }
0x349: {  	[hbm4b:s14+s3] =	stream.linear.scatter [tilespmem:s12], [sflag:$0x4], $0x80, $0x38;
	[tilespmem:$0x1F000] =	vst v63  }
0x34a: {  	s16 =	sadd.s32 $0x12840, s6;
	s19 =	sadd.s32 $0x80, s13  }
0x34b: {  	[hbm4b:s19+s3] =	stream.linear.scatter [tilespmem:s16], [sflag:$0x4], $0x80, $0x38;
	[tilespmem:$0x1F000] =	vst v63  }
0x34c: {  	s21 =	sadd.s32 $0x128C8, s6;
	s22 =	sadd.s32 $0x90, s13  }
0x34d: {  	[hbm4b:s22+s3] =	stream.linear.scatter [tilespmem:s21], [sflag:$0x4], $0x80, $0x38;
	[tilespmem:$0x1F000] =	vst v63  }
0x34e: {  	s23 =	sadd.s32 $0x12950, s6;
	s25 =	sadd.s32 $0xA0, s13  }
0x34f: {  	[hbm4b:s25+s3] =	stream.linear.scatter [tilespmem:s23], [sflag:$0x4], $0x80, $0x38;
	[tilespmem:$0x1F000] =	vst v63  }
0x350: {  	s10 =	sadd.s32 $0x129D8, s6;
	s11 =	sadd.s32 $0xB0, s13  }
0x351: {  	[hbm4b:s11+s3] =	stream.linear.scatter [tilespmem:s10], [sflag:$0x4], $0x80, $0x38;
	[tilespmem:$0x1F000] =	vst v63  }
0x352: {  	s24 =	sadd.s32 $0x1, s24;
	s12 =	sadd.s32 $0x12A60, s6;
	s14 =	sadd.s32 $0xC0, s13  }
0x353: {  	[hbm4b:s14+s3] =	stream.linear.scatter [tilespmem:s12], [sflag:$0x4], $0x80, $0x38;
	[tilespmem:$0x1F000] =	vst v63  }
0x354: {  	p0 =	sne.s32 s24, $0x20;
	s16 =	sadd.s32 $0x12AE8, s6;
	s19 =	sadd.s32 $0xD0, s13  }
0x355: {  	[hbm4b:s19+s3] =	stream.linear.scatter [tilespmem:s16], [sflag:$0x4], $0x80, $0x38;
	[tilespmem:$0x1F000] =	vst v63  }
.Ltmp8:
0x356: {  	_ = 	snop;
	(pc) =	sbr.rel @p0 .LBB2_6-.Ltmp8, $4  }
0x357: {  	s21 =	sadd.s32 $0x12B70, s6;
	s22 =	sadd.s32 $0xE0, s13  }
0x358: {  	[hbm4b:s22+s3] =	stream.linear.scatter [tilespmem:s21], [sflag:$0x4], $0x80, $0x38;
	[tilespmem:$0x1F000] =	vst v63  }
0x359: {  	s23 =	sadd.s32 $0x12BF8, s6;
	s25 =	sadd.s32 $0xF0, s13  }
0x35a: {  	[hbm4b:s25+s3] =	stream.linear.scatter [tilespmem:s23], [sflag:$0x4], $0x80, $0x38;
	[tilespmem:$0x1F000] =	vst v63  }
0x35b: {  	s6 =	simm.s32 $0x6400;
	s7 =	simm.s32 $0x6300;
	s22 =	simm.s32 $0x6380  }
0x35c: {  	s23 =	simm.s32 $0x1;
	s24 =	simm.s32 $0x0;
	s13 =	simm.s32 $0x0  }
0x35d: {  	s12 =	simm.s32 $0x7;
	s11 =	simm.s32 $0x6;
	s19 =	simm.s32 $0x2  }
0x35e: {  	[tilespmem:s6], [sflag:$0x1] =	stream.indirect.gather [hbm4b:s5+s15], $0x40, s7, s15, $0xb8;
	[tilespmem:$0x1F000] =	vst v63  }
0x35f: {  	s21 =	simm.s32 $0x4;
	s10 =	sand.u32 $0x78, s23;
	s25 =	sand.u32 $0x78, s13  }
0x360: {  	[tilespmem:s17], [sflag:$0x1] =	stream.indirect.gather [hbm4b:s5+s15], $0x40, s22, s15, $0xb8;
	[tilespmem:$0x1F000] =	vst v63  }
0x361: {  	v5 =	vmov s24;
	s14 =	sand.u32 $0x78, s12;
	s16 =	sand.u32 $0x78, s11;
	v6 =	vmov s10;
	_ =	swait.ge [sflag:s29], $0x2000  }
0x362: {  	s7 =	sand.u32 $0x78, s19;
	s23 =	sand.u32 $0x78, s21;
	v5 =	vmul.u32 $0x440, v5;
	v7 =	vmov s25;
	v9 =	vmov s14;
	[sflag:s29] =	ssyncset.done $0x0  }
0x363: {  	v11 =	vmov s16;
	v16 =	vmov s7;
	v19 =	vmov s23;
	[sflag:s29] =	ssyncadd.s32 $0xFFFFE000  }
0x364: {  	v6 =	vshrl.u32 v6, $0x3;
	v9 =	vshrl.u32 v9, $0x3;
	v11 =	vshrl.u32 v11, $0x3;
	_ =	swait.ge [sflag:s29], $0x2000  }
0x365: {  	v19 =	vshrl.u32 v19, $0x3;
	v16 =	vshrl.u32 v16, $0x3;
	v7 =	vshrl.u32 v7, $0x3;
	[sflag:s29] =	ssyncset.done $0x0  }
0x366: {  	v5 =	vbroadcast v5, $0x0;
	v6 =	vshll.u32 v6, v1;
	v9 =	vshll.u32 v9, v1;
	[sflag:s29] =	ssyncadd.s32 $0xFFFFE000  }
0x367: {  	s22 =	simm.s32 $0x5;
	v19 =	vshll.u32 v19, v1;
	v16 =	vshll.u32 v16, v1;
	v7 =	vshll.u32 v7, v1;
	_ =	swait.ge [sflag:s30], $0x4000  }
0x368: {  	s24 =	sand.u32 $0x78, s22;
	v11 =	vshll.u32 v11, v1;
	v12 =	vbroadcast v6, $0x0;
	v9 =	vbroadcast v9, $0x0;
	[sflag:s30] =	ssyncset.done $0x0  }
0x369: {  	s6 =	simm.s32 $0xA500;
	v20 =	vmov s24;
	v19 =	vbroadcast v19, $0x0;
	v27 =	vbroadcast v16, $0x0;
	[sflag:s30] =	ssyncadd.s32 $0xFFFFC000  }
0x36a: {  	v30 =	vbroadcast v11, $0x0;
	v7 =	vbroadcast v7, $0x0;
	v10 =	vadd.s32 v4, v5;
	v8 =	vld [tilespmem:s6+$0x0]  }
0x36b: {  	v13 =	vadd.s32 v0, v5;
	v21 =	vadd.s32 v2, v5;
	v20 =	vshrl.u32 v20, $0x3  }
0x36c: {  	v22 =	vadd.s32 v3, v5;
	v14 =	vadd.s32 v13, v12;
	v18 =	vadd.s32 v13, v9  }
0x36d: {  	v24 =	vadd.s32 v21, v9;
	v20 =	vshll.u32 v20, v1;
	v25 =	vadd.s32 v13, v19;
	v6 =	vld [tilespmem:s6+$0xFFFFFF40]  }
0x36e: {  	v26 =	vadd.s32 v21, v19;
	v28 =	vadd.s32 v21, v27;
	v11 =	vadd.s32 v22, v27;
	v15 =	vld [tilespmem:s6+$0xC0]  }
0x36f: {  	v31 =	vadd.s32 v13, v27;
	v17 =	vmul.f32 $8.000000000e+00, v8;
	v8 =	vor.u32 $0x1, v14  }
0x370: {  	v32 =	vadd.s32 v13, v30;
	v59 =	vadd.s32 v22, v30;
	v18 =	vor.u32 $0x7, v18  }
0x371: {  	s25 =	simm.s32 $0x3;
	v61 =	vadd.s32 v21, v30;
	v40 =	vadd.s32 v22, v19;
	v27 =	vadd.s32 v10, v27;
	v16 =	vld [tilespmem:s6+$0x80]  }
0x372: {  	s7 =	sand.u32 $0x78, s25;
	v24 =	vor.u32 $0x7, v24;
	v20 =	vbroadcast v20, $0x0;
	v23 =	vld [tilespmem:s6+$0x40];
	v6 =	vmul.f32 $8.000000000e+00, v6  }
0x373: {  	v32 =	vor.u32 $0x6, v32;
	v29 =	vld [tilespmem:s6+$0xFFFFFF80];
	v5 =	vmul.f32 $8.000000000e+00, v15;
	v15 =	vmov s7  }
0x374: {  	v35 =	vadd.s32 v13, v20;
	v34 =	vld [tilespmem:s6+$0xFFFFFFC0];
	[tilespmem:v8+s31+$0x0] =	vst.idx.msk $0xffff, v6;
	v6 =	vshrl.u32 v15, $0x3;
	v15 =	vor.u32 $0x4, v25  }
0x375: {  	v31 =	vor.u32 $0x2, v31;
	v39 =	vor.u32 $0x4, v26;
	[tilespmem:v18+s31+$0x0] =	vst.idx.msk $0xffff, v5;
	v5 =	vor.u32 $0x5, v35;
	v8 =	vld [tilespmem:s6+$0xFFFFFF50]  }
0x376: {  	v62 =	vor.u32 $0x2, v28;
	v42 =	vadd.s32 v10, v20;
	v36 =	vmul.f32 $8.000000000e+00, v16  }
0x377: {  	v14 =	vadd.s32 v10, v12;
	v37 =	vld [tilespmem:s6+$0xD0];
	v25 =	vadd.s32 v21, v12;
	v6 =	vshll.u32 v6, v1  }
0x378: {  	v23 =	vmul.f32 $8.000000000e+00, v23;
	[tilespmem:v32+s31+$0x0] =	vst.idx.msk $0xffff, v36;
	v25 =	vor.u32 $0x1, v25;
	v18 =	vbroadcast v6, $0x0  }
0x379: {  	v38 =	vld [tilespmem:s6+$0xFFFFFF00];
	v26 =	vmul.f32 $8.000000000e+00, v34;
	[tilespmem:v15+s31+$0x0] =	vst.idx.msk $0xffff, v17;
	v15 =	vadd.s32 v21, v20;
	v17 =	vmul.f32 $8.000000000e+00, v29  }
0x37a: {  	v36 =	vld [tilespmem:s6+$0x90];
	[tilespmem:v5+s31+$0x0] =	vst.idx.msk $0xffff, v23;
	v29 =	vadd.s32 v13, v18;
	v13 =	vadd.s32 v7, v13;
	v33 =	vmul.f32 $8.000000000e+00, v8  }
0x37b: {  	v23 =	vld [tilespmem:s6+$0x50];
	v8 =	vor.u32 $0x2, v11;
	v11 =	vadd.s32 v22, v20;
	v29 =	vor.u32 $0x3, v29  }
0x37c: {  	v20 =	vadd.s32 v7, v21;
	[tilespmem:v31+s31+$0x0] =	vst.idx.msk $0xffff, v17;
	v31 =	vadd.s32 v21, v18;
	v21 =	vmul.f32 $8.000000000e+00, v37  }
0x37d: {  	v32 =	vor.u32 $0x6, v61;
	v12 =	vadd.s32 v22, v12;
	v6 =	vadd.s32 v7, v22;
	v41 =	vld [tilespmem:s6+$0xFFFFFF90];
	[tilespmem:v25+s31+$0x0] =	vst.idx.msk $0xffff, v33  }
0x37e: {  	v5 =	vadd.s32 v7, v10;
	v60 =	vld [tilespmem:s6+$0x10];
	v7 =	vmul.f32 $8.000000000e+00, v38;
	[tilespmem:v24+s31+$0x0] =	vst.idx.msk $0xffff, v21;
	v21 =	vor.u32 $0x5, v15  }
0x37f: {  	v16 =	vadd.s32 v22, v18;
	v17 =	vadd.s32 v10, v18;
	v18 =	vadd.s32 v22, v9;
	v22 =	vld [tilespmem:s6+$0xFFFFFF60]  }
0x380: {  	v9 =	vadd.s32 v10, v9;
	v23 =	vmul.f32 $8.000000000e+00, v23;
	v15 =	vmul.f32 $8.000000000e+00, v36;
	v63 =	vld [tilespmem:s6+$0xE0];
	[tilespmem:v13+s31+$0x0] =	vst.idx.msk $0xffff, v7  }
0x381: {  	v9 =	vor.u32 $0x7, v9;
	v24 =	vadd.s32 v10, v19;
	v19 =	vor.u32 $0x7, v18;
	[tilespmem:v29+s31+$0x0] =	vst.idx.msk $0xffff, v26;
	v28 =	vld [tilespmem:s6+$0xFFFFFF10]  }
0x382: {  	v18 =	vor.u32 $0x1, v12;
	v12 =	vor.u32 $0x5, v42;
	[tilespmem:v32+s31+$0x0] =	vst.idx.msk $0xffff, v15;
	v25 =	vld [tilespmem:s6+$0xFFFFFFD0];
	v26 =	vmul.f32 $8.000000000e+00, v41  }
0x383: {  	v10 =	vadd.s32 v10, v30;
	v34 =	vmul.f32 $8.000000000e+00, v60;
	v15 =	vor.u32 $0x2, v27;
	v27 =	vld [tilespmem:s6+$0xA0];
	[tilespmem:v21+s31+$0x0] =	vst.idx.msk $0xffff, v23  }
0x384: {  	v7 =	vor.u32 $0x1, v14;
	v14 =	vor.u32 $0x4, v40;
	v29 =	vor.u32 $0x3, v31;
	[tilespmem:v62+s31+$0x0] =	vst.idx.msk $0xffff, v26;
	v23 =	vld [tilespmem:s6+$0x60]  }
0x385: {  	s14 =	simm.s32 $0xA700;
	v13 =	vor.u32 $0x4, v24;
	v24 =	vor.u32 $0x6, v59;
	[tilespmem:v39+s31+$0x0] =	vst.idx.msk $0xffff, v34;
	v21 =	vmul.f32 $8.000000000e+00, v63;
	v26 =	vld [tilespmem:s6+$0xFFFFFFA0]  }
.LBB2_20:
0x386: {  	s7 =	sadd.s32 $0x9, s13  }
0x387: {  	s10 =	sadd.s32 $0xA, s13;
	v22 =	vmul.f32 $8.000000000e+00, v22;
	v25 =	vmul.f32 $8.000000000e+00, v25;
	v30 =	vld [tilespmem:s6+$0x20];
	v31 =	vor.u32 $0x6, v10;
	s19 =	smov.u32 s13;
	s13 =	sadd.s32 $0x8, s13  }
0x388: {  	v16 =	vor.u32 $0x3, v16;
	v11 =	vor.u32 $0x5, v11;
	s11 =	sshrl.u32 s13, $0x7;
	s12 =	sand.u32 $0x78, s13;
	s7 =	sand.u32 $0x78, s7;
	v32 =	vld [tilespmem:s14+$0xC0];
	v10 =	vmul.f32 $8.000000000e+00, v28  }
0x389: {  	s16 =	sadd.s32 $0xF, s19;
	v28 =	vmov s11;
	v33 =	vmov s7;
	v34 =	vld [tilespmem:s14+$0xFFFFFF40];
	s7 =	sadd.s32 $0xB, s19;
	s11 =	sadd.s32 $0xE, s19;
	[tilespmem:v29+s31+$0x0] =	vst.idx.msk $0xffff, v25;
	v25 =	vmul.f32 $8.000000000e+00, v27  }
0x38a: {  	v27 =	vmov s12;
	s12 =	sadd.s32 $0xD, s19;
	s16 =	sand.u32 $0x78, s16;
	v28 =	vmul.u32 $0x440, v28;
	v29 =	vld [tilespmem:s14+$0x0];
	s11 =	sand.u32 $0x78, s11;
	[tilespmem:v20+s31+$0x0] =	vst.idx.msk $0xffff, v10;
	v10 =	vmul.f32 $8.000000000e+00, v26  }
0x38b: {  	v35 =	vor.u32 $0x3, v17;
	s10 =	sand.u32 $0x78, s10;
	s21 =	sand.u32 $0x78, s7;
	s7 =	sand.u32 $0x78, s12;
	v20 =	vmov s16;
	v26 =	vld [tilespmem:s6+$0xFFFFFFE0];
	v17 =	vmul.f32 $8.000000000e+00, v23;
	[tilespmem:v24+s31+$0x0] =	vst.idx.msk $0xffff, v25  }
0x38c: {  	p0 =	slt.u32 s13, $0xF8;
	v24 =	vshrl.u32 v33, $0x3;
	v23 =	vbroadcast v28, $0x0;
	v25 =	vld [tilespmem:s6+$0xFFFFFF20];
	[tilespmem:v8+s31+$0x0] =	vst.idx.msk $0xffff, v10;
	v8 =	vmul.f32 $8.000000000e+00, v30  }
0x38d: {  	v20 =	vshrl.u32 v20, $0x3;
	v24 =	vshll.u32 v24, v1;
	v28 =	vmov s11;
	v30 =	vld [tilespmem:s6+$0xFFFFFFB0];
	[tilespmem:v11+s31+$0x0] =	vst.idx.msk $0xffff, v17  }
0x38e: {  	v17 =	vbroadcast v24, $0x0;
	v11 =	vshll.u32 v20, v1;
	v10 =	vadd.s32 v4, v23;
	[tilespmem:v14+s31+$0x0] =	vst.idx.msk $0xffff, v8;
	v8 =	vld [tilespmem:s6+$0x70]  }
0x38f: {  	v24 =	vshrl.u32 v28, $0x3;
	v20 =	vadd.s32 v0, v23;
	v14 =	vbroadcast v11, $0x0;
	[tilespmem:v18+s31+$0x0] =	vst.idx.msk $0xffff, v22;
	v11 =	vld [tilespmem:s6+$0x30]  }
0x390: {  	v18 =	vadd.s32 v20, v17;
	v22 =	vmov s10;
	v28 =	vmul.f32 $8.000000000e+00, v29;
	v29 =	vld [tilespmem:s6+$0xB0]  }
0x391: {  	s10 =	sadd.s32 $0xC, s19;
	v33 =	vor.u32 $0x1, v18;
	v18 =	vadd.s32 v10, v17;
	v36 =	vadd.s32 v20, v14;
	v37 =	vld [tilespmem:s6+$0xFFFFFF70]  }
0x392: {  	v38 =	vmov s7;
	s10 =	sand.u32 $0x78, s10;
	v26 =	vmul.f32 $8.000000000e+00, v26;
	v36 =	vor.u32 $0x7, v36  }
0x393: {  	v34 =	vmul.f32 $8.000000000e+00, v34;
	v39 =	vmov s10;
	v30 =	vmul.f32 $8.000000000e+00, v30;
	[tilespmem:v19+s31+$0x0] =	vst.idx.msk $0xffff, v21  }
0x394: {  	v38 =	vshrl.u32 v38, $0x3;
	v25 =	vmul.f32 $8.000000000e+00, v25;
	v21 =	vadd.s32 v2, v23;
	[tilespmem:v16+s31+$0x0] =	vst.idx.msk $0xffff, v26;
	v16 =	vld [tilespmem:s6+$0xF0]  }
0x395: {  	v19 =	vadd.s32 v3, v23;
	v23 =	vshrl.u32 v39, $0x3;
	v26 =	vmul.f32 $8.000000000e+00, v32;
	[tilespmem:v15+s31+$0x0] =	vst.idx.msk $0xffff, v30;
	v15 =	vld [tilespmem:s6+$0xFFFFFFF0]  }
0x396: {  	v23 =	vshll.u32 v23, v1;
	v30 =	vmov s21;
	[tilespmem:v6+s31+$0x0] =	vst.idx.msk $0xffff, v25;
	v6 =	vmul.f32 $8.000000000e+00, v11  }
0x397: {  	v8 =	vmul.f32 $8.000000000e+00, v8;
	v23 =	vbroadcast v23, $0x0;
	v25 =	vadd.s32 v21, v14;
	v11 =	vld [tilespmem:s14+$0x40]  }
0x398: {  	v22 =	vshrl.u32 v22, $0x3;
	v32 =	vshll.u32 v38, v1;
	v38 =	vld [tilespmem:s6+$0xFFFFFF30];
	[tilespmem:v13+s31+$0x0] =	vst.idx.msk $0xffff, v6;
	v6 =	vmul.f32 $8.000000000e+00, v29;
	s6 =	smov.u32 s14  }
0x399: {  	v13 =	vadd.s32 v20, v23;
	v29 =	vadd.s32 v21, v23;
	[tilespmem:v33+s31+$0x0] =	vst.idx.msk $0xffff, v34;
	v33 =	vmul.f32 $8.000000000e+00, v37  }
0x39a: {  	v30 =	vshrl.u32 v30, $0x3;
	v13 =	vor.u32 $0x4, v13;
	v15 =	vmul.f32 $8.000000000e+00, v15;
	[tilespmem:v31+s31+$0x0] =	vst.idx.msk $0xffff, v6  }
0x39b: {  	v22 =	vshll.u32 v22, v1;
	v6 =	vshrl.u32 v27, $0x3;
	v27 =	vld [tilespmem:s14+$0xFFFFFF50];
	[tilespmem:v12+s31+$0x0] =	vst.idx.msk $0xffff, v8;
	v8 =	vmul.f32 $8.000000000e+00, v16  }
0x39c: {  	v6 =	vshll.u32 v6, v1;
	v12 =	vadd.s32 v21, v17;
	v31 =	vmul.f32 $8.000000000e+00, v11;
	[tilespmem:v35+s31+$0x0] =	vst.idx.msk $0xffff, v15  }
0x39d: {  	v15 =	vbroadcast v22, $0x0;
	v11 =	vshll.u32 v24, v1;
	v16 =	vmul.f32 $8.000000000e+00, v38;
	[tilespmem:v9+s31+$0x0] =	vst.idx.msk $0xffff, v8  }
0x39e: {  	v22 =	vor.u32 $0x7, v25;
	v9 =	vshll.u32 v30, v1;
	v30 =	vbroadcast v11, $0x0;
	[tilespmem:v7+s31+$0x0] =	vst.idx.msk $0xffff, v33  }
0x39f: {  	v24 =	vbroadcast v32, $0x0;
	v7 =	vadd.s32 v21, v15;
	v8 =	vadd.s32 v19, v15;
	v25 =	vld [tilespmem:s14+$0x80];
	[tilespmem:v5+s31+$0x0] =	vst.idx.msk $0xffff, v16  }
0x3a0: {  	v11 =	vadd.s32 v20, v15;
	v16 =	vadd.s32 v20, v30;
	v27 =	vmul.f32 $8.000000000e+00, v27;
	v5 =	vld [tilespmem:s14+$0xFFFFFF80]  }
0x3a1: {  	v32 =	vor.u32 $0x2, v11;
	v8 =	vor.u32 $0x2, v8;
	v34 =	vor.u32 $0x6, v16;
	v33 =	vld [tilespmem:s14+$0xFFFFFFC0]  }
0x3a2: {  	v35 =	vbroadcast v6, $0x0;
	v6 =	vadd.s32 v20, v24;
	v11 =	vadd.s32 v19, v24;
	[tilespmem:v36+s31+$0x0] =	vst.idx.msk $0xffff, v26  }
0x3a3: {  	v9 =	vbroadcast v9, $0x0;
	v36 =	vadd.s32 v19, v30;
	[tilespmem:v13+s31+$0x0] =	vst.idx.msk $0xffff, v28;
	v13 =	vor.u32 $0x5, v6  }
0x3a4: {  	v26 =	vadd.s32 v21, v24;
	v6 =	vadd.s32 v35, v19;
	v25 =	vmul.f32 $8.000000000e+00, v25;
	v28 =	vld [tilespmem:s14+$0xD0]  }
0x3a5: {  	v38 =	vor.u32 $0x4, v29;
	v16 =	vadd.s32 v19, v9;
	v37 =	vld [tilespmem:s14+$0xFFFFFF00];
	v5 =	vmul.f32 $8.000000000e+00, v5  }
0x3a6: {  	v29 =	vmul.f32 $8.000000000e+00, v33;
	v33 =	vadd.s32 v20, v9;
	v39 =	vld [tilespmem:s14+$0x10];
	[tilespmem:v34+s31+$0x0] =	vst.idx.msk $0xffff, v25;
	v25 =	vadd.s32 v21, v30  }
0x3a7: {  	v34 =	vadd.s32 v19, v23;
	[tilespmem:v32+s31+$0x0] =	vst.idx.msk $0xffff, v5;
	v32 =	vor.u32 $0x3, v33;
	v33 =	vadd.s32 v21, v9;
	v40 =	vld [tilespmem:s14+$0x90]  }
0x3a8: {  	v12 =	vor.u32 $0x1, v12;
	v41 =	vadd.s32 v35, v20;
	v24 =	vadd.s32 v10, v24;
	v42 =	vld [tilespmem:s14+$0xFFFFFF90];
	[tilespmem:v13+s31+$0x0] =	vst.idx.msk $0xffff, v31  }
0x3a9: {  	v20 =	vadd.s32 v35, v21;
	v21 =	vor.u32 $0x6, v25;
	v13 =	vld [tilespmem:s14+$0x50];
	v25 =	vmul.f32 $8.000000000e+00, v28  }
0x3aa: {  	v5 =	vadd.s32 v35, v10;
	v35 =	vor.u32 $0x2, v7;
	v31 =	vadd.s32 v19, v17  }
0x3ab: {  	v43 =	vor.u32 $0x5, v26;
	v17 =	vadd.s32 v10, v9;
	v39 =	vmul.f32 $8.000000000e+00, v39;
	[tilespmem:v22+s31+$0x0] =	vst.idx.msk $0xffff, v25  }
0x3ac: {  	v23 =	vadd.s32 v10, v23;
	v7 =	vmul.f32 $8.000000000e+00, v37;
	[tilespmem:v32+s31+$0x0] =	vst.idx.msk $0xffff, v29;
	v9 =	vmul.f32 $8.000000000e+00, v40;
	v32 =	vld [tilespmem:s14+$0xE0]  }
0x3ad: {  	v15 =	vadd.s32 v10, v15;
	v19 =	vadd.s32 v19, v14;
	[tilespmem:v12+s31+$0x0] =	vst.idx.msk $0xffff, v27;
	v12 =	vmul.f32 $8.000000000e+00, v42;
	v25 =	vld [tilespmem:s14+$0xFFFFFFD0]  }
.Ltmp9:
0x3ae: {  	[tilespmem:v41+s31+$0x0] =	vst.idx.msk $0xffff, v7;
	v22 =	vld [tilespmem:s14+$0xFFFFFF60];
	v7 =	vor.u32 $0x1, v18;
	v37 =	vmul.f32 $8.000000000e+00, v13;
	v13 =	vadd.s32 v10, v14;
	(pc) =	sbr.rel @p0 .LBB2_20-.Ltmp9, $4  }
0x3af: {  	v19 =	vor.u32 $0x7, v19;
	v28 =	vld [tilespmem:s14+$0xFFFFFF10];
	[tilespmem:v21+s31+$0x0] =	vst.idx.msk $0xffff, v9;
	v9 =	vor.u32 $0x7, v13  }
0x3b0: {  	v15 =	vor.u32 $0x2, v15;
	v29 =	vor.u32 $0x3, v33;
	v18 =	vor.u32 $0x1, v31;
	[tilespmem:v35+s31+$0x0] =	vst.idx.msk $0xffff, v12;
	v27 =	vld [tilespmem:s14+$0xA0]  }
0x3b1: {  	v14 =	vor.u32 $0x4, v34;
	v13 =	vor.u32 $0x4, v23;
	v26 =	vld [tilespmem:s14+$0xFFFFFFA0];
	[tilespmem:v43+s31+$0x0] =	vst.idx.msk $0xffff, v37;
	v21 =	vmul.f32 $8.000000000e+00, v32  }
0x3b2: {  	v10 =	vadd.s32 v10, v30;
	v12 =	vor.u32 $0x5, v24;
	v24 =	vor.u32 $0x6, v36;
	s14 =	sadd.s32 $0x200, s14;
	[tilespmem:v38+s31+$0x0] =	vst.idx.msk $0xffff, v39;
	v23 =	vld [tilespmem:s6+$0x60]  }
0x3b3: {  	_ =	sdelay $0x1  }
0x3b4: {  	v25 =	vmul.f32 $8.000000000e+00, v25  }
0x3b5: {  	v30 =	vld [tilespmem:s6+$0x20]  }
0x3b6: {  	v44 =	vmul.f32 $8.000000000e+00, v28;
	[tilespmem:v29+s31+$0x0] =	vst.idx.msk $0xffff, v25  }
0x3b7: {  	v45 =	vld [tilespmem:s6+$0xFFFFFFE0]  }
0x3b8: {  	v53 =	vmul.f32 $8.000000000e+00, v22;
	[tilespmem:v20+s31+$0x0] =	vst.idx.msk $0xffff, v44  }
0x3b9: {  	v16 =	vor.u32 $0x3, v16;
	[tilespmem:v19+s31+$0x0] =	vst.idx.msk $0xffff, v21;
	v47 =	vmul.f32 $8.000000000e+00, v27;
	v48 =	vld [tilespmem:s6+$0xFFFFFF20]  }
0x3ba: {  	v11 =	vor.u32 $0x5, v11;
	v58 =	vld [tilespmem:s6+$0xF0];
	[tilespmem:v18+s31+$0x0] =	vst.idx.msk $0xffff, v53;
	v46 =	vmul.f32 $8.000000000e+00, v30  }
0x3bb: {  	v26 =	vmul.f32 $8.000000000e+00, v26;
	v59 =	vld [tilespmem:s6+$0xFFFFFF70];
	[tilespmem:v24+s31+$0x0] =	vst.idx.msk $0xffff, v47  }
0x3bc: {  	v52 =	vld [tilespmem:s6+$0xB0];
	[tilespmem:v14+s31+$0x0] =	vst.idx.msk $0xffff, v46;
	v51 =	vmul.f32 $8.000000000e+00, v45  }
0x3bd: {  	v49 =	vmul.f32 $8.000000000e+00, v23;
	[tilespmem:v8+s31+$0x0] =	vst.idx.msk $0xffff, v26;
	v14 =	vld [tilespmem:s6+$0x30]  }
0x3be: {  	v10 =	vor.u32 $0x6, v10;
	v50 =	vld [tilespmem:s6+$0xFFFFFFB0];
	v55 =	vmul.f32 $8.000000000e+00, v48;
	[tilespmem:v16+s31+$0x0] =	vst.idx.msk $0xffff, v51  }
0x3bf: {  	[tilespmem:v11+s31+$0x0] =	vst.idx.msk $0xffff, v49;
	v62 =	vmul.f32 $8.000000000e+00, v58;
	v56 =	vld [tilespmem:s6+$0xFFFFFFF0]  }
0x3c0: {  	v54 =	vld [tilespmem:s6+$0x70];
	v63 =	vmul.f32 $8.000000000e+00, v59;
	[tilespmem:v6+s31+$0x0] =	vst.idx.msk $0xffff, v55  }
0x3c1: {  	v17 =	vor.u32 $0x3, v17;
	[tilespmem:v9+s31+$0x0] =	vst.idx.msk $0xffff, v62;
	v8 =	vmul.f32 $8.000000000e+00, v52;
	v60 =	vld [tilespmem:s6+$0xFFFFFF30]  }
0x3c2: {  	[tilespmem:v7+s31+$0x0] =	vst.idx.msk $0xffff, v63;
	v6 =	vmul.f32 $8.000000000e+00, v14  }
0x3c3: {  	v57 =	vmul.f32 $8.000000000e+00, v50;
	[tilespmem:v10+s31+$0x0] =	vst.idx.msk $0xffff, v8  }
0x3c4: {  	[tilespmem:v13+s31+$0x0] =	vst.idx.msk $0xffff, v6;
	v6 =	vmul.f32 $8.000000000e+00, v56  }
0x3c5: {  	v61 =	vmul.f32 $8.000000000e+00, v54;
	[tilespmem:v15+s31+$0x0] =	vst.idx.msk $0xffff, v57  }
0x3c6: {  	[tilespmem:v17+s31+$0x0] =	vst.idx.msk $0xffff, v6;
	v6 =	vmul.f32 $8.000000000e+00, v60  }
0x3c7: {  	[tilespmem:v12+s31+$0x0] =	vst.idx.msk $0xffff, v61  }
0x3c8: {  	[tilespmem:v5+s31+$0x0] =	vst.idx.msk $0xffff, v6  }
0x3c9: {  	s22 =	simm.s32 $0x16800;
	s10 =	rddreg [dreg:$0x5]  }
0x3ca: {  	[hbm4b:s10+s3] =	stream.linear.scatter [tilespmem:s22], [sflag:$0x5], $0x80, $0x38;
	[tilespmem:$0x1F000] =	vst v63  }
0x3cb: {  	s23 =	simm.s32 $0x16888;
	s7 =	sadd.s32 $0x10, s10  }
0x3cc: {  	[hbm4b:s7+s3] =	stream.linear.scatter [tilespmem:s23], [sflag:$0x5], $0x80, $0x38;
	[tilespmem:$0x1F000] =	vst v63  }
0x3cd: {  	s24 =	simm.s32 $0x16910;
	s25 =	sadd.s32 $0x20, s10  }
0x3ce: {  	[hbm4b:s25+s3] =	stream.linear.scatter [tilespmem:s24], [sflag:$0x5], $0x80, $0x38;
	[tilespmem:$0x1F000] =	vst v63  }
0x3cf: {  	s11 =	sadd.s32 $0x30, s10;
	s7 =	simm.s32 $0x16998  }
0x3d0: {  	[hbm4b:s11+s3] =	stream.linear.scatter [tilespmem:s7], [sflag:$0x5], $0x80, $0x38;
	[tilespmem:$0x1F000] =	vst v63  }
0x3d1: {  	s12 =	simm.s32 $0x16A20;
	s13 =	sadd.s32 $0x40, s10  }
0x3d2: {  	[hbm4b:s13+s3] =	stream.linear.scatter [tilespmem:s12], [sflag:$0x5], $0x80, $0x38;
	[tilespmem:$0x1F000] =	vst v63  }
0x3d3: {  	s14 =	simm.s32 $0x16AA8;
	s16 =	sadd.s32 $0x50, s10  }
0x3d4: {  	[hbm4b:s16+s3] =	stream.linear.scatter [tilespmem:s14], [sflag:$0x5], $0x80, $0x38;
	[tilespmem:$0x1F000] =	vst v63  }
0x3d5: {  	s19 =	simm.s32 $0x16B30;
	s21 =	sadd.s32 $0x60, s10  }
0x3d6: {  	[hbm4b:s21+s3] =	stream.linear.scatter [tilespmem:s19], [sflag:$0x5], $0x80, $0x38;
	[tilespmem:$0x1F000] =	vst v63  }
0x3d7: {  	s22 =	simm.s32 $0x16BB8;
	s23 =	sadd.s32 $0x70, s10  }
0x3d8: {  	[hbm4b:s23+s3] =	stream.linear.scatter [tilespmem:s22], [sflag:$0x5], $0x80, $0x38;
	[tilespmem:$0x1F000] =	vst v63  }
0x3d9: {  	s24 =	simm.s32 $0x16C40;
	s25 =	sadd.s32 $0x80, s10  }
0x3da: {  	[hbm4b:s25+s3] =	stream.linear.scatter [tilespmem:s24], [sflag:$0x5], $0x80, $0x38;
	[tilespmem:$0x1F000] =	vst v63  }
0x3db: {  	s7 =	simm.s32 $0x16CC8;
	s11 =	sadd.s32 $0x90, s10  }
0x3dc: {  	[hbm4b:s11+s3] =	stream.linear.scatter [tilespmem:s7], [sflag:$0x5], $0x80, $0x38;
	[tilespmem:$0x1F000] =	vst v63  }
0x3dd: {  	s6 =	simm.s32 $0x880;
	s12 =	simm.s32 $0x16D50;
	s13 =	sadd.s32 $0xA0, s10  }
0x3de: {  	[hbm4b:s13+s3] =	stream.linear.scatter [tilespmem:s12], [sflag:$0x5], $0x80, $0x38;
	[tilespmem:$0x1F000] =	vst v63  }
0x3df: {  	s14 =	simm.s32 $0x16DD8;
	s16 =	sadd.s32 $0xB0, s10;
	s19 =	simm.s32 $0x16E60  }
0x3e0: {  	[hbm4b:s16+s3] =	stream.linear.scatter [tilespmem:s14], [sflag:$0x5], $0x80, $0x38;
	[tilespmem:$0x1F000] =	vst v63  }
0x3e1: {  	s21 =	sadd.s32 $0xC0, s10;
	s22 =	simm.s32 $0x16EE8;
	s23 =	sadd.s32 $0xD0, s10  }
0x3e2: {  	[hbm4b:s21+s3] =	stream.linear.scatter [tilespmem:s19], [sflag:$0x5], $0x80, $0x38;
	[tilespmem:$0x1F000] =	vst v63  }
0x3e3: {  	s24 =	simm.s32 $0x16F70;
	s25 =	sadd.s32 $0xE0, s10;
	s13 =	sadd.s32 $0x1000, s10  }
0x3e4: {  	[hbm4b:s23+s3] =	stream.linear.scatter [tilespmem:s22], [sflag:$0x5], $0x80, $0x38;
	[tilespmem:$0x1F000] =	vst v63  }
0x3e5: {  	s14 =	simm.s32 $0x16FF8;
	s21 =	simm.s32 $0x4400;
	s22 =	sadd.s32 $0xF0, s10  }
0x3e6: {  	[hbm4b:s25+s3] =	stream.linear.scatter [tilespmem:s24], [sflag:$0x5], $0x80, $0x38;
	[tilespmem:$0x1F000] =	vst v63  }
.LBB2_22:
0x3e7: {  	[hbm4b:s22+s3] =	stream.linear.scatter [tilespmem:s14], [sflag:$0x5], $0x80, $0x38;
	[tilespmem:$0x1F000] =	vst v63  }
0x3e8: {  	s14 =	smov.u32 s6;
	s6 =	smov.u32 s21  }
0x3e9: {  	s19 =	sadd.s32 $0x2200, s21;
	s6 =	sshra.s32 s6, $0x2;
	s7 =	sadd.s32 $0x16800, s14  }
0x3ea: {  	[hbm4b:s13+s3] =	stream.linear.scatter [tilespmem:s7], [sflag:$0x5], $0x80, $0x38;
	[tilespmem:$0x1F000] =	vst v63  }
0x3eb: {  	p0 =	sne.s32 s21, $0xEE00;
	s10 =	sadd.s32 $0x10, s13;
	s7 =	sadd.s32 $0x16888, s14  }
0x3ec: {  	[hbm4b:s10+s3] =	stream.linear.scatter [tilespmem:s7], [sflag:$0x5], $0x80, $0x38;
	[tilespmem:$0x1F000] =	vst v63  }
0x3ed: {  	s7 =	sadd.s32 $0x16910, s14;
	s10 =	sadd.s32 $0x20, s13  }
0x3ee: {  	[hbm4b:s10+s3] =	stream.linear.scatter [tilespmem:s7], [sflag:$0x5], $0x80, $0x38;
	[tilespmem:$0x1F000] =	vst v63  }
0x3ef: {  	s7 =	sadd.s32 $0x16998, s14;
	s10 =	sadd.s32 $0x30, s13  }
0x3f0: {  	[hbm4b:s10+s3] =	stream.linear.scatter [tilespmem:s7], [sflag:$0x5], $0x80, $0x38;
	[tilespmem:$0x1F000] =	vst v63  }
0x3f1: {  	s7 =	sadd.s32 $0x16A20, s14;
	s10 =	sadd.s32 $0x40, s13  }
0x3f2: {  	[hbm4b:s10+s3] =	stream.linear.scatter [tilespmem:s7], [sflag:$0x5], $0x80, $0x38;
	[tilespmem:$0x1F000] =	vst v63  }
0x3f3: {  	s7 =	sadd.s32 $0x16AA8, s14;
	s10 =	sadd.s32 $0x50, s13  }
0x3f4: {  	[hbm4b:s10+s3] =	stream.linear.scatter [tilespmem:s7], [sflag:$0x5], $0x80, $0x38;
	[tilespmem:$0x1F000] =	vst v63  }
0x3f5: {  	s7 =	sadd.s32 $0x16B30, s14;
	s10 =	sadd.s32 $0x60, s13  }
0x3f6: {  	[hbm4b:s10+s3] =	stream.linear.scatter [tilespmem:s7], [sflag:$0x5], $0x80, $0x38;
	[tilespmem:$0x1F000] =	vst v63  }
0x3f7: {  	s7 =	sadd.s32 $0x16BB8, s14;
	s10 =	sadd.s32 $0x70, s13  }
0x3f8: {  	[hbm4b:s10+s3] =	stream.linear.scatter [tilespmem:s7], [sflag:$0x5], $0x80, $0x38;
	[tilespmem:$0x1F000] =	vst v63  }
0x3f9: {  	s7 =	sadd.s32 $0x16C40, s14;
	s10 =	sadd.s32 $0x80, s13  }
0x3fa: {  	[hbm4b:s10+s3] =	stream.linear.scatter [tilespmem:s7], [sflag:$0x5], $0x80, $0x38;
	[tilespmem:$0x1F000] =	vst v63  }
0x3fb: {  	s7 =	sadd.s32 $0x16CC8, s14;
	s10 =	sadd.s32 $0x90, s13  }
0x3fc: {  	[hbm4b:s10+s3] =	stream.linear.scatter [tilespmem:s7], [sflag:$0x5], $0x80, $0x38;
	[tilespmem:$0x1F000] =	vst v63  }
0x3fd: {  	s7 =	sadd.s32 $0x16D50, s14;
	s10 =	sadd.s32 $0xA0, s13  }
0x3fe: {  	[hbm4b:s10+s3] =	stream.linear.scatter [tilespmem:s7], [sflag:$0x5], $0x80, $0x38;
	[tilespmem:$0x1F000] =	vst v63  }
0x3ff: {  	s7 =	sadd.s32 $0x16DD8, s14;
	s10 =	sadd.s32 $0xB0, s13  }
0x400: {  	[hbm4b:s10+s3] =	stream.linear.scatter [tilespmem:s7], [sflag:$0x5], $0x80, $0x38;
	[tilespmem:$0x1F000] =	vst v63  }
0x401: {  	s7 =	sadd.s32 $0x16E60, s14;
	s10 =	sadd.s32 $0xC0, s13  }
0x402: {  	[hbm4b:s10+s3] =	stream.linear.scatter [tilespmem:s7], [sflag:$0x5], $0x80, $0x38;
	[tilespmem:$0x1F000] =	vst v63  }
.Ltmp10:
0x403: {  	s7 =	sadd.s32 $0x16EE8, s14;
	s10 =	sadd.s32 $0xD0, s13;
	(pc) =	sbr.rel @p0 .LBB2_22-.Ltmp10, $4  }
0x404: {  	[hbm4b:s10+s3] =	stream.linear.scatter [tilespmem:s7], [sflag:$0x5], $0x80, $0x38;
	[tilespmem:$0x1F000] =	vst v63  }
0x405: {  	s22 =	sadd.s32 $0xF0, s13;
	s7 =	sadd.s32 $0x16F70, s14;
	s10 =	sadd.s32 $0xE0, s13  }
0x406: {  	[hbm4b:s10+s3] =	stream.linear.scatter [tilespmem:s7], [sflag:$0x5], $0x80, $0x38;
	[tilespmem:$0x1F000] =	vst v63  }
0x407: {  	s21 =	smov.u32 s19;
	s14 =	sadd.s32 $0x16FF8, s14;
	s13 =	sadd.s32 $0x1000, s13  }
0x408: {  	[hbm4b:s22+s3] =	stream.linear.scatter [tilespmem:s14], [sflag:$0x5], $0x80, $0x38;
	[tilespmem:$0x1F000] =	vst v63  }
0x409: {  	s7 =	sadd.s32 $0x16800, s6  }
0x40a: {  	[hbm4b:s13+s3] =	stream.linear.scatter [tilespmem:s7], [sflag:$0x5], $0x80, $0x38;
	[tilespmem:$0x1F000] =	vst v63  }
0x40b: {  	s23 =	sadd.s32 $0x16888, s6;
	s10 =	sadd.s32 $0x10, s13  }
0x40c: {  	[hbm4b:s10+s3] =	stream.linear.scatter [tilespmem:s23], [sflag:$0x5], $0x80, $0x38;
	[tilespmem:$0x1F000] =	vst v63  }
0x40d: {  	s24 =	sadd.s32 $0x16910, s6;
	s25 =	sadd.s32 $0x20, s13  }
0x40e: {  	[hbm4b:s25+s3] =	stream.linear.scatter [tilespmem:s24], [sflag:$0x5], $0x80, $0x38;
	[tilespmem:$0x1F000] =	vst v63  }
0x40f: {  	s11 =	sadd.s32 $0x16998, s6;
	s12 =	sadd.s32 $0x30, s13  }
0x410: {  	[hbm4b:s12+s3] =	stream.linear.scatter [tilespmem:s11], [sflag:$0x5], $0x80, $0x38;
	[tilespmem:$0x1F000] =	vst v63  }
0x411: {  	s14 =	sadd.s32 $0x16A20, s6;
	s16 =	sadd.s32 $0x40, s13  }
0x412: {  	[hbm4b:s16+s3] =	stream.linear.scatter [tilespmem:s14], [sflag:$0x5], $0x80, $0x38;
	[tilespmem:$0x1F000] =	vst v63  }
0x413: {  	s19 =	sadd.s32 $0x16AA8, s6;
	s21 =	sadd.s32 $0x50, s13  }
0x414: {  	[hbm4b:s21+s3] =	stream.linear.scatter [tilespmem:s19], [sflag:$0x5], $0x80, $0x38;
	[tilespmem:$0x1F000] =	vst v63  }
0x415: {  	s22 =	sadd.s32 $0x16B30, s6;
	s23 =	sadd.s32 $0x60, s13  }
0x416: {  	[hbm4b:s23+s3] =	stream.linear.scatter [tilespmem:s22], [sflag:$0x5], $0x80, $0x38;
	[tilespmem:$0x1F000] =	vst v63  }
0x417: {  	s24 =	sadd.s32 $0x16BB8, s6;
	s25 =	sadd.s32 $0x70, s13  }
0x418: {  	[hbm4b:s25+s3] =	stream.linear.scatter [tilespmem:s24], [sflag:$0x5], $0x80, $0x38;
	[tilespmem:$0x1F000] =	vst v63  }
0x419: {  	s11 =	sadd.s32 $0x16C40, s6;
	s12 =	sadd.s32 $0x80, s13  }
0x41a: {  	[hbm4b:s12+s3] =	stream.linear.scatter [tilespmem:s11], [sflag:$0x5], $0x80, $0x38;
	[tilespmem:$0x1F000] =	vst v63  }
0x41b: {  	s14 =	sadd.s32 $0x16CC8, s6;
	s16 =	sadd.s32 $0x90, s13  }
0x41c: {  	[hbm4b:s16+s3] =	stream.linear.scatter [tilespmem:s14], [sflag:$0x5], $0x80, $0x38;
	[tilespmem:$0x1F000] =	vst v63  }
0x41d: {  	s19 =	sadd.s32 $0x16D50, s6;
	s21 =	sadd.s32 $0xA0, s13  }
0x41e: {  	[hbm4b:s21+s3] =	stream.linear.scatter [tilespmem:s19], [sflag:$0x5], $0x80, $0x38;
	[tilespmem:$0x1F000] =	vst v63  }
0x41f: {  	s22 =	sadd.s32 $0x16DD8, s6;
	s23 =	sadd.s32 $0xB0, s13  }
0x420: {  	[hbm4b:s23+s3] =	stream.linear.scatter [tilespmem:s22], [sflag:$0x5], $0x80, $0x38;
	[tilespmem:$0x1F000] =	vst v63  }
0x421: {  	s24 =	sadd.s32 $0x16E60, s6;
	s25 =	sadd.s32 $0xC0, s13;
	s11 =	sadd.s32 $0x16EE8, s6  }
0x422: {  	[hbm4b:s25+s3] =	stream.linear.scatter [tilespmem:s24], [sflag:$0x5], $0x80, $0x38;
	[tilespmem:$0x1F000] =	vst v63  }
0x423: {  	s12 =	sadd.s32 $0xD0, s13;
	s14 =	sadd.s32 $0x16F70, s6;
	s16 =	sadd.s32 $0xE0, s13  }
0x424: {  	[hbm4b:s12+s3] =	stream.linear.scatter [tilespmem:s11], [sflag:$0x5], $0x80, $0x38;
	[tilespmem:$0x1F000] =	vst v63  }
0x425: {  	s19 =	sadd.s32 $0x16FF8, s6;
	s21 =	sadd.s32 $0xF0, s13;
	s22 =	simm.s32 $0x1  }
0x426: {  	[hbm4b:s16+s3] =	stream.linear.scatter [tilespmem:s14], [sflag:$0x5], $0x80, $0x38;
	[tilespmem:$0x1F000] =	vst v63  }
0x427: {  	s13 =	simm.s32 $0x0;
	s23 =	simm.s32 $0x0;
	s24 =	sand.u32 $0x78, s22  }
0x428: {  	v5 =	vmov s23;
	[hbm4b:s21+s3] =	stream.linear.scatter [tilespmem:s19], [sflag:$0x5], $0x80, $0x38;
	[tilespmem:$0x1F000] =	vst v63  }
0x429: {  	s25 =	sand.u32 $0x78, s13;
	v5 =	vmul.u32 $0x440, v5;
	s22 =	simm.s32 $0x5;
	v6 =	vmov s24;
	_ =	swait.ge [sflag:s1], $0x2000  }
0x42a: {  	v7 =	vmov s25;
	s24 =	sand.u32 $0x78, s22;
	v6 =	vshrl.u32 v6, $0x3;
	[sflag:s1] =	ssyncset.done $0x0  }
0x42b: {  	v5 =	vbroadcast v5, $0x0;
	v20 =	vmov s24;
	v7 =	vshrl.u32 v7, $0x3;
	[sflag:s1] =	ssyncadd.s32 $0xFFFFE000  }
0x42c: {  	v6 =	vshll.u32 v6, v1;
	v20 =	vshrl.u32 v20, $0x3;
	v7 =	vshll.u32 v7, v1;
	_ =	swait.ge [sflag:s1], $0x2000  }
0x42d: {  	s12 =	simm.s32 $0x7;
	s11 =	simm.s32 $0x6;
	v12 =	vbroadcast v6, $0x0;
	v10 =	vadd.s32 v4, v5;
	v13 =	vadd.s32 v0, v5;
	[sflag:s1] =	ssyncset.done $0x0  }
0x42e: {  	s14 =	sand.u32 $0x78, s12;
	s16 =	sand.u32 $0x78, s11;
	v21 =	vadd.s32 v2, v5;
	v22 =	vadd.s32 v3, v5;
	v20 =	vshll.u32 v20, v1;
	[sflag:s1] =	ssyncadd.s32 $0xFFFFE000  }
0x42f: {  	v7 =	vbroadcast v7, $0x0;
	v9 =	vmov s14;
	v11 =	vmov s16;
	_ =	swait.ge [sflag:s0], $0x4000  }
0x430: {  	s6 =	simm.s32 $0xE500;
	v20 =	vbroadcast v20, $0x0;
	v9 =	vshrl.u32 v9, $0x3;
	v11 =	vshrl.u32 v11, $0x3;
	[sflag:s0] =	ssyncset.done $0x0  }
0x431: {  	s19 =	simm.s32 $0x2;
	v14 =	vadd.s32 v13, v12;
	s21 =	simm.s32 $0x4;
	v9 =	vshll.u32 v9, v1;
	v11 =	vshll.u32 v11, v1;
	[sflag:s0] =	ssyncadd.s32 $0xFFFFC000  }
0x432: {  	s7 =	sand.u32 $0x78, s19;
	s23 =	sand.u32 $0x78, s21;
	v35 =	vadd.s32 v13, v20;
	v42 =	vadd.s32 v10, v20;
	v9 =	vbroadcast v9, $0x0;
	v8 =	vld [tilespmem:s6+$0x0]  }
0x433: {  	v16 =	vmov s7;
	v19 =	vmov s23;
	v30 =	vbroadcast v11, $0x0  }
0x434: {  	v19 =	vshrl.u32 v19, $0x3;
	v16 =	vshrl.u32 v16, $0x3;
	v18 =	vadd.s32 v13, v9  }
0x435: {  	v19 =	vshll.u32 v19, v1;
	v24 =	vadd.s32 v21, v9;
	v16 =	vshll.u32 v16, v1;
	v6 =	vld [tilespmem:s6+$0xFFFFFF40]  }
0x436: {  	v32 =	vadd.s32 v13, v30;
	v59 =	vadd.s32 v22, v30;
	v61 =	vadd.s32 v21, v30;
	v15 =	vld [tilespmem:s6+$0xC0]  }
0x437: {  	v19 =	vbroadcast v19, $0x0;
	v17 =	vmul.f32 $8.000000000e+00, v8;
	v8 =	vor.u32 $0x1, v14  }
0x438: {  	v18 =	vor.u32 $0x7, v18;
	v27 =	vbroadcast v16, $0x0;
	v24 =	vor.u32 $0x7, v24  }
0x439: {  	s25 =	simm.s32 $0x3;
	v32 =	vor.u32 $0x6, v32;
	v25 =	vadd.s32 v13, v19;
	v26 =	vadd.s32 v21, v19;
	v16 =	vld [tilespmem:s6+$0x80]  }
0x43a: {  	s7 =	sand.u32 $0x78, s25;
	v28 =	vadd.s32 v21, v27;
	v11 =	vadd.s32 v22, v27;
	v23 =	vld [tilespmem:s6+$0x40];
	v6 =	vmul.f32 $8.000000000e+00, v6  }
0x43b: {  	v31 =	vadd.s32 v13, v27;
	v29 =	vld [tilespmem:s6+$0xFFFFFF80];
	v5 =	vmul.f32 $8.000000000e+00, v15;
	v15 =	vmov s7  }
0x43c: {  	v40 =	vadd.s32 v22, v19;
	v34 =	vld [tilespmem:s6+$0xFFFFFFC0];
	[tilespmem:v8+s18+$0x0] =	vst.idx.msk $0xffff, v6;
	v6 =	vshrl.u32 v15, $0x3;
	v15 =	vor.u32 $0x4, v25  }
0x43d: {  	v27 =	vadd.s32 v10, v27;
	v31 =	vor.u32 $0x2, v31;
	[tilespmem:v18+s18+$0x0] =	vst.idx.msk $0xffff, v5;
	v5 =	vor.u32 $0x5, v35;
	v8 =	vld [tilespmem:s6+$0xFFFFFF50]  }
0x43e: {  	v39 =	vor.u32 $0x4, v26;
	v62 =	vor.u32 $0x2, v28;
	v36 =	vmul.f32 $8.000000000e+00, v16  }
0x43f: {  	v14 =	vadd.s32 v10, v12;
	v37 =	vld [tilespmem:s6+$0xD0];
	v25 =	vadd.s32 v21, v12;
	v6 =	vshll.u32 v6, v1  }
0x440: {  	v23 =	vmul.f32 $8.000000000e+00, v23;
	[tilespmem:v32+s18+$0x0] =	vst.idx.msk $0xffff, v36;
	v25 =	vor.u32 $0x1, v25;
	v18 =	vbroadcast v6, $0x0  }
0x441: {  	v38 =	vld [tilespmem:s6+$0xFFFFFF00];
	v26 =	vmul.f32 $8.000000000e+00, v34;
	[tilespmem:v15+s18+$0x0] =	vst.idx.msk $0xffff, v17;
	v15 =	vadd.s32 v21, v20;
	v17 =	vmul.f32 $8.000000000e+00, v29  }
0x442: {  	v36 =	vld [tilespmem:s6+$0x90];
	[tilespmem:v5+s18+$0x0] =	vst.idx.msk $0xffff, v23;
	v29 =	vadd.s32 v13, v18;
	v13 =	vadd.s32 v7, v13;
	v33 =	vmul.f32 $8.000000000e+00, v8  }
0x443: {  	v23 =	vld [tilespmem:s6+$0x50];
	v8 =	vor.u32 $0x2, v11;
	v11 =	vadd.s32 v22, v20;
	v29 =	vor.u32 $0x3, v29  }
0x444: {  	v20 =	vadd.s32 v7, v21;
	[tilespmem:v31+s18+$0x0] =	vst.idx.msk $0xffff, v17;
	v31 =	vadd.s32 v21, v18;
	v21 =	vmul.f32 $8.000000000e+00, v37  }
0x445: {  	v32 =	vor.u32 $0x6, v61;
	v12 =	vadd.s32 v22, v12;
	v6 =	vadd.s32 v7, v22;
	v41 =	vld [tilespmem:s6+$0xFFFFFF90];
	[tilespmem:v25+s18+$0x0] =	vst.idx.msk $0xffff, v33  }
0x446: {  	v5 =	vadd.s32 v7, v10;
	v60 =	vld [tilespmem:s6+$0x10];
	v7 =	vmul.f32 $8.000000000e+00, v38;
	[tilespmem:v24+s18+$0x0] =	vst.idx.msk $0xffff, v21;
	v21 =	vor.u32 $0x5, v15  }
0x447: {  	v16 =	vadd.s32 v22, v18;
	v17 =	vadd.s32 v10, v18;
	v18 =	vadd.s32 v22, v9;
	v22 =	vld [tilespmem:s6+$0xFFFFFF60]  }
0x448: {  	v9 =	vadd.s32 v10, v9;
	v23 =	vmul.f32 $8.000000000e+00, v23;
	v15 =	vmul.f32 $8.000000000e+00, v36;
	v63 =	vld [tilespmem:s6+$0xE0];
	[tilespmem:v13+s18+$0x0] =	vst.idx.msk $0xffff, v7  }
0x449: {  	v9 =	vor.u32 $0x7, v9;
	v24 =	vadd.s32 v10, v19;
	v19 =	vor.u32 $0x7, v18;
	[tilespmem:v29+s18+$0x0] =	vst.idx.msk $0xffff, v26;
	v28 =	vld [tilespmem:s6+$0xFFFFFF10]  }
0x44a: {  	v18 =	vor.u32 $0x1, v12;
	v12 =	vor.u32 $0x5, v42;
	[tilespmem:v32+s18+$0x0] =	vst.idx.msk $0xffff, v15;
	v25 =	vld [tilespmem:s6+$0xFFFFFFD0];
	v26 =	vmul.f32 $8.000000000e+00, v41  }
0x44b: {  	v10 =	vadd.s32 v10, v30;
	v34 =	vmul.f32 $8.000000000e+00, v60;
	v15 =	vor.u32 $0x2, v27;
	v27 =	vld [tilespmem:s6+$0xA0];
	[tilespmem:v21+s18+$0x0] =	vst.idx.msk $0xffff, v23  }
0x44c: {  	v7 =	vor.u32 $0x1, v14;
	v14 =	vor.u32 $0x4, v40;
	v29 =	vor.u32 $0x3, v31;
	[tilespmem:v62+s18+$0x0] =	vst.idx.msk $0xffff, v26;
	v23 =	vld [tilespmem:s6+$0x60]  }
0x44d: {  	s14 =	simm.s32 $0xE700;
	v13 =	vor.u32 $0x4, v24;
	v24 =	vor.u32 $0x6, v59;
	[tilespmem:v39+s18+$0x0] =	vst.idx.msk $0xffff, v34;
	v21 =	vmul.f32 $8.000000000e+00, v63;
	v26 =	vld [tilespmem:s6+$0xFFFFFFA0]  }
.LBB2_24:
0x44e: {  	s7 =	sadd.s32 $0x9, s13  }
0x44f: {  	s10 =	sadd.s32 $0xA, s13;
	v22 =	vmul.f32 $8.000000000e+00, v22;
	v25 =	vmul.f32 $8.000000000e+00, v25;
	v30 =	vld [tilespmem:s6+$0x20];
	v31 =	vor.u32 $0x6, v10;
	s19 =	smov.u32 s13;
	s13 =	sadd.s32 $0x8, s13  }
0x450: {  	v16 =	vor.u32 $0x3, v16;
	v11 =	vor.u32 $0x5, v11;
	s11 =	sshrl.u32 s13, $0x7;
	s12 =	sand.u32 $0x78, s13;
	s7 =	sand.u32 $0x78, s7;
	v32 =	vld [tilespmem:s14+$0xC0];
	v10 =	vmul.f32 $8.000000000e+00, v28  }
0x451: {  	s16 =	sadd.s32 $0xF, s19;
	v28 =	vmov s11;
	v33 =	vmov s7;
	v34 =	vld [tilespmem:s14+$0xFFFFFF40];
	s7 =	sadd.s32 $0xB, s19;
	s11 =	sadd.s32 $0xE, s19;
	[tilespmem:v29+s18+$0x0] =	vst.idx.msk $0xffff, v25;
	v25 =	vmul.f32 $8.000000000e+00, v27  }
0x452: {  	v27 =	vmov s12;
	s12 =	sadd.s32 $0xD, s19;
	s16 =	sand.u32 $0x78, s16;
	v28 =	vmul.u32 $0x440, v28;
	v29 =	vld [tilespmem:s14+$0x0];
	s11 =	sand.u32 $0x78, s11;
	[tilespmem:v20+s18+$0x0] =	vst.idx.msk $0xffff, v10;
	v10 =	vmul.f32 $8.000000000e+00, v26  }
0x453: {  	v35 =	vor.u32 $0x3, v17;
	s10 =	sand.u32 $0x78, s10;
	s21 =	sand.u32 $0x78, s7;
	s7 =	sand.u32 $0x78, s12;
	v20 =	vmov s16;
	v26 =	vld [tilespmem:s6+$0xFFFFFFE0];
	v17 =	vmul.f32 $8.000000000e+00, v23;
	[tilespmem:v24+s18+$0x0] =	vst.idx.msk $0xffff, v25  }
0x454: {  	p0 =	slt.u32 s13, $0xF8;
	v24 =	vshrl.u32 v33, $0x3;
	v23 =	vbroadcast v28, $0x0;
	v25 =	vld [tilespmem:s6+$0xFFFFFF20];
	[tilespmem:v8+s18+$0x0] =	vst.idx.msk $0xffff, v10;
	v8 =	vmul.f32 $8.000000000e+00, v30  }
0x455: {  	v20 =	vshrl.u32 v20, $0x3;
	v24 =	vshll.u32 v24, v1;
	v28 =	vmov s11;
	v30 =	vld [tilespmem:s6+$0xFFFFFFB0];
	[tilespmem:v11+s18+$0x0] =	vst.idx.msk $0xffff, v17  }
0x456: {  	v17 =	vbroadcast v24, $0x0;
	v11 =	vshll.u32 v20, v1;
	v10 =	vadd.s32 v4, v23;
	[tilespmem:v14+s18+$0x0] =	vst.idx.msk $0xffff, v8;
	v8 =	vld [tilespmem:s6+$0x70]  }
0x457: {  	v24 =	vshrl.u32 v28, $0x3;
	v20 =	vadd.s32 v0, v23;
	v14 =	vbroadcast v11, $0x0;
	[tilespmem:v18+s18+$0x0] =	vst.idx.msk $0xffff, v22;
	v11 =	vld [tilespmem:s6+$0x30]  }
0x458: {  	v18 =	vadd.s32 v20, v17;
	v22 =	vmov s10;
	v28 =	vmul.f32 $8.000000000e+00, v29;
	v29 =	vld [tilespmem:s6+$0xB0]  }
0x459: {  	s10 =	sadd.s32 $0xC, s19;
	v33 =	vor.u32 $0x1, v18;
	v18 =	vadd.s32 v10, v17;
	v36 =	vadd.s32 v20, v14;
	v37 =	vld [tilespmem:s6+$0xFFFFFF70]  }
0x45a: {  	v38 =	vmov s7;
	s10 =	sand.u32 $0x78, s10;
	v26 =	vmul.f32 $8.000000000e+00, v26;
	v36 =	vor.u32 $0x7, v36  }
0x45b: {  	v34 =	vmul.f32 $8.000000000e+00, v34;
	v39 =	vmov s10;
	v30 =	vmul.f32 $8.000000000e+00, v30;
	[tilespmem:v19+s18+$0x0] =	vst.idx.msk $0xffff, v21  }
0x45c: {  	v38 =	vshrl.u32 v38, $0x3;
	v25 =	vmul.f32 $8.000000000e+00, v25;
	v21 =	vadd.s32 v2, v23;
	[tilespmem:v16+s18+$0x0] =	vst.idx.msk $0xffff, v26;
	v16 =	vld [tilespmem:s6+$0xF0]  }
0x45d: {  	v19 =	vadd.s32 v3, v23;
	v23 =	vshrl.u32 v39, $0x3;
	v26 =	vmul.f32 $8.000000000e+00, v32;
	[tilespmem:v15+s18+$0x0] =	vst.idx.msk $0xffff, v30;
	v15 =	vld [tilespmem:s6+$0xFFFFFFF0]  }
0x45e: {  	v23 =	vshll.u32 v23, v1;
	v30 =	vmov s21;
	[tilespmem:v6+s18+$0x0] =	vst.idx.msk $0xffff, v25;
	v6 =	vmul.f32 $8.000000000e+00, v11  }
0x45f: {  	v8 =	vmul.f32 $8.000000000e+00, v8;
	v23 =	vbroadcast v23, $0x0;
	v25 =	vadd.s32 v21, v14;
	v11 =	vld [tilespmem:s14+$0x40]  }
0x460: {  	v22 =	vshrl.u32 v22, $0x3;
	v32 =	vshll.u32 v38, v1;
	v38 =	vld [tilespmem:s6+$0xFFFFFF30];
	[tilespmem:v13+s18+$0x0] =	vst.idx.msk $0xffff, v6;
	v6 =	vmul.f32 $8.000000000e+00, v29;
	s6 =	smov.u32 s14  }
0x461: {  	v13 =	vadd.s32 v20, v23;
	v29 =	vadd.s32 v21, v23;
	[tilespmem:v33+s18+$0x0] =	vst.idx.msk $0xffff, v34;
	v33 =	vmul.f32 $8.000000000e+00, v37  }
0x462: {  	v30 =	vshrl.u32 v30, $0x3;
	v13 =	vor.u32 $0x4, v13;
	v15 =	vmul.f32 $8.000000000e+00, v15;
	[tilespmem:v31+s18+$0x0] =	vst.idx.msk $0xffff, v6  }
0x463: {  	v22 =	vshll.u32 v22, v1;
	v6 =	vshrl.u32 v27, $0x3;
	v27 =	vld [tilespmem:s14+$0xFFFFFF50];
	[tilespmem:v12+s18+$0x0] =	vst.idx.msk $0xffff, v8;
	v8 =	vmul.f32 $8.000000000e+00, v16  }
0x464: {  	v6 =	vshll.u32 v6, v1;
	v12 =	vadd.s32 v21, v17;
	v31 =	vmul.f32 $8.000000000e+00, v11;
	[tilespmem:v35+s18+$0x0] =	vst.idx.msk $0xffff, v15  }
0x465: {  	v15 =	vbroadcast v22, $0x0;
	v11 =	vshll.u32 v24, v1;
	v16 =	vmul.f32 $8.000000000e+00, v38;
	[tilespmem:v9+s18+$0x0] =	vst.idx.msk $0xffff, v8  }
0x466: {  	v22 =	vor.u32 $0x7, v25;
	v9 =	vshll.u32 v30, v1;
	v30 =	vbroadcast v11, $0x0;
	[tilespmem:v7+s18+$0x0] =	vst.idx.msk $0xffff, v33  }
0x467: {  	v24 =	vbroadcast v32, $0x0;
	v7 =	vadd.s32 v21, v15;
	v8 =	vadd.s32 v19, v15;
	v25 =	vld [tilespmem:s14+$0x80];
	[tilespmem:v5+s18+$0x0] =	vst.idx.msk $0xffff, v16  }
0x468: {  	v11 =	vadd.s32 v20, v15;
	v16 =	vadd.s32 v20, v30;
	v27 =	vmul.f32 $8.000000000e+00, v27;
	v5 =	vld [tilespmem:s14+$0xFFFFFF80]  }
0x469: {  	v32 =	vor.u32 $0x2, v11;
	v8 =	vor.u32 $0x2, v8;
	v34 =	vor.u32 $0x6, v16;
	v33 =	vld [tilespmem:s14+$0xFFFFFFC0]  }
0x46a: {  	v35 =	vbroadcast v6, $0x0;
	v6 =	vadd.s32 v20, v24;
	v11 =	vadd.s32 v19, v24;
	[tilespmem:v36+s18+$0x0] =	vst.idx.msk $0xffff, v26  }
0x46b: {  	v9 =	vbroadcast v9, $0x0;
	v36 =	vadd.s32 v19, v30;
	[tilespmem:v13+s18+$0x0] =	vst.idx.msk $0xffff, v28;
	v13 =	vor.u32 $0x5, v6  }
0x46c: {  	v26 =	vadd.s32 v21, v24;
	v6 =	vadd.s32 v35, v19;
	v25 =	vmul.f32 $8.000000000e+00, v25;
	v28 =	vld [tilespmem:s14+$0xD0]  }
0x46d: {  	v38 =	vor.u32 $0x4, v29;
	v16 =	vadd.s32 v19, v9;
	v37 =	vld [tilespmem:s14+$0xFFFFFF00];
	v5 =	vmul.f32 $8.000000000e+00, v5  }
0x46e: {  	v29 =	vmul.f32 $8.000000000e+00, v33;
	v33 =	vadd.s32 v20, v9;
	v39 =	vld [tilespmem:s14+$0x10];
	[tilespmem:v34+s18+$0x0] =	vst.idx.msk $0xffff, v25;
	v25 =	vadd.s32 v21, v30  }
0x46f: {  	v34 =	vadd.s32 v19, v23;
	[tilespmem:v32+s18+$0x0] =	vst.idx.msk $0xffff, v5;
	v32 =	vor.u32 $0x3, v33;
	v33 =	vadd.s32 v21, v9;
	v40 =	vld [tilespmem:s14+$0x90]  }
0x470: {  	v12 =	vor.u32 $0x1, v12;
	v41 =	vadd.s32 v35, v20;
	v24 =	vadd.s32 v10, v24;
	v42 =	vld [tilespmem:s14+$0xFFFFFF90];
	[tilespmem:v13+s18+$0x0] =	vst.idx.msk $0xffff, v31  }
0x471: {  	v20 =	vadd.s32 v35, v21;
	v21 =	vor.u32 $0x6, v25;
	v13 =	vld [tilespmem:s14+$0x50];
	v25 =	vmul.f32 $8.000000000e+00, v28  }
0x472: {  	v5 =	vadd.s32 v35, v10;
	v35 =	vor.u32 $0x2, v7;
	v31 =	vadd.s32 v19, v17  }
0x473: {  	v43 =	vor.u32 $0x5, v26;
	v17 =	vadd.s32 v10, v9;
	v39 =	vmul.f32 $8.000000000e+00, v39;
	[tilespmem:v22+s18+$0x0] =	vst.idx.msk $0xffff, v25  }
0x474: {  	v23 =	vadd.s32 v10, v23;
	v7 =	vmul.f32 $8.000000000e+00, v37;
	[tilespmem:v32+s18+$0x0] =	vst.idx.msk $0xffff, v29;
	v9 =	vmul.f32 $8.000000000e+00, v40;
	v32 =	vld [tilespmem:s14+$0xE0]  }
0x475: {  	v15 =	vadd.s32 v10, v15;
	v19 =	vadd.s32 v19, v14;
	[tilespmem:v12+s18+$0x0] =	vst.idx.msk $0xffff, v27;
	v12 =	vmul.f32 $8.000000000e+00, v42;
	v25 =	vld [tilespmem:s14+$0xFFFFFFD0]  }
.Ltmp11:
0x476: {  	[tilespmem:v41+s18+$0x0] =	vst.idx.msk $0xffff, v7;
	v22 =	vld [tilespmem:s14+$0xFFFFFF60];
	v7 =	vor.u32 $0x1, v18;
	v37 =	vmul.f32 $8.000000000e+00, v13;
	v13 =	vadd.s32 v10, v14;
	(pc) =	sbr.rel @p0 .LBB2_24-.Ltmp11, $4  }
0x477: {  	v19 =	vor.u32 $0x7, v19;
	v28 =	vld [tilespmem:s14+$0xFFFFFF10];
	[tilespmem:v21+s18+$0x0] =	vst.idx.msk $0xffff, v9;
	v9 =	vor.u32 $0x7, v13  }
0x478: {  	v15 =	vor.u32 $0x2, v15;
	v29 =	vor.u32 $0x3, v33;
	v18 =	vor.u32 $0x1, v31;
	[tilespmem:v35+s18+$0x0] =	vst.idx.msk $0xffff, v12;
	v27 =	vld [tilespmem:s14+$0xA0]  }
0x479: {  	v14 =	vor.u32 $0x4, v34;
	v13 =	vor.u32 $0x4, v23;
	v26 =	vld [tilespmem:s14+$0xFFFFFFA0];
	[tilespmem:v43+s18+$0x0] =	vst.idx.msk $0xffff, v37;
	v21 =	vmul.f32 $8.000000000e+00, v32  }
0x47a: {  	v10 =	vadd.s32 v10, v30;
	v12 =	vor.u32 $0x5, v24;
	v24 =	vor.u32 $0x6, v36;
	s14 =	sadd.s32 $0x200, s14;
	[tilespmem:v38+s18+$0x0] =	vst.idx.msk $0xffff, v39;
	v23 =	vld [tilespmem:s6+$0x60]  }
0x47b: {  	_ =	sdelay $0x1  }
0x47c: {  	v25 =	vmul.f32 $8.000000000e+00, v25  }
0x47d: {  	v30 =	vld [tilespmem:s6+$0x20]  }
0x47e: {  	v44 =	vmul.f32 $8.000000000e+00, v28;
	[tilespmem:v29+s18+$0x0] =	vst.idx.msk $0xffff, v25  }
0x47f: {  	v45 =	vld [tilespmem:s6+$0xFFFFFFE0]  }
0x480: {  	v53 =	vmul.f32 $8.000000000e+00, v22;
	[tilespmem:v20+s18+$0x0] =	vst.idx.msk $0xffff, v44  }
0x481: {  	v16 =	vor.u32 $0x3, v16;
	[tilespmem:v19+s18+$0x0] =	vst.idx.msk $0xffff, v21;
	v47 =	vmul.f32 $8.000000000e+00, v27;
	v48 =	vld [tilespmem:s6+$0xFFFFFF20]  }
0x482: {  	v11 =	vor.u32 $0x5, v11;
	v58 =	vld [tilespmem:s6+$0xF0];
	[tilespmem:v18+s18+$0x0] =	vst.idx.msk $0xffff, v53;
	v46 =	vmul.f32 $8.000000000e+00, v30  }
0x483: {  	v26 =	vmul.f32 $8.000000000e+00, v26;
	v59 =	vld [tilespmem:s6+$0xFFFFFF70];
	[tilespmem:v24+s18+$0x0] =	vst.idx.msk $0xffff, v47  }
0x484: {  	v52 =	vld [tilespmem:s6+$0xB0];
	[tilespmem:v14+s18+$0x0] =	vst.idx.msk $0xffff, v46;
	v51 =	vmul.f32 $8.000000000e+00, v45  }
0x485: {  	v49 =	vmul.f32 $8.000000000e+00, v23;
	[tilespmem:v8+s18+$0x0] =	vst.idx.msk $0xffff, v26;
	v14 =	vld [tilespmem:s6+$0x30]  }
0x486: {  	v10 =	vor.u32 $0x6, v10;
	v50 =	vld [tilespmem:s6+$0xFFFFFFB0];
	v55 =	vmul.f32 $8.000000000e+00, v48;
	[tilespmem:v16+s18+$0x0] =	vst.idx.msk $0xffff, v51  }
0x487: {  	[tilespmem:v11+s18+$0x0] =	vst.idx.msk $0xffff, v49;
	v62 =	vmul.f32 $8.000000000e+00, v58;
	v56 =	vld [tilespmem:s6+$0xFFFFFFF0]  }
0x488: {  	v54 =	vld [tilespmem:s6+$0x70];
	v63 =	vmul.f32 $8.000000000e+00, v59;
	[tilespmem:v6+s18+$0x0] =	vst.idx.msk $0xffff, v55  }
0x489: {  	v17 =	vor.u32 $0x3, v17;
	[tilespmem:v9+s18+$0x0] =	vst.idx.msk $0xffff, v62;
	v8 =	vmul.f32 $8.000000000e+00, v52;
	v60 =	vld [tilespmem:s6+$0xFFFFFF30]  }
0x48a: {  	[tilespmem:v7+s18+$0x0] =	vst.idx.msk $0xffff, v63;
	v6 =	vmul.f32 $8.000000000e+00, v14  }
0x48b: {  	v57 =	vmul.f32 $8.000000000e+00, v50;
	[tilespmem:v10+s18+$0x0] =	vst.idx.msk $0xffff, v8  }
0x48c: {  	[tilespmem:v13+s18+$0x0] =	vst.idx.msk $0xffff, v6;
	v6 =	vmul.f32 $8.000000000e+00, v56  }
0x48d: {  	v61 =	vmul.f32 $8.000000000e+00, v54;
	[tilespmem:v15+s18+$0x0] =	vst.idx.msk $0xffff, v57  }
0x48e: {  	[tilespmem:v17+s18+$0x0] =	vst.idx.msk $0xffff, v6;
	v6 =	vmul.f32 $8.000000000e+00, v60  }
0x48f: {  	[tilespmem:v12+s18+$0x0] =	vst.idx.msk $0xffff, v61  }
0x490: {  	[tilespmem:v5+s18+$0x0] =	vst.idx.msk $0xffff, v6  }
0x491: {  	s22 =	simm.s32 $0x1AC00;
	s10 =	rddreg [dreg:$0x6]  }
0x492: {  	[hbm4b:s10+s3] =	stream.linear.scatter [tilespmem:s22], [sflag:$0x6], $0x80, $0x38;
	[tilespmem:$0x1F000] =	vst v63  }
0x493: {  	s23 =	simm.s32 $0x1AC88;
	s7 =	sadd.s32 $0x10, s10  }
0x494: {  	[hbm4b:s7+s3] =	stream.linear.scatter [tilespmem:s23], [sflag:$0x6], $0x80, $0x38;
	[tilespmem:$0x1F000] =	vst v63  }
0x495: {  	s24 =	simm.s32 $0x1AD10;
	s25 =	sadd.s32 $0x20, s10  }
0x496: {  	[hbm4b:s25+s3] =	stream.linear.scatter [tilespmem:s24], [sflag:$0x6], $0x80, $0x38;
	[tilespmem:$0x1F000] =	vst v63  }
0x497: {  	s11 =	sadd.s32 $0x30, s10;
	s7 =	simm.s32 $0x1AD98  }
0x498: {  	[hbm4b:s11+s3] =	stream.linear.scatter [tilespmem:s7], [sflag:$0x6], $0x80, $0x38;
	[tilespmem:$0x1F000] =	vst v63  }
0x499: {  	s12 =	simm.s32 $0x1AE20;
	s13 =	sadd.s32 $0x40, s10  }
0x49a: {  	[hbm4b:s13+s3] =	stream.linear.scatter [tilespmem:s12], [sflag:$0x6], $0x80, $0x38;
	[tilespmem:$0x1F000] =	vst v63  }
0x49b: {  	s14 =	simm.s32 $0x1AEA8;
	s16 =	sadd.s32 $0x50, s10  }
0x49c: {  	[hbm4b:s16+s3] =	stream.linear.scatter [tilespmem:s14], [sflag:$0x6], $0x80, $0x38;
	[tilespmem:$0x1F000] =	vst v63  }
0x49d: {  	s19 =	simm.s32 $0x1AF30;
	s21 =	sadd.s32 $0x60, s10  }
0x49e: {  	[hbm4b:s21+s3] =	stream.linear.scatter [tilespmem:s19], [sflag:$0x6], $0x80, $0x38;
	[tilespmem:$0x1F000] =	vst v63  }
0x49f: {  	s22 =	simm.s32 $0x1AFB8;
	s23 =	sadd.s32 $0x70, s10  }
0x4a0: {  	[hbm4b:s23+s3] =	stream.linear.scatter [tilespmem:s22], [sflag:$0x6], $0x80, $0x38;
	[tilespmem:$0x1F000] =	vst v63  }
0x4a1: {  	s24 =	simm.s32 $0x1B040;
	s25 =	sadd.s32 $0x80, s10  }
0x4a2: {  	[hbm4b:s25+s3] =	stream.linear.scatter [tilespmem:s24], [sflag:$0x6], $0x80, $0x38;
	[tilespmem:$0x1F000] =	vst v63  }
0x4a3: {  	s7 =	simm.s32 $0x1B0C8;
	s11 =	sadd.s32 $0x90, s10  }
0x4a4: {  	[hbm4b:s11+s3] =	stream.linear.scatter [tilespmem:s7], [sflag:$0x6], $0x80, $0x38;
	[tilespmem:$0x1F000] =	vst v63  }
0x4a5: {  	s6 =	simm.s32 $0x880;
	s12 =	simm.s32 $0x1B150;
	s13 =	sadd.s32 $0xA0, s10  }
0x4a6: {  	[hbm4b:s13+s3] =	stream.linear.scatter [tilespmem:s12], [sflag:$0x6], $0x80, $0x38;
	[tilespmem:$0x1F000] =	vst v63  }
0x4a7: {  	s14 =	simm.s32 $0x1B1D8;
	s16 =	sadd.s32 $0xB0, s10;
	s19 =	simm.s32 $0x1B260  }
0x4a8: {  	[hbm4b:s16+s3] =	stream.linear.scatter [tilespmem:s14], [sflag:$0x6], $0x80, $0x38;
	[tilespmem:$0x1F000] =	vst v63  }
0x4a9: {  	s21 =	sadd.s32 $0xC0, s10;
	s22 =	simm.s32 $0x1B2E8;
	s23 =	sadd.s32 $0xD0, s10  }
0x4aa: {  	[hbm4b:s21+s3] =	stream.linear.scatter [tilespmem:s19], [sflag:$0x6], $0x80, $0x38;
	[tilespmem:$0x1F000] =	vst v63  }
0x4ab: {  	s24 =	simm.s32 $0x1B370;
	s25 =	sadd.s32 $0xE0, s10;
	s13 =	sadd.s32 $0x1000, s10  }
0x4ac: {  	[hbm4b:s23+s3] =	stream.linear.scatter [tilespmem:s22], [sflag:$0x6], $0x80, $0x38;
	[tilespmem:$0x1F000] =	vst v63  }
0x4ad: {  	s14 =	simm.s32 $0x1B3F8;
	s21 =	simm.s32 $0x4400;
	s22 =	sadd.s32 $0xF0, s10  }
0x4ae: {  	[hbm4b:s25+s3] =	stream.linear.scatter [tilespmem:s24], [sflag:$0x6], $0x80, $0x38;
	[tilespmem:$0x1F000] =	vst v63  }
.LBB2_26:
0x4af: {  	[hbm4b:s22+s3] =	stream.linear.scatter [tilespmem:s14], [sflag:$0x6], $0x80, $0x38;
	[tilespmem:$0x1F000] =	vst v63  }
0x4b0: {  	s14 =	smov.u32 s6;
	s6 =	smov.u32 s21  }
0x4b1: {  	s19 =	sadd.s32 $0x2200, s21;
	s6 =	sshra.s32 s6, $0x2;
	s7 =	sadd.s32 $0x1AC00, s14  }
0x4b2: {  	[hbm4b:s13+s3] =	stream.linear.scatter [tilespmem:s7], [sflag:$0x6], $0x80, $0x38;
	[tilespmem:$0x1F000] =	vst v63  }
0x4b3: {  	p0 =	sne.s32 s21, $0xEE00;
	s10 =	sadd.s32 $0x10, s13;
	s7 =	sadd.s32 $0x1AC88, s14  }
0x4b4: {  	[hbm4b:s10+s3] =	stream.linear.scatter [tilespmem:s7], [sflag:$0x6], $0x80, $0x38;
	[tilespmem:$0x1F000] =	vst v63  }
0x4b5: {  	s7 =	sadd.s32 $0x1AD10, s14;
	s10 =	sadd.s32 $0x20, s13  }
0x4b6: {  	[hbm4b:s10+s3] =	stream.linear.scatter [tilespmem:s7], [sflag:$0x6], $0x80, $0x38;
	[tilespmem:$0x1F000] =	vst v63  }
0x4b7: {  	s7 =	sadd.s32 $0x1AD98, s14;
	s10 =	sadd.s32 $0x30, s13  }
0x4b8: {  	[hbm4b:s10+s3] =	stream.linear.scatter [tilespmem:s7], [sflag:$0x6], $0x80, $0x38;
	[tilespmem:$0x1F000] =	vst v63  }
0x4b9: {  	s7 =	sadd.s32 $0x1AE20, s14;
	s10 =	sadd.s32 $0x40, s13  }
0x4ba: {  	[hbm4b:s10+s3] =	stream.linear.scatter [tilespmem:s7], [sflag:$0x6], $0x80, $0x38;
	[tilespmem:$0x1F000] =	vst v63  }
0x4bb: {  	s7 =	sadd.s32 $0x1AEA8, s14;
	s10 =	sadd.s32 $0x50, s13  }
0x4bc: {  	[hbm4b:s10+s3] =	stream.linear.scatter [tilespmem:s7], [sflag:$0x6], $0x80, $0x38;
	[tilespmem:$0x1F000] =	vst v63  }
0x4bd: {  	s7 =	sadd.s32 $0x1AF30, s14;
	s10 =	sadd.s32 $0x60, s13  }
0x4be: {  	[hbm4b:s10+s3] =	stream.linear.scatter [tilespmem:s7], [sflag:$0x6], $0x80, $0x38;
	[tilespmem:$0x1F000] =	vst v63  }
0x4bf: {  	s7 =	sadd.s32 $0x1AFB8, s14;
	s10 =	sadd.s32 $0x70, s13  }
0x4c0: {  	[hbm4b:s10+s3] =	stream.linear.scatter [tilespmem:s7], [sflag:$0x6], $0x80, $0x38;
	[tilespmem:$0x1F000] =	vst v63  }
0x4c1: {  	s7 =	sadd.s32 $0x1B040, s14;
	s10 =	sadd.s32 $0x80, s13  }
0x4c2: {  	[hbm4b:s10+s3] =	stream.linear.scatter [tilespmem:s7], [sflag:$0x6], $0x80, $0x38;
	[tilespmem:$0x1F000] =	vst v63  }
0x4c3: {  	s7 =	sadd.s32 $0x1B0C8, s14;
	s10 =	sadd.s32 $0x90, s13  }
0x4c4: {  	[hbm4b:s10+s3] =	stream.linear.scatter [tilespmem:s7], [sflag:$0x6], $0x80, $0x38;
	[tilespmem:$0x1F000] =	vst v63  }
0x4c5: {  	s7 =	sadd.s32 $0x1B150, s14;
	s10 =	sadd.s32 $0xA0, s13  }
0x4c6: {  	[hbm4b:s10+s3] =	stream.linear.scatter [tilespmem:s7], [sflag:$0x6], $0x80, $0x38;
	[tilespmem:$0x1F000] =	vst v63  }
0x4c7: {  	s7 =	sadd.s32 $0x1B1D8, s14;
	s10 =	sadd.s32 $0xB0, s13  }
0x4c8: {  	[hbm4b:s10+s3] =	stream.linear.scatter [tilespmem:s7], [sflag:$0x6], $0x80, $0x38;
	[tilespmem:$0x1F000] =	vst v63  }
0x4c9: {  	s7 =	sadd.s32 $0x1B260, s14;
	s10 =	sadd.s32 $0xC0, s13  }
0x4ca: {  	[hbm4b:s10+s3] =	stream.linear.scatter [tilespmem:s7], [sflag:$0x6], $0x80, $0x38;
	[tilespmem:$0x1F000] =	vst v63  }
.Ltmp12:
0x4cb: {  	s7 =	sadd.s32 $0x1B2E8, s14;
	s10 =	sadd.s32 $0xD0, s13;
	(pc) =	sbr.rel @p0 .LBB2_26-.Ltmp12, $4  }
0x4cc: {  	[hbm4b:s10+s3] =	stream.linear.scatter [tilespmem:s7], [sflag:$0x6], $0x80, $0x38;
	[tilespmem:$0x1F000] =	vst v63  }
0x4cd: {  	s22 =	sadd.s32 $0xF0, s13;
	s7 =	sadd.s32 $0x1B370, s14;
	s10 =	sadd.s32 $0xE0, s13  }
0x4ce: {  	[hbm4b:s10+s3] =	stream.linear.scatter [tilespmem:s7], [sflag:$0x6], $0x80, $0x38;
	[tilespmem:$0x1F000] =	vst v63  }
0x4cf: {  	s21 =	smov.u32 s19;
	s14 =	sadd.s32 $0x1B3F8, s14;
	s13 =	sadd.s32 $0x1000, s13  }
0x4d0: {  	[hbm4b:s22+s3] =	stream.linear.scatter [tilespmem:s14], [sflag:$0x6], $0x80, $0x38;
	[tilespmem:$0x1F000] =	vst v63  }
0x4d1: {  	s7 =	sadd.s32 $0x1AC00, s6  }
0x4d2: {  	[hbm4b:s13+s3] =	stream.linear.scatter [tilespmem:s7], [sflag:$0x6], $0x80, $0x38;
	[tilespmem:$0x1F000] =	vst v63  }
0x4d3: {  	s23 =	sadd.s32 $0x1AC88, s6;
	s10 =	sadd.s32 $0x10, s13  }
0x4d4: {  	[hbm4b:s10+s3] =	stream.linear.scatter [tilespmem:s23], [sflag:$0x6], $0x80, $0x38;
	[tilespmem:$0x1F000] =	vst v63  }
0x4d5: {  	s24 =	sadd.s32 $0x1AD10, s6;
	s25 =	sadd.s32 $0x20, s13  }
0x4d6: {  	[hbm4b:s25+s3] =	stream.linear.scatter [tilespmem:s24], [sflag:$0x6], $0x80, $0x38;
	[tilespmem:$0x1F000] =	vst v63  }
0x4d7: {  	s11 =	sadd.s32 $0x1AD98, s6;
	s12 =	sadd.s32 $0x30, s13  }
0x4d8: {  	[hbm4b:s12+s3] =	stream.linear.scatter [tilespmem:s11], [sflag:$0x6], $0x80, $0x38;
	[tilespmem:$0x1F000] =	vst v63  }
0x4d9: {  	s14 =	sadd.s32 $0x1AE20, s6;
	s16 =	sadd.s32 $0x40, s13  }
0x4da: {  	[hbm4b:s16+s3] =	stream.linear.scatter [tilespmem:s14], [sflag:$0x6], $0x80, $0x38;
	[tilespmem:$0x1F000] =	vst v63  }
0x4db: {  	s19 =	sadd.s32 $0x1AEA8, s6;
	s21 =	sadd.s32 $0x50, s13  }
0x4dc: {  	[hbm4b:s21+s3] =	stream.linear.scatter [tilespmem:s19], [sflag:$0x6], $0x80, $0x38;
	[tilespmem:$0x1F000] =	vst v63  }
0x4dd: {  	s22 =	sadd.s32 $0x1AF30, s6;
	s23 =	sadd.s32 $0x60, s13  }
0x4de: {  	[hbm4b:s23+s3] =	stream.linear.scatter [tilespmem:s22], [sflag:$0x6], $0x80, $0x38;
	[tilespmem:$0x1F000] =	vst v63  }
0x4df: {  	s24 =	sadd.s32 $0x1AFB8, s6;
	s25 =	sadd.s32 $0x70, s13  }
0x4e0: {  	[hbm4b:s25+s3] =	stream.linear.scatter [tilespmem:s24], [sflag:$0x6], $0x80, $0x38;
	[tilespmem:$0x1F000] =	vst v63  }
0x4e1: {  	s11 =	sadd.s32 $0x1B040, s6;
	s12 =	sadd.s32 $0x80, s13  }
0x4e2: {  	[hbm4b:s12+s3] =	stream.linear.scatter [tilespmem:s11], [sflag:$0x6], $0x80, $0x38;
	[tilespmem:$0x1F000] =	vst v63  }
0x4e3: {  	s14 =	sadd.s32 $0x1B0C8, s6;
	s16 =	sadd.s32 $0x90, s13  }
0x4e4: {  	[hbm4b:s16+s3] =	stream.linear.scatter [tilespmem:s14], [sflag:$0x6], $0x80, $0x38;
	[tilespmem:$0x1F000] =	vst v63  }
0x4e5: {  	s19 =	sadd.s32 $0x1B150, s6;
	s21 =	sadd.s32 $0xA0, s13  }
0x4e6: {  	[hbm4b:s21+s3] =	stream.linear.scatter [tilespmem:s19], [sflag:$0x6], $0x80, $0x38;
	[tilespmem:$0x1F000] =	vst v63  }
0x4e7: {  	s22 =	sadd.s32 $0x1B1D8, s6;
	s23 =	sadd.s32 $0xB0, s13  }
0x4e8: {  	[hbm4b:s23+s3] =	stream.linear.scatter [tilespmem:s22], [sflag:$0x6], $0x80, $0x38;
	[tilespmem:$0x1F000] =	vst v63  }
0x4e9: {  	s24 =	sadd.s32 $0x1B260, s6;
	s25 =	sadd.s32 $0xC0, s13;
	s11 =	sadd.s32 $0x1B2E8, s6  }
0x4ea: {  	[hbm4b:s25+s3] =	stream.linear.scatter [tilespmem:s24], [sflag:$0x6], $0x80, $0x38;
	[tilespmem:$0x1F000] =	vst v63  }
0x4eb: {  	s12 =	sadd.s32 $0xD0, s13;
	s14 =	sadd.s32 $0x1B370, s6;
	s16 =	sadd.s32 $0xE0, s13  }
0x4ec: {  	[hbm4b:s12+s3] =	stream.linear.scatter [tilespmem:s11], [sflag:$0x6], $0x80, $0x38;
	[tilespmem:$0x1F000] =	vst v63  }
0x4ed: {  	s19 =	sadd.s32 $0x1B3F8, s6;
	s21 =	sadd.s32 $0xF0, s13;
	s22 =	simm.s32 $0x1  }
0x4ee: {  	[hbm4b:s16+s3] =	stream.linear.scatter [tilespmem:s14], [sflag:$0x6], $0x80, $0x38;
	[tilespmem:$0x1F000] =	vst v63  }
0x4ef: {  	s13 =	simm.s32 $0x0;
	s23 =	simm.s32 $0x0;
	s24 =	sand.u32 $0x78, s22  }
0x4f0: {  	v5 =	vmov s23;
	[hbm4b:s21+s3] =	stream.linear.scatter [tilespmem:s19], [sflag:$0x6], $0x80, $0x38;
	[tilespmem:$0x1F000] =	vst v63  }
0x4f1: {  	s25 =	sand.u32 $0x78, s13;
	v5 =	vmul.u32 $0x440, v5;
	s22 =	simm.s32 $0x5;
	v6 =	vmov s24;
	_ =	swait.ge [sflag:s26], $0x2000  }
0x4f2: {  	v7 =	vmov s25;
	s24 =	sand.u32 $0x78, s22;
	v6 =	vshrl.u32 v6, $0x3;
	[sflag:s26] =	ssyncset.done $0x0  }
0x4f3: {  	v5 =	vbroadcast v5, $0x0;
	v20 =	vmov s24;
	v7 =	vshrl.u32 v7, $0x3;
	[sflag:s26] =	ssyncadd.s32 $0xFFFFE000  }
0x4f4: {  	v6 =	vshll.u32 v6, v1;
	v20 =	vshrl.u32 v20, $0x3;
	v7 =	vshll.u32 v7, v1;
	_ =	swait.ge [sflag:s26], $0x2000  }
0x4f5: {  	s12 =	simm.s32 $0x7;
	s11 =	simm.s32 $0x6;
	v12 =	vbroadcast v6, $0x0;
	v10 =	vadd.s32 v4, v5;
	v13 =	vadd.s32 v0, v5;
	[sflag:s26] =	ssyncset.done $0x0  }
0x4f6: {  	s14 =	sand.u32 $0x78, s12;
	s16 =	sand.u32 $0x78, s11;
	v21 =	vadd.s32 v2, v5;
	v22 =	vadd.s32 v3, v5;
	v20 =	vshll.u32 v20, v1;
	[sflag:s26] =	ssyncadd.s32 $0xFFFFE000  }
0x4f7: {  	v7 =	vbroadcast v7, $0x0;
	v9 =	vmov s14;
	v11 =	vmov s16;
	_ =	swait.ge [sflag:s20], $0x4000  }
0x4f8: {  	s6 =	simm.s32 $0x6500;
	v20 =	vbroadcast v20, $0x0;
	v9 =	vshrl.u32 v9, $0x3;
	v11 =	vshrl.u32 v11, $0x3;
	[sflag:s20] =	ssyncset.done $0x0  }
0x4f9: {  	s19 =	simm.s32 $0x2;
	v14 =	vadd.s32 v13, v12;
	s21 =	simm.s32 $0x4;
	v9 =	vshll.u32 v9, v1;
	v11 =	vshll.u32 v11, v1;
	[sflag:s20] =	ssyncadd.s32 $0xFFFFC000  }
0x4fa: {  	s7 =	sand.u32 $0x78, s19;
	s23 =	sand.u32 $0x78, s21;
	v35 =	vadd.s32 v13, v20;
	v42 =	vadd.s32 v10, v20;
	v9 =	vbroadcast v9, $0x0;
	v8 =	vld [tilespmem:s6+$0x0]  }
0x4fb: {  	v16 =	vmov s7;
	v19 =	vmov s23;
	v30 =	vbroadcast v11, $0x0  }
0x4fc: {  	v19 =	vshrl.u32 v19, $0x3;
	v16 =	vshrl.u32 v16, $0x3;
	v18 =	vadd.s32 v13, v9  }
0x4fd: {  	v19 =	vshll.u32 v19, v1;
	v24 =	vadd.s32 v21, v9;
	v16 =	vshll.u32 v16, v1;
	v6 =	vld [tilespmem:s6+$0xFFFFFF40]  }
0x4fe: {  	v32 =	vadd.s32 v13, v30;
	v59 =	vadd.s32 v22, v30;
	v61 =	vadd.s32 v21, v30;
	v15 =	vld [tilespmem:s6+$0xC0]  }
0x4ff: {  	v19 =	vbroadcast v19, $0x0;
	v17 =	vmul.f32 $8.000000000e+00, v8;
	v8 =	vor.u32 $0x1, v14  }
0x500: {  	v18 =	vor.u32 $0x7, v18;
	v27 =	vbroadcast v16, $0x0;
	v24 =	vor.u32 $0x7, v24  }
0x501: {  	s25 =	simm.s32 $0x3;
	v32 =	vor.u32 $0x6, v32;
	v25 =	vadd.s32 v13, v19;
	v26 =	vadd.s32 v21, v19;
	v16 =	vld [tilespmem:s6+$0x80]  }
0x502: {  	s7 =	sand.u32 $0x78, s25;
	v28 =	vadd.s32 v21, v27;
	v11 =	vadd.s32 v22, v27;
	v23 =	vld [tilespmem:s6+$0x40];
	v6 =	vmul.f32 $8.000000000e+00, v6  }
0x503: {  	v31 =	vadd.s32 v13, v27;
	v29 =	vld [tilespmem:s6+$0xFFFFFF80];
	v5 =	vmul.f32 $8.000000000e+00, v15;
	v15 =	vmov s7  }
0x504: {  	v40 =	vadd.s32 v22, v19;
	v34 =	vld [tilespmem:s6+$0xFFFFFFC0];
	[tilespmem:v8+s28+$0x0] =	vst.idx.msk $0xffff, v6;
	v6 =	vshrl.u32 v15, $0x3;
	v15 =	vor.u32 $0x4, v25  }
0x505: {  	v27 =	vadd.s32 v10, v27;
	v31 =	vor.u32 $0x2, v31;
	[tilespmem:v18+s28+$0x0] =	vst.idx.msk $0xffff, v5;
	v5 =	vor.u32 $0x5, v35;
	v8 =	vld [tilespmem:s6+$0xFFFFFF50]  }
0x506: {  	v39 =	vor.u32 $0x4, v26;
	v62 =	vor.u32 $0x2, v28;
	v36 =	vmul.f32 $8.000000000e+00, v16  }
0x507: {  	v14 =	vadd.s32 v10, v12;
	v37 =	vld [tilespmem:s6+$0xD0];
	v25 =	vadd.s32 v21, v12;
	v6 =	vshll.u32 v6, v1  }
0x508: {  	v23 =	vmul.f32 $8.000000000e+00, v23;
	[tilespmem:v32+s28+$0x0] =	vst.idx.msk $0xffff, v36;
	v25 =	vor.u32 $0x1, v25;
	v18 =	vbroadcast v6, $0x0  }
0x509: {  	v38 =	vld [tilespmem:s6+$0xFFFFFF00];
	v26 =	vmul.f32 $8.000000000e+00, v34;
	[tilespmem:v15+s28+$0x0] =	vst.idx.msk $0xffff, v17;
	v15 =	vadd.s32 v21, v20;
	v17 =	vmul.f32 $8.000000000e+00, v29  }
0x50a: {  	v36 =	vld [tilespmem:s6+$0x90];
	[tilespmem:v5+s28+$0x0] =	vst.idx.msk $0xffff, v23;
	v29 =	vadd.s32 v13, v18;
	v13 =	vadd.s32 v7, v13;
	v33 =	vmul.f32 $8.000000000e+00, v8  }
0x50b: {  	v23 =	vld [tilespmem:s6+$0x50];
	v8 =	vor.u32 $0x2, v11;
	v11 =	vadd.s32 v22, v20;
	v29 =	vor.u32 $0x3, v29  }
0x50c: {  	v20 =	vadd.s32 v7, v21;
	[tilespmem:v31+s28+$0x0] =	vst.idx.msk $0xffff, v17;
	v31 =	vadd.s32 v21, v18;
	v21 =	vmul.f32 $8.000000000e+00, v37  }
0x50d: {  	v32 =	vor.u32 $0x6, v61;
	v12 =	vadd.s32 v22, v12;
	v6 =	vadd.s32 v7, v22;
	v41 =	vld [tilespmem:s6+$0xFFFFFF90];
	[tilespmem:v25+s28+$0x0] =	vst.idx.msk $0xffff, v33  }
0x50e: {  	v5 =	vadd.s32 v7, v10;
	v60 =	vld [tilespmem:s6+$0x10];
	v7 =	vmul.f32 $8.000000000e+00, v38;
	[tilespmem:v24+s28+$0x0] =	vst.idx.msk $0xffff, v21;
	v21 =	vor.u32 $0x5, v15  }
0x50f: {  	v16 =	vadd.s32 v22, v18;
	v17 =	vadd.s32 v10, v18;
	v18 =	vadd.s32 v22, v9;
	v22 =	vld [tilespmem:s6+$0xFFFFFF60]  }
0x510: {  	v9 =	vadd.s32 v10, v9;
	v23 =	vmul.f32 $8.000000000e+00, v23;
	v15 =	vmul.f32 $8.000000000e+00, v36;
	v63 =	vld [tilespmem:s6+$0xE0];
	[tilespmem:v13+s28+$0x0] =	vst.idx.msk $0xffff, v7  }
0x511: {  	v9 =	vor.u32 $0x7, v9;
	v24 =	vadd.s32 v10, v19;
	v19 =	vor.u32 $0x7, v18;
	[tilespmem:v29+s28+$0x0] =	vst.idx.msk $0xffff, v26;
	v28 =	vld [tilespmem:s6+$0xFFFFFF10]  }
0x512: {  	v18 =	vor.u32 $0x1, v12;
	v12 =	vor.u32 $0x5, v42;
	[tilespmem:v32+s28+$0x0] =	vst.idx.msk $0xffff, v15;
	v25 =	vld [tilespmem:s6+$0xFFFFFFD0];
	v26 =	vmul.f32 $8.000000000e+00, v41  }
0x513: {  	v10 =	vadd.s32 v10, v30;
	v34 =	vmul.f32 $8.000000000e+00, v60;
	v15 =	vor.u32 $0x2, v27;
	v27 =	vld [tilespmem:s6+$0xA0];
	[tilespmem:v21+s28+$0x0] =	vst.idx.msk $0xffff, v23  }
0x514: {  	v7 =	vor.u32 $0x1, v14;
	v14 =	vor.u32 $0x4, v40;
	v29 =	vor.u32 $0x3, v31;
	[tilespmem:v62+s28+$0x0] =	vst.idx.msk $0xffff, v26;
	v23 =	vld [tilespmem:s6+$0x60]  }
0x515: {  	s14 =	simm.s32 $0x6700;
	v13 =	vor.u32 $0x4, v24;
	v24 =	vor.u32 $0x6, v59;
	[tilespmem:v39+s28+$0x0] =	vst.idx.msk $0xffff, v34;
	v21 =	vmul.f32 $8.000000000e+00, v63;
	v26 =	vld [tilespmem:s6+$0xFFFFFFA0]  }
.LBB2_28:
0x516: {  	s7 =	sadd.s32 $0x9, s13  }
0x517: {  	s10 =	sadd.s32 $0xA, s13;
	v22 =	vmul.f32 $8.000000000e+00, v22;
	v25 =	vmul.f32 $8.000000000e+00, v25;
	v30 =	vld [tilespmem:s6+$0x20];
	v31 =	vor.u32 $0x6, v10;
	s19 =	smov.u32 s13;
	s13 =	sadd.s32 $0x8, s13  }
0x518: {  	v16 =	vor.u32 $0x3, v16;
	v11 =	vor.u32 $0x5, v11;
	s11 =	sshrl.u32 s13, $0x7;
	s12 =	sand.u32 $0x78, s13;
	s7 =	sand.u32 $0x78, s7;
	v32 =	vld [tilespmem:s14+$0xC0];
	v10 =	vmul.f32 $8.000000000e+00, v28  }
0x519: {  	s16 =	sadd.s32 $0xF, s19;
	v28 =	vmov s11;
	v33 =	vmov s7;
	v34 =	vld [tilespmem:s14+$0xFFFFFF40];
	s7 =	sadd.s32 $0xB, s19;
	s11 =	sadd.s32 $0xE, s19;
	[tilespmem:v29+s28+$0x0] =	vst.idx.msk $0xffff, v25;
	v25 =	vmul.f32 $8.000000000e+00, v27  }
0x51a: {  	v27 =	vmov s12;
	s12 =	sadd.s32 $0xD, s19;
	s16 =	sand.u32 $0x78, s16;
	v28 =	vmul.u32 $0x440, v28;
	v29 =	vld [tilespmem:s14+$0x0];
	s11 =	sand.u32 $0x78, s11;
	[tilespmem:v20+s28+$0x0] =	vst.idx.msk $0xffff, v10;
	v10 =	vmul.f32 $8.000000000e+00, v26  }
0x51b: {  	v35 =	vor.u32 $0x3, v17;
	s10 =	sand.u32 $0x78, s10;
	s21 =	sand.u32 $0x78, s7;
	s7 =	sand.u32 $0x78, s12;
	v20 =	vmov s16;
	v26 =	vld [tilespmem:s6+$0xFFFFFFE0];
	v17 =	vmul.f32 $8.000000000e+00, v23;
	[tilespmem:v24+s28+$0x0] =	vst.idx.msk $0xffff, v25  }
0x51c: {  	p0 =	slt.u32 s13, $0xF8;
	v24 =	vshrl.u32 v33, $0x3;
	v23 =	vbroadcast v28, $0x0;
	v25 =	vld [tilespmem:s6+$0xFFFFFF20];
	[tilespmem:v8+s28+$0x0] =	vst.idx.msk $0xffff, v10;
	v8 =	vmul.f32 $8.000000000e+00, v30  }
0x51d: {  	v20 =	vshrl.u32 v20, $0x3;
	v24 =	vshll.u32 v24, v1;
	v28 =	vmov s11;
	v30 =	vld [tilespmem:s6+$0xFFFFFFB0];
	[tilespmem:v11+s28+$0x0] =	vst.idx.msk $0xffff, v17  }
0x51e: {  	v17 =	vbroadcast v24, $0x0;
	v11 =	vshll.u32 v20, v1;
	v10 =	vadd.s32 v4, v23;
	[tilespmem:v14+s28+$0x0] =	vst.idx.msk $0xffff, v8;
	v8 =	vld [tilespmem:s6+$0x70]  }
0x51f: {  	v24 =	vshrl.u32 v28, $0x3;
	v20 =	vadd.s32 v0, v23;
	v14 =	vbroadcast v11, $0x0;
	[tilespmem:v18+s28+$0x0] =	vst.idx.msk $0xffff, v22;
	v11 =	vld [tilespmem:s6+$0x30]  }
0x520: {  	v18 =	vadd.s32 v20, v17;
	v22 =	vmov s10;
	v28 =	vmul.f32 $8.000000000e+00, v29;
	v29 =	vld [tilespmem:s6+$0xB0]  }
0x521: {  	s10 =	sadd.s32 $0xC, s19;
	v33 =	vor.u32 $0x1, v18;
	v18 =	vadd.s32 v10, v17;
	v36 =	vadd.s32 v20, v14;
	v37 =	vld [tilespmem:s6+$0xFFFFFF70]  }
0x522: {  	v38 =	vmov s7;
	s10 =	sand.u32 $0x78, s10;
	v26 =	vmul.f32 $8.000000000e+00, v26;
	v36 =	vor.u32 $0x7, v36  }
0x523: {  	v34 =	vmul.f32 $8.000000000e+00, v34;
	v39 =	vmov s10;
	v30 =	vmul.f32 $8.000000000e+00, v30;
	[tilespmem:v19+s28+$0x0] =	vst.idx.msk $0xffff, v21  }
0x524: {  	v38 =	vshrl.u32 v38, $0x3;
	v25 =	vmul.f32 $8.000000000e+00, v25;
	v21 =	vadd.s32 v2, v23;
	[tilespmem:v16+s28+$0x0] =	vst.idx.msk $0xffff, v26;
	v16 =	vld [tilespmem:s6+$0xF0]  }
0x525: {  	v19 =	vadd.s32 v3, v23;
	v23 =	vshrl.u32 v39, $0x3;
	v26 =	vmul.f32 $8.000000000e+00, v32;
	[tilespmem:v15+s28+$0x0] =	vst.idx.msk $0xffff, v30;
	v15 =	vld [tilespmem:s6+$0xFFFFFFF0]  }
0x526: {  	v23 =	vshll.u32 v23, v1;
	v30 =	vmov s21;
	[tilespmem:v6+s28+$0x0] =	vst.idx.msk $0xffff, v25;
	v6 =	vmul.f32 $8.000000000e+00, v11  }
0x527: {  	v8 =	vmul.f32 $8.000000000e+00, v8;
	v23 =	vbroadcast v23, $0x0;
	v25 =	vadd.s32 v21, v14;
	v11 =	vld [tilespmem:s14+$0x40]  }
0x528: {  	v22 =	vshrl.u32 v22, $0x3;
	v32 =	vshll.u32 v38, v1;
	v38 =	vld [tilespmem:s6+$0xFFFFFF30];
	[tilespmem:v13+s28+$0x0] =	vst.idx.msk $0xffff, v6;
	v6 =	vmul.f32 $8.000000000e+00, v29;
	s6 =	smov.u32 s14  }
0x529: {  	v13 =	vadd.s32 v20, v23;
	v29 =	vadd.s32 v21, v23;
	[tilespmem:v33+s28+$0x0] =	vst.idx.msk $0xffff, v34;
	v33 =	vmul.f32 $8.000000000e+00, v37  }
0x52a: {  	v30 =	vshrl.u32 v30, $0x3;
	v13 =	vor.u32 $0x4, v13;
	v15 =	vmul.f32 $8.000000000e+00, v15;
	[tilespmem:v31+s28+$0x0] =	vst.idx.msk $0xffff, v6  }
0x52b: {  	v22 =	vshll.u32 v22, v1;
	v6 =	vshrl.u32 v27, $0x3;
	v27 =	vld [tilespmem:s14+$0xFFFFFF50];
	[tilespmem:v12+s28+$0x0] =	vst.idx.msk $0xffff, v8;
	v8 =	vmul.f32 $8.000000000e+00, v16  }
0x52c: {  	v6 =	vshll.u32 v6, v1;
	v12 =	vadd.s32 v21, v17;
	v31 =	vmul.f32 $8.000000000e+00, v11;
	[tilespmem:v35+s28+$0x0] =	vst.idx.msk $0xffff, v15  }
0x52d: {  	v15 =	vbroadcast v22, $0x0;
	v11 =	vshll.u32 v24, v1;
	v16 =	vmul.f32 $8.000000000e+00, v38;
	[tilespmem:v9+s28+$0x0] =	vst.idx.msk $0xffff, v8  }
0x52e: {  	v22 =	vor.u32 $0x7, v25;
	v9 =	vshll.u32 v30, v1;
	v30 =	vbroadcast v11, $0x0;
	[tilespmem:v7+s28+$0x0] =	vst.idx.msk $0xffff, v33  }
0x52f: {  	v24 =	vbroadcast v32, $0x0;
	v7 =	vadd.s32 v21, v15;
	v8 =	vadd.s32 v19, v15;
	v25 =	vld [tilespmem:s14+$0x80];
	[tilespmem:v5+s28+$0x0] =	vst.idx.msk $0xffff, v16  }
0x530: {  	v11 =	vadd.s32 v20, v15;
	v16 =	vadd.s32 v20, v30;
	v27 =	vmul.f32 $8.000000000e+00, v27;
	v5 =	vld [tilespmem:s14+$0xFFFFFF80]  }
0x531: {  	v32 =	vor.u32 $0x2, v11;
	v8 =	vor.u32 $0x2, v8;
	v34 =	vor.u32 $0x6, v16;
	v33 =	vld [tilespmem:s14+$0xFFFFFFC0]  }
0x532: {  	v35 =	vbroadcast v6, $0x0;
	v6 =	vadd.s32 v20, v24;
	v11 =	vadd.s32 v19, v24;
	[tilespmem:v36+s28+$0x0] =	vst.idx.msk $0xffff, v26  }
0x533: {  	v9 =	vbroadcast v9, $0x0;
	v36 =	vadd.s32 v19, v30;
	[tilespmem:v13+s28+$0x0] =	vst.idx.msk $0xffff, v28;
	v13 =	vor.u32 $0x5, v6  }
0x534: {  	v26 =	vadd.s32 v21, v24;
	v6 =	vadd.s32 v35, v19;
	v25 =	vmul.f32 $8.000000000e+00, v25;
	v28 =	vld [tilespmem:s14+$0xD0]  }
0x535: {  	v38 =	vor.u32 $0x4, v29;
	v16 =	vadd.s32 v19, v9;
	v37 =	vld [tilespmem:s14+$0xFFFFFF00];
	v5 =	vmul.f32 $8.000000000e+00, v5  }
0x536: {  	v29 =	vmul.f32 $8.000000000e+00, v33;
	v33 =	vadd.s32 v20, v9;
	v39 =	vld [tilespmem:s14+$0x10];
	[tilespmem:v34+s28+$0x0] =	vst.idx.msk $0xffff, v25;
	v25 =	vadd.s32 v21, v30  }
0x537: {  	v34 =	vadd.s32 v19, v23;
	[tilespmem:v32+s28+$0x0] =	vst.idx.msk $0xffff, v5;
	v32 =	vor.u32 $0x3, v33;
	v33 =	vadd.s32 v21, v9;
	v40 =	vld [tilespmem:s14+$0x90]  }
0x538: {  	v12 =	vor.u32 $0x1, v12;
	v41 =	vadd.s32 v35, v20;
	v24 =	vadd.s32 v10, v24;
	v42 =	vld [tilespmem:s14+$0xFFFFFF90];
	[tilespmem:v13+s28+$0x0] =	vst.idx.msk $0xffff, v31  }
0x539: {  	v20 =	vadd.s32 v35, v21;
	v21 =	vor.u32 $0x6, v25;
	v13 =	vld [tilespmem:s14+$0x50];
	v25 =	vmul.f32 $8.000000000e+00, v28  }
0x53a: {  	v5 =	vadd.s32 v35, v10;
	v35 =	vor.u32 $0x2, v7;
	v31 =	vadd.s32 v19, v17  }
0x53b: {  	v43 =	vor.u32 $0x5, v26;
	v17 =	vadd.s32 v10, v9;
	v39 =	vmul.f32 $8.000000000e+00, v39;
	[tilespmem:v22+s28+$0x0] =	vst.idx.msk $0xffff, v25  }
0x53c: {  	v23 =	vadd.s32 v10, v23;
	v7 =	vmul.f32 $8.000000000e+00, v37;
	[tilespmem:v32+s28+$0x0] =	vst.idx.msk $0xffff, v29;
	v9 =	vmul.f32 $8.000000000e+00, v40;
	v32 =	vld [tilespmem:s14+$0xE0]  }
0x53d: {  	v15 =	vadd.s32 v10, v15;
	v19 =	vadd.s32 v19, v14;
	[tilespmem:v12+s28+$0x0] =	vst.idx.msk $0xffff, v27;
	v12 =	vmul.f32 $8.000000000e+00, v42;
	v25 =	vld [tilespmem:s14+$0xFFFFFFD0]  }
.Ltmp13:
0x53e: {  	[tilespmem:v41+s28+$0x0] =	vst.idx.msk $0xffff, v7;
	v22 =	vld [tilespmem:s14+$0xFFFFFF60];
	v7 =	vor.u32 $0x1, v18;
	v37 =	vmul.f32 $8.000000000e+00, v13;
	v13 =	vadd.s32 v10, v14;
	(pc) =	sbr.rel @p0 .LBB2_28-.Ltmp13, $4  }
0x53f: {  	v19 =	vor.u32 $0x7, v19;
	v28 =	vld [tilespmem:s14+$0xFFFFFF10];
	[tilespmem:v21+s28+$0x0] =	vst.idx.msk $0xffff, v9;
	v9 =	vor.u32 $0x7, v13  }
0x540: {  	v15 =	vor.u32 $0x2, v15;
	v29 =	vor.u32 $0x3, v33;
	v18 =	vor.u32 $0x1, v31;
	[tilespmem:v35+s28+$0x0] =	vst.idx.msk $0xffff, v12;
	v27 =	vld [tilespmem:s14+$0xA0]  }
0x541: {  	v14 =	vor.u32 $0x4, v34;
	v13 =	vor.u32 $0x4, v23;
	v26 =	vld [tilespmem:s14+$0xFFFFFFA0];
	[tilespmem:v43+s28+$0x0] =	vst.idx.msk $0xffff, v37;
	v21 =	vmul.f32 $8.000000000e+00, v32  }
0x542: {  	v10 =	vadd.s32 v10, v30;
	v12 =	vor.u32 $0x5, v24;
	v24 =	vor.u32 $0x6, v36;
	s14 =	sadd.s32 $0x200, s14;
	[tilespmem:v38+s28+$0x0] =	vst.idx.msk $0xffff, v39;
	v23 =	vld [tilespmem:s6+$0x60]  }
0x543: {  	_ =	sdelay $0x1  }
0x544: {  	v25 =	vmul.f32 $8.000000000e+00, v25  }
0x545: {  	v30 =	vld [tilespmem:s6+$0x20]  }
0x546: {  	v44 =	vmul.f32 $8.000000000e+00, v28;
	[tilespmem:v29+s28+$0x0] =	vst.idx.msk $0xffff, v25  }
0x547: {  	v45 =	vld [tilespmem:s6+$0xFFFFFFE0]  }
0x548: {  	v53 =	vmul.f32 $8.000000000e+00, v22;
	[tilespmem:v20+s28+$0x0] =	vst.idx.msk $0xffff, v44  }
0x549: {  	v16 =	vor.u32 $0x3, v16;
	[tilespmem:v19+s28+$0x0] =	vst.idx.msk $0xffff, v21;
	v47 =	vmul.f32 $8.000000000e+00, v27;
	v48 =	vld [tilespmem:s6+$0xFFFFFF20]  }
0x54a: {  	v11 =	vor.u32 $0x5, v11;
	v58 =	vld [tilespmem:s6+$0xF0];
	[tilespmem:v18+s28+$0x0] =	vst.idx.msk $0xffff, v53;
	v46 =	vmul.f32 $8.000000000e+00, v30  }
0x54b: {  	v26 =	vmul.f32 $8.000000000e+00, v26;
	v59 =	vld [tilespmem:s6+$0xFFFFFF70];
	[tilespmem:v24+s28+$0x0] =	vst.idx.msk $0xffff, v47  }
0x54c: {  	v52 =	vld [tilespmem:s6+$0xB0];
	[tilespmem:v14+s28+$0x0] =	vst.idx.msk $0xffff, v46;
	v51 =	vmul.f32 $8.000000000e+00, v45  }
0x54d: {  	v49 =	vmul.f32 $8.000000000e+00, v23;
	[tilespmem:v8+s28+$0x0] =	vst.idx.msk $0xffff, v26;
	v14 =	vld [tilespmem:s6+$0x30]  }
0x54e: {  	v10 =	vor.u32 $0x6, v10;
	v50 =	vld [tilespmem:s6+$0xFFFFFFB0];
	v55 =	vmul.f32 $8.000000000e+00, v48;
	[tilespmem:v16+s28+$0x0] =	vst.idx.msk $0xffff, v51  }
0x54f: {  	[tilespmem:v11+s28+$0x0] =	vst.idx.msk $0xffff, v49;
	v62 =	vmul.f32 $8.000000000e+00, v58;
	v56 =	vld [tilespmem:s6+$0xFFFFFFF0]  }
0x550: {  	v54 =	vld [tilespmem:s6+$0x70];
	v63 =	vmul.f32 $8.000000000e+00, v59;
	[tilespmem:v6+s28+$0x0] =	vst.idx.msk $0xffff, v55  }
0x551: {  	v17 =	vor.u32 $0x3, v17;
	[tilespmem:v9+s28+$0x0] =	vst.idx.msk $0xffff, v62;
	v8 =	vmul.f32 $8.000000000e+00, v52;
	v60 =	vld [tilespmem:s6+$0xFFFFFF30]  }
0x552: {  	[tilespmem:v7+s28+$0x0] =	vst.idx.msk $0xffff, v63;
	v6 =	vmul.f32 $8.000000000e+00, v14  }
0x553: {  	v57 =	vmul.f32 $8.000000000e+00, v50;
	[tilespmem:v10+s28+$0x0] =	vst.idx.msk $0xffff, v8  }
0x554: {  	[tilespmem:v13+s28+$0x0] =	vst.idx.msk $0xffff, v6;
	v6 =	vmul.f32 $8.000000000e+00, v56  }
0x555: {  	v61 =	vmul.f32 $8.000000000e+00, v54;
	[tilespmem:v15+s28+$0x0] =	vst.idx.msk $0xffff, v57  }
0x556: {  	[tilespmem:v17+s28+$0x0] =	vst.idx.msk $0xffff, v6;
	v6 =	vmul.f32 $8.000000000e+00, v60  }
0x557: {  	[tilespmem:v12+s28+$0x0] =	vst.idx.msk $0xffff, v61  }
0x558: {  	[tilespmem:v5+s28+$0x0] =	vst.idx.msk $0xffff, v6  }
0x559: {  	s22 =	simm.s32 $0x12400;
	s10 =	rddreg [dreg:$0x7]  }
0x55a: {  	[hbm4b:s10+s3] =	stream.linear.scatter [tilespmem:s22], [sflag:$0x4], $0x80, $0x38;
	[tilespmem:$0x1F000] =	vst v63  }
0x55b: {  	s23 =	simm.s32 $0x12488;
	s7 =	sadd.s32 $0x10, s10  }
0x55c: {  	[hbm4b:s7+s3] =	stream.linear.scatter [tilespmem:s23], [sflag:$0x4], $0x80, $0x38;
	[tilespmem:$0x1F000] =	vst v63  }
0x55d: {  	s24 =	simm.s32 $0x12510;
	s25 =	sadd.s32 $0x20, s10  }
0x55e: {  	[hbm4b:s25+s3] =	stream.linear.scatter [tilespmem:s24], [sflag:$0x4], $0x80, $0x38;
	[tilespmem:$0x1F000] =	vst v63  }
0x55f: {  	s11 =	sadd.s32 $0x30, s10;
	s7 =	simm.s32 $0x12598  }
0x560: {  	[hbm4b:s11+s3] =	stream.linear.scatter [tilespmem:s7], [sflag:$0x4], $0x80, $0x38;
	[tilespmem:$0x1F000] =	vst v63  }
0x561: {  	s12 =	simm.s32 $0x12620;
	s13 =	sadd.s32 $0x40, s10  }
0x562: {  	[hbm4b:s13+s3] =	stream.linear.scatter [tilespmem:s12], [sflag:$0x4], $0x80, $0x38;
	[tilespmem:$0x1F000] =	vst v63  }
0x563: {  	s14 =	simm.s32 $0x126A8;
	s16 =	sadd.s32 $0x50, s10  }
0x564: {  	[hbm4b:s16+s3] =	stream.linear.scatter [tilespmem:s14], [sflag:$0x4], $0x80, $0x38;
	[tilespmem:$0x1F000] =	vst v63  }
0x565: {  	s19 =	simm.s32 $0x12730;
	s21 =	sadd.s32 $0x60, s10  }
0x566: {  	[hbm4b:s21+s3] =	stream.linear.scatter [tilespmem:s19], [sflag:$0x4], $0x80, $0x38;
	[tilespmem:$0x1F000] =	vst v63  }
0x567: {  	s22 =	simm.s32 $0x127B8;
	s23 =	sadd.s32 $0x70, s10  }
0x568: {  	[hbm4b:s23+s3] =	stream.linear.scatter [tilespmem:s22], [sflag:$0x4], $0x80, $0x38;
	[tilespmem:$0x1F000] =	vst v63  }
0x569: {  	s24 =	simm.s32 $0x12840;
	s25 =	sadd.s32 $0x80, s10  }
0x56a: {  	[hbm4b:s25+s3] =	stream.linear.scatter [tilespmem:s24], [sflag:$0x4], $0x80, $0x38;
	[tilespmem:$0x1F000] =	vst v63  }
0x56b: {  	s7 =	simm.s32 $0x128C8;
	s11 =	sadd.s32 $0x90, s10  }
0x56c: {  	[hbm4b:s11+s3] =	stream.linear.scatter [tilespmem:s7], [sflag:$0x4], $0x80, $0x38;
	[tilespmem:$0x1F000] =	vst v63  }
0x56d: {  	s6 =	simm.s32 $0x880;
	s12 =	simm.s32 $0x12950;
	s13 =	sadd.s32 $0xA0, s10  }
0x56e: {  	[hbm4b:s13+s3] =	stream.linear.scatter [tilespmem:s12], [sflag:$0x4], $0x80, $0x38;
	[tilespmem:$0x1F000] =	vst v63  }
0x56f: {  	s14 =	simm.s32 $0x129D8;
	s16 =	sadd.s32 $0xB0, s10;
	s19 =	simm.s32 $0x12A60  }
0x570: {  	[hbm4b:s16+s3] =	stream.linear.scatter [tilespmem:s14], [sflag:$0x4], $0x80, $0x38;
	[tilespmem:$0x1F000] =	vst v63  }
0x571: {  	s21 =	sadd.s32 $0xC0, s10;
	s22 =	simm.s32 $0x12AE8;
	s23 =	sadd.s32 $0xD0, s10  }
0x572: {  	[hbm4b:s21+s3] =	stream.linear.scatter [tilespmem:s19], [sflag:$0x4], $0x80, $0x38;
	[tilespmem:$0x1F000] =	vst v63  }
0x573: {  	s24 =	simm.s32 $0x12B70;
	s25 =	sadd.s32 $0xE0, s10;
	s13 =	sadd.s32 $0x1000, s10  }
0x574: {  	[hbm4b:s23+s3] =	stream.linear.scatter [tilespmem:s22], [sflag:$0x4], $0x80, $0x38;
	[tilespmem:$0x1F000] =	vst v63  }
0x575: {  	s14 =	simm.s32 $0x12BF8;
	s21 =	simm.s32 $0x4400;
	s22 =	sadd.s32 $0xF0, s10  }
0x576: {  	[hbm4b:s25+s3] =	stream.linear.scatter [tilespmem:s24], [sflag:$0x4], $0x80, $0x38;
	[tilespmem:$0x1F000] =	vst v63  }
.LBB2_30:
0x577: {  	[hbm4b:s22+s3] =	stream.linear.scatter [tilespmem:s14], [sflag:$0x4], $0x80, $0x38;
	[tilespmem:$0x1F000] =	vst v63  }
0x578: {  	s14 =	smov.u32 s6;
	s6 =	smov.u32 s21  }
0x579: {  	s19 =	sadd.s32 $0x2200, s21;
	s6 =	sshra.s32 s6, $0x2;
	s7 =	sadd.s32 $0x12400, s14  }
0x57a: {  	[hbm4b:s13+s3] =	stream.linear.scatter [tilespmem:s7], [sflag:$0x4], $0x80, $0x38;
	[tilespmem:$0x1F000] =	vst v63  }
0x57b: {  	p0 =	sne.s32 s21, $0xEE00;
	s10 =	sadd.s32 $0x10, s13;
	s7 =	sadd.s32 $0x12488, s14  }
0x57c: {  	[hbm4b:s10+s3] =	stream.linear.scatter [tilespmem:s7], [sflag:$0x4], $0x80, $0x38;
	[tilespmem:$0x1F000] =	vst v63  }
0x57d: {  	s7 =	sadd.s32 $0x12510, s14;
	s10 =	sadd.s32 $0x20, s13  }
0x57e: {  	[hbm4b:s10+s3] =	stream.linear.scatter [tilespmem:s7], [sflag:$0x4], $0x80, $0x38;
	[tilespmem:$0x1F000] =	vst v63  }
0x57f: {  	s7 =	sadd.s32 $0x12598, s14;
	s10 =	sadd.s32 $0x30, s13  }
0x580: {  	[hbm4b:s10+s3] =	stream.linear.scatter [tilespmem:s7], [sflag:$0x4], $0x80, $0x38;
	[tilespmem:$0x1F000] =	vst v63  }
0x581: {  	s7 =	sadd.s32 $0x12620, s14;
	s10 =	sadd.s32 $0x40, s13  }
0x582: {  	[hbm4b:s10+s3] =	stream.linear.scatter [tilespmem:s7], [sflag:$0x4], $0x80, $0x38;
	[tilespmem:$0x1F000] =	vst v63  }
0x583: {  	s7 =	sadd.s32 $0x126A8, s14;
	s10 =	sadd.s32 $0x50, s13  }
0x584: {  	[hbm4b:s10+s3] =	stream.linear.scatter [tilespmem:s7], [sflag:$0x4], $0x80, $0x38;
	[tilespmem:$0x1F000] =	vst v63  }
0x585: {  	s7 =	sadd.s32 $0x12730, s14;
	s10 =	sadd.s32 $0x60, s13  }
0x586: {  	[hbm4b:s10+s3] =	stream.linear.scatter [tilespmem:s7], [sflag:$0x4], $0x80, $0x38;
	[tilespmem:$0x1F000] =	vst v63  }
0x587: {  	s7 =	sadd.s32 $0x127B8, s14;
	s10 =	sadd.s32 $0x70, s13  }
0x588: {  	[hbm4b:s10+s3] =	stream.linear.scatter [tilespmem:s7], [sflag:$0x4], $0x80, $0x38;
	[tilespmem:$0x1F000] =	vst v63  }
0x589: {  	s7 =	sadd.s32 $0x12840, s14;
	s10 =	sadd.s32 $0x80, s13  }
0x58a: {  	[hbm4b:s10+s3] =	stream.linear.scatter [tilespmem:s7], [sflag:$0x4], $0x80, $0x38;
	[tilespmem:$0x1F000] =	vst v63  }
0x58b: {  	s7 =	sadd.s32 $0x128C8, s14;
	s10 =	sadd.s32 $0x90, s13  }
0x58c: {  	[hbm4b:s10+s3] =	stream.linear.scatter [tilespmem:s7], [sflag:$0x4], $0x80, $0x38;
	[tilespmem:$0x1F000] =	vst v63  }
0x58d: {  	s7 =	sadd.s32 $0x12950, s14;
	s10 =	sadd.s32 $0xA0, s13  }
0x58e: {  	[hbm4b:s10+s3] =	stream.linear.scatter [tilespmem:s7], [sflag:$0x4], $0x80, $0x38;
	[tilespmem:$0x1F000] =	vst v63  }
0x58f: {  	s7 =	sadd.s32 $0x129D8, s14;
	s10 =	sadd.s32 $0xB0, s13  }
0x590: {  	[hbm4b:s10+s3] =	stream.linear.scatter [tilespmem:s7], [sflag:$0x4], $0x80, $0x38;
	[tilespmem:$0x1F000] =	vst v63  }
0x591: {  	s7 =	sadd.s32 $0x12A60, s14;
	s10 =	sadd.s32 $0xC0, s13  }
0x592: {  	[hbm4b:s10+s3] =	stream.linear.scatter [tilespmem:s7], [sflag:$0x4], $0x80, $0x38;
	[tilespmem:$0x1F000] =	vst v63  }
.Ltmp14:
0x593: {  	s7 =	sadd.s32 $0x12AE8, s14;
	s10 =	sadd.s32 $0xD0, s13;
	(pc) =	sbr.rel @p0 .LBB2_30-.Ltmp14, $4  }
0x594: {  	[hbm4b:s10+s3] =	stream.linear.scatter [tilespmem:s7], [sflag:$0x4], $0x80, $0x38;
	[tilespmem:$0x1F000] =	vst v63  }
0x595: {  	s22 =	sadd.s32 $0xF0, s13;
	s7 =	sadd.s32 $0x12B70, s14;
	s10 =	sadd.s32 $0xE0, s13  }
0x596: {  	[hbm4b:s10+s3] =	stream.linear.scatter [tilespmem:s7], [sflag:$0x4], $0x80, $0x38;
	[tilespmem:$0x1F000] =	vst v63  }
0x597: {  	s21 =	smov.u32 s19;
	s14 =	sadd.s32 $0x12BF8, s14;
	s13 =	sadd.s32 $0x1000, s13  }
0x598: {  	[hbm4b:s22+s3] =	stream.linear.scatter [tilespmem:s14], [sflag:$0x4], $0x80, $0x38;
	[tilespmem:$0x1F000] =	vst v63  }
0x599: {  	s7 =	sadd.s32 $0x12400, s6  }
0x59a: {  	[hbm4b:s13+s3] =	stream.linear.scatter [tilespmem:s7], [sflag:$0x4], $0x80, $0x38;
	[tilespmem:$0x1F000] =	vst v63  }
0x59b: {  	s25 =	sadd.s32 $0x12488, s6;
	s10 =	sadd.s32 $0x10, s13  }
0x59c: {  	[hbm4b:s10+s3] =	stream.linear.scatter [tilespmem:s25], [sflag:$0x4], $0x80, $0x38;
	[tilespmem:$0x1F000] =	vst v63  }
0x59d: {  	s11 =	sadd.s32 $0x12510, s6;
	s12 =	sadd.s32 $0x20, s13  }
0x59e: {  	[hbm4b:s12+s3] =	stream.linear.scatter [tilespmem:s11], [sflag:$0x4], $0x80, $0x38;
	[tilespmem:$0x1F000] =	vst v63  }
0x59f: {  	s14 =	sadd.s32 $0x12598, s6;
	s16 =	sadd.s32 $0x30, s13  }
0x5a0: {  	[hbm4b:s16+s3] =	stream.linear.scatter [tilespmem:s14], [sflag:$0x4], $0x80, $0x38;
	[tilespmem:$0x1F000] =	vst v63  }
0x5a1: {  	s19 =	sadd.s32 $0x12620, s6;
	s21 =	sadd.s32 $0x40, s13  }
0x5a2: {  	[hbm4b:s21+s3] =	stream.linear.scatter [tilespmem:s19], [sflag:$0x4], $0x80, $0x38;
	[tilespmem:$0x1F000] =	vst v63  }
0x5a3: {  	s22 =	sadd.s32 $0x126A8, s6;
	s23 =	sadd.s32 $0x50, s13  }
0x5a4: {  	[hbm4b:s23+s3] =	stream.linear.scatter [tilespmem:s22], [sflag:$0x4], $0x80, $0x38;
	[tilespmem:$0x1F000] =	vst v63  }
0x5a5: {  	s24 =	sadd.s32 $0x12730, s6;
	s25 =	sadd.s32 $0x60, s13  }
0x5a6: {  	[hbm4b:s25+s3] =	stream.linear.scatter [tilespmem:s24], [sflag:$0x4], $0x80, $0x38;
	[tilespmem:$0x1F000] =	vst v63  }
0x5a7: {  	s11 =	sadd.s32 $0x127B8, s6;
	s12 =	sadd.s32 $0x70, s13  }
0x5a8: {  	[hbm4b:s12+s3] =	stream.linear.scatter [tilespmem:s11], [sflag:$0x4], $0x80, $0x38;
	[tilespmem:$0x1F000] =	vst v63  }
0x5a9: {  	s14 =	sadd.s32 $0x12840, s6;
	s16 =	sadd.s32 $0x80, s13  }
0x5aa: {  	[hbm4b:s16+s3] =	stream.linear.scatter [tilespmem:s14], [sflag:$0x4], $0x80, $0x38;
	[tilespmem:$0x1F000] =	vst v63  }
0x5ab: {  	s19 =	sadd.s32 $0x128C8, s6;
	s21 =	sadd.s32 $0x90, s13  }
0x5ac: {  	[hbm4b:s21+s3] =	stream.linear.scatter [tilespmem:s19], [sflag:$0x4], $0x80, $0x38;
	[tilespmem:$0x1F000] =	vst v63  }
0x5ad: {  	s22 =	sadd.s32 $0x12950, s6;
	s23 =	sadd.s32 $0xA0, s13  }
0x5ae: {  	[hbm4b:s23+s3] =	stream.linear.scatter [tilespmem:s22], [sflag:$0x4], $0x80, $0x38;
	[tilespmem:$0x1F000] =	vst v63  }
0x5af: {  	s24 =	sadd.s32 $0x129D8, s6;
	s25 =	sadd.s32 $0xB0, s13  }
0x5b0: {  	[hbm4b:s25+s3] =	stream.linear.scatter [tilespmem:s24], [sflag:$0x4], $0x80, $0x38;
	[tilespmem:$0x1F000] =	vst v63  }
0x5b1: {  	s11 =	sadd.s32 $0x12A60, s6;
	s12 =	sadd.s32 $0xC0, s13  }
0x5b2: {  	[hbm4b:s12+s3] =	stream.linear.scatter [tilespmem:s11], [sflag:$0x4], $0x80, $0x38;
	[tilespmem:$0x1F000] =	vst v63  }
0x5b3: {  	s14 =	sadd.s32 $0x12AE8, s6;
	s16 =	sadd.s32 $0xD0, s13  }
0x5b4: {  	[hbm4b:s16+s3] =	stream.linear.scatter [tilespmem:s14], [sflag:$0x4], $0x80, $0x38;
	[tilespmem:$0x1F000] =	vst v63  }
0x5b5: {  	s19 =	sadd.s32 $0x12B70, s6;
	s21 =	sadd.s32 $0xE0, s13  }
0x5b6: {  	[hbm4b:s21+s3] =	stream.linear.scatter [tilespmem:s19], [sflag:$0x4], $0x80, $0x38;
	[tilespmem:$0x1F000] =	vst v63  }
0x5b7: {  	s22 =	sadd.s32 $0x12BF8, s6;
	s23 =	sadd.s32 $0xF0, s13  }
0x5b8: {  	[hbm4b:s23+s3] =	stream.linear.scatter [tilespmem:s22], [sflag:$0x4], $0x80, $0x38;
	[tilespmem:$0x1F000] =	vst v63  }
0x5b9: {  	_ =	swait.ge [sflag:s30], $0x4000  }
0x5ba: {  	s24 =	rddreg [dreg:$0x9]  }
0x5bb: {  	s25 =	rddreg [dreg:$0x8];
	s7 =	sadd.s32 $0x1, s24  }
0x5bc: {  	p0 =	sne.s32 s7, s25  }
.Ltmp15:
0x5bd: {  	_ = 	snop;
	(pc) =	sbr.rel @p0 .LBB2_1-.Ltmp15, $3  }
0x5be: {  	_ =	sdelay $0x1  }
0x5bf: {  	[sflag:s30] =	ssyncset.done $0x0  }
0x5c0: {  	[sflag:s30] =	ssyncadd.s32 $0xFFFFC000  }
0x5c1: {  	_ =	sfence.sel $0x180000  }
0x5c2: {  	[bflag:$0x0] =	sbarrier.arrive $0xFFFF  }
0x5c3: {  	_ =	strace $0x90000047  }
0x5c4: {  	s0 =	stileid.u32;
	[bflag:$0x2] =	sbarrier.arrive $0xFFFF  }
0x5c5: {  	p0 =	sne.s32 s0, $0x0;
	s0 =	rddreg [dreg:$0x2]  }
0x5c6: {  	s0 =	sadd.s32 @!p0 $0x100000, s0  }
0x5c7: {  	[sflag:s0] =	ssyncadd.tile.s32 @!p0 $0x1;
	_ =	shalt  }
.Lfunc_end2:
_tile_overlayer_lowered:
.L_overlay_start_2:
0x5c8: {  	(tag) =	ssettag $0x2  }
0x5c9: {  	s0 =	rddreg [dreg:$0x0];
	s2 =	stileid.u32  }
0x5ca: {  	s1 =	rddreg [dreg:$0x1];
	p0 =	sne.s32 s2, $0x0  }
0x5cb: {  	s3 =	rddreg [dreg:$0x2];
	[bflag:$0x3] =	sbarrier.arrive $0xFFFF;
	s2 =	simm.s32 @!p0 $0x1C07  }
0x5cc: {  	[timem:s3], [sflag:s2] =	dma.local @!p0 [hbm:s0], s1  }
0x5cd: {  	s0 =	simm.s32 @!p0 $0x7  }
0x5ce: {  	_ =	swait.ge @!p0 [sflag:s0], s1  }
0x5cf: {  	s1 =	ssub.s32 @!p0 $0x0, s1;
	[sflag:s0] =	ssyncset.done @!p0 $0x0  }
0x5d0: {  	[sflag:s0] =	ssyncadd.s32 @!p0 s1  }
0x5d1: {  	[bflag:$0x3] =	sbarrier.arrive $0xFFFF  }
0x5d2: {  	_ =	shalt  }

</sc_bundles>
